<compile_context>
chip_gen: v7x
topology: tpu7x:2x2x1
jax: 0.10.2.dev20260603
libtpu: 0.0.44.dev20260713+nightly
codegen_flags: <defaults>
</compile_context>

<pallas_src>
import functools
import math

import jax
import jax.numpy as jnp
from jax import lax
from jax.experimental import pallas as pl
from jax.experimental.pallas import tpu as pltpu
from jax.experimental.pallas import tpu_sc as plsc

N = 10000
E = 320000
DIM = 128
T = 3
R = 4
NH = 8
DK = 16

BLK = 400


def _prep_body(x_ref, nt_ref, Kw_ref, Kb_ref, Qw_ref, Qb_ref, Vw_ref, Vb_ref,
               BDatt_ref, BDmsg_ref, pri_ref,
               qhat_ref, kA3_ref, vM_ref):
    x = x_ref[...]
    nt2 = nt_ref[0]

    def typed_proj(w_ref, b_ref):
        b = b_ref[...]
        outs = [jnp.dot(x, w_ref[t], preferred_element_type=jnp.float32)
                + b[t:t + 1, :] for t in range(T)]
        sel = outs[T - 1]
        for t in range(T - 2, -1, -1):
            sel = jnp.where(nt2 == t, outs[t], sel)
        return sel

    k_node = typed_proj(Kw_ref, Kb_ref)
    q_node = typed_proj(Qw_ref, Qb_ref)
    v_node = typed_proj(Vw_ref, Vb_ref)
    qhat_ref[...] = q_node * (1.0 / math.sqrt(DK))
    for r in range(R):
        kA_r = jnp.dot(k_node, BDatt_ref[r], preferred_element_type=jnp.float32)
        vM_ref[r] = jnp.dot(v_node, BDmsg_ref[r], preferred_element_type=jnp.float32)
        for ti in range(T):
            pri = pri_ref[ti, r]
            pri_sel = pri[T - 1:T, :]
            for tt in range(T - 2, -1, -1):
                pri_sel = jnp.where(nt2 == tt, pri[tt:tt + 1, :], pri_sel)
            kA3_ref[ti, r] = kA_r * pri_sel


def _run_prep(node_inp, nt3, Kw, Kb, Qw, Qb, Vw, Vb, BDatt, BDmsg, pri16):
    nb = N // BLK
    grid = (nb,)
    full = lambda *s: pl.BlockSpec(s, lambda ib: tuple(0 for _ in s))
    in_specs = [
        pl.BlockSpec((BLK, DIM), lambda ib: (ib, 0)),
        pl.BlockSpec((1, BLK, 1), lambda ib: (ib, 0, 0)),
        full(T, DIM, DIM), full(T, DIM),
        full(T, DIM, DIM), full(T, DIM),
        full(T, DIM, DIM), full(T, DIM),
        full(R, DIM, DIM), full(R, DIM, DIM),
        full(T, R, T, DIM),
    ]
    out_specs = [
        pl.BlockSpec((BLK, DIM), lambda ib: (ib, 0)),
        pl.BlockSpec((T, R, BLK, DIM), lambda ib: (0, 0, ib, 0)),
        pl.BlockSpec((R, BLK, DIM), lambda ib: (0, ib, 0)),
    ]
    out_shape = [
        jax.ShapeDtypeStruct((N, DIM), jnp.float32),
        jax.ShapeDtypeStruct((T, R, N, DIM), jnp.float32),
        jax.ShapeDtypeStruct((R, N, DIM), jnp.float32),
    ]
    return pl.pallas_call(
        _prep_body, grid=grid, in_specs=in_specs, out_specs=out_specs,
        out_shape=out_shape,
    )(node_inp, nt3, Kw, Kb, Qw, Qb, Vw, Vb, BDatt, BDmsg, pri16)


def _final_body(a_ref, dexp_ref, xw_ref, wm_ref, nt_ref, x_ref,
                Wsp_ref, bsp_ref, Aw_ref, Ab_ref, alpha_ref, out_ref):
    a = a_ref[0] + a_ref[1]
    a = a / dexp_ref[...]
    sp = jnp.dot(xw_ref[...], Wsp_ref[...], preferred_element_type=jnp.float32)
    sp = sp + bsp_ref[...]
    wm = wm_ref[0]
    nt2 = nt_ref[0]
    a = a + jnp.where(wm > 0, sp, 0.0)
    g = 0.5 * a * (1.0 + lax.erf(a * (1.0 / math.sqrt(2.0))))
    Abv = Ab_ref[...]
    outs = [jnp.dot(g, Aw_ref[t], preferred_element_type=jnp.float32)
            + Abv[t:t + 1, :] for t in range(T)]
    sel = outs[T - 1]
    alv = alpha_ref[...]
    al = alv[T - 1:T, :]
    for t in range(T - 2, -1, -1):
        m = nt2 == t
        sel = jnp.where(m, outs[t], sel)
        al = jnp.where(m, alv[t:t + 1, :], al)
    out_ref[...] = sel * al + x_ref[...] * (1.0 - al)


def _run_final(aggr2, dexp, xw, wm3, nt3, node_inp, Wsp, bsp, Aw, Ab, alpha8):
    nb = N // BLK
    full = lambda *s: pl.BlockSpec(s, lambda ib: tuple(0 for _ in s))
    in_specs = [
        pl.BlockSpec((2, BLK, DIM), lambda ib: (0, ib, 0)),
        pl.BlockSpec((BLK, DIM), lambda ib: (ib, 0)),
        pl.BlockSpec((BLK, DIM), lambda ib: (ib, 0)),
        pl.BlockSpec((1, BLK, 1), lambda ib: (ib, 0, 0)),
        pl.BlockSpec((1, BLK, 1), lambda ib: (ib, 0, 0)),
        pl.BlockSpec((BLK, DIM), lambda ib: (ib, 0)),
        full(DIM, DIM), full(1, DIM),
        full(T, DIM, DIM), full(T, DIM),
        full(T, DIM),
    ]
    return pl.pallas_call(
        _final_body, grid=(nb,), in_specs=in_specs,
        out_specs=pl.BlockSpec((BLK, DIM), lambda ib: (ib, 0)),
        out_shape=jax.ShapeDtypeStruct((N, DIM), jnp.float32),
    )(aggr2, dexp, xw, wm3, nt3, node_inp, Wsp, bsp, Aw, Ab, alpha8)


NC = 2
NS = 16
NW = NC * NS
CH = 32
CPS = 16
SUP = CH * CPS
NSUP = 20
EPT = SUP * NSUP
EPAD = NW * EPT
NACC = 10240
NPT = NACC // NS


def _edge_sc_body(qhat_hbm, kA3_hbm, vM_hbm, nt_hbm, dst_hbm, src_hbm, et_hbm,
                  aggr_out, den_out,
                  ebi, ebj, ebr, tvb, ikb, ivb,
                  q0, q1, k0, k1, vg0, vg1, vs0, vs1, w0, w1, ic0, ic1,
                  ash, dsh, gs0, gs1, ss0, ss1, ns):
    cid = lax.axis_index("c")
    sid = lax.axis_index("s")
    wid = cid * NS + sid
    ebase = wid * EPT
    f16z = jnp.zeros((16,), jnp.float32)
    i16z = jnp.zeros((16,), jnp.int32)
    iota16 = jax.lax.iota(jnp.int32, 16)
    qb = (q0, q1)
    kb = (k0, k1)
    vgb = (vg0, vg1)
    vsb = (vs0, vs1)
    wb = (w0, w1)
    icb = (ic0, ic1)
    gsem = (gs0, gs1)
    ssem = (ss0, ss1)

    def _zrow(rr, carry):
        for cc in range(DIM // 16):
            vs0[rr, pl.ds(cc * 16, 16)] = f16z
            vs1[rr, pl.ds(cc * 16, 16)] = f16z
        w0[rr, :] = f16z
        w1[rr, :] = f16z
        return carry
    lax.fori_loop(0, CH, _zrow, 0)
    for g in range(CH // 16):
        ic0[pl.ds(g * 16, 16)] = i16z
        ic1[pl.ds(g * 16, 16)] = i16z
    for kk in range(NPT // CH):
        sl = pl.ds(sid * NPT + kk * CH, CH)
        pltpu.sync_copy(vs0, ash.at[sl])
        pltpu.sync_copy(w0, dsh.at[sl])
    plsc.subcore_barrier()
    for b in range(2):
        pltpu.async_copy(vsb[b], ash.at[icb[b]], ssem[b], add=True)
        pltpu.async_copy(wb[b], dsh.at[icb[b]], ssem[b], add=True)

    def _wait_rows(b):
        pltpu.make_async_copy(qhat_hbm.at[pl.ds(0, CH)], qb[b], gsem[b]).wait()
        pltpu.make_async_copy(kA3_hbm.at[pl.ds(0, CH)], kb[b], gsem[b]).wait()
        pltpu.make_async_copy(vM_hbm.at[pl.ds(0, CH)], vgb[b], gsem[b]).wait()

    def _wait_scat(b):
        pltpu.make_async_copy(vsb[b], ash.at[pl.ds(0, CH)], ssem[b]).wait()
        pltpu.make_async_copy(wb[b], dsh.at[pl.ds(0, CH)], ssem[b]).wait()

    def _issue_rows(c, b):
        off = pl.multiple_of(c * CH, CH)
        pltpu.async_copy(qhat_hbm.at[ebi.at[pl.ds(off, CH)]], qb[b], gsem[b])
        pltpu.async_copy(kA3_hbm.at[ikb.at[pl.ds(off, CH)]], kb[b], gsem[b])
        pltpu.async_copy(vM_hbm.at[ivb.at[pl.ds(off, CH)]], vgb[b], gsem[b])

    def _issue_scat(b):
        pltpu.async_copy(vsb[b], ash.at[icb[b]], ssem[b], add=True)
        pltpu.async_copy(wb[b], dsh.at[icb[b]], ssem[b], add=True)

    def _compute(c, b):
        off = pl.multiple_of(c * CH, CH)
        for g in range(CH // 16):
            icb[b][pl.ds(g * 16, 16)] = ebi[pl.ds(off + g * 16, 16)]
        for g in range(CH // 16):
            row16 = iota16 + (g * 16)

            def _dotstep(cc, accs):
                new = []
                for h in range(NH):
                    col = jnp.full((16,), h * DK, jnp.int32) + cc
                    qv = plsc.load_gather(qb[b], [row16, col])
                    kv = plsc.load_gather(kb[b], [row16, col])
                    new.append(accs[h] + qv * kv)
                return tuple(new)
            accs = lax.fori_loop(0, DK, _dotstep,
                                 tuple(f16z for _ in range(NH)))
            for h in range(NH):
                plsc.store_scatter(wb[b],
                                   [row16, jnp.full((16,), h, jnp.int32)],
                                   jnp.exp(accs[h]))

        def _scale(e, carry):
            for h in range(NH):
                wv = plsc.load_gather(
                    wb[b], [jnp.full((16,), e, jnp.int32),
                            jnp.full((16,), h, jnp.int32)])
                vsb[b][e, pl.ds(h * DK, DK)] = (
                    vgb[b][e, pl.ds(h * DK, DK)] * wv)
            return carry
        lax.fori_loop(0, CH, _scale, 0)

    def _super(S, carry):
        sbase = pl.multiple_of(ebase + S * SUP, SUP)
        h0 = pltpu.async_copy(dst_hbm.at[pl.ds(sbase, SUP)], ebi, ns)
        h1 = pltpu.async_copy(src_hbm.at[pl.ds(sbase, SUP)], ebj, ns)
        h2 = pltpu.async_copy(et_hbm.at[pl.ds(sbase, SUP)], ebr, ns)
        h0.wait()
        h1.wait()
        h2.wait()
        hs = [pltpu.async_copy(nt_hbm.at[ebi.at[pl.ds(p * 128, 128)]],
                               tvb.at[pl.ds(p * 128, 128)], ns)
              for p in range(SUP // 128)]
        for h in hs:
            h.wait()

        def _idx(g, carry2):
            j16 = ebj[pl.ds(g * 16, 16)]
            r16 = ebr[pl.ds(g * 16, 16)]
            t16 = tvb[pl.ds(g * 16, 16)]
            ikb[pl.ds(g * 16, 16)] = (t16 * R + r16) * N + j16
            ivb[pl.ds(g * 16, 16)] = r16 * N + j16
            return carry2
        lax.fori_loop(0, SUP // 16, _idx, 0)

        _issue_rows(0, 0)
        _issue_rows(1, 1)

        def _body2(kk, carry2):
            for b in range(2):
                cc = 2 * kk + b
                _wait_scat(b)
                _wait_rows(b)
                _compute(cc, b)
                _issue_scat(b)
                _issue_rows(cc + 2, b)
            return carry2
        lax.fori_loop(0, CPS // 2 - 1, _body2, 0)
        for b in range(2):
            _wait_scat(b)
            _wait_rows(b)
            _compute(CPS - 2 + b, b)
            _issue_scat(b)
        return carry

    lax.fori_loop(0, NSUP, _super, 0)

    for b in range(2):
        _wait_scat(b)
    plsc.subcore_barrier()
    asl = pl.ds(sid * NPT, NPT)
    pltpu.sync_copy(ash.at[asl], aggr_out.at[cid, asl])
    pltpu.sync_copy(dsh.at[asl], den_out.at[cid, asl])


def _edge_phase(qhat, kA3f, vMf, nt, dst, src, et):
    mesh = plsc.VectorSubcoreMesh(core_axis_name="c", subcore_axis_name="s")
    run = pl.kernel(
        _edge_sc_body, mesh=mesh,
        compiler_params=pltpu.CompilerParams(needs_layout_passes=False,
                                             use_tc_tiling_on_sc=False),
        out_type=[
            jax.ShapeDtypeStruct((NC, NACC, DIM), jnp.float32),
            jax.ShapeDtypeStruct((NC, NACC, 16), jnp.float32),
        ],
        scratch_types=[
            pltpu.VMEM((SUP,), jnp.int32),
            pltpu.VMEM((SUP,), jnp.int32),
            pltpu.VMEM((SUP,), jnp.int32),
            pltpu.VMEM((SUP,), jnp.int32),
            pltpu.VMEM((SUP,), jnp.int32),
            pltpu.VMEM((SUP,), jnp.int32),
            pltpu.VMEM((CH, DIM), jnp.float32),
            pltpu.VMEM((CH, DIM), jnp.float32),
            pltpu.VMEM((CH, DIM), jnp.float32),
            pltpu.VMEM((CH, DIM), jnp.float32),
            pltpu.VMEM((CH, DIM), jnp.float32),
            pltpu.VMEM((CH, DIM), jnp.float32),
            pltpu.VMEM((CH, DIM), jnp.float32),
            pltpu.VMEM((CH, DIM), jnp.float32),
            pltpu.VMEM((CH, 16), jnp.float32),
            pltpu.VMEM((CH, 16), jnp.float32),
            pltpu.VMEM((CH,), jnp.int32),
            pltpu.VMEM((CH,), jnp.int32),
            pltpu.VMEM_SHARED((NACC, DIM), jnp.float32),
            pltpu.VMEM_SHARED((NACC, 16), jnp.float32),
            pltpu.SemaphoreType.DMA,
            pltpu.SemaphoreType.DMA,
            pltpu.SemaphoreType.DMA,
            pltpu.SemaphoreType.DMA,
            pltpu.SemaphoreType.DMA,
        ],
    )
    aggr2, den2 = run(qhat, kA3f, vMf, nt, dst, src, et)
    return aggr2[:, :N], den2[:, :N, :NH].sum(0)


def kernel(node_inp, node_type, edge_index, edge_type, node_position,
           Kw, Kb, Qw, Qb, Vw, Vb, Aw, Ab,
           relation_pri, relation_att, relation_msg, relation_s2u, skip):
    nt3 = node_type.reshape(N // BLK, BLK, 1)
    def blockdiag2(rel):
        out = jnp.zeros((R, DIM, DIM), jnp.float32)
        for h in range(NH):
            out = out.at[:, h * DK:(h + 1) * DK, h * DK:(h + 1) * DK].set(rel[:, h])
        return out
    BDatt = blockdiag2(relation_att)
    BDmsg = blockdiag2(relation_msg)
    pri16 = jnp.repeat(relation_pri, DK, axis=-1)

    qhat, kA3, vM = _run_prep(node_inp, nt3, Kw, Kb, Qw, Qb, Vw, Vb,
                              BDatt, BDmsg, pri16)
    kA3f = kA3.reshape(T * R * N, DIM)
    vMf = vM.reshape(R * N, DIM)

    j = edge_index[0]
    i = edge_index[1]
    pad = EPAD - E
    i_p = jnp.concatenate([i, jnp.full((pad,), N, jnp.int32)])
    j_p = jnp.concatenate([j, jnp.zeros((pad,), jnp.int32)])
    et_p = jnp.concatenate([edge_type, jnp.zeros((pad,), jnp.int32)])
    qhat_p = jnp.pad(qhat, ((0, NACC - N), (0, 0)))
    nt_p = jnp.pad(node_type, (0, NACC - N))
    aggr2, denom = _edge_phase(qhat_p, kA3f, vMf, nt_p, i_p, j_p, et_p)

    dexp = jnp.repeat(denom + 1e-16, DK, axis=-1)

    mask = edge_type == 0
    idx_j = jnp.where(mask, j, N)
    win = jnp.full((N,), -1, jnp.int32).at[idx_j].set(
        jnp.arange(E, dtype=jnp.int32), mode='drop')
    iw = i[jnp.clip(win, 0, E - 1)]
    xw = node_inp[iw]
    wm3 = (win >= 0).astype(jnp.float32).reshape(N // BLK, BLK, 1)

    Wsp = Vw[1] @ relation_s2u[0]
    bsp = (Vb[1] @ relation_s2u[0]).reshape(1, DIM)
    alpha8 = jnp.broadcast_to(jax.nn.sigmoid(skip)[:, None], (T, DIM))

    return _run_final(aggr2, dexp, xw, wm3, nt3, node_inp,
                      Wsp, bsp, Aw, Ab, alpha8)

# --- scband reference (transcript-rebuilt; emitter-appended) ---
"""Pipeline reference for scband-graph-conv-21165598835037 (READ-ONLY COPY).

The authoritative reference and input builder live on the scoring server;
editing this copy changes nothing except your own understanding.
"""

import math
import jax, jax.numpy as jnp
import numpy as np

N = 10000
E = 320000
IN_DIM = 128
OUT_DIM = 128
T = 3
R = 4
NH = 8
DK = OUT_DIM // NH


def setup_inputs(seed: int = 0) -> dict:
    key = jax.random.key(seed)
    ks = jax.random.split(key, 20)
    node_inp = jax.random.normal(ks[0], (N, IN_DIM), dtype=jnp.float32)
    node_type = jax.random.randint(ks[1], (N,), 0, T, dtype=jnp.int32)
    edge_index = jax.random.randint(ks[2], (2, E), 0, N, dtype=jnp.int32)
    edge_type = jax.random.randint(ks[3], (E,), 0, R, dtype=jnp.int32)
    node_position = jax.random.randint(ks[4], (N,), 0, 512, dtype=jnp.int32)
    s_lin = 1.0 / math.sqrt(IN_DIM)
    Kw = jax.random.normal(ks[5], (T, IN_DIM, OUT_DIM), dtype=jnp.float32) * s_lin
    Kb = jax.random.normal(ks[6], (T, OUT_DIM), dtype=jnp.float32) * 0.01
    Qw = jax.random.normal(ks[7], (T, IN_DIM, OUT_DIM), dtype=jnp.float32) * s_lin
    Qb = jax.random.normal(ks[8], (T, OUT_DIM), dtype=jnp.float32) * 0.01
    Vw = jax.random.normal(ks[9], (T, IN_DIM, OUT_DIM), dtype=jnp.float32) * s_lin
    Vb = jax.random.normal(ks[10], (T, OUT_DIM), dtype=jnp.float32) * 0.01
    Aw = jax.random.normal(ks[11], (T, OUT_DIM, OUT_DIM), dtype=jnp.float32) * s_lin
    Ab = jax.random.normal(ks[12], (T, OUT_DIM), dtype=jnp.float32) * 0.01
    relation_pri = jnp.ones((T, R, T, NH), dtype=jnp.float32)
    g_att = math.sqrt(6.0 / (DK + DK))
    relation_att = jax.random.uniform(ks[13], (R, NH, DK, DK), dtype=jnp.float32, minval=-g_att, maxval=g_att)
    relation_msg = jax.random.uniform(ks[14], (R, NH, DK, DK), dtype=jnp.float32, minval=-g_att, maxval=g_att)
    g_s2u = math.sqrt(6.0 / (OUT_DIM + OUT_DIM))
    relation_s2u = jax.random.uniform(ks[15], (1, OUT_DIM, OUT_DIM), dtype=jnp.float32, minval=-g_s2u, maxval=g_s2u)
    skip = jnp.ones((T,), dtype=jnp.float32)
    return {"node_inp": node_inp, "node_type": node_type, "edge_index": edge_index,
            "edge_type": edge_type, "node_position": node_position,
            "Kw": Kw, "Kb": Kb, "Qw": Qw, "Qb": Qb, "Vw": Vw, "Vb": Vb,
            "Aw": Aw, "Ab": Ab, "relation_pri": relation_pri,
            "relation_att": relation_att, "relation_msg": relation_msg,
            "relation_s2u": relation_s2u, "skip": skip}


def reference(node_inp, node_type, edge_index, edge_type, node_position,
              Kw, Kb, Qw, Qb, Vw, Vb, Aw, Ab,
              relation_pri, relation_att, relation_msg, relation_s2u, skip):
    n = node_inp.shape[0]
    nh, dk = NH, DK
    sqrt_dk = math.sqrt(dk)
    rng = jnp.arange(n)
    # per-node type-specific linear projections (k_linears/q_linears/v_linears indexed by node type)
    k_all = jnp.einsum('ni,tio->tno', node_inp, Kw) + Kb[:, None, :]
    q_all = jnp.einsum('ni,tio->tno', node_inp, Qw) + Qb[:, None, :]
    v_all = jnp.einsum('ni,tio->tno', node_inp, Vw) + Vb[:, None, :]
    k_node = k_all[node_type, rng]
    q_node = q_all[node_type, rng]
    v_node = v_all[node_type, rng]
    j = edge_index[0]  # source
    i = edge_index[1]  # target
    q_i = q_node[i].reshape(-1, nh, dk)
    k_j = k_node[j].reshape(-1, nh, dk)
    v_j = v_node[j].reshape(-1, nh, dk)
    # Step 1: heterogeneous mutual attention
    k_mat = jnp.einsum('ehd,ehdk->ehk', k_j, relation_att[edge_type])
    pri = relation_pri[node_type[i], edge_type, node_type[j]]  # [E, nh]
    res_att = (q_i * k_mat).sum(axis=-1) * pri / sqrt_dk
    # Step 2: heterogeneous message passing
    res_msg = jnp.einsum('ehd,ehdk->ehk', v_j, relation_msg[edge_type])
    # segment softmax over target node id
    seg_max = jax.ops.segment_max(res_att, i, num_segments=n)
    seg_max = jnp.where(jnp.isfinite(seg_max), seg_max, 0.0)
    att_exp = jnp.exp(res_att - seg_max[i])
    denom = jax.ops.segment_sum(att_exp, i, num_segments=n)
    att = att_exp / (denom[i] + 1e-16)
    msg = (res_msg * att[:, :, None]).reshape(-1, nh * dk)
    # aggregate (add)
    aggr_out = jax.ops.segment_sum(msg, i, num_segments=n)
    # update: speaker information via edge_type == 0 edges (scatter-overwrite at j)
    sp_in = node_inp[i] @ Vw[1] + Vb[1]
    sp_msg = sp_in @ relation_s2u[0]
    mask = edge_type == 0
    idx_j = jnp.where(mask, j, n)  # out-of-bounds -> dropped
    speaker_info = jnp.zeros_like(aggr_out).at[idx_j].set(sp_msg, mode='drop')
    aggr_out = aggr_out + speaker_info
    aggr_out = jax.nn.gelu(aggr_out, approximate=False)
    # target-specific aggregation with skip
    out_all = jnp.einsum('no,top->tnp', aggr_out, Aw) + Ab[:, None, :]
    alpha = jax.nn.sigmoid(skip)[node_type][:, None]
    res = out_all[node_type, rng] * alpha + node_inp * (1.0 - alpha)
    return res


if False:  # reference __main__ guard neutralized (emitter)
    out = reference(**setup_inputs())
    print(out.shape, out.dtype)

if __name__ == "__main__":
    import jax
    _d = setup_inputs()
    print(jax.jit(kernel)(*tuple(_d.values())))

</pallas_src>

<mosaic_0001>
#map = affine_map<(d0, d1) -> (0, 0)>
#map1 = affine_map<(d0, d1) -> (0)>
#map2 = affine_map<(d0, d1) -> (0, 0, 0)>
module attributes {stable_mosaic.version = 14 : i64} {
  func.func @_edge_sc_body(%arg0: i32, %arg1: i32, %arg2: memref<10240x128xf32, #tpu.memory_space<hbm>>, %arg3: memref<120000x128xf32, #tpu.memory_space<hbm>>, %arg4: memref<40000x128xf32, #tpu.memory_space<hbm>>, %arg5: memref<10240xi32, #tpu.memory_space<hbm>>, %arg6: memref<327680xi32, #tpu.memory_space<hbm>>, %arg7: memref<327680xi32, #tpu.memory_space<hbm>>, %arg8: memref<327680xi32, #tpu.memory_space<hbm>>, %arg9: memref<2x10240x128xf32, #tpu.memory_space<hbm>>, %arg10: memref<2x10240x16xf32, #tpu.memory_space<hbm>>, %arg11: memref<512xi32, #tpu.memory_space<vmem>>, %arg12: memref<512xi32, #tpu.memory_space<vmem>>, %arg13: memref<512xi32, #tpu.memory_space<vmem>>, %arg14: memref<512xi32, #tpu.memory_space<vmem>>, %arg15: memref<512xi32, #tpu.memory_space<vmem>>, %arg16: memref<512xi32, #tpu.memory_space<vmem>>, %arg17: memref<32x128xf32, #tpu.memory_space<vmem>>, %arg18: memref<32x128xf32, #tpu.memory_space<vmem>>, %arg19: memref<32x128xf32, #tpu.memory_space<vmem>>, %arg20: memref<32x128xf32, #tpu.memory_space<vmem>>, %arg21: memref<32x128xf32, #tpu.memory_space<vmem>>, %arg22: memref<32x128xf32, #tpu.memory_space<vmem>>, %arg23: memref<32x128xf32, #tpu.memory_space<vmem>>, %arg24: memref<32x128xf32, #tpu.memory_space<vmem>>, %arg25: memref<32x16xf32, #tpu.memory_space<vmem>>, %arg26: memref<32x16xf32, #tpu.memory_space<vmem>>, %arg27: memref<32xi32, #tpu.memory_space<vmem>>, %arg28: memref<32xi32, #tpu.memory_space<vmem>>, %arg29: memref<10240x128xf32, #tpu.memory_space<vmem_shared>>, %arg30: memref<10240x16xf32, #tpu.memory_space<vmem_shared>>, %arg31: memref<!tpu.dma_semaphore, #tpu.memory_space<semaphore_mem>>, %arg32: memref<!tpu.dma_semaphore, #tpu.memory_space<semaphore_mem>>, %arg33: memref<!tpu.dma_semaphore, #tpu.memory_space<semaphore_mem>>, %arg34: memref<!tpu.dma_semaphore, #tpu.memory_space<semaphore_mem>>, %arg35: memref<!tpu.dma_semaphore, #tpu.memory_space<semaphore_mem>>) attributes {dimension_semantics = [#tpu.dimension_semantics<core_parallel>, #tpu.dimension_semantics<subcore_parallel>], iteration_bounds = array<i64: 2, 16>, scalar_prefetch = 0 : i64, scratch_operands = 25 : i64, tpu.core_type = #tpu.core_type<sc_vector_subcore>, window_params = [{transform_indices = #map}, {transform_indices = #map}, {transform_indices = #map}, {transform_indices = #map1}, {transform_indices = #map1}, {transform_indices = #map1}, {transform_indices = #map1}, {transform_indices = #map2}, {transform_indices = #map2}]} {
    %mul3A = arith.constant 16 : i32
    %mul3A_0 = arith.muli %arg0, %mul3A : i32
    %add3A = arith.addi %mul3A_0, %arg1 : i32
    %mul3A_1 = arith.constant 10240 : i32
    %mul3A_2 = arith.muli %add3A, %mul3A_1 : i32
    %broadcast_in_dim3A = arith.constant 0.000000e+00 : f32
    %broadcast_in_dim3A_3 = vector.broadcast %broadcast_in_dim3A : f32 to vector<16xf32>
    %broadcast_in_dim3A_4 = arith.constant 0 : i32
    %broadcast_in_dim3A_5 = vector.broadcast %broadcast_in_dim3A_4 : i32 to vector<16xi32>
    %iota3A = tpu.iota {dimensions = array<i32: 0>} : vector<16xi32>
    %scan3A = arith.constant 0 : i32
    %scan3A_6 = arith.constant 0 : i32
    %scan3A_7 = arith.constant 32 : i32
    %scan3A_8 = arith.addi %scan3A_6, %scan3A_7 : i32
    %scan3A_9 = arith.constant 1 : i32
    scf.for %scan3A_141 = %scan3A_6 to %scan3A_8 step %scan3A_9  : i32 {
      %swap3A_142 = arith.index_cast %scan3A_141 : i32 to index
      %swap3A_143 = arith.constant 0 : index
      %swap3A_144 = tpu.vector_load %arg23[%swap3A_142, %swap3A_143] {strides = array<i32>} : memref<32x128xf32, #tpu.memory_space<vmem>>, vector<16xf32>,
      tpu.vector_store %arg23[%swap3A_142, %swap3A_143], %broadcast_in_dim3A_3 {strides = array<i32>} : memref<32x128xf32, #tpu.memory_space<vmem>>, vector<16xf32>,
      %swap3A_145 = arith.index_cast %scan3A_141 : i32 to index
      %swap3A_146 = arith.constant 0 : index
      %swap3A_147 = tpu.vector_load %arg24[%swap3A_145, %swap3A_146] {strides = array<i32>} : memref<32x128xf32, #tpu.memory_space<vmem>>, vector<16xf32>,
      tpu.vector_store %arg24[%swap3A_145, %swap3A_146], %broadcast_in_dim3A_3 {strides = array<i32>} : memref<32x128xf32, #tpu.memory_space<vmem>>, vector<16xf32>,
      %swap3A_148 = arith.index_cast %scan3A_141 : i32 to index
      %swap3A_149 = arith.constant 16 : index
      %swap3A_150 = tpu.vector_load %arg23[%swap3A_148, %swap3A_149] {strides = array<i32>} : memref<32x128xf32, #tpu.memory_space<vmem>>, vector<16xf32>,
      tpu.vector_store %arg23[%swap3A_148, %swap3A_149], %broadcast_in_dim3A_3 {strides = array<i32>} : memref<32x128xf32, #tpu.memory_space<vmem>>, vector<16xf32>,
      %swap3A_151 = arith.index_cast %scan3A_141 : i32 to index
      %swap3A_152 = arith.constant 16 : index
      %swap3A_153 = tpu.vector_load %arg24[%swap3A_151, %swap3A_152] {strides = array<i32>} : memref<32x128xf32, #tpu.memory_space<vmem>>, vector<16xf32>,
      tpu.vector_store %arg24[%swap3A_151, %swap3A_152], %broadcast_in_dim3A_3 {strides = array<i32>} : memref<32x128xf32, #tpu.memory_space<vmem>>, vector<16xf32>,
      %swap3A_154 = arith.index_cast %scan3A_141 : i32 to index
      %swap3A_155 = arith.constant 32 : index
      %swap3A_156 = tpu.vector_load %arg23[%swap3A_154, %swap3A_155] {strides = array<i32>} : memref<32x128xf32, #tpu.memory_space<vmem>>, vector<16xf32>,
      tpu.vector_store %arg23[%swap3A_154, %swap3A_155], %broadcast_in_dim3A_3 {strides = array<i32>} : memref<32x128xf32, #tpu.memory_space<vmem>>, vector<16xf32>,
      %swap3A_157 = arith.index_cast %scan3A_141 : i32 to index
      %swap3A_158 = arith.constant 32 : index
      %swap3A_159 = tpu.vector_load %arg24[%swap3A_157, %swap3A_158] {strides = array<i32>} : memref<32x128xf32, #tpu.memory_space<vmem>>, vector<16xf32>,
      tpu.vector_store %arg24[%swap3A_157, %swap3A_158], %broadcast_in_dim3A_3 {strides = array<i32>} : memref<32x128xf32, #tpu.memory_space<vmem>>, vector<16xf32>,
      %swap3A_160 = arith.index_cast %scan3A_141 : i32 to index
      %swap3A_161 = arith.constant 48 : index
      %swap3A_162 = tpu.vector_load %arg23[%swap3A_160, %swap3A_161] {strides = array<i32>} : memref<32x128xf32, #tpu.memory_space<vmem>>, vector<16xf32>,
      tpu.vector_store %arg23[%swap3A_160, %swap3A_161], %broadcast_in_dim3A_3 {strides = array<i32>} : memref<32x128xf32, #tpu.memory_space<vmem>>, vector<16xf32>,
      %swap3A_163 = arith.index_cast %scan3A_141 : i32 to index
      %swap3A_164 = arith.constant 48 : index
      %swap3A_165 = tpu.vector_load %arg24[%swap3A_163, %swap3A_164] {strides = array<i32>} : memref<32x128xf32, #tpu.memory_space<vmem>>, vector<16xf32>,
      tpu.vector_store %arg24[%swap3A_163, %swap3A_164], %broadcast_in_dim3A_3 {strides = array<i32>} : memref<32x128xf32, #tpu.memory_space<vmem>>, vector<16xf32>,
      %swap3A_166 = arith.index_cast %scan3A_141 : i32 to index
      %swap3A_167 = arith.constant 64 : index
      %swap3A_168 = tpu.vector_load %arg23[%swap3A_166, %swap3A_167] {strides = array<i32>} : memref<32x128xf32, #tpu.memory_space<vmem>>, vector<16xf32>,
      tpu.vector_store %arg23[%swap3A_166, %swap3A_167], %broadcast_in_dim3A_3 {strides = array<i32>} : memref<32x128xf32, #tpu.memory_space<vmem>>, vector<16xf32>,
      %swap3A_169 = arith.index_cast %scan3A_141 : i32 to index
      %swap3A_170 = arith.constant 64 : index
      %swap3A_171 = tpu.vector_load %arg24[%swap3A_169, %swap3A_170] {strides = array<i32>} : memref<32x128xf32, #tpu.memory_space<vmem>>, vector<16xf32>,
      tpu.vector_store %arg24[%swap3A_169, %swap3A_170], %broadcast_in_dim3A_3 {strides = array<i32>} : memref<32x128xf32, #tpu.memory_space<vmem>>, vector<16xf32>,
      %swap3A_172 = arith.index_cast %scan3A_141 : i32 to index
      %swap3A_173 = arith.constant 80 : index
      %swap3A_174 = tpu.vector_load %arg23[%swap3A_172, %swap3A_173] {strides = array<i32>} : memref<32x128xf32, #tpu.memory_space<vmem>>, vector<16xf32>,
      tpu.vector_store %arg23[%swap3A_172, %swap3A_173], %broadcast_in_dim3A_3 {strides = array<i32>} : memref<32x128xf32, #tpu.memory_space<vmem>>, vector<16xf32>,
      %swap3A_175 = arith.index_cast %scan3A_141 : i32 to index
      %swap3A_176 = arith.constant 80 : index
      %swap3A_177 = tpu.vector_load %arg24[%swap3A_175, %swap3A_176] {strides = array<i32>} : memref<32x128xf32, #tpu.memory_space<vmem>>, vector<16xf32>,
      tpu.vector_store %arg24[%swap3A_175, %swap3A_176], %broadcast_in_dim3A_3 {strides = array<i32>} : memref<32x128xf32, #tpu.memory_space<vmem>>, vector<16xf32>,
      %swap3A_178 = arith.index_cast %scan3A_141 : i32 to index
      %swap3A_179 = arith.constant 96 : index
      %swap3A_180 = tpu.vector_load %arg23[%swap3A_178, %swap3A_179] {strides = array<i32>} : memref<32x128xf32, #tpu.memory_space<vmem>>, vector<16xf32>,
      tpu.vector_store %arg23[%swap3A_178, %swap3A_179], %broadcast_in_dim3A_3 {strides = array<i32>} : memref<32x128xf32, #tpu.memory_space<vmem>>, vector<16xf32>,
      %swap3A_181 = arith.index_cast %scan3A_141 : i32 to index
      %swap3A_182 = arith.constant 96 : index
      %swap3A_183 = tpu.vector_load %arg24[%swap3A_181, %swap3A_182] {strides = array<i32>} : memref<32x128xf32, #tpu.memory_space<vmem>>, vector<16xf32>,
      tpu.vector_store %arg24[%swap3A_181, %swap3A_182], %broadcast_in_dim3A_3 {strides = array<i32>} : memref<32x128xf32, #tpu.memory_space<vmem>>, vector<16xf32>,
      %swap3A_184 = arith.index_cast %scan3A_141 : i32 to index
      %swap3A_185 = arith.constant 112 : index
      %swap3A_186 = tpu.vector_load %arg23[%swap3A_184, %swap3A_185] {strides = array<i32>} : memref<32x128xf32, #tpu.memory_space<vmem>>, vector<16xf32>,
      tpu.vector_store %arg23[%swap3A_184, %swap3A_185], %broadcast_in_dim3A_3 {strides = array<i32>} : memref<32x128xf32, #tpu.memory_space<vmem>>, vector<16xf32>,
      %swap3A_187 = arith.index_cast %scan3A_141 : i32 to index
      %swap3A_188 = arith.constant 112 : index
      %swap3A_189 = tpu.vector_load %arg24[%swap3A_187, %swap3A_188] {strides = array<i32>} : memref<32x128xf32, #tpu.memory_space<vmem>>, vector<16xf32>,
      tpu.vector_store %arg24[%swap3A_187, %swap3A_188], %broadcast_in_dim3A_3 {strides = array<i32>} : memref<32x128xf32, #tpu.memory_space<vmem>>, vector<16xf32>,
      %swap3A_190 = arith.index_cast %scan3A_141 : i32 to index
      %swap3A_191 = arith.constant 0 : index
      %swap3A_192 = tpu.vector_load %arg25[%swap3A_190, %swap3A_191] {strides = array<i32>} : memref<32x16xf32, #tpu.memory_space<vmem>>, vector<16xf32>,
      tpu.vector_store %arg25[%swap3A_190, %swap3A_191], %broadcast_in_dim3A_3 {strides = array<i32>} : memref<32x16xf32, #tpu.memory_space<vmem>>, vector<16xf32>,
      %swap3A_193 = arith.index_cast %scan3A_141 : i32 to index
      %swap3A_194 = arith.constant 0 : index
      %swap3A_195 = tpu.vector_load %arg26[%swap3A_193, %swap3A_194] {strides = array<i32>} : memref<32x16xf32, #tpu.memory_space<vmem>>, vector<16xf32>,
      tpu.vector_store %arg26[%swap3A_193, %swap3A_194], %broadcast_in_dim3A_3 {strides = array<i32>} : memref<32x16xf32, #tpu.memory_space<vmem>>, vector<16xf32>,
    }
    %scan3A_10 = arith.constant 32 : i32
    %swap3A = arith.constant 0 : index
    %swap3A_11 = tpu.vector_load %arg27[%swap3A] {strides = array<i32>} : memref<32xi32, #tpu.memory_space<vmem>>, vector<16xi32>,
    tpu.vector_store %arg27[%swap3A], %broadcast_in_dim3A_5 {strides = array<i32>} : memref<32xi32, #tpu.memory_space<vmem>>, vector<16xi32>,
    %swap3A_12 = arith.constant 0 : index
    %swap3A_13 = tpu.vector_load %arg28[%swap3A_12] {strides = array<i32>} : memref<32xi32, #tpu.memory_space<vmem>>, vector<16xi32>,
    tpu.vector_store %arg28[%swap3A_12], %broadcast_in_dim3A_5 {strides = array<i32>} : memref<32xi32, #tpu.memory_space<vmem>>, vector<16xi32>,
    %swap3A_14 = arith.constant 16 : index
    %swap3A_15 = tpu.vector_load %arg27[%swap3A_14] {strides = array<i32>} : memref<32xi32, #tpu.memory_space<vmem>>, vector<16xi32>,
    tpu.vector_store %arg27[%swap3A_14], %broadcast_in_dim3A_5 {strides = array<i32>} : memref<32xi32, #tpu.memory_space<vmem>>, vector<16xi32>,
    %swap3A_16 = arith.constant 16 : index
    %swap3A_17 = tpu.vector_load %arg28[%swap3A_16] {strides = array<i32>} : memref<32xi32, #tpu.memory_space<vmem>>, vector<16xi32>,
    tpu.vector_store %arg28[%swap3A_16], %broadcast_in_dim3A_5 {strides = array<i32>} : memref<32xi32, #tpu.memory_space<vmem>>, vector<16xi32>,
    %mul3A_18 = arith.constant 640 : i32
    %mul3A_19 = arith.muli %arg1, %mul3A_18 : i32
    %add3A_20 = arith.constant 0 : i32
    %add3A_21 = arith.addi %mul3A_19, %add3A_20 : i32
    "tpu.region"() ({
      %run_scoped3A = tpu.sem_alloc : memref<!tpu.dma_semaphore, #tpu.memory_space<semaphore_mem>>
      %dma_start3A_141 = arith.constant 0 : i32
      %dma_start3A_142 = tpu.memref_slice %arg29[%add3A_21, %dma_start3A_141] : memref<10240x128xf32, #tpu.memory_space<vmem_shared>> -> memref<32x128xf32, #tpu.memory_space<vmem_shared>>
      %dma_start3A_143 = arith.constant 0 : i32
      %dma_start3A_144 = tpu.memref_slice %arg29[%add3A_21, %dma_start3A_143] : memref<10240x128xf32, #tpu.memory_space<vmem_shared>> -> memref<32x128xf32, #tpu.memory_space<vmem_shared>>
      tpu.enqueue_dma source(%arg23 : memref<32x128xf32, #tpu.memory_space<vmem>>) target(%dma_start3A_144 : memref<32x128xf32, #tpu.memory_space<vmem_shared>>) target_semaphore(%run_scoped3A : memref<!tpu.dma_semaphore, #tpu.memory_space<semaphore_mem>>)
      %dma_wait3A_145 = arith.constant 0 : i32
      %dma_wait3A_146 = tpu.memref_slice %arg29[%add3A_21, %dma_wait3A_145] : memref<10240x128xf32, #tpu.memory_space<vmem_shared>> -> memref<32x128xf32, #tpu.memory_space<vmem_shared>>
      %dma_wait3A_147 = arith.constant 0 : i32
      %dma_wait3A_148 = tpu.memref_slice %arg29[%add3A_21, %dma_wait3A_147] : memref<10240x128xf32, #tpu.memory_space<vmem_shared>> -> memref<32x128xf32, #tpu.memory_space<vmem_shared>>
      tpu.wait_dma2 semaphore(%run_scoped3A : memref<!tpu.dma_semaphore, #tpu.memory_space<semaphore_mem>>) src(%arg23 : memref<32x128xf32, #tpu.memory_space<vmem>>) dst(%dma_wait3A_148 : memref<32x128xf32, #tpu.memory_space<vmem_shared>>)
      tpu.yield
    }) : () -> ()
    "tpu.region"() ({
      %run_scoped3A = tpu.sem_alloc : memref<!tpu.dma_semaphore, #tpu.memory_space<semaphore_mem>>
      %dma_start3A_141 = arith.constant 0 : i32
      %dma_start3A_142 = tpu.memref_slice %arg30[%add3A_21, %dma_start3A_141] : memref<10240x16xf32, #tpu.memory_space<vmem_shared>> -> memref<32x16xf32, #tpu.memory_space<vmem_shared>>
      %dma_start3A_143 = arith.constant 0 : i32
      %dma_start3A_144 = tpu.memref_slice %arg30[%add3A_21, %dma_start3A_143] : memref<10240x16xf32, #tpu.memory_space<vmem_shared>> -> memref<32x16xf32, #tpu.memory_space<vmem_shared>>
      tpu.enqueue_dma source(%arg25 : memref<32x16xf32, #tpu.memory_space<vmem>>) target(%dma_start3A_144 : memref<32x16xf32, #tpu.memory_space<vmem_shared>>) target_semaphore(%run_scoped3A : memref<!tpu.dma_semaphore, #tpu.memory_space<semaphore_mem>>)
      %dma_wait3A_145 = arith.constant 0 : i32
      %dma_wait3A_146 = tpu.memref_slice %arg30[%add3A_21, %dma_wait3A_145] : memref<10240x16xf32, #tpu.memory_space<vmem_shared>> -> memref<32x16xf32, #tpu.memory_space<vmem_shared>>
      %dma_wait3A_147 = arith.constant 0 : i32
      %dma_wait3A_148 = tpu.memref_slice %arg30[%add3A_21, %dma_wait3A_147] : memref<10240x16xf32, #tpu.memory_space<vmem_shared>> -> memref<32x16xf32, #tpu.memory_space<vmem_shared>>
      tpu.wait_dma2 semaphore(%run_scoped3A : memref<!tpu.dma_semaphore, #tpu.memory_space<semaphore_mem>>) src(%arg25 : memref<32x16xf32, #tpu.memory_space<vmem>>) dst(%dma_wait3A_148 : memref<32x16xf32, #tpu.memory_space<vmem_shared>>)
      tpu.yield
    }) : () -> ()
    %mul3A_22 = arith.constant 640 : i32
    %mul3A_23 = arith.muli %arg1, %mul3A_22 : i32
    %add3A_24 = arith.constant 32 : i32
    %add3A_25 = arith.addi %mul3A_23, %add3A_24 : i32
    "tpu.region"() ({
      %run_scoped3A = tpu.sem_alloc : memref<!tpu.dma_semaphore, #tpu.memory_space<semaphore_mem>>
      %dma_start3A_141 = arith.constant 0 : i32
      %dma_start3A_142 = tpu.memref_slice %arg29[%add3A_25, %dma_start3A_141] : memref<10240x128xf32, #tpu.memory_space<vmem_shared>> -> memref<32x128xf32, #tpu.memory_space<vmem_shared>>
      %dma_start3A_143 = arith.constant 0 : i32
      %dma_start3A_144 = tpu.memref_slice %arg29[%add3A_25, %dma_start3A_143] : memref<10240x128xf32, #tpu.memory_space<vmem_shared>> -> memref<32x128xf32, #tpu.memory_space<vmem_shared>>
      tpu.enqueue_dma source(%arg23 : memref<32x128xf32, #tpu.memory_space<vmem>>) target(%dma_start3A_144 : memref<32x128xf32, #tpu.memory_space<vmem_shared>>) target_semaphore(%run_scoped3A : memref<!tpu.dma_semaphore, #tpu.memory_space<semaphore_mem>>)
      %dma_wait3A_145 = arith.constant 0 : i32
      %dma_wait3A_146 = tpu.memref_slice %arg29[%add3A_25, %dma_wait3A_145] : memref<10240x128xf32, #tpu.memory_space<vmem_shared>> -> memref<32x128xf32, #tpu.memory_space<vmem_shared>>
      %dma_wait3A_147 = arith.constant 0 : i32
      %dma_wait3A_148 = tpu.memref_slice %arg29[%add3A_25, %dma_wait3A_147] : memref<10240x128xf32, #tpu.memory_space<vmem_shared>> -> memref<32x128xf32, #tpu.memory_space<vmem_shared>>
      tpu.wait_dma2 semaphore(%run_scoped3A : memref<!tpu.dma_semaphore, #tpu.memory_space<semaphore_mem>>) src(%arg23 : memref<32x128xf32, #tpu.memory_space<vmem>>) dst(%dma_wait3A_148 : memref<32x128xf32, #tpu.memory_space<vmem_shared>>)
      tpu.yield
    }) : () -> ()
    "tpu.region"() ({
      %run_scoped3A = tpu.sem_alloc : memref<!tpu.dma_semaphore, #tpu.memory_space<semaphore_mem>>
      %dma_start3A_141 = arith.constant 0 : i32
      %dma_start3A_142 = tpu.memref_slice %arg30[%add3A_25, %dma_start3A_141] : memref<10240x16xf32, #tpu.memory_space<vmem_shared>> -> memref<32x16xf32, #tpu.memory_space<vmem_shared>>
      %dma_start3A_143 = arith.constant 0 : i32
      %dma_start3A_144 = tpu.memref_slice %arg30[%add3A_25, %dma_start3A_143] : memref<10240x16xf32, #tpu.memory_space<vmem_shared>> -> memref<32x16xf32, #tpu.memory_space<vmem_shared>>
      tpu.enqueue_dma source(%arg25 : memref<32x16xf32, #tpu.memory_space<vmem>>) target(%dma_start3A_144 : memref<32x16xf32, #tpu.memory_space<vmem_shared>>) target_semaphore(%run_scoped3A : memref<!tpu.dma_semaphore, #tpu.memory_space<semaphore_mem>>)
      %dma_wait3A_145 = arith.constant 0 : i32
      %dma_wait3A_146 = tpu.memref_slice %arg30[%add3A_25, %dma_wait3A_145] : memref<10240x16xf32, #tpu.memory_space<vmem_shared>> -> memref<32x16xf32, #tpu.memory_space<vmem_shared>>
      %dma_wait3A_147 = arith.constant 0 : i32
      %dma_wait3A_148 = tpu.memref_slice %arg30[%add3A_25, %dma_wait3A_147] : memref<10240x16xf32, #tpu.memory_space<vmem_shared>> -> memref<32x16xf32, #tpu.memory_space<vmem_shared>>
      tpu.wait_dma2 semaphore(%run_scoped3A : memref<!tpu.dma_semaphore, #tpu.memory_space<semaphore_mem>>) src(%arg25 : memref<32x16xf32, #tpu.memory_space<vmem>>) dst(%dma_wait3A_148 : memref<32x16xf32, #tpu.memory_space<vmem_shared>>)
      tpu.yield
    }) : () -> ()
    %mul3A_26 = arith.constant 640 : i32
    %mul3A_27 = arith.muli %arg1, %mul3A_26 : i32
    %add3A_28 = arith.constant 64 : i32
    %add3A_29 = arith.addi %mul3A_27, %add3A_28 : i32
    "tpu.region"() ({
      %run_scoped3A = tpu.sem_alloc : memref<!tpu.dma_semaphore, #tpu.memory_space<semaphore_mem>>
      %dma_start3A_141 = arith.constant 0 : i32
      %dma_start3A_142 = tpu.memref_slice %arg29[%add3A_29, %dma_start3A_141] : memref<10240x128xf32, #tpu.memory_space<vmem_shared>> -> memref<32x128xf32, #tpu.memory_space<vmem_shared>>
      %dma_start3A_143 = arith.constant 0 : i32
      %dma_start3A_144 = tpu.memref_slice %arg29[%add3A_29, %dma_start3A_143] : memref<10240x128xf32, #tpu.memory_space<vmem_shared>> -> memref<32x128xf32, #tpu.memory_space<vmem_shared>>
      tpu.enqueue_dma source(%arg23 : memref<32x128xf32, #tpu.memory_space<vmem>>) target(%dma_start3A_144 : memref<32x128xf32, #tpu.memory_space<vmem_shared>>) target_semaphore(%run_scoped3A : memref<!tpu.dma_semaphore, #tpu.memory_space<semaphore_mem>>)
      %dma_wait3A_145 = arith.constant 0 : i32
      %dma_wait3A_146 = tpu.memref_slice %arg29[%add3A_29, %dma_wait3A_145] : memref<10240x128xf32, #tpu.memory_space<vmem_shared>> -> memref<32x128xf32, #tpu.memory_space<vmem_shared>>
      %dma_wait3A_147 = arith.constant 0 : i32
      %dma_wait3A_148 = tpu.memref_slice %arg29[%add3A_29, %dma_wait3A_147] : memref<10240x128xf32, #tpu.memory_space<vmem_shared>> -> memref<32x128xf32, #tpu.memory_space<vmem_shared>>
      tpu.wait_dma2 semaphore(%run_scoped3A : memref<!tpu.dma_semaphore, #tpu.memory_space<semaphore_mem>>) src(%arg23 : memref<32x128xf32, #tpu.memory_space<vmem>>) dst(%dma_wait3A_148 : memref<32x128xf32, #tpu.memory_space<vmem_shared>>)
      tpu.yield
    }) : () -> ()
    "tpu.region"() ({
      %run_scoped3A = tpu.sem_alloc : memref<!tpu.dma_semaphore, #tpu.memory_space<semaphore_mem>>
      %dma_start3A_141 = arith.constant 0 : i32
      %dma_start3A_142 = tpu.memref_slice %arg30[%add3A_29, %dma_start3A_141] : memref<10240x16xf32, #tpu.memory_space<vmem_shared>> -> memref<32x16xf32, #tpu.memory_space<vmem_shared>>
      %dma_start3A_143 = arith.constant 0 : i32
      %dma_start3A_144 = tpu.memref_slice %arg30[%add3A_29, %dma_start3A_143] : memref<10240x16xf32, #tpu.memory_space<vmem_shared>> -> memref<32x16xf32, #tpu.memory_space<vmem_shared>>
      tpu.enqueue_dma source(%arg25 : memref<32x16xf32, #tpu.memory_space<vmem>>) target(%dma_start3A_144 : memref<32x16xf32, #tpu.memory_space<vmem_shared>>) target_semaphore(%run_scoped3A : memref<!tpu.dma_semaphore, #tpu.memory_space<semaphore_mem>>)
      %dma_wait3A_145 = arith.constant 0 : i32
      %dma_wait3A_146 = tpu.memref_slice %arg30[%add3A_29, %dma_wait3A_145] : memref<10240x16xf32, #tpu.memory_space<vmem_shared>> -> memref<32x16xf32, #tpu.memory_space<vmem_shared>>
      %dma_wait3A_147 = arith.constant 0 : i32
      %dma_wait3A_148 = tpu.memref_slice %arg30[%add3A_29, %dma_wait3A_147] : memref<10240x16xf32, #tpu.memory_space<vmem_shared>> -> memref<32x16xf32, #tpu.memory_space<vmem_shared>>
      tpu.wait_dma2 semaphore(%run_scoped3A : memref<!tpu.dma_semaphore, #tpu.memory_space<semaphore_mem>>) src(%arg25 : memref<32x16xf32, #tpu.memory_space<vmem>>) dst(%dma_wait3A_148 : memref<32x16xf32, #tpu.memory_space<vmem_shared>>)
      tpu.yield
    }) : () -> ()
    %mul3A_30 = arith.constant 640 : i32
    %mul3A_31 = arith.muli %arg1, %mul3A_30 : i32
    %add3A_32 = arith.constant 96 : i32
    %add3A_33 = arith.addi %mul3A_31, %add3A_32 : i32
    "tpu.region"() ({
      %run_scoped3A = tpu.sem_alloc : memref<!tpu.dma_semaphore, #tpu.memory_space<semaphore_mem>>
      %dma_start3A_141 = arith.constant 0 : i32
      %dma_start3A_142 = tpu.memref_slice %arg29[%add3A_33, %dma_start3A_141] : memref<10240x128xf32, #tpu.memory_space<vmem_shared>> -> memref<32x128xf32, #tpu.memory_space<vmem_shared>>
      %dma_start3A_143 = arith.constant 0 : i32
      %dma_start3A_144 = tpu.memref_slice %arg29[%add3A_33, %dma_start3A_143] : memref<10240x128xf32, #tpu.memory_space<vmem_shared>> -> memref<32x128xf32, #tpu.memory_space<vmem_shared>>
      tpu.enqueue_dma source(%arg23 : memref<32x128xf32, #tpu.memory_space<vmem>>) target(%dma_start3A_144 : memref<32x128xf32, #tpu.memory_space<vmem_shared>>) target_semaphore(%run_scoped3A : memref<!tpu.dma_semaphore, #tpu.memory_space<semaphore_mem>>)
      %dma_wait3A_145 = arith.constant 0 : i32
      %dma_wait3A_146 = tpu.memref_slice %arg29[%add3A_33, %dma_wait3A_145] : memref<10240x128xf32, #tpu.memory_space<vmem_shared>> -> memref<32x128xf32, #tpu.memory_space<vmem_shared>>
      %dma_wait3A_147 = arith.constant 0 : i32
      %dma_wait3A_148 = tpu.memref_slice %arg29[%add3A_33, %dma_wait3A_147] : memref<10240x128xf32, #tpu.memory_space<vmem_shared>> -> memref<32x128xf32, #tpu.memory_space<vmem_shared>>
      tpu.wait_dma2 semaphore(%run_scoped3A : memref<!tpu.dma_semaphore, #tpu.memory_space<semaphore_mem>>) src(%arg23 : memref<32x128xf32, #tpu.memory_space<vmem>>) dst(%dma_wait3A_148 : memref<32x128xf32, #tpu.memory_space<vmem_shared>>)
      tpu.yield
    }) : () -> ()
    "tpu.region"() ({
      %run_scoped3A = tpu.sem_alloc : memref<!tpu.dma_semaphore, #tpu.memory_space<semaphore_mem>>
      %dma_start3A_141 = arith.constant 0 : i32
      %dma_start3A_142 = tpu.memref_slice %arg30[%add3A_33, %dma_start3A_141] : memref<10240x16xf32, #tpu.memory_space<vmem_shared>> -> memref<32x16xf32, #tpu.memory_space<vmem_shared>>
      %dma_start3A_143 = arith.constant 0 : i32
      %dma_start3A_144 = tpu.memref_slice %arg30[%add3A_33, %dma_start3A_143] : memref<10240x16xf32, #tpu.memory_space<vmem_shared>> -> memref<32x16xf32, #tpu.memory_space<vmem_shared>>
      tpu.enqueue_dma source(%arg25 : memref<32x16xf32, #tpu.memory_space<vmem>>) target(%dma_start3A_144 : memref<32x16xf32, #tpu.memory_space<vmem_shared>>) target_semaphore(%run_scoped3A : memref<!tpu.dma_semaphore, #tpu.memory_space<semaphore_mem>>)
      %dma_wait3A_145 = arith.constant 0 : i32
      %dma_wait3A_146 = tpu.memref_slice %arg30[%add3A_33, %dma_wait3A_145] : memref<10240x16xf32, #tpu.memory_space<vmem_shared>> -> memref<32x16xf32, #tpu.memory_space<vmem_shared>>
      %dma_wait3A_147 = arith.constant 0 : i32
      %dma_wait3A_148 = tpu.memref_slice %arg30[%add3A_33, %dma_wait3A_147] : memref<10240x16xf32, #tpu.memory_space<vmem_shared>> -> memref<32x16xf32, #tpu.memory_space<vmem_shared>>
      tpu.wait_dma2 semaphore(%run_scoped3A : memref<!tpu.dma_semaphore, #tpu.memory_space<semaphore_mem>>) src(%arg25 : memref<32x16xf32, #tpu.memory_space<vmem>>) dst(%dma_wait3A_148 : memref<32x16xf32, #tpu.memory_space<vmem_shared>>)
      tpu.yield
    }) : () -> ()
    %mul3A_34 = arith.constant 640 : i32
    %mul3A_35 = arith.muli %arg1, %mul3A_34 : i32
    %add3A_36 = arith.constant 128 : i32
    %add3A_37 = arith.addi %mul3A_35, %add3A_36 : i32
    "tpu.region"() ({
      %run_scoped3A = tpu.sem_alloc : memref<!tpu.dma_semaphore, #tpu.memory_space<semaphore_mem>>
      %dma_start3A_141 = arith.constant 0 : i32
      %dma_start3A_142 = tpu.memref_slice %arg29[%add3A_37, %dma_start3A_141] : memref<10240x128xf32, #tpu.memory_space<vmem_shared>> -> memref<32x128xf32, #tpu.memory_space<vmem_shared>>
      %dma_start3A_143 = arith.constant 0 : i32
      %dma_start3A_144 = tpu.memref_slice %arg29[%add3A_37, %dma_start3A_143] : memref<10240x128xf32, #tpu.memory_space<vmem_shared>> -> memref<32x128xf32, #tpu.memory_space<vmem_shared>>
      tpu.enqueue_dma source(%arg23 : memref<32x128xf32, #tpu.memory_space<vmem>>) target(%dma_start3A_144 : memref<32x128xf32, #tpu.memory_space<vmem_shared>>) target_semaphore(%run_scoped3A : memref<!tpu.dma_semaphore, #tpu.memory_space<semaphore_mem>>)
      %dma_wait3A_145 = arith.constant 0 : i32
      %dma_wait3A_146 = tpu.memref_slice %arg29[%add3A_37, %dma_wait3A_145] : memref<10240x128xf32, #tpu.memory_space<vmem_shared>> -> memref<32x128xf32, #tpu.memory_space<vmem_shared>>
      %dma_wait3A_147 = arith.constant 0 : i32
      %dma_wait3A_148 = tpu.memref_slice %arg29[%add3A_37, %dma_wait3A_147] : memref<10240x128xf32, #tpu.memory_space<vmem_shared>> -> memref<32x128xf32, #tpu.memory_space<vmem_shared>>
      tpu.wait_dma2 semaphore(%run_scoped3A : memref<!tpu.dma_semaphore, #tpu.memory_space<semaphore_mem>>) src(%arg23 : memref<32x128xf32, #tpu.memory_space<vmem>>) dst(%dma_wait3A_148 : memref<32x128xf32, #tpu.memory_space<vmem_shared>>)
      tpu.yield
    }) : () -> ()
    "tpu.region"() ({
      %run_scoped3A = tpu.sem_alloc : memref<!tpu.dma_semaphore, #tpu.memory_space<semaphore_mem>>
      %dma_start3A_141 = arith.constant 0 : i32
      %dma_start3A_142 = tpu.memref_slice %arg30[%add3A_37, %dma_start3A_141] : memref<10240x16xf32, #tpu.memory_space<vmem_shared>> -> memref<32x16xf32, #tpu.memory_space<vmem_shared>>
      %dma_start3A_143 = arith.constant 0 : i32
      %dma_start3A_144 = tpu.memref_slice %arg30[%add3A_37, %dma_start3A_143] : memref<10240x16xf32, #tpu.memory_space<vmem_shared>> -> memref<32x16xf32, #tpu.memory_space<vmem_shared>>
      tpu.enqueue_dma source(%arg25 : memref<32x16xf32, #tpu.memory_space<vmem>>) target(%dma_start3A_144 : memref<32x16xf32, #tpu.memory_space<vmem_shared>>) target_semaphore(%run_scoped3A : memref<!tpu.dma_semaphore, #tpu.memory_space<semaphore_mem>>)
      %dma_wait3A_145 = arith.constant 0 : i32
      %dma_wait3A_146 = tpu.memref_slice %arg30[%add3A_37, %dma_wait3A_145] : memref<10240x16xf32, #tpu.memory_space<vmem_shared>> -> memref<32x16xf32, #tpu.memory_space<vmem_shared>>
      %dma_wait3A_147 = arith.constant 0 : i32
      %dma_wait3A_148 = tpu.memref_slice %arg30[%add3A_37, %dma_wait3A_147] : memref<10240x16xf32, #tpu.memory_space<vmem_shared>> -> memref<32x16xf32, #tpu.memory_space<vmem_shared>>
      tpu.wait_dma2 semaphore(%run_scoped3A : memref<!tpu.dma_semaphore, #tpu.memory_space<semaphore_mem>>) src(%arg25 : memref<32x16xf32, #tpu.memory_space<vmem>>) dst(%dma_wait3A_148 : memref<32x16xf32, #tpu.memory_space<vmem_shared>>)
      tpu.yield
    }) : () -> ()
    %mul3A_38 = arith.constant 640 : i32
    %mul3A_39 = arith.muli %arg1, %mul3A_38 : i32
    %add3A_40 = arith.constant 160 : i32
    %add3A_41 = arith.addi %mul3A_39, %add3A_40 : i32
    "tpu.region"() ({
      %run_scoped3A = tpu.sem_alloc : memref<!tpu.dma_semaphore, #tpu.memory_space<semaphore_mem>>
      %dma_start3A_141 = arith.constant 0 : i32
      %dma_start3A_142 = tpu.memref_slice %arg29[%add3A_41, %dma_start3A_141] : memref<10240x128xf32, #tpu.memory_space<vmem_shared>> -> memref<32x128xf32, #tpu.memory_space<vmem_shared>>
      %dma_start3A_143 = arith.constant 0 : i32
      %dma_start3A_144 = tpu.memref_slice %arg29[%add3A_41, %dma_start3A_143] : memref<10240x128xf32, #tpu.memory_space<vmem_shared>> -> memref<32x128xf32, #tpu.memory_space<vmem_shared>>
      tpu.enqueue_dma source(%arg23 : memref<32x128xf32, #tpu.memory_space<vmem>>) target(%dma_start3A_144 : memref<32x128xf32, #tpu.memory_space<vmem_shared>>) target_semaphore(%run_scoped3A : memref<!tpu.dma_semaphore, #tpu.memory_space<semaphore_mem>>)
      %dma_wait3A_145 = arith.constant 0 : i32
      %dma_wait3A_146 = tpu.memref_slice %arg29[%add3A_41, %dma_wait3A_145] : memref<10240x128xf32, #tpu.memory_space<vmem_shared>> -> memref<32x128xf32, #tpu.memory_space<vmem_shared>>
      %dma_wait3A_147 = arith.constant 0 : i32
      %dma_wait3A_148 = tpu.memref_slice %arg29[%add3A_41, %dma_wait3A_147] : memref<10240x128xf32, #tpu.memory_space<vmem_shared>> -> memref<32x128xf32, #tpu.memory_space<vmem_shared>>
      tpu.wait_dma2 semaphore(%run_scoped3A : memref<!tpu.dma_semaphore, #tpu.memory_space<semaphore_mem>>) src(%arg23 : memref<32x128xf32, #tpu.memory_space<vmem>>) dst(%dma_wait3A_148 : memref<32x128xf32, #tpu.memory_space<vmem_shared>>)
      tpu.yield
    }) : () -> ()
    "tpu.region"() ({
      %run_scoped3A = tpu.sem_alloc : memref<!tpu.dma_semaphore, #tpu.memory_space<semaphore_mem>>
      %dma_start3A_141 = arith.constant 0 : i32
      %dma_start3A_142 = tpu.memref_slice %arg30[%add3A_41, %dma_start3A_141] : memref<10240x16xf32, #tpu.memory_space<vmem_shared>> -> memref<32x16xf32, #tpu.memory_space<vmem_shared>>
      %dma_start3A_143 = arith.constant 0 : i32
      %dma_start3A_144 = tpu.memref_slice %arg30[%add3A_41, %dma_start3A_143] : memref<10240x16xf32, #tpu.memory_space<vmem_shared>> -> memref<32x16xf32, #tpu.memory_space<vmem_shared>>
      tpu.enqueue_dma source(%arg25 : memref<32x16xf32, #tpu.memory_space<vmem>>) target(%dma_start3A_144 : memref<32x16xf32, #tpu.memory_space<vmem_shared>>) target_semaphore(%run_scoped3A : memref<!tpu.dma_semaphore, #tpu.memory_space<semaphore_mem>>)
      %dma_wait3A_145 = arith.constant 0 : i32
      %dma_wait3A_146 = tpu.memref_slice %arg30[%add3A_41, %dma_wait3A_145] : memref<10240x16xf32, #tpu.memory_space<vmem_shared>> -> memref<32x16xf32, #tpu.memory_space<vmem_shared>>
      %dma_wait3A_147 = arith.constant 0 : i32
      %dma_wait3A_148 = tpu.memref_slice %arg30[%add3A_41, %dma_wait3A_147] : memref<10240x16xf32, #tpu.memory_space<vmem_shared>> -> memref<32x16xf32, #tpu.memory_space<vmem_shared>>
      tpu.wait_dma2 semaphore(%run_scoped3A : memref<!tpu.dma_semaphore, #tpu.memory_space<semaphore_mem>>) src(%arg25 : memref<32x16xf32, #tpu.memory_space<vmem>>) dst(%dma_wait3A_148 : memref<32x16xf32, #tpu.memory_space<vmem_shared>>)
      tpu.yield
    }) : () -> ()
    %mul3A_42 = arith.constant 640 : i32
    %mul3A_43 = arith.muli %arg1, %mul3A_42 : i32
    %add3A_44 = arith.constant 192 : i32
    %add3A_45 = arith.addi %mul3A_43, %add3A_44 : i32
    "tpu.region"() ({
      %run_scoped3A = tpu.sem_alloc : memref<!tpu.dma_semaphore, #tpu.memory_space<semaphore_mem>>
      %dma_start3A_141 = arith.constant 0 : i32
      %dma_start3A_142 = tpu.memref_slice %arg29[%add3A_45, %dma_start3A_141] : memref<10240x128xf32, #tpu.memory_space<vmem_shared>> -> memref<32x128xf32, #tpu.memory_space<vmem_shared>>
      %dma_start3A_143 = arith.constant 0 : i32
      %dma_start3A_144 = tpu.memref_slice %arg29[%add3A_45, %dma_start3A_143] : memref<10240x128xf32, #tpu.memory_space<vmem_shared>> -> memref<32x128xf32, #tpu.memory_space<vmem_shared>>
      tpu.enqueue_dma source(%arg23 : memref<32x128xf32, #tpu.memory_space<vmem>>) target(%dma_start3A_144 : memref<32x128xf32, #tpu.memory_space<vmem_shared>>) target_semaphore(%run_scoped3A : memref<!tpu.dma_semaphore, #tpu.memory_space<semaphore_mem>>)
      %dma_wait3A_145 = arith.constant 0 : i32
      %dma_wait3A_146 = tpu.memref_slice %arg29[%add3A_45, %dma_wait3A_145] : memref<10240x128xf32, #tpu.memory_space<vmem_shared>> -> memref<32x128xf32, #tpu.memory_space<vmem_shared>>
      %dma_wait3A_147 = arith.constant 0 : i32
      %dma_wait3A_148 = tpu.memref_slice %arg29[%add3A_45, %dma_wait3A_147] : memref<10240x128xf32, #tpu.memory_space<vmem_shared>> -> memref<32x128xf32, #tpu.memory_space<vmem_shared>>
      tpu.wait_dma2 semaphore(%run_scoped3A : memref<!tpu.dma_semaphore, #tpu.memory_space<semaphore_mem>>) src(%arg23 : memref<32x128xf32, #tpu.memory_space<vmem>>) dst(%dma_wait3A_148 : memref<32x128xf32, #tpu.memory_space<vmem_shared>>)
      tpu.yield
    }) : () -> ()
    "tpu.region"() ({
      %run_scoped3A = tpu.sem_alloc : memref<!tpu.dma_semaphore, #tpu.memory_space<semaphore_mem>>
      %dma_start3A_141 = arith.constant 0 : i32
      %dma_start3A_142 = tpu.memref_slice %arg30[%add3A_45, %dma_start3A_141] : memref<10240x16xf32, #tpu.memory_space<vmem_shared>> -> memref<32x16xf32, #tpu.memory_space<vmem_shared>>
      %dma_start3A_143 = arith.constant 0 : i32
      %dma_start3A_144 = tpu.memref_slice %arg30[%add3A_45, %dma_start3A_143] : memref<10240x16xf32, #tpu.memory_space<vmem_shared>> -> memref<32x16xf32, #tpu.memory_space<vmem_shared>>
      tpu.enqueue_dma source(%arg25 : memref<32x16xf32, #tpu.memory_space<vmem>>) target(%dma_start3A_144 : memref<32x16xf32, #tpu.memory_space<vmem_shared>>) target_semaphore(%run_scoped3A : memref<!tpu.dma_semaphore, #tpu.memory_space<semaphore_mem>>)
      %dma_wait3A_145 = arith.constant 0 : i32
      %dma_wait3A_146 = tpu.memref_slice %arg30[%add3A_45, %dma_wait3A_145] : memref<10240x16xf32, #tpu.memory_space<vmem_shared>> -> memref<32x16xf32, #tpu.memory_space<vmem_shared>>
      %dma_wait3A_147 = arith.constant 0 : i32
      %dma_wait3A_148 = tpu.memref_slice %arg30[%add3A_45, %dma_wait3A_147] : memref<10240x16xf32, #tpu.memory_space<vmem_shared>> -> memref<32x16xf32, #tpu.memory_space<vmem_shared>>
      tpu.wait_dma2 semaphore(%run_scoped3A : memref<!tpu.dma_semaphore, #tpu.memory_space<semaphore_mem>>) src(%arg25 : memref<32x16xf32, #tpu.memory_space<vmem>>) dst(%dma_wait3A_148 : memref<32x16xf32, #tpu.memory_space<vmem_shared>>)
      tpu.yield
    }) : () -> ()
    %mul3A_46 = arith.constant 640 : i32
    %mul3A_47 = arith.muli %arg1, %mul3A_46 : i32
    %add3A_48 = arith.constant 224 : i32
    %add3A_49 = arith.addi %mul3A_47, %add3A_48 : i32
    "tpu.region"() ({
      %run_scoped3A = tpu.sem_alloc : memref<!tpu.dma_semaphore, #tpu.memory_space<semaphore_mem>>
      %dma_start3A_141 = arith.constant 0 : i32
      %dma_start3A_142 = tpu.memref_slice %arg29[%add3A_49, %dma_start3A_141] : memref<10240x128xf32, #tpu.memory_space<vmem_shared>> -> memref<32x128xf32, #tpu.memory_space<vmem_shared>>
      %dma_start3A_143 = arith.constant 0 : i32
      %dma_start3A_144 = tpu.memref_slice %arg29[%add3A_49, %dma_start3A_143] : memref<10240x128xf32, #tpu.memory_space<vmem_shared>> -> memref<32x128xf32, #tpu.memory_space<vmem_shared>>
      tpu.enqueue_dma source(%arg23 : memref<32x128xf32, #tpu.memory_space<vmem>>) target(%dma_start3A_144 : memref<32x128xf32, #tpu.memory_space<vmem_shared>>) target_semaphore(%run_scoped3A : memref<!tpu.dma_semaphore, #tpu.memory_space<semaphore_mem>>)
      %dma_wait3A_145 = arith.constant 0 : i32
      %dma_wait3A_146 = tpu.memref_slice %arg29[%add3A_49, %dma_wait3A_145] : memref<10240x128xf32, #tpu.memory_space<vmem_shared>> -> memref<32x128xf32, #tpu.memory_space<vmem_shared>>
      %dma_wait3A_147 = arith.constant 0 : i32
      %dma_wait3A_148 = tpu.memref_slice %arg29[%add3A_49, %dma_wait3A_147] : memref<10240x128xf32, #tpu.memory_space<vmem_shared>> -> memref<32x128xf32, #tpu.memory_space<vmem_shared>>
      tpu.wait_dma2 semaphore(%run_scoped3A : memref<!tpu.dma_semaphore, #tpu.memory_space<semaphore_mem>>) src(%arg23 : memref<32x128xf32, #tpu.memory_space<vmem>>) dst(%dma_wait3A_148 : memref<32x128xf32, #tpu.memory_space<vmem_shared>>)
      tpu.yield
    }) : () -> ()
    "tpu.region"() ({
      %run_scoped3A = tpu.sem_alloc : memref<!tpu.dma_semaphore, #tpu.memory_space<semaphore_mem>>
      %dma_start3A_141 = arith.constant 0 : i32
      %dma_start3A_142 = tpu.memref_slice %arg30[%add3A_49, %dma_start3A_141] : memref<10240x16xf32, #tpu.memory_space<vmem_shared>> -> memref<32x16xf32, #tpu.memory_space<vmem_shared>>
      %dma_start3A_143 = arith.constant 0 : i32
      %dma_start3A_144 = tpu.memref_slice %arg30[%add3A_49, %dma_start3A_143] : memref<10240x16xf32, #tpu.memory_space<vmem_shared>> -> memref<32x16xf32, #tpu.memory_space<vmem_shared>>
      tpu.enqueue_dma source(%arg25 : memref<32x16xf32, #tpu.memory_space<vmem>>) target(%dma_start3A_144 : memref<32x16xf32, #tpu.memory_space<vmem_shared>>) target_semaphore(%run_scoped3A : memref<!tpu.dma_semaphore, #tpu.memory_space<semaphore_mem>>)
      %dma_wait3A_145 = arith.constant 0 : i32
      %dma_wait3A_146 = tpu.memref_slice %arg30[%add3A_49, %dma_wait3A_145] : memref<10240x16xf32, #tpu.memory_space<vmem_shared>> -> memref<32x16xf32, #tpu.memory_space<vmem_shared>>
      %dma_wait3A_147 = arith.constant 0 : i32
      %dma_wait3A_148 = tpu.memref_slice %arg30[%add3A_49, %dma_wait3A_147] : memref<10240x16xf32, #tpu.memory_space<vmem_shared>> -> memref<32x16xf32, #tpu.memory_space<vmem_shared>>
      tpu.wait_dma2 semaphore(%run_scoped3A : memref<!tpu.dma_semaphore, #tpu.memory_space<semaphore_mem>>) src(%arg25 : memref<32x16xf32, #tpu.memory_space<vmem>>) dst(%dma_wait3A_148 : memref<32x16xf32, #tpu.memory_space<vmem_shared>>)
      tpu.yield
    }) : () -> ()
    %mul3A_50 = arith.constant 640 : i32
    %mul3A_51 = arith.muli %arg1, %mul3A_50 : i32
    %add3A_52 = arith.constant 256 : i32
    %add3A_53 = arith.addi %mul3A_51, %add3A_52 : i32
    "tpu.region"() ({
      %run_scoped3A = tpu.sem_alloc : memref<!tpu.dma_semaphore, #tpu.memory_space<semaphore_mem>>
      %dma_start3A_141 = arith.constant 0 : i32
      %dma_start3A_142 = tpu.memref_slice %arg29[%add3A_53, %dma_start3A_141] : memref<10240x128xf32, #tpu.memory_space<vmem_shared>> -> memref<32x128xf32, #tpu.memory_space<vmem_shared>>
      %dma_start3A_143 = arith.constant 0 : i32
      %dma_start3A_144 = tpu.memref_slice %arg29[%add3A_53, %dma_start3A_143] : memref<10240x128xf32, #tpu.memory_space<vmem_shared>> -> memref<32x128xf32, #tpu.memory_space<vmem_shared>>
      tpu.enqueue_dma source(%arg23 : memref<32x128xf32, #tpu.memory_space<vmem>>) target(%dma_start3A_144 : memref<32x128xf32, #tpu.memory_space<vmem_shared>>) target_semaphore(%run_scoped3A : memref<!tpu.dma_semaphore, #tpu.memory_space<semaphore_mem>>)
      %dma_wait3A_145 = arith.constant 0 : i32
      %dma_wait3A_146 = tpu.memref_slice %arg29[%add3A_53, %dma_wait3A_145] : memref<10240x128xf32, #tpu.memory_space<vmem_shared>> -> memref<32x128xf32, #tpu.memory_space<vmem_shared>>
      %dma_wait3A_147 = arith.constant 0 : i32
      %dma_wait3A_148 = tpu.memref_slice %arg29[%add3A_53, %dma_wait3A_147] : memref<10240x128xf32, #tpu.memory_space<vmem_shared>> -> memref<32x128xf32, #tpu.memory_space<vmem_shared>>
      tpu.wait_dma2 semaphore(%run_scoped3A : memref<!tpu.dma_semaphore, #tpu.memory_space<semaphore_mem>>) src(%arg23 : memref<32x128xf32, #tpu.memory_space<vmem>>) dst(%dma_wait3A_148 : memref<32x128xf32, #tpu.memory_space<vmem_shared>>)
      tpu.yield
    }) : () -> ()
    "tpu.region"() ({
      %run_scoped3A = tpu.sem_alloc : memref<!tpu.dma_semaphore, #tpu.memory_space<semaphore_mem>>
      %dma_start3A_141 = arith.constant 0 : i32
      %dma_start3A_142 = tpu.memref_slice %arg30[%add3A_53, %dma_start3A_141] : memref<10240x16xf32, #tpu.memory_space<vmem_shared>> -> memref<32x16xf32, #tpu.memory_space<vmem_shared>>
      %dma_start3A_143 = arith.constant 0 : i32
      %dma_start3A_144 = tpu.memref_slice %arg30[%add3A_53, %dma_start3A_143] : memref<10240x16xf32, #tpu.memory_space<vmem_shared>> -> memref<32x16xf32, #tpu.memory_space<vmem_shared>>
      tpu.enqueue_dma source(%arg25 : memref<32x16xf32, #tpu.memory_space<vmem>>) target(%dma_start3A_144 : memref<32x16xf32, #tpu.memory_space<vmem_shared>>) target_semaphore(%run_scoped3A : memref<!tpu.dma_semaphore, #tpu.memory_space<semaphore_mem>>)
      %dma_wait3A_145 = arith.constant 0 : i32
      %dma_wait3A_146 = tpu.memref_slice %arg30[%add3A_53, %dma_wait3A_145] : memref<10240x16xf32, #tpu.memory_space<vmem_shared>> -> memref<32x16xf32, #tpu.memory_space<vmem_shared>>
      %dma_wait3A_147 = arith.constant 0 : i32
      %dma_wait3A_148 = tpu.memref_slice %arg30[%add3A_53, %dma_wait3A_147] : memref<10240x16xf32, #tpu.memory_space<vmem_shared>> -> memref<32x16xf32, #tpu.memory_space<vmem_shared>>
      tpu.wait_dma2 semaphore(%run_scoped3A : memref<!tpu.dma_semaphore, #tpu.memory_space<semaphore_mem>>) src(%arg25 : memref<32x16xf32, #tpu.memory_space<vmem>>) dst(%dma_wait3A_148 : memref<32x16xf32, #tpu.memory_space<vmem_shared>>)
      tpu.yield
    }) : () -> ()
    %mul3A_54 = arith.constant 640 : i32
    %mul3A_55 = arith.muli %arg1, %mul3A_54 : i32
    %add3A_56 = arith.constant 288 : i32
    %add3A_57 = arith.addi %mul3A_55, %add3A_56 : i32
    "tpu.region"() ({
      %run_scoped3A = tpu.sem_alloc : memref<!tpu.dma_semaphore, #tpu.memory_space<semaphore_mem>>
      %dma_start3A_141 = arith.constant 0 : i32
      %dma_start3A_142 = tpu.memref_slice %arg29[%add3A_57, %dma_start3A_141] : memref<10240x128xf32, #tpu.memory_space<vmem_shared>> -> memref<32x128xf32, #tpu.memory_space<vmem_shared>>
      %dma_start3A_143 = arith.constant 0 : i32
      %dma_start3A_144 = tpu.memref_slice %arg29[%add3A_57, %dma_start3A_143] : memref<10240x128xf32, #tpu.memory_space<vmem_shared>> -> memref<32x128xf32, #tpu.memory_space<vmem_shared>>
      tpu.enqueue_dma source(%arg23 : memref<32x128xf32, #tpu.memory_space<vmem>>) target(%dma_start3A_144 : memref<32x128xf32, #tpu.memory_space<vmem_shared>>) target_semaphore(%run_scoped3A : memref<!tpu.dma_semaphore, #tpu.memory_space<semaphore_mem>>)
      %dma_wait3A_145 = arith.constant 0 : i32
      %dma_wait3A_146 = tpu.memref_slice %arg29[%add3A_57, %dma_wait3A_145] : memref<10240x128xf32, #tpu.memory_space<vmem_shared>> -> memref<32x128xf32, #tpu.memory_space<vmem_shared>>
      %dma_wait3A_147 = arith.constant 0 : i32
      %dma_wait3A_148 = tpu.memref_slice %arg29[%add3A_57, %dma_wait3A_147] : memref<10240x128xf32, #tpu.memory_space<vmem_shared>> -> memref<32x128xf32, #tpu.memory_space<vmem_shared>>
      tpu.wait_dma2 semaphore(%run_scoped3A : memref<!tpu.dma_semaphore, #tpu.memory_space<semaphore_mem>>) src(%arg23 : memref<32x128xf32, #tpu.memory_space<vmem>>) dst(%dma_wait3A_148 : memref<32x128xf32, #tpu.memory_space<vmem_shared>>)
      tpu.yield
    }) : () -> ()
    "tpu.region"() ({
      %run_scoped3A = tpu.sem_alloc : memref<!tpu.dma_semaphore, #tpu.memory_space<semaphore_mem>>
      %dma_start3A_141 = arith.constant 0 : i32
      %dma_start3A_142 = tpu.memref_slice %arg30[%add3A_57, %dma_start3A_141] : memref<10240x16xf32, #tpu.memory_space<vmem_shared>> -> memref<32x16xf32, #tpu.memory_space<vmem_shared>>
      %dma_start3A_143 = arith.constant 0 : i32
      %dma_start3A_144 = tpu.memref_slice %arg30[%add3A_57, %dma_start3A_143] : memref<10240x16xf32, #tpu.memory_space<vmem_shared>> -> memref<32x16xf32, #tpu.memory_space<vmem_shared>>
      tpu.enqueue_dma source(%arg25 : memref<32x16xf32, #tpu.memory_space<vmem>>) target(%dma_start3A_144 : memref<32x16xf32, #tpu.memory_space<vmem_shared>>) target_semaphore(%run_scoped3A : memref<!tpu.dma_semaphore, #tpu.memory_space<semaphore_mem>>)
      %dma_wait3A_145 = arith.constant 0 : i32
      %dma_wait3A_146 = tpu.memref_slice %arg30[%add3A_57, %dma_wait3A_145] : memref<10240x16xf32, #tpu.memory_space<vmem_shared>> -> memref<32x16xf32, #tpu.memory_space<vmem_shared>>
      %dma_wait3A_147 = arith.constant 0 : i32
      %dma_wait3A_148 = tpu.memref_slice %arg30[%add3A_57, %dma_wait3A_147] : memref<10240x16xf32, #tpu.memory_space<vmem_shared>> -> memref<32x16xf32, #tpu.memory_space<vmem_shared>>
      tpu.wait_dma2 semaphore(%run_scoped3A : memref<!tpu.dma_semaphore, #tpu.memory_space<semaphore_mem>>) src(%arg25 : memref<32x16xf32, #tpu.memory_space<vmem>>) dst(%dma_wait3A_148 : memref<32x16xf32, #tpu.memory_space<vmem_shared>>)
      tpu.yield
    }) : () -> ()
    %mul3A_58 = arith.constant 640 : i32
    %mul3A_59 = arith.muli %arg1, %mul3A_58 : i32
    %add3A_60 = arith.constant 320 : i32
    %add3A_61 = arith.addi %mul3A_59, %add3A_60 : i32
    "tpu.region"() ({
      %run_scoped3A = tpu.sem_alloc : memref<!tpu.dma_semaphore, #tpu.memory_space<semaphore_mem>>
      %dma_start3A_141 = arith.constant 0 : i32
      %dma_start3A_142 = tpu.memref_slice %arg29[%add3A_61, %dma_start3A_141] : memref<10240x128xf32, #tpu.memory_space<vmem_shared>> -> memref<32x128xf32, #tpu.memory_space<vmem_shared>>
      %dma_start3A_143 = arith.constant 0 : i32
      %dma_start3A_144 = tpu.memref_slice %arg29[%add3A_61, %dma_start3A_143] : memref<10240x128xf32, #tpu.memory_space<vmem_shared>> -> memref<32x128xf32, #tpu.memory_space<vmem_shared>>
      tpu.enqueue_dma source(%arg23 : memref<32x128xf32, #tpu.memory_space<vmem>>) target(%dma_start3A_144 : memref<32x128xf32, #tpu.memory_space<vmem_shared>>) target_semaphore(%run_scoped3A : memref<!tpu.dma_semaphore, #tpu.memory_space<semaphore_mem>>)
      %dma_wait3A_145 = arith.constant 0 : i32
      %dma_wait3A_146 = tpu.memref_slice %arg29[%add3A_61, %dma_wait3A_145] : memref<10240x128xf32, #tpu.memory_space<vmem_shared>> -> memref<32x128xf32, #tpu.memory_space<vmem_shared>>
      %dma_wait3A_147 = arith.constant 0 : i32
      %dma_wait3A_148 = tpu.memref_slice %arg29[%add3A_61, %dma_wait3A_147] : memref<10240x128xf32, #tpu.memory_space<vmem_shared>> -> memref<32x128xf32, #tpu.memory_space<vmem_shared>>
      tpu.wait_dma2 semaphore(%run_scoped3A : memref<!tpu.dma_semaphore, #tpu.memory_space<semaphore_mem>>) src(%arg23 : memref<32x128xf32, #tpu.memory_space<vmem>>) dst(%dma_wait3A_148 : memref<32x128xf32, #tpu.memory_space<vmem_shared>>)
      tpu.yield
    }) : () -> ()
    "tpu.region"() ({
      %run_scoped3A = tpu.sem_alloc : memref<!tpu.dma_semaphore, #tpu.memory_space<semaphore_mem>>
      %dma_start3A_141 = arith.constant 0 : i32
      %dma_start3A_142 = tpu.memref_slice %arg30[%add3A_61, %dma_start3A_141] : memref<10240x16xf32, #tpu.memory_space<vmem_shared>> -> memref<32x16xf32, #tpu.memory_space<vmem_shared>>
      %dma_start3A_143 = arith.constant 0 : i32
      %dma_start3A_144 = tpu.memref_slice %arg30[%add3A_61, %dma_start3A_143] : memref<10240x16xf32, #tpu.memory_space<vmem_shared>> -> memref<32x16xf32, #tpu.memory_space<vmem_shared>>
      tpu.enqueue_dma source(%arg25 : memref<32x16xf32, #tpu.memory_space<vmem>>) target(%dma_start3A_144 : memref<32x16xf32, #tpu.memory_space<vmem_shared>>) target_semaphore(%run_scoped3A : memref<!tpu.dma_semaphore, #tpu.memory_space<semaphore_mem>>)
      %dma_wait3A_145 = arith.constant 0 : i32
      %dma_wait3A_146 = tpu.memref_slice %arg30[%add3A_61, %dma_wait3A_145] : memref<10240x16xf32, #tpu.memory_space<vmem_shared>> -> memref<32x16xf32, #tpu.memory_space<vmem_shared>>
      %dma_wait3A_147 = arith.constant 0 : i32
      %dma_wait3A_148 = tpu.memref_slice %arg30[%add3A_61, %dma_wait3A_147] : memref<10240x16xf32, #tpu.memory_space<vmem_shared>> -> memref<32x16xf32, #tpu.memory_space<vmem_shared>>
      tpu.wait_dma2 semaphore(%run_scoped3A : memref<!tpu.dma_semaphore, #tpu.memory_space<semaphore_mem>>) src(%arg25 : memref<32x16xf32, #tpu.memory_space<vmem>>) dst(%dma_wait3A_148 : memref<32x16xf32, #tpu.memory_space<vmem_shared>>)
      tpu.yield
    }) : () -> ()
    %mul3A_62 = arith.constant 640 : i32
    %mul3A_63 = arith.muli %arg1, %mul3A_62 : i32
    %add3A_64 = arith.constant 352 : i32
    %add3A_65 = arith.addi %mul3A_63, %add3A_64 : i32
    "tpu.region"() ({
      %run_scoped3A = tpu.sem_alloc : memref<!tpu.dma_semaphore, #tpu.memory_space<semaphore_mem>>
      %dma_start3A_141 = arith.constant 0 : i32
      %dma_start3A_142 = tpu.memref_slice %arg29[%add3A_65, %dma_start3A_141] : memref<10240x128xf32, #tpu.memory_space<vmem_shared>> -> memref<32x128xf32, #tpu.memory_space<vmem_shared>>
      %dma_start3A_143 = arith.constant 0 : i32
      %dma_start3A_144 = tpu.memref_slice %arg29[%add3A_65, %dma_start3A_143] : memref<10240x128xf32, #tpu.memory_space<vmem_shared>> -> memref<32x128xf32, #tpu.memory_space<vmem_shared>>
      tpu.enqueue_dma source(%arg23 : memref<32x128xf32, #tpu.memory_space<vmem>>) target(%dma_start3A_144 : memref<32x128xf32, #tpu.memory_space<vmem_shared>>) target_semaphore(%run_scoped3A : memref<!tpu.dma_semaphore, #tpu.memory_space<semaphore_mem>>)
      %dma_wait3A_145 = arith.constant 0 : i32
      %dma_wait3A_146 = tpu.memref_slice %arg29[%add3A_65, %dma_wait3A_145] : memref<10240x128xf32, #tpu.memory_space<vmem_shared>> -> memref<32x128xf32, #tpu.memory_space<vmem_shared>>
      %dma_wait3A_147 = arith.constant 0 : i32
      %dma_wait3A_148 = tpu.memref_slice %arg29[%add3A_65, %dma_wait3A_147] : memref<10240x128xf32, #tpu.memory_space<vmem_shared>> -> memref<32x128xf32, #tpu.memory_space<vmem_shared>>
      tpu.wait_dma2 semaphore(%run_scoped3A : memref<!tpu.dma_semaphore, #tpu.memory_space<semaphore_mem>>) src(%arg23 : memref<32x128xf32, #tpu.memory_space<vmem>>) dst(%dma_wait3A_148 : memref<32x128xf32, #tpu.memory_space<vmem_shared>>)
      tpu.yield
    }) : () -> ()
    "tpu.region"() ({
      %run_scoped3A = tpu.sem_alloc : memref<!tpu.dma_semaphore, #tpu.memory_space<semaphore_mem>>
      %dma_start3A_141 = arith.constant 0 : i32
      %dma_start3A_142 = tpu.memref_slice %arg30[%add3A_65, %dma_start3A_141] : memref<10240x16xf32, #tpu.memory_space<vmem_shared>> -> memref<32x16xf32, #tpu.memory_space<vmem_shared>>
      %dma_start3A_143 = arith.constant 0 : i32
      %dma_start3A_144 = tpu.memref_slice %arg30[%add3A_65, %dma_start3A_143] : memref<10240x16xf32, #tpu.memory_space<vmem_shared>> -> memref<32x16xf32, #tpu.memory_space<vmem_shared>>
      tpu.enqueue_dma source(%arg25 : memref<32x16xf32, #tpu.memory_space<vmem>>) target(%dma_start3A_144 : memref<32x16xf32, #tpu.memory_space<vmem_shared>>) target_semaphore(%run_scoped3A : memref<!tpu.dma_semaphore, #tpu.memory_space<semaphore_mem>>)
      %dma_wait3A_145 = arith.constant 0 : i32
      %dma_wait3A_146 = tpu.memref_slice %arg30[%add3A_65, %dma_wait3A_145] : memref<10240x16xf32, #tpu.memory_space<vmem_shared>> -> memref<32x16xf32, #tpu.memory_space<vmem_shared>>
      %dma_wait3A_147 = arith.constant 0 : i32
      %dma_wait3A_148 = tpu.memref_slice %arg30[%add3A_65, %dma_wait3A_147] : memref<10240x16xf32, #tpu.memory_space<vmem_shared>> -> memref<32x16xf32, #tpu.memory_space<vmem_shared>>
      tpu.wait_dma2 semaphore(%run_scoped3A : memref<!tpu.dma_semaphore, #tpu.memory_space<semaphore_mem>>) src(%arg25 : memref<32x16xf32, #tpu.memory_space<vmem>>) dst(%dma_wait3A_148 : memref<32x16xf32, #tpu.memory_space<vmem_shared>>)
      tpu.yield
    }) : () -> ()
    %mul3A_66 = arith.constant 640 : i32
    %mul3A_67 = arith.muli %arg1, %mul3A_66 : i32
    %add3A_68 = arith.constant 384 : i32
    %add3A_69 = arith.addi %mul3A_67, %add3A_68 : i32
    "tpu.region"() ({
      %run_scoped3A = tpu.sem_alloc : memref<!tpu.dma_semaphore, #tpu.memory_space<semaphore_mem>>
      %dma_start3A_141 = arith.constant 0 : i32
      %dma_start3A_142 = tpu.memref_slice %arg29[%add3A_69, %dma_start3A_141] : memref<10240x128xf32, #tpu.memory_space<vmem_shared>> -> memref<32x128xf32, #tpu.memory_space<vmem_shared>>
      %dma_start3A_143 = arith.constant 0 : i32
      %dma_start3A_144 = tpu.memref_slice %arg29[%add3A_69, %dma_start3A_143] : memref<10240x128xf32, #tpu.memory_space<vmem_shared>> -> memref<32x128xf32, #tpu.memory_space<vmem_shared>>
      tpu.enqueue_dma source(%arg23 : memref<32x128xf32, #tpu.memory_space<vmem>>) target(%dma_start3A_144 : memref<32x128xf32, #tpu.memory_space<vmem_shared>>) target_semaphore(%run_scoped3A : memref<!tpu.dma_semaphore, #tpu.memory_space<semaphore_mem>>)
      %dma_wait3A_145 = arith.constant 0 : i32
      %dma_wait3A_146 = tpu.memref_slice %arg29[%add3A_69, %dma_wait3A_145] : memref<10240x128xf32, #tpu.memory_space<vmem_shared>> -> memref<32x128xf32, #tpu.memory_space<vmem_shared>>
      %dma_wait3A_147 = arith.constant 0 : i32
      %dma_wait3A_148 = tpu.memref_slice %arg29[%add3A_69, %dma_wait3A_147] : memref<10240x128xf32, #tpu.memory_space<vmem_shared>> -> memref<32x128xf32, #tpu.memory_space<vmem_shared>>
      tpu.wait_dma2 semaphore(%run_scoped3A : memref<!tpu.dma_semaphore, #tpu.memory_space<semaphore_mem>>) src(%arg23 : memref<32x128xf32, #tpu.memory_space<vmem>>) dst(%dma_wait3A_148 : memref<32x128xf32, #tpu.memory_space<vmem_shared>>)
      tpu.yield
    }) : () -> ()
    "tpu.region"() ({
      %run_scoped3A = tpu.sem_alloc : memref<!tpu.dma_semaphore, #tpu.memory_space<semaphore_mem>>
      %dma_start3A_141 = arith.constant 0 : i32
      %dma_start3A_142 = tpu.memref_slice %arg30[%add3A_69, %dma_start3A_141] : memref<10240x16xf32, #tpu.memory_space<vmem_shared>> -> memref<32x16xf32, #tpu.memory_space<vmem_shared>>
      %dma_start3A_143 = arith.constant 0 : i32
      %dma_start3A_144 = tpu.memref_slice %arg30[%add3A_69, %dma_start3A_143] : memref<10240x16xf32, #tpu.memory_space<vmem_shared>> -> memref<32x16xf32, #tpu.memory_space<vmem_shared>>
      tpu.enqueue_dma source(%arg25 : memref<32x16xf32, #tpu.memory_space<vmem>>) target(%dma_start3A_144 : memref<32x16xf32, #tpu.memory_space<vmem_shared>>) target_semaphore(%run_scoped3A : memref<!tpu.dma_semaphore, #tpu.memory_space<semaphore_mem>>)
      %dma_wait3A_145 = arith.constant 0 : i32
      %dma_wait3A_146 = tpu.memref_slice %arg30[%add3A_69, %dma_wait3A_145] : memref<10240x16xf32, #tpu.memory_space<vmem_shared>> -> memref<32x16xf32, #tpu.memory_space<vmem_shared>>
      %dma_wait3A_147 = arith.constant 0 : i32
      %dma_wait3A_148 = tpu.memref_slice %arg30[%add3A_69, %dma_wait3A_147] : memref<10240x16xf32, #tpu.memory_space<vmem_shared>> -> memref<32x16xf32, #tpu.memory_space<vmem_shared>>
      tpu.wait_dma2 semaphore(%run_scoped3A : memref<!tpu.dma_semaphore, #tpu.memory_space<semaphore_mem>>) src(%arg25 : memref<32x16xf32, #tpu.memory_space<vmem>>) dst(%dma_wait3A_148 : memref<32x16xf32, #tpu.memory_space<vmem_shared>>)
      tpu.yield
    }) : () -> ()
    %mul3A_70 = arith.constant 640 : i32
    %mul3A_71 = arith.muli %arg1, %mul3A_70 : i32
    %add3A_72 = arith.constant 416 : i32
    %add3A_73 = arith.addi %mul3A_71, %add3A_72 : i32
    "tpu.region"() ({
      %run_scoped3A = tpu.sem_alloc : memref<!tpu.dma_semaphore, #tpu.memory_space<semaphore_mem>>
      %dma_start3A_141 = arith.constant 0 : i32
      %dma_start3A_142 = tpu.memref_slice %arg29[%add3A_73, %dma_start3A_141] : memref<10240x128xf32, #tpu.memory_space<vmem_shared>> -> memref<32x128xf32, #tpu.memory_space<vmem_shared>>
      %dma_start3A_143 = arith.constant 0 : i32
      %dma_start3A_144 = tpu.memref_slice %arg29[%add3A_73, %dma_start3A_143] : memref<10240x128xf32, #tpu.memory_space<vmem_shared>> -> memref<32x128xf32, #tpu.memory_space<vmem_shared>>
      tpu.enqueue_dma source(%arg23 : memref<32x128xf32, #tpu.memory_space<vmem>>) target(%dma_start3A_144 : memref<32x128xf32, #tpu.memory_space<vmem_shared>>) target_semaphore(%run_scoped3A : memref<!tpu.dma_semaphore, #tpu.memory_space<semaphore_mem>>)
      %dma_wait3A_145 = arith.constant 0 : i32
      %dma_wait3A_146 = tpu.memref_slice %arg29[%add3A_73, %dma_wait3A_145] : memref<10240x128xf32, #tpu.memory_space<vmem_shared>> -> memref<32x128xf32, #tpu.memory_space<vmem_shared>>
      %dma_wait3A_147 = arith.constant 0 : i32
      %dma_wait3A_148 = tpu.memref_slice %arg29[%add3A_73, %dma_wait3A_147] : memref<10240x128xf32, #tpu.memory_space<vmem_shared>> -> memref<32x128xf32, #tpu.memory_space<vmem_shared>>
      tpu.wait_dma2 semaphore(%run_scoped3A : memref<!tpu.dma_semaphore, #tpu.memory_space<semaphore_mem>>) src(%arg23 : memref<32x128xf32, #tpu.memory_space<vmem>>) dst(%dma_wait3A_148 : memref<32x128xf32, #tpu.memory_space<vmem_shared>>)
      tpu.yield
    }) : () -> ()
    "tpu.region"() ({
      %run_scoped3A = tpu.sem_alloc : memref<!tpu.dma_semaphore, #tpu.memory_space<semaphore_mem>>
      %dma_start3A_141 = arith.constant 0 : i32
      %dma_start3A_142 = tpu.memref_slice %arg30[%add3A_73, %dma_start3A_141] : memref<10240x16xf32, #tpu.memory_space<vmem_shared>> -> memref<32x16xf32, #tpu.memory_space<vmem_shared>>
      %dma_start3A_143 = arith.constant 0 : i32
      %dma_start3A_144 = tpu.memref_slice %arg30[%add3A_73, %dma_start3A_143] : memref<10240x16xf32, #tpu.memory_space<vmem_shared>> -> memref<32x16xf32, #tpu.memory_space<vmem_shared>>
      tpu.enqueue_dma source(%arg25 : memref<32x16xf32, #tpu.memory_space<vmem>>) target(%dma_start3A_144 : memref<32x16xf32, #tpu.memory_space<vmem_shared>>) target_semaphore(%run_scoped3A : memref<!tpu.dma_semaphore, #tpu.memory_space<semaphore_mem>>)
      %dma_wait3A_145 = arith.constant 0 : i32
      %dma_wait3A_146 = tpu.memref_slice %arg30[%add3A_73, %dma_wait3A_145] : memref<10240x16xf32, #tpu.memory_space<vmem_shared>> -> memref<32x16xf32, #tpu.memory_space<vmem_shared>>
      %dma_wait3A_147 = arith.constant 0 : i32
      %dma_wait3A_148 = tpu.memref_slice %arg30[%add3A_73, %dma_wait3A_147] : memref<10240x16xf32, #tpu.memory_space<vmem_shared>> -> memref<32x16xf32, #tpu.memory_space<vmem_shared>>
      tpu.wait_dma2 semaphore(%run_scoped3A : memref<!tpu.dma_semaphore, #tpu.memory_space<semaphore_mem>>) src(%arg25 : memref<32x16xf32, #tpu.memory_space<vmem>>) dst(%dma_wait3A_148 : memref<32x16xf32, #tpu.memory_space<vmem_shared>>)
      tpu.yield
    }) : () -> ()
    %mul3A_74 = arith.constant 640 : i32
    %mul3A_75 = arith.muli %arg1, %mul3A_74 : i32
    %add3A_76 = arith.constant 448 : i32
    %add3A_77 = arith.addi %mul3A_75, %add3A_76 : i32
    "tpu.region"() ({
      %run_scoped3A = tpu.sem_alloc : memref<!tpu.dma_semaphore, #tpu.memory_space<semaphore_mem>>
      %dma_start3A_141 = arith.constant 0 : i32
      %dma_start3A_142 = tpu.memref_slice %arg29[%add3A_77, %dma_start3A_141] : memref<10240x128xf32, #tpu.memory_space<vmem_shared>> -> memref<32x128xf32, #tpu.memory_space<vmem_shared>>
      %dma_start3A_143 = arith.constant 0 : i32
      %dma_start3A_144 = tpu.memref_slice %arg29[%add3A_77, %dma_start3A_143] : memref<10240x128xf32, #tpu.memory_space<vmem_shared>> -> memref<32x128xf32, #tpu.memory_space<vmem_shared>>
      tpu.enqueue_dma source(%arg23 : memref<32x128xf32, #tpu.memory_space<vmem>>) target(%dma_start3A_144 : memref<32x128xf32, #tpu.memory_space<vmem_shared>>) target_semaphore(%run_scoped3A : memref<!tpu.dma_semaphore, #tpu.memory_space<semaphore_mem>>)
      %dma_wait3A_145 = arith.constant 0 : i32
      %dma_wait3A_146 = tpu.memref_slice %arg29[%add3A_77, %dma_wait3A_145] : memref<10240x128xf32, #tpu.memory_space<vmem_shared>> -> memref<32x128xf32, #tpu.memory_space<vmem_shared>>
      %dma_wait3A_147 = arith.constant 0 : i32
      %dma_wait3A_148 = tpu.memref_slice %arg29[%add3A_77, %dma_wait3A_147] : memref<10240x128xf32, #tpu.memory_space<vmem_shared>> -> memref<32x128xf32, #tpu.memory_space<vmem_shared>>
      tpu.wait_dma2 semaphore(%run_scoped3A : memref<!tpu.dma_semaphore, #tpu.memory_space<semaphore_mem>>) src(%arg23 : memref<32x128xf32, #tpu.memory_space<vmem>>) dst(%dma_wait3A_148 : memref<32x128xf32, #tpu.memory_space<vmem_shared>>)
      tpu.yield
    }) : () -> ()
    "tpu.region"() ({
      %run_scoped3A = tpu.sem_alloc : memref<!tpu.dma_semaphore, #tpu.memory_space<semaphore_mem>>
      %dma_start3A_141 = arith.constant 0 : i32
      %dma_start3A_142 = tpu.memref_slice %arg30[%add3A_77, %dma_start3A_141] : memref<10240x16xf32, #tpu.memory_space<vmem_shared>> -> memref<32x16xf32, #tpu.memory_space<vmem_shared>>
      %dma_start3A_143 = arith.constant 0 : i32
      %dma_start3A_144 = tpu.memref_slice %arg30[%add3A_77, %dma_start3A_143] : memref<10240x16xf32, #tpu.memory_space<vmem_shared>> -> memref<32x16xf32, #tpu.memory_space<vmem_shared>>
      tpu.enqueue_dma source(%arg25 : memref<32x16xf32, #tpu.memory_space<vmem>>) target(%dma_start3A_144 : memref<32x16xf32, #tpu.memory_space<vmem_shared>>) target_semaphore(%run_scoped3A : memref<!tpu.dma_semaphore, #tpu.memory_space<semaphore_mem>>)
      %dma_wait3A_145 = arith.constant 0 : i32
      %dma_wait3A_146 = tpu.memref_slice %arg30[%add3A_77, %dma_wait3A_145] : memref<10240x16xf32, #tpu.memory_space<vmem_shared>> -> memref<32x16xf32, #tpu.memory_space<vmem_shared>>
      %dma_wait3A_147 = arith.constant 0 : i32
      %dma_wait3A_148 = tpu.memref_slice %arg30[%add3A_77, %dma_wait3A_147] : memref<10240x16xf32, #tpu.memory_space<vmem_shared>> -> memref<32x16xf32, #tpu.memory_space<vmem_shared>>
      tpu.wait_dma2 semaphore(%run_scoped3A : memref<!tpu.dma_semaphore, #tpu.memory_space<semaphore_mem>>) src(%arg25 : memref<32x16xf32, #tpu.memory_space<vmem>>) dst(%dma_wait3A_148 : memref<32x16xf32, #tpu.memory_space<vmem_shared>>)
      tpu.yield
    }) : () -> ()
    %mul3A_78 = arith.constant 640 : i32
    %mul3A_79 = arith.muli %arg1, %mul3A_78 : i32
    %add3A_80 = arith.constant 480 : i32
    %add3A_81 = arith.addi %mul3A_79, %add3A_80 : i32
    "tpu.region"() ({
      %run_scoped3A = tpu.sem_alloc : memref<!tpu.dma_semaphore, #tpu.memory_space<semaphore_mem>>
      %dma_start3A_141 = arith.constant 0 : i32
      %dma_start3A_142 = tpu.memref_slice %arg29[%add3A_81, %dma_start3A_141] : memref<10240x128xf32, #tpu.memory_space<vmem_shared>> -> memref<32x128xf32, #tpu.memory_space<vmem_shared>>
      %dma_start3A_143 = arith.constant 0 : i32
      %dma_start3A_144 = tpu.memref_slice %arg29[%add3A_81, %dma_start3A_143] : memref<10240x128xf32, #tpu.memory_space<vmem_shared>> -> memref<32x128xf32, #tpu.memory_space<vmem_shared>>
      tpu.enqueue_dma source(%arg23 : memref<32x128xf32, #tpu.memory_space<vmem>>) target(%dma_start3A_144 : memref<32x128xf32, #tpu.memory_space<vmem_shared>>) target_semaphore(%run_scoped3A : memref<!tpu.dma_semaphore, #tpu.memory_space<semaphore_mem>>)
      %dma_wait3A_145 = arith.constant 0 : i32
      %dma_wait3A_146 = tpu.memref_slice %arg29[%add3A_81, %dma_wait3A_145] : memref<10240x128xf32, #tpu.memory_space<vmem_shared>> -> memref<32x128xf32, #tpu.memory_space<vmem_shared>>
      %dma_wait3A_147 = arith.constant 0 : i32
      %dma_wait3A_148 = tpu.memref_slice %arg29[%add3A_81, %dma_wait3A_147] : memref<10240x128xf32, #tpu.memory_space<vmem_shared>> -> memref<32x128xf32, #tpu.memory_space<vmem_shared>>
      tpu.wait_dma2 semaphore(%run_scoped3A : memref<!tpu.dma_semaphore, #tpu.memory_space<semaphore_mem>>) src(%arg23 : memref<32x128xf32, #tpu.memory_space<vmem>>) dst(%dma_wait3A_148 : memref<32x128xf32, #tpu.memory_space<vmem_shared>>)
      tpu.yield
    }) : () -> ()
    "tpu.region"() ({
      %run_scoped3A = tpu.sem_alloc : memref<!tpu.dma_semaphore, #tpu.memory_space<semaphore_mem>>
      %dma_start3A_141 = arith.constant 0 : i32
      %dma_start3A_142 = tpu.memref_slice %arg30[%add3A_81, %dma_start3A_141] : memref<10240x16xf32, #tpu.memory_space<vmem_shared>> -> memref<32x16xf32, #tpu.memory_space<vmem_shared>>
      %dma_start3A_143 = arith.constant 0 : i32
      %dma_start3A_144 = tpu.memref_slice %arg30[%add3A_81, %dma_start3A_143] : memref<10240x16xf32, #tpu.memory_space<vmem_shared>> -> memref<32x16xf32, #tpu.memory_space<vmem_shared>>
      tpu.enqueue_dma source(%arg25 : memref<32x16xf32, #tpu.memory_space<vmem>>) target(%dma_start3A_144 : memref<32x16xf32, #tpu.memory_space<vmem_shared>>) target_semaphore(%run_scoped3A : memref<!tpu.dma_semaphore, #tpu.memory_space<semaphore_mem>>)
      %dma_wait3A_145 = arith.constant 0 : i32
      %dma_wait3A_146 = tpu.memref_slice %arg30[%add3A_81, %dma_wait3A_145] : memref<10240x16xf32, #tpu.memory_space<vmem_shared>> -> memref<32x16xf32, #tpu.memory_space<vmem_shared>>
      %dma_wait3A_147 = arith.constant 0 : i32
      %dma_wait3A_148 = tpu.memref_slice %arg30[%add3A_81, %dma_wait3A_147] : memref<10240x16xf32, #tpu.memory_space<vmem_shared>> -> memref<32x16xf32, #tpu.memory_space<vmem_shared>>
      tpu.wait_dma2 semaphore(%run_scoped3A : memref<!tpu.dma_semaphore, #tpu.memory_space<semaphore_mem>>) src(%arg25 : memref<32x16xf32, #tpu.memory_space<vmem>>) dst(%dma_wait3A_148 : memref<32x16xf32, #tpu.memory_space<vmem_shared>>)
      tpu.yield
    }) : () -> ()
    %mul3A_82 = arith.constant 640 : i32
    %mul3A_83 = arith.muli %arg1, %mul3A_82 : i32
    %add3A_84 = arith.constant 512 : i32
    %add3A_85 = arith.addi %mul3A_83, %add3A_84 : i32
    "tpu.region"() ({
      %run_scoped3A = tpu.sem_alloc : memref<!tpu.dma_semaphore, #tpu.memory_space<semaphore_mem>>
      %dma_start3A_141 = arith.constant 0 : i32
      %dma_start3A_142 = tpu.memref_slice %arg29[%add3A_85, %dma_start3A_141] : memref<10240x128xf32, #tpu.memory_space<vmem_shared>> -> memref<32x128xf32, #tpu.memory_space<vmem_shared>>
      %dma_start3A_143 = arith.constant 0 : i32
      %dma_start3A_144 = tpu.memref_slice %arg29[%add3A_85, %dma_start3A_143] : memref<10240x128xf32, #tpu.memory_space<vmem_shared>> -> memref<32x128xf32, #tpu.memory_space<vmem_shared>>
      tpu.enqueue_dma source(%arg23 : memref<32x128xf32, #tpu.memory_space<vmem>>) target(%dma_start3A_144 : memref<32x128xf32, #tpu.memory_space<vmem_shared>>) target_semaphore(%run_scoped3A : memref<!tpu.dma_semaphore, #tpu.memory_space<semaphore_mem>>)
      %dma_wait3A_145 = arith.constant 0 : i32
      %dma_wait3A_146 = tpu.memref_slice %arg29[%add3A_85, %dma_wait3A_145] : memref<10240x128xf32, #tpu.memory_space<vmem_shared>> -> memref<32x128xf32, #tpu.memory_space<vmem_shared>>
      %dma_wait3A_147 = arith.constant 0 : i32
      %dma_wait3A_148 = tpu.memref_slice %arg29[%add3A_85, %dma_wait3A_147] : memref<10240x128xf32, #tpu.memory_space<vmem_shared>> -> memref<32x128xf32, #tpu.memory_space<vmem_shared>>
      tpu.wait_dma2 semaphore(%run_scoped3A : memref<!tpu.dma_semaphore, #tpu.memory_space<semaphore_mem>>) src(%arg23 : memref<32x128xf32, #tpu.memory_space<vmem>>) dst(%dma_wait3A_148 : memref<32x128xf32, #tpu.memory_space<vmem_shared>>)
      tpu.yield
    }) : () -> ()
    "tpu.region"() ({
      %run_scoped3A = tpu.sem_alloc : memref<!tpu.dma_semaphore, #tpu.memory_space<semaphore_mem>>
      %dma_start3A_141 = arith.constant 0 : i32
      %dma_start3A_142 = tpu.memref_slice %arg30[%add3A_85, %dma_start3A_141] : memref<10240x16xf32, #tpu.memory_space<vmem_shared>> -> memref<32x16xf32, #tpu.memory_space<vmem_shared>>
      %dma_start3A_143 = arith.constant 0 : i32
      %dma_start3A_144 = tpu.memref_slice %arg30[%add3A_85, %dma_start3A_143] : memref<10240x16xf32, #tpu.memory_space<vmem_shared>> -> memref<32x16xf32, #tpu.memory_space<vmem_shared>>
      tpu.enqueue_dma source(%arg25 : memref<32x16xf32, #tpu.memory_space<vmem>>) target(%dma_start3A_144 : memref<32x16xf32, #tpu.memory_space<vmem_shared>>) target_semaphore(%run_scoped3A : memref<!tpu.dma_semaphore, #tpu.memory_space<semaphore_mem>>)
      %dma_wait3A_145 = arith.constant 0 : i32
      %dma_wait3A_146 = tpu.memref_slice %arg30[%add3A_85, %dma_wait3A_145] : memref<10240x16xf32, #tpu.memory_space<vmem_shared>> -> memref<32x16xf32, #tpu.memory_space<vmem_shared>>
      %dma_wait3A_147 = arith.constant 0 : i32
      %dma_wait3A_148 = tpu.memref_slice %arg30[%add3A_85, %dma_wait3A_147] : memref<10240x16xf32, #tpu.memory_space<vmem_shared>> -> memref<32x16xf32, #tpu.memory_space<vmem_shared>>
      tpu.wait_dma2 semaphore(%run_scoped3A : memref<!tpu.dma_semaphore, #tpu.memory_space<semaphore_mem>>) src(%arg25 : memref<32x16xf32, #tpu.memory_space<vmem>>) dst(%dma_wait3A_148 : memref<32x16xf32, #tpu.memory_space<vmem_shared>>)
      tpu.yield
    }) : () -> ()
    %mul3A_86 = arith.constant 640 : i32
    %mul3A_87 = arith.muli %arg1, %mul3A_86 : i32
    %add3A_88 = arith.constant 544 : i32
    %add3A_89 = arith.addi %mul3A_87, %add3A_88 : i32
    "tpu.region"() ({
      %run_scoped3A = tpu.sem_alloc : memref<!tpu.dma_semaphore, #tpu.memory_space<semaphore_mem>>
      %dma_start3A_141 = arith.constant 0 : i32
      %dma_start3A_142 = tpu.memref_slice %arg29[%add3A_89, %dma_start3A_141] : memref<10240x128xf32, #tpu.memory_space<vmem_shared>> -> memref<32x128xf32, #tpu.memory_space<vmem_shared>>
      %dma_start3A_143 = arith.constant 0 : i32
      %dma_start3A_144 = tpu.memref_slice %arg29[%add3A_89, %dma_start3A_143] : memref<10240x128xf32, #tpu.memory_space<vmem_shared>> -> memref<32x128xf32, #tpu.memory_space<vmem_shared>>
      tpu.enqueue_dma source(%arg23 : memref<32x128xf32, #tpu.memory_space<vmem>>) target(%dma_start3A_144 : memref<32x128xf32, #tpu.memory_space<vmem_shared>>) target_semaphore(%run_scoped3A : memref<!tpu.dma_semaphore, #tpu.memory_space<semaphore_mem>>)
      %dma_wait3A_145 = arith.constant 0 : i32
      %dma_wait3A_146 = tpu.memref_slice %arg29[%add3A_89, %dma_wait3A_145] : memref<10240x128xf32, #tpu.memory_space<vmem_shared>> -> memref<32x128xf32, #tpu.memory_space<vmem_shared>>
      %dma_wait3A_147 = arith.constant 0 : i32
      %dma_wait3A_148 = tpu.memref_slice %arg29[%add3A_89, %dma_wait3A_147] : memref<10240x128xf32, #tpu.memory_space<vmem_shared>> -> memref<32x128xf32, #tpu.memory_space<vmem_shared>>
      tpu.wait_dma2 semaphore(%run_scoped3A : memref<!tpu.dma_semaphore, #tpu.memory_space<semaphore_mem>>) src(%arg23 : memref<32x128xf32, #tpu.memory_space<vmem>>) dst(%dma_wait3A_148 : memref<32x128xf32, #tpu.memory_space<vmem_shared>>)
      tpu.yield
    }) : () -> ()
    "tpu.region"() ({
      %run_scoped3A = tpu.sem_alloc : memref<!tpu.dma_semaphore, #tpu.memory_space<semaphore_mem>>
      %dma_start3A_141 = arith.constant 0 : i32
      %dma_start3A_142 = tpu.memref_slice %arg30[%add3A_89, %dma_start3A_141] : memref<10240x16xf32, #tpu.memory_space<vmem_shared>> -> memref<32x16xf32, #tpu.memory_space<vmem_shared>>
      %dma_start3A_143 = arith.constant 0 : i32
      %dma_start3A_144 = tpu.memref_slice %arg30[%add3A_89, %dma_start3A_143] : memref<10240x16xf32, #tpu.memory_space<vmem_shared>> -> memref<32x16xf32, #tpu.memory_space<vmem_shared>>
      tpu.enqueue_dma source(%arg25 : memref<32x16xf32, #tpu.memory_space<vmem>>) target(%dma_start3A_144 : memref<32x16xf32, #tpu.memory_space<vmem_shared>>) target_semaphore(%run_scoped3A : memref<!tpu.dma_semaphore, #tpu.memory_space<semaphore_mem>>)
      %dma_wait3A_145 = arith.constant 0 : i32
      %dma_wait3A_146 = tpu.memref_slice %arg30[%add3A_89, %dma_wait3A_145] : memref<10240x16xf32, #tpu.memory_space<vmem_shared>> -> memref<32x16xf32, #tpu.memory_space<vmem_shared>>
      %dma_wait3A_147 = arith.constant 0 : i32
      %dma_wait3A_148 = tpu.memref_slice %arg30[%add3A_89, %dma_wait3A_147] : memref<10240x16xf32, #tpu.memory_space<vmem_shared>> -> memref<32x16xf32, #tpu.memory_space<vmem_shared>>
      tpu.wait_dma2 semaphore(%run_scoped3A : memref<!tpu.dma_semaphore, #tpu.memory_space<semaphore_mem>>) src(%arg25 : memref<32x16xf32, #tpu.memory_space<vmem>>) dst(%dma_wait3A_148 : memref<32x16xf32, #tpu.memory_space<vmem_shared>>)
      tpu.yield
    }) : () -> ()
    %mul3A_90 = arith.constant 640 : i32
    %mul3A_91 = arith.muli %arg1, %mul3A_90 : i32
    %add3A_92 = arith.constant 576 : i32
    %add3A_93 = arith.addi %mul3A_91, %add3A_92 : i32
    "tpu.region"() ({
      %run_scoped3A = tpu.sem_alloc : memref<!tpu.dma_semaphore, #tpu.memory_space<semaphore_mem>>
      %dma_start3A_141 = arith.constant 0 : i32
      %dma_start3A_142 = tpu.memref_slice %arg29[%add3A_93, %dma_start3A_141] : memref<10240x128xf32, #tpu.memory_space<vmem_shared>> -> memref<32x128xf32, #tpu.memory_space<vmem_shared>>
      %dma_start3A_143 = arith.constant 0 : i32
      %dma_start3A_144 = tpu.memref_slice %arg29[%add3A_93, %dma_start3A_143] : memref<10240x128xf32, #tpu.memory_space<vmem_shared>> -> memref<32x128xf32, #tpu.memory_space<vmem_shared>>
      tpu.enqueue_dma source(%arg23 : memref<32x128xf32, #tpu.memory_space<vmem>>) target(%dma_start3A_144 : memref<32x128xf32, #tpu.memory_space<vmem_shared>>) target_semaphore(%run_scoped3A : memref<!tpu.dma_semaphore, #tpu.memory_space<semaphore_mem>>)
      %dma_wait3A_145 = arith.constant 0 : i32
      %dma_wait3A_146 = tpu.memref_slice %arg29[%add3A_93, %dma_wait3A_145] : memref<10240x128xf32, #tpu.memory_space<vmem_shared>> -> memref<32x128xf32, #tpu.memory_space<vmem_shared>>
      %dma_wait3A_147 = arith.constant 0 : i32
      %dma_wait3A_148 = tpu.memref_slice %arg29[%add3A_93, %dma_wait3A_147] : memref<10240x128xf32, #tpu.memory_space<vmem_shared>> -> memref<32x128xf32, #tpu.memory_space<vmem_shared>>
      tpu.wait_dma2 semaphore(%run_scoped3A : memref<!tpu.dma_semaphore, #tpu.memory_space<semaphore_mem>>) src(%arg23 : memref<32x128xf32, #tpu.memory_space<vmem>>) dst(%dma_wait3A_148 : memref<32x128xf32, #tpu.memory_space<vmem_shared>>)
      tpu.yield
    }) : () -> ()
    "tpu.region"() ({
      %run_scoped3A = tpu.sem_alloc : memref<!tpu.dma_semaphore, #tpu.memory_space<semaphore_mem>>
      %dma_start3A_141 = arith.constant 0 : i32
      %dma_start3A_142 = tpu.memref_slice %arg30[%add3A_93, %dma_start3A_141] : memref<10240x16xf32, #tpu.memory_space<vmem_shared>> -> memref<32x16xf32, #tpu.memory_space<vmem_shared>>
      %dma_start3A_143 = arith.constant 0 : i32
      %dma_start3A_144 = tpu.memref_slice %arg30[%add3A_93, %dma_start3A_143] : memref<10240x16xf32, #tpu.memory_space<vmem_shared>> -> memref<32x16xf32, #tpu.memory_space<vmem_shared>>
      tpu.enqueue_dma source(%arg25 : memref<32x16xf32, #tpu.memory_space<vmem>>) target(%dma_start3A_144 : memref<32x16xf32, #tpu.memory_space<vmem_shared>>) target_semaphore(%run_scoped3A : memref<!tpu.dma_semaphore, #tpu.memory_space<semaphore_mem>>)
      %dma_wait3A_145 = arith.constant 0 : i32
      %dma_wait3A_146 = tpu.memref_slice %arg30[%add3A_93, %dma_wait3A_145] : memref<10240x16xf32, #tpu.memory_space<vmem_shared>> -> memref<32x16xf32, #tpu.memory_space<vmem_shared>>
      %dma_wait3A_147 = arith.constant 0 : i32
      %dma_wait3A_148 = tpu.memref_slice %arg30[%add3A_93, %dma_wait3A_147] : memref<10240x16xf32, #tpu.memory_space<vmem_shared>> -> memref<32x16xf32, #tpu.memory_space<vmem_shared>>
      tpu.wait_dma2 semaphore(%run_scoped3A : memref<!tpu.dma_semaphore, #tpu.memory_space<semaphore_mem>>) src(%arg25 : memref<32x16xf32, #tpu.memory_space<vmem>>) dst(%dma_wait3A_148 : memref<32x16xf32, #tpu.memory_space<vmem_shared>>)
      tpu.yield
    }) : () -> ()
    %mul3A_94 = arith.constant 640 : i32
    %mul3A_95 = arith.muli %arg1, %mul3A_94 : i32
    %add3A_96 = arith.constant 608 : i32
    %add3A_97 = arith.addi %mul3A_95, %add3A_96 : i32
    "tpu.region"() ({
      %run_scoped3A = tpu.sem_alloc : memref<!tpu.dma_semaphore, #tpu.memory_space<semaphore_mem>>
      %dma_start3A_141 = arith.constant 0 : i32
      %dma_start3A_142 = tpu.memref_slice %arg29[%add3A_97, %dma_start3A_141] : memref<10240x128xf32, #tpu.memory_space<vmem_shared>> -> memref<32x128xf32, #tpu.memory_space<vmem_shared>>
      %dma_start3A_143 = arith.constant 0 : i32
      %dma_start3A_144 = tpu.memref_slice %arg29[%add3A_97, %dma_start3A_143] : memref<10240x128xf32, #tpu.memory_space<vmem_shared>> -> memref<32x128xf32, #tpu.memory_space<vmem_shared>>
      tpu.enqueue_dma source(%arg23 : memref<32x128xf32, #tpu.memory_space<vmem>>) target(%dma_start3A_144 : memref<32x128xf32, #tpu.memory_space<vmem_shared>>) target_semaphore(%run_scoped3A : memref<!tpu.dma_semaphore, #tpu.memory_space<semaphore_mem>>)
      %dma_wait3A_145 = arith.constant 0 : i32
      %dma_wait3A_146 = tpu.memref_slice %arg29[%add3A_97, %dma_wait3A_145] : memref<10240x128xf32, #tpu.memory_space<vmem_shared>> -> memref<32x128xf32, #tpu.memory_space<vmem_shared>>
      %dma_wait3A_147 = arith.constant 0 : i32
      %dma_wait3A_148 = tpu.memref_slice %arg29[%add3A_97, %dma_wait3A_147] : memref<10240x128xf32, #tpu.memory_space<vmem_shared>> -> memref<32x128xf32, #tpu.memory_space<vmem_shared>>
      tpu.wait_dma2 semaphore(%run_scoped3A : memref<!tpu.dma_semaphore, #tpu.memory_space<semaphore_mem>>) src(%arg23 : memref<32x128xf32, #tpu.memory_space<vmem>>) dst(%dma_wait3A_148 : memref<32x128xf32, #tpu.memory_space<vmem_shared>>)
      tpu.yield
    }) : () -> ()
    "tpu.region"() ({
      %run_scoped3A = tpu.sem_alloc : memref<!tpu.dma_semaphore, #tpu.memory_space<semaphore_mem>>
      %dma_start3A_141 = arith.constant 0 : i32
      %dma_start3A_142 = tpu.memref_slice %arg30[%add3A_97, %dma_start3A_141] : memref<10240x16xf32, #tpu.memory_space<vmem_shared>> -> memref<32x16xf32, #tpu.memory_space<vmem_shared>>
      %dma_start3A_143 = arith.constant 0 : i32
      %dma_start3A_144 = tpu.memref_slice %arg30[%add3A_97, %dma_start3A_143] : memref<10240x16xf32, #tpu.memory_space<vmem_shared>> -> memref<32x16xf32, #tpu.memory_space<vmem_shared>>
      tpu.enqueue_dma source(%arg25 : memref<32x16xf32, #tpu.memory_space<vmem>>) target(%dma_start3A_144 : memref<32x16xf32, #tpu.memory_space<vmem_shared>>) target_semaphore(%run_scoped3A : memref<!tpu.dma_semaphore, #tpu.memory_space<semaphore_mem>>)
      %dma_wait3A_145 = arith.constant 0 : i32
      %dma_wait3A_146 = tpu.memref_slice %arg30[%add3A_97, %dma_wait3A_145] : memref<10240x16xf32, #tpu.memory_space<vmem_shared>> -> memref<32x16xf32, #tpu.memory_space<vmem_shared>>
      %dma_wait3A_147 = arith.constant 0 : i32
      %dma_wait3A_148 = tpu.memref_slice %arg30[%add3A_97, %dma_wait3A_147] : memref<10240x16xf32, #tpu.memory_space<vmem_shared>> -> memref<32x16xf32, #tpu.memory_space<vmem_shared>>
      tpu.wait_dma2 semaphore(%run_scoped3A : memref<!tpu.dma_semaphore, #tpu.memory_space<semaphore_mem>>) src(%arg25 : memref<32x16xf32, #tpu.memory_space<vmem>>) dst(%dma_wait3A_148 : memref<32x16xf32, #tpu.memory_space<vmem_shared>>)
      tpu.yield
    }) : () -> ()
    %barrier3A = arith.constant 0 : index
    tpu.barrier barrier_id(%barrier3A)
    %dma_start3A = arith.constant 0 : i32
    %dma_start3A_98 = arith.constant 0 : i32
    %dma_start3A_99 = tpu.memref_slice %arg29[%dma_start3A, %dma_start3A_98] : memref<10240x128xf32, #tpu.memory_space<vmem_shared>> -> memref<10240x128xf32, #tpu.memory_space<vmem_shared>>
    tpu.enqueue_indirect_dma source(%arg23 : memref<32x128xf32, #tpu.memory_space<vmem>>) target(%dma_start3A_99 : memref<10240x128xf32, #tpu.memory_space<vmem_shared>>) offsets(%arg27 : memref<32xi32, #tpu.memory_space<vmem>>) semaphore(%arg33 : memref<!tpu.dma_semaphore, #tpu.memory_space<semaphore_mem>>) {add = true}
    %dma_start3A_100 = arith.constant 0 : i32
    %dma_start3A_101 = arith.constant 0 : i32
    %dma_start3A_102 = tpu.memref_slice %arg30[%dma_start3A_100, %dma_start3A_101] : memref<10240x16xf32, #tpu.memory_space<vmem_shared>> -> memref<10240x16xf32, #tpu.memory_space<vmem_shared>>
    tpu.enqueue_indirect_dma source(%arg25 : memref<32x16xf32, #tpu.memory_space<vmem>>) target(%dma_start3A_102 : memref<10240x16xf32, #tpu.memory_space<vmem_shared>>) offsets(%arg27 : memref<32xi32, #tpu.memory_space<vmem>>) semaphore(%arg33 : memref<!tpu.dma_semaphore, #tpu.memory_space<semaphore_mem>>) {add = true}
    %dma_start3A_103 = arith.constant 0 : i32
    %dma_start3A_104 = arith.constant 0 : i32
    %dma_start3A_105 = tpu.memref_slice %arg29[%dma_start3A_103, %dma_start3A_104] : memref<10240x128xf32, #tpu.memory_space<vmem_shared>> -> memref<10240x128xf32, #tpu.memory_space<vmem_shared>>
    tpu.enqueue_indirect_dma source(%arg24 : memref<32x128xf32, #tpu.memory_space<vmem>>) target(%dma_start3A_105 : memref<10240x128xf32, #tpu.memory_space<vmem_shared>>) offsets(%arg28 : memref<32xi32, #tpu.memory_space<vmem>>) semaphore(%arg34 : memref<!tpu.dma_semaphore, #tpu.memory_space<semaphore_mem>>) {add = true}
    %dma_start3A_106 = arith.constant 0 : i32
    %dma_start3A_107 = arith.constant 0 : i32
    %dma_start3A_108 = tpu.memref_slice %arg30[%dma_start3A_106, %dma_start3A_107] : memref<10240x16xf32, #tpu.memory_space<vmem_shared>> -> memref<10240x16xf32, #tpu.memory_space<vmem_shared>>
    tpu.enqueue_indirect_dma source(%arg26 : memref<32x16xf32, #tpu.memory_space<vmem>>) target(%dma_start3A_108 : memref<10240x16xf32, #tpu.memory_space<vmem_shared>>) offsets(%arg28 : memref<32xi32, #tpu.memory_space<vmem>>) semaphore(%arg34 : memref<!tpu.dma_semaphore, #tpu.memory_space<semaphore_mem>>) {add = true}
    %scan3A_109 = arith.constant 0 : i32
    %scan3A_110 = arith.constant 0 : i32
    %scan3A_111 = arith.constant 20 : i32
    %scan3A_112 = arith.addi %scan3A_110, %scan3A_111 : i32
    %scan3A_113 = arith.constant 1 : i32
    scf.for %scan3A_141 = %scan3A_110 to %scan3A_112 step %scan3A_113  : i32 {
      %mul3A_142 = arith.constant 512 : i32
      %mul3A_143 = arith.muli %scan3A_141, %mul3A_142 : i32
      %add3A_144 = arith.addi %mul3A_2, %mul3A_143 : i32
      %multiple_of3A = tpu.assume_multiple %add3A_144, 512 : i32
      %dma_start3A_145 = tpu.memref_slice %arg6[%multiple_of3A] : memref<327680xi32, #tpu.memory_space<hbm>> -> memref<512xi32, #tpu.memory_space<hbm>>
      %dma_start3A_146 = tpu.memref_slice %arg6[%multiple_of3A] : memref<327680xi32, #tpu.memory_space<hbm>> -> memref<512xi32, #tpu.memory_space<hbm>>
      tpu.enqueue_dma source(%dma_start3A_146 : memref<512xi32, #tpu.memory_space<hbm>>) target(%arg11 : memref<512xi32, #tpu.memory_space<vmem>>) target_semaphore(%arg35 : memref<!tpu.dma_semaphore, #tpu.memory_space<semaphore_mem>>)
      %dma_start3A_147 = tpu.memref_slice %arg7[%multiple_of3A] : memref<327680xi32, #tpu.memory_space<hbm>> -> memref<512xi32, #tpu.memory_space<hbm>>
      %dma_start3A_148 = tpu.memref_slice %arg7[%multiple_of3A] : memref<327680xi32, #tpu.memory_space<hbm>> -> memref<512xi32, #tpu.memory_space<hbm>>
      tpu.enqueue_dma source(%dma_start3A_148 : memref<512xi32, #tpu.memory_space<hbm>>) target(%arg12 : memref<512xi32, #tpu.memory_space<vmem>>) target_semaphore(%arg35 : memref<!tpu.dma_semaphore, #tpu.memory_space<semaphore_mem>>)
      %dma_start3A_149 = tpu.memref_slice %arg8[%multiple_of3A] : memref<327680xi32, #tpu.memory_space<hbm>> -> memref<512xi32, #tpu.memory_space<hbm>>
      %dma_start3A_150 = tpu.memref_slice %arg8[%multiple_of3A] : memref<327680xi32, #tpu.memory_space<hbm>> -> memref<512xi32, #tpu.memory_space<hbm>>
      tpu.enqueue_dma source(%dma_start3A_150 : memref<512xi32, #tpu.memory_space<hbm>>) target(%arg13 : memref<512xi32, #tpu.memory_space<vmem>>) target_semaphore(%arg35 : memref<!tpu.dma_semaphore, #tpu.memory_space<semaphore_mem>>)
      %dma_wait3A_151 = tpu.memref_slice %arg6[%multiple_of3A] : memref<327680xi32, #tpu.memory_space<hbm>> -> memref<512xi32, #tpu.memory_space<hbm>>
      %dma_wait3A_152 = tpu.memref_slice %arg6[%multiple_of3A] : memref<327680xi32, #tpu.memory_space<hbm>> -> memref<512xi32, #tpu.memory_space<hbm>>
      tpu.wait_dma2 semaphore(%arg35 : memref<!tpu.dma_semaphore, #tpu.memory_space<semaphore_mem>>) src(%dma_wait3A_152 : memref<512xi32, #tpu.memory_space<hbm>>) dst(%arg11 : memref<512xi32, #tpu.memory_space<vmem>>)
      %dma_wait3A_153 = tpu.memref_slice %arg7[%multiple_of3A] : memref<327680xi32, #tpu.memory_space<hbm>> -> memref<512xi32, #tpu.memory_space<hbm>>
      %dma_wait3A_154 = tpu.memref_slice %arg7[%multiple_of3A] : memref<327680xi32, #tpu.memory_space<hbm>> -> memref<512xi32, #tpu.memory_space<hbm>>
      tpu.wait_dma2 semaphore(%arg35 : memref<!tpu.dma_semaphore, #tpu.memory_space<semaphore_mem>>) src(%dma_wait3A_154 : memref<512xi32, #tpu.memory_space<hbm>>) dst(%arg12 : memref<512xi32, #tpu.memory_space<vmem>>)
      %dma_wait3A_155 = tpu.memref_slice %arg8[%multiple_of3A] : memref<327680xi32, #tpu.memory_space<hbm>> -> memref<512xi32, #tpu.memory_space<hbm>>
      %dma_wait3A_156 = tpu.memref_slice %arg8[%multiple_of3A] : memref<327680xi32, #tpu.memory_space<hbm>> -> memref<512xi32, #tpu.memory_space<hbm>>
      tpu.wait_dma2 semaphore(%arg35 : memref<!tpu.dma_semaphore, #tpu.memory_space<semaphore_mem>>) src(%dma_wait3A_156 : memref<512xi32, #tpu.memory_space<hbm>>) dst(%arg13 : memref<512xi32, #tpu.memory_space<vmem>>)
      %dma_start3A_157 = arith.constant 0 : i32
      %dma_start3A_158 = tpu.memref_slice %arg14[%dma_start3A_157] : memref<512xi32, #tpu.memory_space<vmem>> -> memref<128xi32, #tpu.memory_space<vmem>>
      %dma_start3A_159 = arith.constant 0 : i32
      %dma_start3A_160 = tpu.memref_slice %arg11[%dma_start3A_159] : memref<512xi32, #tpu.memory_space<vmem>> -> memref<128xi32, #tpu.memory_space<vmem>>
      %dma_start3A_161 = arith.constant 0 : i32
      %dma_start3A_162 = tpu.memref_slice %arg5[%dma_start3A_161] : memref<10240xi32, #tpu.memory_space<hbm>> -> memref<10240xi32, #tpu.memory_space<hbm>>
      tpu.enqueue_indirect_dma source(%dma_start3A_162 : memref<10240xi32, #tpu.memory_space<hbm>>) target(%dma_start3A_158 : memref<128xi32, #tpu.memory_space<vmem>>) offsets(%dma_start3A_160 : memref<128xi32, #tpu.memory_space<vmem>>) semaphore(%arg35 : memref<!tpu.dma_semaphore, #tpu.memory_space<semaphore_mem>>)
      %dma_start3A_163 = arith.constant 128 : i32
      %dma_start3A_164 = tpu.memref_slice %arg14[%dma_start3A_163] : memref<512xi32, #tpu.memory_space<vmem>> -> memref<128xi32, #tpu.memory_space<vmem>>
      %dma_start3A_165 = arith.constant 128 : i32
      %dma_start3A_166 = tpu.memref_slice %arg11[%dma_start3A_165] : memref<512xi32, #tpu.memory_space<vmem>> -> memref<128xi32, #tpu.memory_space<vmem>>
      %dma_start3A_167 = arith.constant 0 : i32
      %dma_start3A_168 = tpu.memref_slice %arg5[%dma_start3A_167] : memref<10240xi32, #tpu.memory_space<hbm>> -> memref<10240xi32, #tpu.memory_space<hbm>>
      tpu.enqueue_indirect_dma source(%dma_start3A_168 : memref<10240xi32, #tpu.memory_space<hbm>>) target(%dma_start3A_164 : memref<128xi32, #tpu.memory_space<vmem>>) offsets(%dma_start3A_166 : memref<128xi32, #tpu.memory_space<vmem>>) semaphore(%arg35 : memref<!tpu.dma_semaphore, #tpu.memory_space<semaphore_mem>>)
      %dma_start3A_169 = arith.constant 256 : i32
      %dma_start3A_170 = tpu.memref_slice %arg14[%dma_start3A_169] : memref<512xi32, #tpu.memory_space<vmem>> -> memref<128xi32, #tpu.memory_space<vmem>>
      %dma_start3A_171 = arith.constant 256 : i32
      %dma_start3A_172 = tpu.memref_slice %arg11[%dma_start3A_171] : memref<512xi32, #tpu.memory_space<vmem>> -> memref<128xi32, #tpu.memory_space<vmem>>
      %dma_start3A_173 = arith.constant 0 : i32
      %dma_start3A_174 = tpu.memref_slice %arg5[%dma_start3A_173] : memref<10240xi32, #tpu.memory_space<hbm>> -> memref<10240xi32, #tpu.memory_space<hbm>>
      tpu.enqueue_indirect_dma source(%dma_start3A_174 : memref<10240xi32, #tpu.memory_space<hbm>>) target(%dma_start3A_170 : memref<128xi32, #tpu.memory_space<vmem>>) offsets(%dma_start3A_172 : memref<128xi32, #tpu.memory_space<vmem>>) semaphore(%arg35 : memref<!tpu.dma_semaphore, #tpu.memory_space<semaphore_mem>>)
      %dma_start3A_175 = arith.constant 384 : i32
      %dma_start3A_176 = tpu.memref_slice %arg14[%dma_start3A_175] : memref<512xi32, #tpu.memory_space<vmem>> -> memref<128xi32, #tpu.memory_space<vmem>>
      %dma_start3A_177 = arith.constant 384 : i32
      %dma_start3A_178 = tpu.memref_slice %arg11[%dma_start3A_177] : memref<512xi32, #tpu.memory_space<vmem>> -> memref<128xi32, #tpu.memory_space<vmem>>
      %dma_start3A_179 = arith.constant 0 : i32
      %dma_start3A_180 = tpu.memref_slice %arg5[%dma_start3A_179] : memref<10240xi32, #tpu.memory_space<hbm>> -> memref<10240xi32, #tpu.memory_space<hbm>>
      tpu.enqueue_indirect_dma source(%dma_start3A_180 : memref<10240xi32, #tpu.memory_space<hbm>>) target(%dma_start3A_176 : memref<128xi32, #tpu.memory_space<vmem>>) offsets(%dma_start3A_178 : memref<128xi32, #tpu.memory_space<vmem>>) semaphore(%arg35 : memref<!tpu.dma_semaphore, #tpu.memory_space<semaphore_mem>>)
      %dma_wait3A_181 = arith.constant 0 : i32
      %dma_wait3A_182 = tpu.memref_slice %arg14[%dma_wait3A_181] : memref<512xi32, #tpu.memory_space<vmem>> -> memref<128xi32, #tpu.memory_space<vmem>>
      %dma_wait3A_183 = arith.constant 0 : i32
      %dma_wait3A_184 = tpu.memref_slice %arg11[%dma_wait3A_183] : memref<512xi32, #tpu.memory_space<vmem>> -> memref<128xi32, #tpu.memory_space<vmem>>
      %dma_wait3A_185 = arith.constant 0 : i32
      %dma_wait3A_186 = tpu.memref_slice %arg5[%dma_wait3A_185] : memref<10240xi32, #tpu.memory_space<hbm>> -> memref<10240xi32, #tpu.memory_space<hbm>>
      tpu.wait_indirect_dma semaphore(%arg35 : memref<!tpu.dma_semaphore, #tpu.memory_space<semaphore_mem>>) src(%dma_wait3A_186 : memref<10240xi32, #tpu.memory_space<hbm>>) dst(%dma_wait3A_182 : memref<128xi32, #tpu.memory_space<vmem>>)
      %dma_wait3A_187 = arith.constant 128 : i32
      %dma_wait3A_188 = tpu.memref_slice %arg14[%dma_wait3A_187] : memref<512xi32, #tpu.memory_space<vmem>> -> memref<128xi32, #tpu.memory_space<vmem>>
      %dma_wait3A_189 = arith.constant 128 : i32
      %dma_wait3A_190 = tpu.memref_slice %arg11[%dma_wait3A_189] : memref<512xi32, #tpu.memory_space<vmem>> -> memref<128xi32, #tpu.memory_space<vmem>>
      %dma_wait3A_191 = arith.constant 0 : i32
      %dma_wait3A_192 = tpu.memref_slice %arg5[%dma_wait3A_191] : memref<10240xi32, #tpu.memory_space<hbm>> -> memref<10240xi32, #tpu.memory_space<hbm>>
      tpu.wait_indirect_dma semaphore(%arg35 : memref<!tpu.dma_semaphore, #tpu.memory_space<semaphore_mem>>) src(%dma_wait3A_192 : memref<10240xi32, #tpu.memory_space<hbm>>) dst(%dma_wait3A_188 : memref<128xi32, #tpu.memory_space<vmem>>)
      %dma_wait3A_193 = arith.constant 256 : i32
      %dma_wait3A_194 = tpu.memref_slice %arg14[%dma_wait3A_193] : memref<512xi32, #tpu.memory_space<vmem>> -> memref<128xi32, #tpu.memory_space<vmem>>
      %dma_wait3A_195 = arith.constant 256 : i32
      %dma_wait3A_196 = tpu.memref_slice %arg11[%dma_wait3A_195] : memref<512xi32, #tpu.memory_space<vmem>> -> memref<128xi32, #tpu.memory_space<vmem>>
      %dma_wait3A_197 = arith.constant 0 : i32
      %dma_wait3A_198 = tpu.memref_slice %arg5[%dma_wait3A_197] : memref<10240xi32, #tpu.memory_space<hbm>> -> memref<10240xi32, #tpu.memory_space<hbm>>
      tpu.wait_indirect_dma semaphore(%arg35 : memref<!tpu.dma_semaphore, #tpu.memory_space<semaphore_mem>>) src(%dma_wait3A_198 : memref<10240xi32, #tpu.memory_space<hbm>>) dst(%dma_wait3A_194 : memref<128xi32, #tpu.memory_space<vmem>>)
      %dma_wait3A_199 = arith.constant 384 : i32
      %dma_wait3A_200 = tpu.memref_slice %arg14[%dma_wait3A_199] : memref<512xi32, #tpu.memory_space<vmem>> -> memref<128xi32, #tpu.memory_space<vmem>>
      %dma_wait3A_201 = arith.constant 384 : i32
      %dma_wait3A_202 = tpu.memref_slice %arg11[%dma_wait3A_201] : memref<512xi32, #tpu.memory_space<vmem>> -> memref<128xi32, #tpu.memory_space<vmem>>
      %dma_wait3A_203 = arith.constant 0 : i32
      %dma_wait3A_204 = tpu.memref_slice %arg5[%dma_wait3A_203] : memref<10240xi32, #tpu.memory_space<hbm>> -> memref<10240xi32, #tpu.memory_space<hbm>>
      tpu.wait_indirect_dma semaphore(%arg35 : memref<!tpu.dma_semaphore, #tpu.memory_space<semaphore_mem>>) src(%dma_wait3A_204 : memref<10240xi32, #tpu.memory_space<hbm>>) dst(%dma_wait3A_200 : memref<128xi32, #tpu.memory_space<vmem>>)
      %scan3A_205 = arith.constant 0 : i32
      %scan3A_206 = arith.constant 0 : i32
      %scan3A_207 = arith.constant 32 : i32
      %scan3A_208 = arith.addi %scan3A_206, %scan3A_207 : i32
      %scan3A_209 = arith.constant 1 : i32
      scf.for %scan3A_487 = %scan3A_206 to %scan3A_208 step %scan3A_209  : i32 {
        %mul3A_488 = arith.constant 16 : i32
        %mul3A_489 = arith.muli %scan3A_487, %mul3A_488 : i32
        %get3A_490 = arith.index_cast %mul3A_489 : i32 to index
        %get3A_491 = tpu.vector_load %arg12[%get3A_490] {strides = array<i32>} : memref<512xi32, #tpu.memory_space<vmem>>, vector<16xi32>,
        %mul3A_492 = arith.constant 16 : i32
        %mul3A_493 = arith.muli %scan3A_487, %mul3A_492 : i32
        %get3A_494 = arith.index_cast %mul3A_493 : i32 to index
        %get3A_495 = tpu.vector_load %arg13[%get3A_494] {strides = array<i32>} : memref<512xi32, #tpu.memory_space<vmem>>, vector<16xi32>,
        %mul3A_496 = arith.constant 16 : i32
        %mul3A_497 = arith.muli %scan3A_487, %mul3A_496 : i32
        %get3A_498 = arith.index_cast %mul3A_497 : i32 to index
        %get3A_499 = tpu.vector_load %arg14[%get3A_498] {strides = array<i32>} : memref<512xi32, #tpu.memory_space<vmem>>, vector<16xi32>,
        %mul3A_500 = arith.constant 4 : i32
        %mul3A_501 = vector.broadcast %mul3A_500 : i32 to vector<16xi32>
        %mul3A_502 = arith.muli %get3A_499, %mul3A_501 : vector<16xi32>
        %add3A_503 = arith.addi %mul3A_502, %get3A_495 : vector<16xi32>
        %mul3A_504 = arith.constant 10000 : i32
        %mul3A_505 = vector.broadcast %mul3A_504 : i32 to vector<16xi32>
        %mul3A_506 = arith.muli %add3A_503, %mul3A_505 : vector<16xi32>
        %add3A_507 = arith.addi %mul3A_506, %get3A_491 : vector<16xi32>
        %mul3A_508 = arith.constant 16 : i32
        %mul3A_509 = arith.muli %scan3A_487, %mul3A_508 : i32
        %swap3A_510 = arith.index_cast %mul3A_509 : i32 to index
        %swap3A_511 = tpu.vector_load %arg15[%swap3A_510] {strides = array<i32>} : memref<512xi32, #tpu.memory_space<vmem>>, vector<16xi32>,
        tpu.vector_store %arg15[%swap3A_510], %add3A_507 {strides = array<i32>} : memref<512xi32, #tpu.memory_space<vmem>>, vector<16xi32>,
        %mul3A_512 = arith.constant 10000 : i32
        %mul3A_513 = vector.broadcast %mul3A_512 : i32 to vector<16xi32>
        %mul3A_514 = arith.muli %get3A_495, %mul3A_513 : vector<16xi32>
        %add3A_515 = arith.addi %mul3A_514, %get3A_491 : vector<16xi32>
        %mul3A_516 = arith.constant 16 : i32
        %mul3A_517 = arith.muli %scan3A_487, %mul3A_516 : i32
        %swap3A_518 = arith.index_cast %mul3A_517 : i32 to index
        %swap3A_519 = tpu.vector_load %arg16[%swap3A_518] {strides = array<i32>} : memref<512xi32, #tpu.memory_space<vmem>>, vector<16xi32>,
        tpu.vector_store %arg16[%swap3A_518], %add3A_515 {strides = array<i32>} : memref<512xi32, #tpu.memory_space<vmem>>, vector<16xi32>,
      }
      %scan3A_210 = arith.constant 32 : i32
      %multiple_of3A_211 = arith.constant 0 : i32
      %multiple_of3A_212 = tpu.assume_multiple %multiple_of3A_211, 32 : i32
      %dma_start3A_213 = tpu.memref_slice %arg11[%multiple_of3A_212] : memref<512xi32, #tpu.memory_space<vmem>> -> memref<32xi32, #tpu.memory_space<vmem>>
      %dma_start3A_214 = arith.constant 0 : i32
      %dma_start3A_215 = arith.constant 0 : i32
      %dma_start3A_216 = tpu.memref_slice %arg2[%dma_start3A_214, %dma_start3A_215] : memref<10240x128xf32, #tpu.memory_space<hbm>> -> memref<10240x128xf32, #tpu.memory_space<hbm>>
      tpu.enqueue_indirect_dma source(%dma_start3A_216 : memref<10240x128xf32, #tpu.memory_space<hbm>>) target(%arg17 : memref<32x128xf32, #tpu.memory_space<vmem>>) offsets(%dma_start3A_213 : memref<32xi32, #tpu.memory_space<vmem>>) semaphore(%arg31 : memref<!tpu.dma_semaphore, #tpu.memory_space<semaphore_mem>>)
      %dma_start3A_217 = tpu.memref_slice %arg15[%multiple_of3A_212] : memref<512xi32, #tpu.memory_space<vmem>> -> memref<32xi32, #tpu.memory_space<vmem>>
      %dma_start3A_218 = arith.constant 0 : i32
      %dma_start3A_219 = arith.constant 0 : i32
      %dma_start3A_220 = tpu.memref_slice %arg3[%dma_start3A_218, %dma_start3A_219] : memref<120000x128xf32, #tpu.memory_space<hbm>> -> memref<120000x128xf32, #tpu.memory_space<hbm>>
      tpu.enqueue_indirect_dma source(%dma_start3A_220 : memref<120000x128xf32, #tpu.memory_space<hbm>>) target(%arg19 : memref<32x128xf32, #tpu.memory_space<vmem>>) offsets(%dma_start3A_217 : memref<32xi32, #tpu.memory_space<vmem>>) semaphore(%arg31 : memref<!tpu.dma_semaphore, #tpu.memory_space<semaphore_mem>>)
      %dma_start3A_221 = tpu.memref_slice %arg16[%multiple_of3A_212] : memref<512xi32, #tpu.memory_space<vmem>> -> memref<32xi32, #tpu.memory_space<vmem>>
      %dma_start3A_222 = arith.constant 0 : i32
      %dma_start3A_223 = arith.constant 0 : i32
      %dma_start3A_224 = tpu.memref_slice %arg4[%dma_start3A_222, %dma_start3A_223] : memref<40000x128xf32, #tpu.memory_space<hbm>> -> memref<40000x128xf32, #tpu.memory_space<hbm>>
      tpu.enqueue_indirect_dma source(%dma_start3A_224 : memref<40000x128xf32, #tpu.memory_space<hbm>>) target(%arg21 : memref<32x128xf32, #tpu.memory_space<vmem>>) offsets(%dma_start3A_221 : memref<32xi32, #tpu.memory_space<vmem>>) semaphore(%arg31 : memref<!tpu.dma_semaphore, #tpu.memory_space<semaphore_mem>>)
      %multiple_of3A_225 = arith.constant 32 : i32
      %multiple_of3A_226 = tpu.assume_multiple %multiple_of3A_225, 32 : i32
      %dma_start3A_227 = tpu.memref_slice %arg11[%multiple_of3A_226] : memref<512xi32, #tpu.memory_space<vmem>> -> memref<32xi32, #tpu.memory_space<vmem>>
      %dma_start3A_228 = arith.constant 0 : i32
      %dma_start3A_229 = arith.constant 0 : i32
      %dma_start3A_230 = tpu.memref_slice %arg2[%dma_start3A_228, %dma_start3A_229] : memref<10240x128xf32, #tpu.memory_space<hbm>> -> memref<10240x128xf32, #tpu.memory_space<hbm>>
      tpu.enqueue_indirect_dma source(%dma_start3A_230 : memref<10240x128xf32, #tpu.memory_space<hbm>>) target(%arg18 : memref<32x128xf32, #tpu.memory_space<vmem>>) offsets(%dma_start3A_227 : memref<32xi32, #tpu.memory_space<vmem>>) semaphore(%arg32 : memref<!tpu.dma_semaphore, #tpu.memory_space<semaphore_mem>>)
      %dma_start3A_231 = tpu.memref_slice %arg15[%multiple_of3A_226] : memref<512xi32, #tpu.memory_space<vmem>> -> memref<32xi32, #tpu.memory_space<vmem>>
      %dma_start3A_232 = arith.constant 0 : i32
      %dma_start3A_233 = arith.constant 0 : i32
      %dma_start3A_234 = tpu.memref_slice %arg3[%dma_start3A_232, %dma_start3A_233] : memref<120000x128xf32, #tpu.memory_space<hbm>> -> memref<120000x128xf32, #tpu.memory_space<hbm>>
      tpu.enqueue_indirect_dma source(%dma_start3A_234 : memref<120000x128xf32, #tpu.memory_space<hbm>>) target(%arg20 : memref<32x128xf32, #tpu.memory_space<vmem>>) offsets(%dma_start3A_231 : memref<32xi32, #tpu.memory_space<vmem>>) semaphore(%arg32 : memref<!tpu.dma_semaphore, #tpu.memory_space<semaphore_mem>>)
      %dma_start3A_235 = tpu.memref_slice %arg16[%multiple_of3A_226] : memref<512xi32, #tpu.memory_space<vmem>> -> memref<32xi32, #tpu.memory_space<vmem>>
      %dma_start3A_236 = arith.constant 0 : i32
      %dma_start3A_237 = arith.constant 0 : i32
      %dma_start3A_238 = tpu.memref_slice %arg4[%dma_start3A_236, %dma_start3A_237] : memref<40000x128xf32, #tpu.memory_space<hbm>> -> memref<40000x128xf32, #tpu.memory_space<hbm>>
      tpu.enqueue_indirect_dma source(%dma_start3A_238 : memref<40000x128xf32, #tpu.memory_space<hbm>>) target(%arg22 : memref<32x128xf32, #tpu.memory_space<vmem>>) offsets(%dma_start3A_235 : memref<32xi32, #tpu.memory_space<vmem>>) semaphore(%arg32 : memref<!tpu.dma_semaphore, #tpu.memory_space<semaphore_mem>>)
      %scan3A_239 = arith.constant 0 : i32
      %scan3A_240 = arith.constant 0 : i32
      %scan3A_241 = arith.constant 7 : i32
      %scan3A_242 = arith.addi %scan3A_240, %scan3A_241 : i32
      %scan3A_243 = arith.constant 1 : i32
      scf.for %scan3A_487 = %scan3A_240 to %scan3A_242 step %scan3A_243  : i32 {
        %mul3A_488 = arith.constant 2 : i32
        %mul3A_489 = arith.muli %mul3A_488, %scan3A_487 : i32
        %add3A_490 = arith.constant 0 : i32
        %add3A_491 = arith.addi %mul3A_489, %add3A_490 : i32
        %dma_wait3A_492 = arith.constant 0 : i32
        %dma_wait3A_493 = arith.constant 0 : i32
        %dma_wait3A_494 = tpu.memref_slice %arg29[%dma_wait3A_492, %dma_wait3A_493] : memref<10240x128xf32, #tpu.memory_space<vmem_shared>> -> memref<32x128xf32, #tpu.memory_space<vmem_shared>>
        %dma_wait3A_495 = arith.constant 0 : i32
        %dma_wait3A_496 = arith.constant 0 : i32
        %dma_wait3A_497 = tpu.memref_slice %arg29[%dma_wait3A_495, %dma_wait3A_496] : memref<10240x128xf32, #tpu.memory_space<vmem_shared>> -> memref<32x128xf32, #tpu.memory_space<vmem_shared>>
        tpu.wait_dma2 semaphore(%arg33 : memref<!tpu.dma_semaphore, #tpu.memory_space<semaphore_mem>>) src(%arg23 : memref<32x128xf32, #tpu.memory_space<vmem>>) dst(%dma_wait3A_497 : memref<32x128xf32, #tpu.memory_space<vmem_shared>>)
        %dma_wait3A_498 = arith.constant 0 : i32
        %dma_wait3A_499 = arith.constant 0 : i32
        %dma_wait3A_500 = tpu.memref_slice %arg30[%dma_wait3A_498, %dma_wait3A_499] : memref<10240x16xf32, #tpu.memory_space<vmem_shared>> -> memref<32x16xf32, #tpu.memory_space<vmem_shared>>
        %dma_wait3A_501 = arith.constant 0 : i32
        %dma_wait3A_502 = arith.constant 0 : i32
        %dma_wait3A_503 = tpu.memref_slice %arg30[%dma_wait3A_501, %dma_wait3A_502] : memref<10240x16xf32, #tpu.memory_space<vmem_shared>> -> memref<32x16xf32, #tpu.memory_space<vmem_shared>>
        tpu.wait_dma2 semaphore(%arg33 : memref<!tpu.dma_semaphore, #tpu.memory_space<semaphore_mem>>) src(%arg25 : memref<32x16xf32, #tpu.memory_space<vmem>>) dst(%dma_wait3A_503 : memref<32x16xf32, #tpu.memory_space<vmem_shared>>)
        %dma_wait3A_504 = arith.constant 0 : i32
        %dma_wait3A_505 = arith.constant 0 : i32
        %dma_wait3A_506 = tpu.memref_slice %arg2[%dma_wait3A_504, %dma_wait3A_505] : memref<10240x128xf32, #tpu.memory_space<hbm>> -> memref<32x128xf32, #tpu.memory_space<hbm>>
        %dma_wait3A_507 = arith.constant 0 : i32
        %dma_wait3A_508 = arith.constant 0 : i32
        %dma_wait3A_509 = tpu.memref_slice %arg2[%dma_wait3A_507, %dma_wait3A_508] : memref<10240x128xf32, #tpu.memory_space<hbm>> -> memref<32x128xf32, #tpu.memory_space<hbm>>
        tpu.wait_dma2 semaphore(%arg31 : memref<!tpu.dma_semaphore, #tpu.memory_space<semaphore_mem>>) src(%dma_wait3A_509 : memref<32x128xf32, #tpu.memory_space<hbm>>) dst(%arg17 : memref<32x128xf32, #tpu.memory_space<vmem>>)
        %dma_wait3A_510 = arith.constant 0 : i32
        %dma_wait3A_511 = arith.constant 0 : i32
        %dma_wait3A_512 = tpu.memref_slice %arg3[%dma_wait3A_510, %dma_wait3A_511] : memref<120000x128xf32, #tpu.memory_space<hbm>> -> memref<32x128xf32, #tpu.memory_space<hbm>>
        %dma_wait3A_513 = arith.constant 0 : i32
        %dma_wait3A_514 = arith.constant 0 : i32
        %dma_wait3A_515 = tpu.memref_slice %arg3[%dma_wait3A_513, %dma_wait3A_514] : memref<120000x128xf32, #tpu.memory_space<hbm>> -> memref<32x128xf32, #tpu.memory_space<hbm>>
        tpu.wait_dma2 semaphore(%arg31 : memref<!tpu.dma_semaphore, #tpu.memory_space<semaphore_mem>>) src(%dma_wait3A_515 : memref<32x128xf32, #tpu.memory_space<hbm>>) dst(%arg19 : memref<32x128xf32, #tpu.memory_space<vmem>>)
        %dma_wait3A_516 = arith.constant 0 : i32
        %dma_wait3A_517 = arith.constant 0 : i32
        %dma_wait3A_518 = tpu.memref_slice %arg4[%dma_wait3A_516, %dma_wait3A_517] : memref<40000x128xf32, #tpu.memory_space<hbm>> -> memref<32x128xf32, #tpu.memory_space<hbm>>
        %dma_wait3A_519 = arith.constant 0 : i32
        %dma_wait3A_520 = arith.constant 0 : i32
        %dma_wait3A_521 = tpu.memref_slice %arg4[%dma_wait3A_519, %dma_wait3A_520] : memref<40000x128xf32, #tpu.memory_space<hbm>> -> memref<32x128xf32, #tpu.memory_space<hbm>>
        tpu.wait_dma2 semaphore(%arg31 : memref<!tpu.dma_semaphore, #tpu.memory_space<semaphore_mem>>) src(%dma_wait3A_521 : memref<32x128xf32, #tpu.memory_space<hbm>>) dst(%arg21 : memref<32x128xf32, #tpu.memory_space<vmem>>)
        %mul3A_522 = arith.constant 32 : i32
        %mul3A_523 = arith.muli %add3A_491, %mul3A_522 : i32
        %multiple_of3A_524 = tpu.assume_multiple %mul3A_523, 32 : i32
        %add3A_525 = arith.constant 0 : i32
        %add3A_526 = arith.addi %multiple_of3A_524, %add3A_525 : i32
        %get3A_527 = arith.index_cast %add3A_526 : i32 to index
        %get3A_528 = tpu.vector_load %arg11[%get3A_527] {strides = array<i32>} : memref<512xi32, #tpu.memory_space<vmem>>, vector<16xi32>,
        %swap3A_529 = arith.constant 0 : index
        %swap3A_530 = tpu.vector_load %arg27[%swap3A_529] {strides = array<i32>} : memref<32xi32, #tpu.memory_space<vmem>>, vector<16xi32>,
        tpu.vector_store %arg27[%swap3A_529], %get3A_528 {strides = array<i32>} : memref<32xi32, #tpu.memory_space<vmem>>, vector<16xi32>,
        %add3A_531 = arith.constant 16 : i32
        %add3A_532 = arith.addi %multiple_of3A_524, %add3A_531 : i32
        %get3A_533 = arith.index_cast %add3A_532 : i32 to index
        %get3A_534 = tpu.vector_load %arg11[%get3A_533] {strides = array<i32>} : memref<512xi32, #tpu.memory_space<vmem>>, vector<16xi32>,
        %swap3A_535 = arith.constant 16 : index
        %swap3A_536 = tpu.vector_load %arg27[%swap3A_535] {strides = array<i32>} : memref<32xi32, #tpu.memory_space<vmem>>, vector<16xi32>,
        tpu.vector_store %arg27[%swap3A_535], %get3A_534 {strides = array<i32>} : memref<32xi32, #tpu.memory_space<vmem>>, vector<16xi32>,
        %add3A_537 = arith.constant 0 : i32
        %add3A_538 = vector.broadcast %add3A_537 : i32 to vector<16xi32>
        %add3A_539 = arith.addi %iota3A, %add3A_538 : vector<16xi32>
        %scan3A_540 = arith.constant 0 : i32
        %scan3A_541 = arith.constant 16 : i32
        %scan3A_542 = arith.addi %scan3A_540, %scan3A_541 : i32
        %scan3A_543 = arith.constant 1 : i32
        %scan3A_544:8 = scf.for %scan3A_776 = %scan3A_540 to %scan3A_542 step %scan3A_543 iter_args(%scan3A_777 = %broadcast_in_dim3A_3, %scan3A_778 = %broadcast_in_dim3A_3, %scan3A_779 = %broadcast_in_dim3A_3, %scan3A_780 = %broadcast_in_dim3A_3, %scan3A_781 = %broadcast_in_dim3A_3, %scan3A_782 = %broadcast_in_dim3A_3, %scan3A_783 = %broadcast_in_dim3A_3, %scan3A_784 = %broadcast_in_dim3A_3) -> (vector<16xf32>, vector<16xf32>, vector<16xf32>, vector<16xf32>, vector<16xf32>, vector<16xf32>, vector<16xf32>, vector<16xf32>)  : i32 {
          %broadcast_in_dim3A_785 = arith.constant 0 : i32
          %broadcast_in_dim3A_786 = vector.broadcast %broadcast_in_dim3A_785 : i32 to vector<16xi32>
          %add3A_787 = vector.broadcast %scan3A_776 : i32 to vector<16xi32>
          %add3A_788 = arith.addi %broadcast_in_dim3A_786, %add3A_787 : vector<16xi32>
          %gather3A = tpu.vector_load_idx %arg17[%add3A_539, %add3A_788] : memref<32x128xf32, #tpu.memory_space<vmem>>[vector<16xi32>, vector<16xi32>], vector<16xf32>,
          %gather3A_789 = tpu.vector_load_idx %arg19[%add3A_539, %add3A_788] : memref<32x128xf32, #tpu.memory_space<vmem>>[vector<16xi32>, vector<16xi32>], vector<16xf32>,
          %mul3A_790 = arith.mulf %gather3A, %gather3A_789 : vector<16xf32>
          %add3A_791 = arith.addf %scan3A_777, %mul3A_790 : vector<16xf32>
          %broadcast_in_dim3A_792 = arith.constant 16 : i32
          %broadcast_in_dim3A_793 = vector.broadcast %broadcast_in_dim3A_792 : i32 to vector<16xi32>
          %add3A_794 = vector.broadcast %scan3A_776 : i32 to vector<16xi32>
          %add3A_795 = arith.addi %broadcast_in_dim3A_793, %add3A_794 : vector<16xi32>
          %gather3A_796 = tpu.vector_load_idx %arg17[%add3A_539, %add3A_795] : memref<32x128xf32, #tpu.memory_space<vmem>>[vector<16xi32>, vector<16xi32>], vector<16xf32>,
          %gather3A_797 = tpu.vector_load_idx %arg19[%add3A_539, %add3A_795] : memref<32x128xf32, #tpu.memory_space<vmem>>[vector<16xi32>, vector<16xi32>], vector<16xf32>,
          %mul3A_798 = arith.mulf %gather3A_796, %gather3A_797 : vector<16xf32>
          %add3A_799 = arith.addf %scan3A_778, %mul3A_798 : vector<16xf32>
          %broadcast_in_dim3A_800 = arith.constant 32 : i32
          %broadcast_in_dim3A_801 = vector.broadcast %broadcast_in_dim3A_800 : i32 to vector<16xi32>
          %add3A_802 = vector.broadcast %scan3A_776 : i32 to vector<16xi32>
          %add3A_803 = arith.addi %broadcast_in_dim3A_801, %add3A_802 : vector<16xi32>
          %gather3A_804 = tpu.vector_load_idx %arg17[%add3A_539, %add3A_803] : memref<32x128xf32, #tpu.memory_space<vmem>>[vector<16xi32>, vector<16xi32>], vector<16xf32>,
          %gather3A_805 = tpu.vector_load_idx %arg19[%add3A_539, %add3A_803] : memref<32x128xf32, #tpu.memory_space<vmem>>[vector<16xi32>, vector<16xi32>], vector<16xf32>,
          %mul3A_806 = arith.mulf %gather3A_804, %gather3A_805 : vector<16xf32>
          %add3A_807 = arith.addf %scan3A_779, %mul3A_806 : vector<16xf32>
          %broadcast_in_dim3A_808 = arith.constant 48 : i32
          %broadcast_in_dim3A_809 = vector.broadcast %broadcast_in_dim3A_808 : i32 to vector<16xi32>
          %add3A_810 = vector.broadcast %scan3A_776 : i32 to vector<16xi32>
          %add3A_811 = arith.addi %broadcast_in_dim3A_809, %add3A_810 : vector<16xi32>
          %gather3A_812 = tpu.vector_load_idx %arg17[%add3A_539, %add3A_811] : memref<32x128xf32, #tpu.memory_space<vmem>>[vector<16xi32>, vector<16xi32>], vector<16xf32>,
          %gather3A_813 = tpu.vector_load_idx %arg19[%add3A_539, %add3A_811] : memref<32x128xf32, #tpu.memory_space<vmem>>[vector<16xi32>, vector<16xi32>], vector<16xf32>,
          %mul3A_814 = arith.mulf %gather3A_812, %gather3A_813 : vector<16xf32>
          %add3A_815 = arith.addf %scan3A_780, %mul3A_814 : vector<16xf32>
          %broadcast_in_dim3A_816 = arith.constant 64 : i32
          %broadcast_in_dim3A_817 = vector.broadcast %broadcast_in_dim3A_816 : i32 to vector<16xi32>
          %add3A_818 = vector.broadcast %scan3A_776 : i32 to vector<16xi32>
          %add3A_819 = arith.addi %broadcast_in_dim3A_817, %add3A_818 : vector<16xi32>
          %gather3A_820 = tpu.vector_load_idx %arg17[%add3A_539, %add3A_819] : memref<32x128xf32, #tpu.memory_space<vmem>>[vector<16xi32>, vector<16xi32>], vector<16xf32>,
          %gather3A_821 = tpu.vector_load_idx %arg19[%add3A_539, %add3A_819] : memref<32x128xf32, #tpu.memory_space<vmem>>[vector<16xi32>, vector<16xi32>], vector<16xf32>,
          %mul3A_822 = arith.mulf %gather3A_820, %gather3A_821 : vector<16xf32>
          %add3A_823 = arith.addf %scan3A_781, %mul3A_822 : vector<16xf32>
          %broadcast_in_dim3A_824 = arith.constant 80 : i32
          %broadcast_in_dim3A_825 = vector.broadcast %broadcast_in_dim3A_824 : i32 to vector<16xi32>
          %add3A_826 = vector.broadcast %scan3A_776 : i32 to vector<16xi32>
          %add3A_827 = arith.addi %broadcast_in_dim3A_825, %add3A_826 : vector<16xi32>
          %gather3A_828 = tpu.vector_load_idx %arg17[%add3A_539, %add3A_827] : memref<32x128xf32, #tpu.memory_space<vmem>>[vector<16xi32>, vector<16xi32>], vector<16xf32>,
          %gather3A_829 = tpu.vector_load_idx %arg19[%add3A_539, %add3A_827] : memref<32x128xf32, #tpu.memory_space<vmem>>[vector<16xi32>, vector<16xi32>], vector<16xf32>,
          %mul3A_830 = arith.mulf %gather3A_828, %gather3A_829 : vector<16xf32>
          %add3A_831 = arith.addf %scan3A_782, %mul3A_830 : vector<16xf32>
          %broadcast_in_dim3A_832 = arith.constant 96 : i32
          %broadcast_in_dim3A_833 = vector.broadcast %broadcast_in_dim3A_832 : i32 to vector<16xi32>
          %add3A_834 = vector.broadcast %scan3A_776 : i32 to vector<16xi32>
          %add3A_835 = arith.addi %broadcast_in_dim3A_833, %add3A_834 : vector<16xi32>
          %gather3A_836 = tpu.vector_load_idx %arg17[%add3A_539, %add3A_835] : memref<32x128xf32, #tpu.memory_space<vmem>>[vector<16xi32>, vector<16xi32>], vector<16xf32>,
          %gather3A_837 = tpu.vector_load_idx %arg19[%add3A_539, %add3A_835] : memref<32x128xf32, #tpu.memory_space<vmem>>[vector<16xi32>, vector<16xi32>], vector<16xf32>,
          %mul3A_838 = arith.mulf %gather3A_836, %gather3A_837 : vector<16xf32>
          %add3A_839 = arith.addf %scan3A_783, %mul3A_838 : vector<16xf32>
          %broadcast_in_dim3A_840 = arith.constant 112 : i32
          %broadcast_in_dim3A_841 = vector.broadcast %broadcast_in_dim3A_840 : i32 to vector<16xi32>
          %add3A_842 = vector.broadcast %scan3A_776 : i32 to vector<16xi32>
          %add3A_843 = arith.addi %broadcast_in_dim3A_841, %add3A_842 : vector<16xi32>
          %gather3A_844 = tpu.vector_load_idx %arg17[%add3A_539, %add3A_843] : memref<32x128xf32, #tpu.memory_space<vmem>>[vector<16xi32>, vector<16xi32>], vector<16xf32>,
          %gather3A_845 = tpu.vector_load_idx %arg19[%add3A_539, %add3A_843] : memref<32x128xf32, #tpu.memory_space<vmem>>[vector<16xi32>, vector<16xi32>], vector<16xf32>,
          %mul3A_846 = arith.mulf %gather3A_844, %gather3A_845 : vector<16xf32>
          %add3A_847 = arith.addf %scan3A_784, %mul3A_846 : vector<16xf32>
          scf.yield %add3A_791, %add3A_799, %add3A_807, %add3A_815, %add3A_823, %add3A_831, %add3A_839, %add3A_847 : vector<16xf32>, vector<16xf32>, vector<16xf32>, vector<16xf32>, vector<16xf32>, vector<16xf32>, vector<16xf32>, vector<16xf32>
        }
        %scan3A_545 = arith.constant 16 : i32
        %broadcast_in_dim3A_546 = arith.constant 0 : i32
        %broadcast_in_dim3A_547 = vector.broadcast %broadcast_in_dim3A_546 : i32 to vector<16xi32>
        %exp3A_548 = math.exp %scan3A_544#0 : vector<16xf32>
        tpu.vector_store_idx %arg25[%add3A_539, %broadcast_in_dim3A_547], %exp3A_548 : memref<32x16xf32, #tpu.memory_space<vmem>>[vector<16xi32>, vector<16xi32>], vector<16xf32>,
        %broadcast_in_dim3A_549 = arith.constant 1 : i32
        %broadcast_in_dim3A_550 = vector.broadcast %broadcast_in_dim3A_549 : i32 to vector<16xi32>
        %exp3A_551 = math.exp %scan3A_544#1 : vector<16xf32>
        tpu.vector_store_idx %arg25[%add3A_539, %broadcast_in_dim3A_550], %exp3A_551 : memref<32x16xf32, #tpu.memory_space<vmem>>[vector<16xi32>, vector<16xi32>], vector<16xf32>,
        %broadcast_in_dim3A_552 = arith.constant 2 : i32
        %broadcast_in_dim3A_553 = vector.broadcast %broadcast_in_dim3A_552 : i32 to vector<16xi32>
        %exp3A_554 = math.exp %scan3A_544#2 : vector<16xf32>
        tpu.vector_store_idx %arg25[%add3A_539, %broadcast_in_dim3A_553], %exp3A_554 : memref<32x16xf32, #tpu.memory_space<vmem>>[vector<16xi32>, vector<16xi32>], vector<16xf32>,
        %broadcast_in_dim3A_555 = arith.constant 3 : i32
        %broadcast_in_dim3A_556 = vector.broadcast %broadcast_in_dim3A_555 : i32 to vector<16xi32>
        %exp3A_557 = math.exp %scan3A_544#3 : vector<16xf32>
        tpu.vector_store_idx %arg25[%add3A_539, %broadcast_in_dim3A_556], %exp3A_557 : memref<32x16xf32, #tpu.memory_space<vmem>>[vector<16xi32>, vector<16xi32>], vector<16xf32>,
        %broadcast_in_dim3A_558 = arith.constant 4 : i32
        %broadcast_in_dim3A_559 = vector.broadcast %broadcast_in_dim3A_558 : i32 to vector<16xi32>
        %exp3A_560 = math.exp %scan3A_544#4 : vector<16xf32>
        tpu.vector_store_idx %arg25[%add3A_539, %broadcast_in_dim3A_559], %exp3A_560 : memref<32x16xf32, #tpu.memory_space<vmem>>[vector<16xi32>, vector<16xi32>], vector<16xf32>,
        %broadcast_in_dim3A_561 = arith.constant 5 : i32
        %broadcast_in_dim3A_562 = vector.broadcast %broadcast_in_dim3A_561 : i32 to vector<16xi32>
        %exp3A_563 = math.exp %scan3A_544#5 : vector<16xf32>
        tpu.vector_store_idx %arg25[%add3A_539, %broadcast_in_dim3A_562], %exp3A_563 : memref<32x16xf32, #tpu.memory_space<vmem>>[vector<16xi32>, vector<16xi32>], vector<16xf32>,
        %broadcast_in_dim3A_564 = arith.constant 6 : i32
        %broadcast_in_dim3A_565 = vector.broadcast %broadcast_in_dim3A_564 : i32 to vector<16xi32>
        %exp3A_566 = math.exp %scan3A_544#6 : vector<16xf32>
        tpu.vector_store_idx %arg25[%add3A_539, %broadcast_in_dim3A_565], %exp3A_566 : memref<32x16xf32, #tpu.memory_space<vmem>>[vector<16xi32>, vector<16xi32>], vector<16xf32>,
        %broadcast_in_dim3A_567 = arith.constant 7 : i32
        %broadcast_in_dim3A_568 = vector.broadcast %broadcast_in_dim3A_567 : i32 to vector<16xi32>
        %exp3A_569 = math.exp %scan3A_544#7 : vector<16xf32>
        tpu.vector_store_idx %arg25[%add3A_539, %broadcast_in_dim3A_568], %exp3A_569 : memref<32x16xf32, #tpu.memory_space<vmem>>[vector<16xi32>, vector<16xi32>], vector<16xf32>,
        %add3A_570 = arith.constant 16 : i32
        %add3A_571 = vector.broadcast %add3A_570 : i32 to vector<16xi32>
        %add3A_572 = arith.addi %iota3A, %add3A_571 : vector<16xi32>
        %scan3A_573 = arith.constant 0 : i32
        %scan3A_574 = arith.constant 16 : i32
        %scan3A_575 = arith.addi %scan3A_573, %scan3A_574 : i32
        %scan3A_576 = arith.constant 1 : i32
        %scan3A_577:8 = scf.for %scan3A_776 = %scan3A_573 to %scan3A_575 step %scan3A_576 iter_args(%scan3A_777 = %broadcast_in_dim3A_3, %scan3A_778 = %broadcast_in_dim3A_3, %scan3A_779 = %broadcast_in_dim3A_3, %scan3A_780 = %broadcast_in_dim3A_3, %scan3A_781 = %broadcast_in_dim3A_3, %scan3A_782 = %broadcast_in_dim3A_3, %scan3A_783 = %broadcast_in_dim3A_3, %scan3A_784 = %broadcast_in_dim3A_3) -> (vector<16xf32>, vector<16xf32>, vector<16xf32>, vector<16xf32>, vector<16xf32>, vector<16xf32>, vector<16xf32>, vector<16xf32>)  : i32 {
          %broadcast_in_dim3A_785 = arith.constant 0 : i32
          %broadcast_in_dim3A_786 = vector.broadcast %broadcast_in_dim3A_785 : i32 to vector<16xi32>
          %add3A_787 = vector.broadcast %scan3A_776 : i32 to vector<16xi32>
          %add3A_788 = arith.addi %broadcast_in_dim3A_786, %add3A_787 : vector<16xi32>
          %gather3A = tpu.vector_load_idx %arg17[%add3A_572, %add3A_788] : memref<32x128xf32, #tpu.memory_space<vmem>>[vector<16xi32>, vector<16xi32>], vector<16xf32>,
          %gather3A_789 = tpu.vector_load_idx %arg19[%add3A_572, %add3A_788] : memref<32x128xf32, #tpu.memory_space<vmem>>[vector<16xi32>, vector<16xi32>], vector<16xf32>,
          %mul3A_790 = arith.mulf %gather3A, %gather3A_789 : vector<16xf32>
          %add3A_791 = arith.addf %scan3A_777, %mul3A_790 : vector<16xf32>
          %broadcast_in_dim3A_792 = arith.constant 16 : i32
          %broadcast_in_dim3A_793 = vector.broadcast %broadcast_in_dim3A_792 : i32 to vector<16xi32>
          %add3A_794 = vector.broadcast %scan3A_776 : i32 to vector<16xi32>
          %add3A_795 = arith.addi %broadcast_in_dim3A_793, %add3A_794 : vector<16xi32>
          %gather3A_796 = tpu.vector_load_idx %arg17[%add3A_572, %add3A_795] : memref<32x128xf32, #tpu.memory_space<vmem>>[vector<16xi32>, vector<16xi32>], vector<16xf32>,
          %gather3A_797 = tpu.vector_load_idx %arg19[%add3A_572, %add3A_795] : memref<32x128xf32, #tpu.memory_space<vmem>>[vector<16xi32>, vector<16xi32>], vector<16xf32>,
          %mul3A_798 = arith.mulf %gather3A_796, %gather3A_797 : vector<16xf32>
          %add3A_799 = arith.addf %scan3A_778, %mul3A_798 : vector<16xf32>
          %broadcast_in_dim3A_800 = arith.constant 32 : i32
          %broadcast_in_dim3A_801 = vector.broadcast %broadcast_in_dim3A_800 : i32 to vector<16xi32>
          %add3A_802 = vector.broadcast %scan3A_776 : i32 to vector<16xi32>
          %add3A_803 = arith.addi %broadcast_in_dim3A_801, %add3A_802 : vector<16xi32>
          %gather3A_804 = tpu.vector_load_idx %arg17[%add3A_572, %add3A_803] : memref<32x128xf32, #tpu.memory_space<vmem>>[vector<16xi32>, vector<16xi32>], vector<16xf32>,
          %gather3A_805 = tpu.vector_load_idx %arg19[%add3A_572, %add3A_803] : memref<32x128xf32, #tpu.memory_space<vmem>>[vector<16xi32>, vector<16xi32>], vector<16xf32>,
          %mul3A_806 = arith.mulf %gather3A_804, %gather3A_805 : vector<16xf32>
          %add3A_807 = arith.addf %scan3A_779, %mul3A_806 : vector<16xf32>
          %broadcast_in_dim3A_808 = arith.constant 48 : i32
          %broadcast_in_dim3A_809 = vector.broadcast %broadcast_in_dim3A_808 : i32 to vector<16xi32>
          %add3A_810 = vector.broadcast %scan3A_776 : i32 to vector<16xi32>
          %add3A_811 = arith.addi %broadcast_in_dim3A_809, %add3A_810 : vector<16xi32>
          %gather3A_812 = tpu.vector_load_idx %arg17[%add3A_572, %add3A_811] : memref<32x128xf32, #tpu.memory_space<vmem>>[vector<16xi32>, vector<16xi32>], vector<16xf32>,
          %gather3A_813 = tpu.vector_load_idx %arg19[%add3A_572, %add3A_811] : memref<32x128xf32, #tpu.memory_space<vmem>>[vector<16xi32>, vector<16xi32>], vector<16xf32>,
          %mul3A_814 = arith.mulf %gather3A_812, %gather3A_813 : vector<16xf32>
          %add3A_815 = arith.addf %scan3A_780, %mul3A_814 : vector<16xf32>
          %broadcast_in_dim3A_816 = arith.constant 64 : i32
          %broadcast_in_dim3A_817 = vector.broadcast %broadcast_in_dim3A_816 : i32 to vector<16xi32>
          %add3A_818 = vector.broadcast %scan3A_776 : i32 to vector<16xi32>
          %add3A_819 = arith.addi %broadcast_in_dim3A_817, %add3A_818 : vector<16xi32>
          %gather3A_820 = tpu.vector_load_idx %arg17[%add3A_572, %add3A_819] : memref<32x128xf32, #tpu.memory_space<vmem>>[vector<16xi32>, vector<16xi32>], vector<16xf32>,
          %gather3A_821 = tpu.vector_load_idx %arg19[%add3A_572, %add3A_819] : memref<32x128xf32, #tpu.memory_space<vmem>>[vector<16xi32>, vector<16xi32>], vector<16xf32>,
          %mul3A_822 = arith.mulf %gather3A_820, %gather3A_821 : vector<16xf32>
          %add3A_823 = arith.addf %scan3A_781, %mul3A_822 : vector<16xf32>
          %broadcast_in_dim3A_824 = arith.constant 80 : i32
          %broadcast_in_dim3A_825 = vector.broadcast %broadcast_in_dim3A_824 : i32 to vector<16xi32>
          %add3A_826 = vector.broadcast %scan3A_776 : i32 to vector<16xi32>
          %add3A_827 = arith.addi %broadcast_in_dim3A_825, %add3A_826 : vector<16xi32>
          %gather3A_828 = tpu.vector_load_idx %arg17[%add3A_572, %add3A_827] : memref<32x128xf32, #tpu.memory_space<vmem>>[vector<16xi32>, vector<16xi32>], vector<16xf32>,
          %gather3A_829 = tpu.vector_load_idx %arg19[%add3A_572, %add3A_827] : memref<32x128xf32, #tpu.memory_space<vmem>>[vector<16xi32>, vector<16xi32>], vector<16xf32>,
          %mul3A_830 = arith.mulf %gather3A_828, %gather3A_829 : vector<16xf32>
          %add3A_831 = arith.addf %scan3A_782, %mul3A_830 : vector<16xf32>
          %broadcast_in_dim3A_832 = arith.constant 96 : i32
          %broadcast_in_dim3A_833 = vector.broadcast %broadcast_in_dim3A_832 : i32 to vector<16xi32>
          %add3A_834 = vector.broadcast %scan3A_776 : i32 to vector<16xi32>
          %add3A_835 = arith.addi %broadcast_in_dim3A_833, %add3A_834 : vector<16xi32>
          %gather3A_836 = tpu.vector_load_idx %arg17[%add3A_572, %add3A_835] : memref<32x128xf32, #tpu.memory_space<vmem>>[vector<16xi32>, vector<16xi32>], vector<16xf32>,
          %gather3A_837 = tpu.vector_load_idx %arg19[%add3A_572, %add3A_835] : memref<32x128xf32, #tpu.memory_space<vmem>>[vector<16xi32>, vector<16xi32>], vector<16xf32>,
          %mul3A_838 = arith.mulf %gather3A_836, %gather3A_837 : vector<16xf32>
          %add3A_839 = arith.addf %scan3A_783, %mul3A_838 : vector<16xf32>
          %broadcast_in_dim3A_840 = arith.constant 112 : i32
          %broadcast_in_dim3A_841 = vector.broadcast %broadcast_in_dim3A_840 : i32 to vector<16xi32>
          %add3A_842 = vector.broadcast %scan3A_776 : i32 to vector<16xi32>
          %add3A_843 = arith.addi %broadcast_in_dim3A_841, %add3A_842 : vector<16xi32>
          %gather3A_844 = tpu.vector_load_idx %arg17[%add3A_572, %add3A_843] : memref<32x128xf32, #tpu.memory_space<vmem>>[vector<16xi32>, vector<16xi32>], vector<16xf32>,
          %gather3A_845 = tpu.vector_load_idx %arg19[%add3A_572, %add3A_843] : memref<32x128xf32, #tpu.memory_space<vmem>>[vector<16xi32>, vector<16xi32>], vector<16xf32>,
          %mul3A_846 = arith.mulf %gather3A_844, %gather3A_845 : vector<16xf32>
          %add3A_847 = arith.addf %scan3A_784, %mul3A_846 : vector<16xf32>
          scf.yield %add3A_791, %add3A_799, %add3A_807, %add3A_815, %add3A_823, %add3A_831, %add3A_839, %add3A_847 : vector<16xf32>, vector<16xf32>, vector<16xf32>, vector<16xf32>, vector<16xf32>, vector<16xf32>, vector<16xf32>, vector<16xf32>
        }
        %scan3A_578 = arith.constant 16 : i32
        %broadcast_in_dim3A_579 = arith.constant 0 : i32
        %broadcast_in_dim3A_580 = vector.broadcast %broadcast_in_dim3A_579 : i32 to vector<16xi32>
        %exp3A_581 = math.exp %scan3A_577#0 : vector<16xf32>
        tpu.vector_store_idx %arg25[%add3A_572, %broadcast_in_dim3A_580], %exp3A_581 : memref<32x16xf32, #tpu.memory_space<vmem>>[vector<16xi32>, vector<16xi32>], vector<16xf32>,
        %broadcast_in_dim3A_582 = arith.constant 1 : i32
        %broadcast_in_dim3A_583 = vector.broadcast %broadcast_in_dim3A_582 : i32 to vector<16xi32>
        %exp3A_584 = math.exp %scan3A_577#1 : vector<16xf32>
        tpu.vector_store_idx %arg25[%add3A_572, %broadcast_in_dim3A_583], %exp3A_584 : memref<32x16xf32, #tpu.memory_space<vmem>>[vector<16xi32>, vector<16xi32>], vector<16xf32>,
        %broadcast_in_dim3A_585 = arith.constant 2 : i32
        %broadcast_in_dim3A_586 = vector.broadcast %broadcast_in_dim3A_585 : i32 to vector<16xi32>
        %exp3A_587 = math.exp %scan3A_577#2 : vector<16xf32>
        tpu.vector_store_idx %arg25[%add3A_572, %broadcast_in_dim3A_586], %exp3A_587 : memref<32x16xf32, #tpu.memory_space<vmem>>[vector<16xi32>, vector<16xi32>], vector<16xf32>,
        %broadcast_in_dim3A_588 = arith.constant 3 : i32
        %broadcast_in_dim3A_589 = vector.broadcast %broadcast_in_dim3A_588 : i32 to vector<16xi32>
        %exp3A_590 = math.exp %scan3A_577#3 : vector<16xf32>
        tpu.vector_store_idx %arg25[%add3A_572, %broadcast_in_dim3A_589], %exp3A_590 : memref<32x16xf32, #tpu.memory_space<vmem>>[vector<16xi32>, vector<16xi32>], vector<16xf32>,
        %broadcast_in_dim3A_591 = arith.constant 4 : i32
        %broadcast_in_dim3A_592 = vector.broadcast %broadcast_in_dim3A_591 : i32 to vector<16xi32>
        %exp3A_593 = math.exp %scan3A_577#4 : vector<16xf32>
        tpu.vector_store_idx %arg25[%add3A_572, %broadcast_in_dim3A_592], %exp3A_593 : memref<32x16xf32, #tpu.memory_space<vmem>>[vector<16xi32>, vector<16xi32>], vector<16xf32>,
        %broadcast_in_dim3A_594 = arith.constant 5 : i32
        %broadcast_in_dim3A_595 = vector.broadcast %broadcast_in_dim3A_594 : i32 to vector<16xi32>
        %exp3A_596 = math.exp %scan3A_577#5 : vector<16xf32>
        tpu.vector_store_idx %arg25[%add3A_572, %broadcast_in_dim3A_595], %exp3A_596 : memref<32x16xf32, #tpu.memory_space<vmem>>[vector<16xi32>, vector<16xi32>], vector<16xf32>,
        %broadcast_in_dim3A_597 = arith.constant 6 : i32
        %broadcast_in_dim3A_598 = vector.broadcast %broadcast_in_dim3A_597 : i32 to vector<16xi32>
        %exp3A_599 = math.exp %scan3A_577#6 : vector<16xf32>
        tpu.vector_store_idx %arg25[%add3A_572, %broadcast_in_dim3A_598], %exp3A_599 : memref<32x16xf32, #tpu.memory_space<vmem>>[vector<16xi32>, vector<16xi32>], vector<16xf32>,
        %broadcast_in_dim3A_600 = arith.constant 7 : i32
        %broadcast_in_dim3A_601 = vector.broadcast %broadcast_in_dim3A_600 : i32 to vector<16xi32>
        %exp3A_602 = math.exp %scan3A_577#7 : vector<16xf32>
        tpu.vector_store_idx %arg25[%add3A_572, %broadcast_in_dim3A_601], %exp3A_602 : memref<32x16xf32, #tpu.memory_space<vmem>>[vector<16xi32>, vector<16xi32>], vector<16xf32>,
        %scan3A_603 = arith.constant 0 : i32
        %scan3A_604 = arith.constant 0 : i32
        %scan3A_605 = arith.constant 32 : i32
        %scan3A_606 = arith.addi %scan3A_604, %scan3A_605 : i32
        %scan3A_607 = arith.constant 1 : i32
        scf.for %scan3A_776 = %scan3A_604 to %scan3A_606 step %scan3A_607  : i32 {
          %broadcast_in_dim3A_777 = vector.broadcast %scan3A_776 : i32 to vector<16xi32>
          %broadcast_in_dim3A_778 = arith.constant 0 : i32
          %broadcast_in_dim3A_779 = vector.broadcast %broadcast_in_dim3A_778 : i32 to vector<16xi32>
          %gather3A = tpu.vector_load_idx %arg25[%broadcast_in_dim3A_777, %broadcast_in_dim3A_779] : memref<32x16xf32, #tpu.memory_space<vmem>>[vector<16xi32>, vector<16xi32>], vector<16xf32>,
          %get3A_780 = arith.index_cast %scan3A_776 : i32 to index
          %get3A_781 = arith.constant 0 : index
          %get3A_782 = tpu.vector_load %arg21[%get3A_780, %get3A_781] {strides = array<i32>} : memref<32x128xf32, #tpu.memory_space<vmem>>, vector<16xf32>,
          %mul3A_783 = arith.mulf %get3A_782, %gather3A : vector<16xf32>
          %swap3A_784 = arith.index_cast %scan3A_776 : i32 to index
          %swap3A_785 = arith.constant 0 : index
          %swap3A_786 = tpu.vector_load %arg23[%swap3A_784, %swap3A_785] {strides = array<i32>} : memref<32x128xf32, #tpu.memory_space<vmem>>, vector<16xf32>,
          tpu.vector_store %arg23[%swap3A_784, %swap3A_785], %mul3A_783 {strides = array<i32>} : memref<32x128xf32, #tpu.memory_space<vmem>>, vector<16xf32>,
          %broadcast_in_dim3A_787 = vector.broadcast %scan3A_776 : i32 to vector<16xi32>
          %broadcast_in_dim3A_788 = arith.constant 1 : i32
          %broadcast_in_dim3A_789 = vector.broadcast %broadcast_in_dim3A_788 : i32 to vector<16xi32>
          %gather3A_790 = tpu.vector_load_idx %arg25[%broadcast_in_dim3A_787, %broadcast_in_dim3A_789] : memref<32x16xf32, #tpu.memory_space<vmem>>[vector<16xi32>, vector<16xi32>], vector<16xf32>,
          %get3A_791 = arith.index_cast %scan3A_776 : i32 to index
          %get3A_792 = arith.constant 16 : index
          %get3A_793 = tpu.vector_load %arg21[%get3A_791, %get3A_792] {strides = array<i32>} : memref<32x128xf32, #tpu.memory_space<vmem>>, vector<16xf32>,
          %mul3A_794 = arith.mulf %get3A_793, %gather3A_790 : vector<16xf32>
          %swap3A_795 = arith.index_cast %scan3A_776 : i32 to index
          %swap3A_796 = arith.constant 16 : index
          %swap3A_797 = tpu.vector_load %arg23[%swap3A_795, %swap3A_796] {strides = array<i32>} : memref<32x128xf32, #tpu.memory_space<vmem>>, vector<16xf32>,
          tpu.vector_store %arg23[%swap3A_795, %swap3A_796], %mul3A_794 {strides = array<i32>} : memref<32x128xf32, #tpu.memory_space<vmem>>, vector<16xf32>,
          %broadcast_in_dim3A_798 = vector.broadcast %scan3A_776 : i32 to vector<16xi32>
          %broadcast_in_dim3A_799 = arith.constant 2 : i32
          %broadcast_in_dim3A_800 = vector.broadcast %broadcast_in_dim3A_799 : i32 to vector<16xi32>
          %gather3A_801 = tpu.vector_load_idx %arg25[%broadcast_in_dim3A_798, %broadcast_in_dim3A_800] : memref<32x16xf32, #tpu.memory_space<vmem>>[vector<16xi32>, vector<16xi32>], vector<16xf32>,
          %get3A_802 = arith.index_cast %scan3A_776 : i32 to index
          %get3A_803 = arith.constant 32 : index
          %get3A_804 = tpu.vector_load %arg21[%get3A_802, %get3A_803] {strides = array<i32>} : memref<32x128xf32, #tpu.memory_space<vmem>>, vector<16xf32>,
          %mul3A_805 = arith.mulf %get3A_804, %gather3A_801 : vector<16xf32>
          %swap3A_806 = arith.index_cast %scan3A_776 : i32 to index
          %swap3A_807 = arith.constant 32 : index
          %swap3A_808 = tpu.vector_load %arg23[%swap3A_806, %swap3A_807] {strides = array<i32>} : memref<32x128xf32, #tpu.memory_space<vmem>>, vector<16xf32>,
          tpu.vector_store %arg23[%swap3A_806, %swap3A_807], %mul3A_805 {strides = array<i32>} : memref<32x128xf32, #tpu.memory_space<vmem>>, vector<16xf32>,
          %broadcast_in_dim3A_809 = vector.broadcast %scan3A_776 : i32 to vector<16xi32>
          %broadcast_in_dim3A_810 = arith.constant 3 : i32
          %broadcast_in_dim3A_811 = vector.broadcast %broadcast_in_dim3A_810 : i32 to vector<16xi32>
          %gather3A_812 = tpu.vector_load_idx %arg25[%broadcast_in_dim3A_809, %broadcast_in_dim3A_811] : memref<32x16xf32, #tpu.memory_space<vmem>>[vector<16xi32>, vector<16xi32>], vector<16xf32>,
          %get3A_813 = arith.index_cast %scan3A_776 : i32 to index
          %get3A_814 = arith.constant 48 : index
          %get3A_815 = tpu.vector_load %arg21[%get3A_813, %get3A_814] {strides = array<i32>} : memref<32x128xf32, #tpu.memory_space<vmem>>, vector<16xf32>,
          %mul3A_816 = arith.mulf %get3A_815, %gather3A_812 : vector<16xf32>
          %swap3A_817 = arith.index_cast %scan3A_776 : i32 to index
          %swap3A_818 = arith.constant 48 : index
          %swap3A_819 = tpu.vector_load %arg23[%swap3A_817, %swap3A_818] {strides = array<i32>} : memref<32x128xf32, #tpu.memory_space<vmem>>, vector<16xf32>,
          tpu.vector_store %arg23[%swap3A_817, %swap3A_818], %mul3A_816 {strides = array<i32>} : memref<32x128xf32, #tpu.memory_space<vmem>>, vector<16xf32>,
          %broadcast_in_dim3A_820 = vector.broadcast %scan3A_776 : i32 to vector<16xi32>
          %broadcast_in_dim3A_821 = arith.constant 4 : i32
          %broadcast_in_dim3A_822 = vector.broadcast %broadcast_in_dim3A_821 : i32 to vector<16xi32>
          %gather3A_823 = tpu.vector_load_idx %arg25[%broadcast_in_dim3A_820, %broadcast_in_dim3A_822] : memref<32x16xf32, #tpu.memory_space<vmem>>[vector<16xi32>, vector<16xi32>], vector<16xf32>,
          %get3A_824 = arith.index_cast %scan3A_776 : i32 to index
          %get3A_825 = arith.constant 64 : index
          %get3A_826 = tpu.vector_load %arg21[%get3A_824, %get3A_825] {strides = array<i32>} : memref<32x128xf32, #tpu.memory_space<vmem>>, vector<16xf32>,
          %mul3A_827 = arith.mulf %get3A_826, %gather3A_823 : vector<16xf32>
          %swap3A_828 = arith.index_cast %scan3A_776 : i32 to index
          %swap3A_829 = arith.constant 64 : index
          %swap3A_830 = tpu.vector_load %arg23[%swap3A_828, %swap3A_829] {strides = array<i32>} : memref<32x128xf32, #tpu.memory_space<vmem>>, vector<16xf32>,
          tpu.vector_store %arg23[%swap3A_828, %swap3A_829], %mul3A_827 {strides = array<i32>} : memref<32x128xf32, #tpu.memory_space<vmem>>, vector<16xf32>,
          %broadcast_in_dim3A_831 = vector.broadcast %scan3A_776 : i32 to vector<16xi32>
          %broadcast_in_dim3A_832 = arith.constant 5 : i32
          %broadcast_in_dim3A_833 = vector.broadcast %broadcast_in_dim3A_832 : i32 to vector<16xi32>
          %gather3A_834 = tpu.vector_load_idx %arg25[%broadcast_in_dim3A_831, %broadcast_in_dim3A_833] : memref<32x16xf32, #tpu.memory_space<vmem>>[vector<16xi32>, vector<16xi32>], vector<16xf32>,
          %get3A_835 = arith.index_cast %scan3A_776 : i32 to index
          %get3A_836 = arith.constant 80 : index
          %get3A_837 = tpu.vector_load %arg21[%get3A_835, %get3A_836] {strides = array<i32>} : memref<32x128xf32, #tpu.memory_space<vmem>>, vector<16xf32>,
          %mul3A_838 = arith.mulf %get3A_837, %gather3A_834 : vector<16xf32>
          %swap3A_839 = arith.index_cast %scan3A_776 : i32 to index
          %swap3A_840 = arith.constant 80 : index
          %swap3A_841 = tpu.vector_load %arg23[%swap3A_839, %swap3A_840] {strides = array<i32>} : memref<32x128xf32, #tpu.memory_space<vmem>>, vector<16xf32>,
          tpu.vector_store %arg23[%swap3A_839, %swap3A_840], %mul3A_838 {strides = array<i32>} : memref<32x128xf32, #tpu.memory_space<vmem>>, vector<16xf32>,
          %broadcast_in_dim3A_842 = vector.broadcast %scan3A_776 : i32 to vector<16xi32>
          %broadcast_in_dim3A_843 = arith.constant 6 : i32
          %broadcast_in_dim3A_844 = vector.broadcast %broadcast_in_dim3A_843 : i32 to vector<16xi32>
          %gather3A_845 = tpu.vector_load_idx %arg25[%broadcast_in_dim3A_842, %broadcast_in_dim3A_844] : memref<32x16xf32, #tpu.memory_space<vmem>>[vector<16xi32>, vector<16xi32>], vector<16xf32>,
          %get3A_846 = arith.index_cast %scan3A_776 : i32 to index
          %get3A_847 = arith.constant 96 : index
          %get3A_848 = tpu.vector_load %arg21[%get3A_846, %get3A_847] {strides = array<i32>} : memref<32x128xf32, #tpu.memory_space<vmem>>, vector<16xf32>,
          %mul3A_849 = arith.mulf %get3A_848, %gather3A_845 : vector<16xf32>
          %swap3A_850 = arith.index_cast %scan3A_776 : i32 to index
          %swap3A_851 = arith.constant 96 : index
          %swap3A_852 = tpu.vector_load %arg23[%swap3A_850, %swap3A_851] {strides = array<i32>} : memref<32x128xf32, #tpu.memory_space<vmem>>, vector<16xf32>,
          tpu.vector_store %arg23[%swap3A_850, %swap3A_851], %mul3A_849 {strides = array<i32>} : memref<32x128xf32, #tpu.memory_space<vmem>>, vector<16xf32>,
          %broadcast_in_dim3A_853 = vector.broadcast %scan3A_776 : i32 to vector<16xi32>
          %broadcast_in_dim3A_854 = arith.constant 7 : i32
          %broadcast_in_dim3A_855 = vector.broadcast %broadcast_in_dim3A_854 : i32 to vector<16xi32>
          %gather3A_856 = tpu.vector_load_idx %arg25[%broadcast_in_dim3A_853, %broadcast_in_dim3A_855] : memref<32x16xf32, #tpu.memory_space<vmem>>[vector<16xi32>, vector<16xi32>], vector<16xf32>,
          %get3A_857 = arith.index_cast %scan3A_776 : i32 to index
          %get3A_858 = arith.constant 112 : index
          %get3A_859 = tpu.vector_load %arg21[%get3A_857, %get3A_858] {strides = array<i32>} : memref<32x128xf32, #tpu.memory_space<vmem>>, vector<16xf32>,
          %mul3A_860 = arith.mulf %get3A_859, %gather3A_856 : vector<16xf32>
          %swap3A_861 = arith.index_cast %scan3A_776 : i32 to index
          %swap3A_862 = arith.constant 112 : index
          %swap3A_863 = tpu.vector_load %arg23[%swap3A_861, %swap3A_862] {strides = array<i32>} : memref<32x128xf32, #tpu.memory_space<vmem>>, vector<16xf32>,
          tpu.vector_store %arg23[%swap3A_861, %swap3A_862], %mul3A_860 {strides = array<i32>} : memref<32x128xf32, #tpu.memory_space<vmem>>, vector<16xf32>,
        }
        %scan3A_608 = arith.constant 32 : i32
        %dma_start3A_609 = arith.constant 0 : i32
        %dma_start3A_610 = arith.constant 0 : i32
        %dma_start3A_611 = tpu.memref_slice %arg29[%dma_start3A_609, %dma_start3A_610] : memref<10240x128xf32, #tpu.memory_space<vmem_shared>> -> memref<10240x128xf32, #tpu.memory_space<vmem_shared>>
        tpu.enqueue_indirect_dma source(%arg23 : memref<32x128xf32, #tpu.memory_space<vmem>>) target(%dma_start3A_611 : memref<10240x128xf32, #tpu.memory_space<vmem_shared>>) offsets(%arg27 : memref<32xi32, #tpu.memory_space<vmem>>) semaphore(%arg33 : memref<!tpu.dma_semaphore, #tpu.memory_space<semaphore_mem>>) {add = true}
        %dma_start3A_612 = arith.constant 0 : i32
        %dma_start3A_613 = arith.constant 0 : i32
        %dma_start3A_614 = tpu.memref_slice %arg30[%dma_start3A_612, %dma_start3A_613] : memref<10240x16xf32, #tpu.memory_space<vmem_shared>> -> memref<10240x16xf32, #tpu.memory_space<vmem_shared>>
        tpu.enqueue_indirect_dma source(%arg25 : memref<32x16xf32, #tpu.memory_space<vmem>>) target(%dma_start3A_614 : memref<10240x16xf32, #tpu.memory_space<vmem_shared>>) offsets(%arg27 : memref<32xi32, #tpu.memory_space<vmem>>) semaphore(%arg33 : memref<!tpu.dma_semaphore, #tpu.memory_space<semaphore_mem>>) {add = true}
        %add3A_615 = arith.constant 2 : i32
        %add3A_616 = arith.addi %add3A_491, %add3A_615 : i32
        %mul3A_617 = arith.constant 32 : i32
        %mul3A_618 = arith.muli %add3A_616, %mul3A_617 : i32
        %multiple_of3A_619 = tpu.assume_multiple %mul3A_618, 32 : i32
        %dma_start3A_620 = tpu.memref_slice %arg11[%multiple_of3A_619] : memref<512xi32, #tpu.memory_space<vmem>> -> memref<32xi32, #tpu.memory_space<vmem>>
        %dma_start3A_621 = arith.constant 0 : i32
        %dma_start3A_622 = arith.constant 0 : i32
        %dma_start3A_623 = tpu.memref_slice %arg2[%dma_start3A_621, %dma_start3A_622] : memref<10240x128xf32, #tpu.memory_space<hbm>> -> memref<10240x128xf32, #tpu.memory_space<hbm>>
        tpu.enqueue_indirect_dma source(%dma_start3A_623 : memref<10240x128xf32, #tpu.memory_space<hbm>>) target(%arg17 : memref<32x128xf32, #tpu.memory_space<vmem>>) offsets(%dma_start3A_620 : memref<32xi32, #tpu.memory_space<vmem>>) semaphore(%arg31 : memref<!tpu.dma_semaphore, #tpu.memory_space<semaphore_mem>>)
        %dma_start3A_624 = tpu.memref_slice %arg15[%multiple_of3A_619] : memref<512xi32, #tpu.memory_space<vmem>> -> memref<32xi32, #tpu.memory_space<vmem>>
        %dma_start3A_625 = arith.constant 0 : i32
        %dma_start3A_626 = arith.constant 0 : i32
        %dma_start3A_627 = tpu.memref_slice %arg3[%dma_start3A_625, %dma_start3A_626] : memref<120000x128xf32, #tpu.memory_space<hbm>> -> memref<120000x128xf32, #tpu.memory_space<hbm>>
        tpu.enqueue_indirect_dma source(%dma_start3A_627 : memref<120000x128xf32, #tpu.memory_space<hbm>>) target(%arg19 : memref<32x128xf32, #tpu.memory_space<vmem>>) offsets(%dma_start3A_624 : memref<32xi32, #tpu.memory_space<vmem>>) semaphore(%arg31 : memref<!tpu.dma_semaphore, #tpu.memory_space<semaphore_mem>>)
        %dma_start3A_628 = tpu.memref_slice %arg16[%multiple_of3A_619] : memref<512xi32, #tpu.memory_space<vmem>> -> memref<32xi32, #tpu.memory_space<vmem>>
        %dma_start3A_629 = arith.constant 0 : i32
        %dma_start3A_630 = arith.constant 0 : i32
        %dma_start3A_631 = tpu.memref_slice %arg4[%dma_start3A_629, %dma_start3A_630] : memref<40000x128xf32, #tpu.memory_space<hbm>> -> memref<40000x128xf32, #tpu.memory_space<hbm>>
        tpu.enqueue_indirect_dma source(%dma_start3A_631 : memref<40000x128xf32, #tpu.memory_space<hbm>>) target(%arg21 : memref<32x128xf32, #tpu.memory_space<vmem>>) offsets(%dma_start3A_628 : memref<32xi32, #tpu.memory_space<vmem>>) semaphore(%arg31 : memref<!tpu.dma_semaphore, #tpu.memory_space<semaphore_mem>>)
        %mul3A_632 = arith.constant 2 : i32
        %mul3A_633 = arith.muli %mul3A_632, %scan3A_487 : i32
        %add3A_634 = arith.constant 1 : i32
        %add3A_635 = arith.addi %mul3A_633, %add3A_634 : i32
        %dma_wait3A_636 = arith.constant 0 : i32
        %dma_wait3A_637 = arith.constant 0 : i32
        %dma_wait3A_638 = tpu.memref_slice %arg29[%dma_wait3A_636, %dma_wait3A_637] : memref<10240x128xf32, #tpu.memory_space<vmem_shared>> -> memref<32x128xf32, #tpu.memory_space<vmem_shared>>
        %dma_wait3A_639 = arith.constant 0 : i32
        %dma_wait3A_640 = arith.constant 0 : i32
        %dma_wait3A_641 = tpu.memref_slice %arg29[%dma_wait3A_639, %dma_wait3A_640] : memref<10240x128xf32, #tpu.memory_space<vmem_shared>> -> memref<32x128xf32, #tpu.memory_space<vmem_shared>>
        tpu.wait_dma2 semaphore(%arg34 : memref<!tpu.dma_semaphore, #tpu.memory_space<semaphore_mem>>) src(%arg24 : memref<32x128xf32, #tpu.memory_space<vmem>>) dst(%dma_wait3A_641 : memref<32x128xf32, #tpu.memory_space<vmem_shared>>)
        %dma_wait3A_642 = arith.constant 0 : i32
        %dma_wait3A_643 = arith.constant 0 : i32
        %dma_wait3A_644 = tpu.memref_slice %arg30[%dma_wait3A_642, %dma_wait3A_643] : memref<10240x16xf32, #tpu.memory_space<vmem_shared>> -> memref<32x16xf32, #tpu.memory_space<vmem_shared>>
        %dma_wait3A_645 = arith.constant 0 : i32
        %dma_wait3A_646 = arith.constant 0 : i32
        %dma_wait3A_647 = tpu.memref_slice %arg30[%dma_wait3A_645, %dma_wait3A_646] : memref<10240x16xf32, #tpu.memory_space<vmem_shared>> -> memref<32x16xf32, #tpu.memory_space<vmem_shared>>
        tpu.wait_dma2 semaphore(%arg34 : memref<!tpu.dma_semaphore, #tpu.memory_space<semaphore_mem>>) src(%arg26 : memref<32x16xf32, #tpu.memory_space<vmem>>) dst(%dma_wait3A_647 : memref<32x16xf32, #tpu.memory_space<vmem_shared>>)
        %dma_wait3A_648 = arith.constant 0 : i32
        %dma_wait3A_649 = arith.constant 0 : i32
        %dma_wait3A_650 = tpu.memref_slice %arg2[%dma_wait3A_648, %dma_wait3A_649] : memref<10240x128xf32, #tpu.memory_space<hbm>> -> memref<32x128xf32, #tpu.memory_space<hbm>>
        %dma_wait3A_651 = arith.constant 0 : i32
        %dma_wait3A_652 = arith.constant 0 : i32
        %dma_wait3A_653 = tpu.memref_slice %arg2[%dma_wait3A_651, %dma_wait3A_652] : memref<10240x128xf32, #tpu.memory_space<hbm>> -> memref<32x128xf32, #tpu.memory_space<hbm>>
        tpu.wait_dma2 semaphore(%arg32 : memref<!tpu.dma_semaphore, #tpu.memory_space<semaphore_mem>>) src(%dma_wait3A_653 : memref<32x128xf32, #tpu.memory_space<hbm>>) dst(%arg18 : memref<32x128xf32, #tpu.memory_space<vmem>>)
        %dma_wait3A_654 = arith.constant 0 : i32
        %dma_wait3A_655 = arith.constant 0 : i32
        %dma_wait3A_656 = tpu.memref_slice %arg3[%dma_wait3A_654, %dma_wait3A_655] : memref<120000x128xf32, #tpu.memory_space<hbm>> -> memref<32x128xf32, #tpu.memory_space<hbm>>
        %dma_wait3A_657 = arith.constant 0 : i32
        %dma_wait3A_658 = arith.constant 0 : i32
        %dma_wait3A_659 = tpu.memref_slice %arg3[%dma_wait3A_657, %dma_wait3A_658] : memref<120000x128xf32, #tpu.memory_space<hbm>> -> memref<32x128xf32, #tpu.memory_space<hbm>>
        tpu.wait_dma2 semaphore(%arg32 : memref<!tpu.dma_semaphore, #tpu.memory_space<semaphore_mem>>) src(%dma_wait3A_659 : memref<32x128xf32, #tpu.memory_space<hbm>>) dst(%arg20 : memref<32x128xf32, #tpu.memory_space<vmem>>)
        %dma_wait3A_660 = arith.constant 0 : i32
        %dma_wait3A_661 = arith.constant 0 : i32
        %dma_wait3A_662 = tpu.memref_slice %arg4[%dma_wait3A_660, %dma_wait3A_661] : memref<40000x128xf32, #tpu.memory_space<hbm>> -> memref<32x128xf32, #tpu.memory_space<hbm>>
        %dma_wait3A_663 = arith.constant 0 : i32
        %dma_wait3A_664 = arith.constant 0 : i32
        %dma_wait3A_665 = tpu.memref_slice %arg4[%dma_wait3A_663, %dma_wait3A_664] : memref<40000x128xf32, #tpu.memory_space<hbm>> -> memref<32x128xf32, #tpu.memory_space<hbm>>
        tpu.wait_dma2 semaphore(%arg32 : memref<!tpu.dma_semaphore, #tpu.memory_space<semaphore_mem>>) src(%dma_wait3A_665 : memref<32x128xf32, #tpu.memory_space<hbm>>) dst(%arg22 : memref<32x128xf32, #tpu.memory_space<vmem>>)
        %mul3A_666 = arith.constant 32 : i32
        %mul3A_667 = arith.muli %add3A_635, %mul3A_666 : i32
        %multiple_of3A_668 = tpu.assume_multiple %mul3A_667, 32 : i32
        %add3A_669 = arith.constant 0 : i32
        %add3A_670 = arith.addi %multiple_of3A_668, %add3A_669 : i32
        %get3A_671 = arith.index_cast %add3A_670 : i32 to index
        %get3A_672 = tpu.vector_load %arg11[%get3A_671] {strides = array<i32>} : memref<512xi32, #tpu.memory_space<vmem>>, vector<16xi32>,
        %swap3A_673 = arith.constant 0 : index
        %swap3A_674 = tpu.vector_load %arg28[%swap3A_673] {strides = array<i32>} : memref<32xi32, #tpu.memory_space<vmem>>, vector<16xi32>,
        tpu.vector_store %arg28[%swap3A_673], %get3A_672 {strides = array<i32>} : memref<32xi32, #tpu.memory_space<vmem>>, vector<16xi32>,
        %add3A_675 = arith.constant 16 : i32
        %add3A_676 = arith.addi %multiple_of3A_668, %add3A_675 : i32
        %get3A_677 = arith.index_cast %add3A_676 : i32 to index
        %get3A_678 = tpu.vector_load %arg11[%get3A_677] {strides = array<i32>} : memref<512xi32, #tpu.memory_space<vmem>>, vector<16xi32>,
        %swap3A_679 = arith.constant 16 : index
        %swap3A_680 = tpu.vector_load %arg28[%swap3A_679] {strides = array<i32>} : memref<32xi32, #tpu.memory_space<vmem>>, vector<16xi32>,
        tpu.vector_store %arg28[%swap3A_679], %get3A_678 {strides = array<i32>} : memref<32xi32, #tpu.memory_space<vmem>>, vector<16xi32>,
        %add3A_681 = arith.constant 0 : i32
        %add3A_682 = vector.broadcast %add3A_681 : i32 to vector<16xi32>
        %add3A_683 = arith.addi %iota3A, %add3A_682 : vector<16xi32>
        %scan3A_684 = arith.constant 0 : i32
        %scan3A_685 = arith.constant 16 : i32
        %scan3A_686 = arith.addi %scan3A_684, %scan3A_685 : i32
        %scan3A_687 = arith.constant 1 : i32
        %scan3A_688:8 = scf.for %scan3A_776 = %scan3A_684 to %scan3A_686 step %scan3A_687 iter_args(%scan3A_777 = %broadcast_in_dim3A_3, %scan3A_778 = %broadcast_in_dim3A_3, %scan3A_779 = %broadcast_in_dim3A_3, %scan3A_780 = %broadcast_in_dim3A_3, %scan3A_781 = %broadcast_in_dim3A_3, %scan3A_782 = %broadcast_in_dim3A_3, %scan3A_783 = %broadcast_in_dim3A_3, %scan3A_784 = %broadcast_in_dim3A_3) -> (vector<16xf32>, vector<16xf32>, vector<16xf32>, vector<16xf32>, vector<16xf32>, vector<16xf32>, vector<16xf32>, vector<16xf32>)  : i32 {
          %broadcast_in_dim3A_785 = arith.constant 0 : i32
          %broadcast_in_dim3A_786 = vector.broadcast %broadcast_in_dim3A_785 : i32 to vector<16xi32>
          %add3A_787 = vector.broadcast %scan3A_776 : i32 to vector<16xi32>
          %add3A_788 = arith.addi %broadcast_in_dim3A_786, %add3A_787 : vector<16xi32>
          %gather3A = tpu.vector_load_idx %arg18[%add3A_683, %add3A_788] : memref<32x128xf32, #tpu.memory_space<vmem>>[vector<16xi32>, vector<16xi32>], vector<16xf32>,
          %gather3A_789 = tpu.vector_load_idx %arg20[%add3A_683, %add3A_788] : memref<32x128xf32, #tpu.memory_space<vmem>>[vector<16xi32>, vector<16xi32>], vector<16xf32>,
          %mul3A_790 = arith.mulf %gather3A, %gather3A_789 : vector<16xf32>
          %add3A_791 = arith.addf %scan3A_777, %mul3A_790 : vector<16xf32>
          %broadcast_in_dim3A_792 = arith.constant 16 : i32
          %broadcast_in_dim3A_793 = vector.broadcast %broadcast_in_dim3A_792 : i32 to vector<16xi32>
          %add3A_794 = vector.broadcast %scan3A_776 : i32 to vector<16xi32>
          %add3A_795 = arith.addi %broadcast_in_dim3A_793, %add3A_794 : vector<16xi32>
          %gather3A_796 = tpu.vector_load_idx %arg18[%add3A_683, %add3A_795] : memref<32x128xf32, #tpu.memory_space<vmem>>[vector<16xi32>, vector<16xi32>], vector<16xf32>,
          %gather3A_797 = tpu.vector_load_idx %arg20[%add3A_683, %add3A_795] : memref<32x128xf32, #tpu.memory_space<vmem>>[vector<16xi32>, vector<16xi32>], vector<16xf32>,
          %mul3A_798 = arith.mulf %gather3A_796, %gather3A_797 : vector<16xf32>
          %add3A_799 = arith.addf %scan3A_778, %mul3A_798 : vector<16xf32>
          %broadcast_in_dim3A_800 = arith.constant 32 : i32
          %broadcast_in_dim3A_801 = vector.broadcast %broadcast_in_dim3A_800 : i32 to vector<16xi32>
          %add3A_802 = vector.broadcast %scan3A_776 : i32 to vector<16xi32>
          %add3A_803 = arith.addi %broadcast_in_dim3A_801, %add3A_802 : vector<16xi32>
          %gather3A_804 = tpu.vector_load_idx %arg18[%add3A_683, %add3A_803] : memref<32x128xf32, #tpu.memory_space<vmem>>[vector<16xi32>, vector<16xi32>], vector<16xf32>,
          %gather3A_805 = tpu.vector_load_idx %arg20[%add3A_683, %add3A_803] : memref<32x128xf32, #tpu.memory_space<vmem>>[vector<16xi32>, vector<16xi32>], vector<16xf32>,
          %mul3A_806 = arith.mulf %gather3A_804, %gather3A_805 : vector<16xf32>
          %add3A_807 = arith.addf %scan3A_779, %mul3A_806 : vector<16xf32>
          %broadcast_in_dim3A_808 = arith.constant 48 : i32
          %broadcast_in_dim3A_809 = vector.broadcast %broadcast_in_dim3A_808 : i32 to vector<16xi32>
          %add3A_810 = vector.broadcast %scan3A_776 : i32 to vector<16xi32>
          %add3A_811 = arith.addi %broadcast_in_dim3A_809, %add3A_810 : vector<16xi32>
          %gather3A_812 = tpu.vector_load_idx %arg18[%add3A_683, %add3A_811] : memref<32x128xf32, #tpu.memory_space<vmem>>[vector<16xi32>, vector<16xi32>], vector<16xf32>,
          %gather3A_813 = tpu.vector_load_idx %arg20[%add3A_683, %add3A_811] : memref<32x128xf32, #tpu.memory_space<vmem>>[vector<16xi32>, vector<16xi32>], vector<16xf32>,
          %mul3A_814 = arith.mulf %gather3A_812, %gather3A_813 : vector<16xf32>
          %add3A_815 = arith.addf %scan3A_780, %mul3A_814 : vector<16xf32>
          %broadcast_in_dim3A_816 = arith.constant 64 : i32
          %broadcast_in_dim3A_817 = vector.broadcast %broadcast_in_dim3A_816 : i32 to vector<16xi32>
          %add3A_818 = vector.broadcast %scan3A_776 : i32 to vector<16xi32>
          %add3A_819 = arith.addi %broadcast_in_dim3A_817, %add3A_818 : vector<16xi32>
          %gather3A_820 = tpu.vector_load_idx %arg18[%add3A_683, %add3A_819] : memref<32x128xf32, #tpu.memory_space<vmem>>[vector<16xi32>, vector<16xi32>], vector<16xf32>,
          %gather3A_821 = tpu.vector_load_idx %arg20[%add3A_683, %add3A_819] : memref<32x128xf32, #tpu.memory_space<vmem>>[vector<16xi32>, vector<16xi32>], vector<16xf32>,
          %mul3A_822 = arith.mulf %gather3A_820, %gather3A_821 : vector<16xf32>
          %add3A_823 = arith.addf %scan3A_781, %mul3A_822 : vector<16xf32>
          %broadcast_in_dim3A_824 = arith.constant 80 : i32
          %broadcast_in_dim3A_825 = vector.broadcast %broadcast_in_dim3A_824 : i32 to vector<16xi32>
          %add3A_826 = vector.broadcast %scan3A_776 : i32 to vector<16xi32>
          %add3A_827 = arith.addi %broadcast_in_dim3A_825, %add3A_826 : vector<16xi32>
          %gather3A_828 = tpu.vector_load_idx %arg18[%add3A_683, %add3A_827] : memref<32x128xf32, #tpu.memory_space<vmem>>[vector<16xi32>, vector<16xi32>], vector<16xf32>,
          %gather3A_829 = tpu.vector_load_idx %arg20[%add3A_683, %add3A_827] : memref<32x128xf32, #tpu.memory_space<vmem>>[vector<16xi32>, vector<16xi32>], vector<16xf32>,
          %mul3A_830 = arith.mulf %gather3A_828, %gather3A_829 : vector<16xf32>
          %add3A_831 = arith.addf %scan3A_782, %mul3A_830 : vector<16xf32>
          %broadcast_in_dim3A_832 = arith.constant 96 : i32
          %broadcast_in_dim3A_833 = vector.broadcast %broadcast_in_dim3A_832 : i32 to vector<16xi32>
          %add3A_834 = vector.broadcast %scan3A_776 : i32 to vector<16xi32>
          %add3A_835 = arith.addi %broadcast_in_dim3A_833, %add3A_834 : vector<16xi32>
          %gather3A_836 = tpu.vector_load_idx %arg18[%add3A_683, %add3A_835] : memref<32x128xf32, #tpu.memory_space<vmem>>[vector<16xi32>, vector<16xi32>], vector<16xf32>,
          %gather3A_837 = tpu.vector_load_idx %arg20[%add3A_683, %add3A_835] : memref<32x128xf32, #tpu.memory_space<vmem>>[vector<16xi32>, vector<16xi32>], vector<16xf32>,
          %mul3A_838 = arith.mulf %gather3A_836, %gather3A_837 : vector<16xf32>
          %add3A_839 = arith.addf %scan3A_783, %mul3A_838 : vector<16xf32>
          %broadcast_in_dim3A_840 = arith.constant 112 : i32
          %broadcast_in_dim3A_841 = vector.broadcast %broadcast_in_dim3A_840 : i32 to vector<16xi32>
          %add3A_842 = vector.broadcast %scan3A_776 : i32 to vector<16xi32>
          %add3A_843 = arith.addi %broadcast_in_dim3A_841, %add3A_842 : vector<16xi32>
          %gather3A_844 = tpu.vector_load_idx %arg18[%add3A_683, %add3A_843] : memref<32x128xf32, #tpu.memory_space<vmem>>[vector<16xi32>, vector<16xi32>], vector<16xf32>,
          %gather3A_845 = tpu.vector_load_idx %arg20[%add3A_683, %add3A_843] : memref<32x128xf32, #tpu.memory_space<vmem>>[vector<16xi32>, vector<16xi32>], vector<16xf32>,
          %mul3A_846 = arith.mulf %gather3A_844, %gather3A_845 : vector<16xf32>
          %add3A_847 = arith.addf %scan3A_784, %mul3A_846 : vector<16xf32>
          scf.yield %add3A_791, %add3A_799, %add3A_807, %add3A_815, %add3A_823, %add3A_831, %add3A_839, %add3A_847 : vector<16xf32>, vector<16xf32>, vector<16xf32>, vector<16xf32>, vector<16xf32>, vector<16xf32>, vector<16xf32>, vector<16xf32>
        }
        %scan3A_689 = arith.constant 16 : i32
        %broadcast_in_dim3A_690 = arith.constant 0 : i32
        %broadcast_in_dim3A_691 = vector.broadcast %broadcast_in_dim3A_690 : i32 to vector<16xi32>
        %exp3A_692 = math.exp %scan3A_688#0 : vector<16xf32>
        tpu.vector_store_idx %arg26[%add3A_683, %broadcast_in_dim3A_691], %exp3A_692 : memref<32x16xf32, #tpu.memory_space<vmem>>[vector<16xi32>, vector<16xi32>], vector<16xf32>,
        %broadcast_in_dim3A_693 = arith.constant 1 : i32
        %broadcast_in_dim3A_694 = vector.broadcast %broadcast_in_dim3A_693 : i32 to vector<16xi32>
        %exp3A_695 = math.exp %scan3A_688#1 : vector<16xf32>
        tpu.vector_store_idx %arg26[%add3A_683, %broadcast_in_dim3A_694], %exp3A_695 : memref<32x16xf32, #tpu.memory_space<vmem>>[vector<16xi32>, vector<16xi32>], vector<16xf32>,
        %broadcast_in_dim3A_696 = arith.constant 2 : i32
        %broadcast_in_dim3A_697 = vector.broadcast %broadcast_in_dim3A_696 : i32 to vector<16xi32>
        %exp3A_698 = math.exp %scan3A_688#2 : vector<16xf32>
        tpu.vector_store_idx %arg26[%add3A_683, %broadcast_in_dim3A_697], %exp3A_698 : memref<32x16xf32, #tpu.memory_space<vmem>>[vector<16xi32>, vector<16xi32>], vector<16xf32>,
        %broadcast_in_dim3A_699 = arith.constant 3 : i32
        %broadcast_in_dim3A_700 = vector.broadcast %broadcast_in_dim3A_699 : i32 to vector<16xi32>
        %exp3A_701 = math.exp %scan3A_688#3 : vector<16xf32>
        tpu.vector_store_idx %arg26[%add3A_683, %broadcast_in_dim3A_700], %exp3A_701 : memref<32x16xf32, #tpu.memory_space<vmem>>[vector<16xi32>, vector<16xi32>], vector<16xf32>,
        %broadcast_in_dim3A_702 = arith.constant 4 : i32
        %broadcast_in_dim3A_703 = vector.broadcast %broadcast_in_dim3A_702 : i32 to vector<16xi32>
        %exp3A_704 = math.exp %scan3A_688#4 : vector<16xf32>
        tpu.vector_store_idx %arg26[%add3A_683, %broadcast_in_dim3A_703], %exp3A_704 : memref<32x16xf32, #tpu.memory_space<vmem>>[vector<16xi32>, vector<16xi32>], vector<16xf32>,
        %broadcast_in_dim3A_705 = arith.constant 5 : i32
        %broadcast_in_dim3A_706 = vector.broadcast %broadcast_in_dim3A_705 : i32 to vector<16xi32>
        %exp3A_707 = math.exp %scan3A_688#5 : vector<16xf32>
        tpu.vector_store_idx %arg26[%add3A_683, %broadcast_in_dim3A_706], %exp3A_707 : memref<32x16xf32, #tpu.memory_space<vmem>>[vector<16xi32>, vector<16xi32>], vector<16xf32>,
        %broadcast_in_dim3A_708 = arith.constant 6 : i32
        %broadcast_in_dim3A_709 = vector.broadcast %broadcast_in_dim3A_708 : i32 to vector<16xi32>
        %exp3A_710 = math.exp %scan3A_688#6 : vector<16xf32>
        tpu.vector_store_idx %arg26[%add3A_683, %broadcast_in_dim3A_709], %exp3A_710 : memref<32x16xf32, #tpu.memory_space<vmem>>[vector<16xi32>, vector<16xi32>], vector<16xf32>,
        %broadcast_in_dim3A_711 = arith.constant 7 : i32
        %broadcast_in_dim3A_712 = vector.broadcast %broadcast_in_dim3A_711 : i32 to vector<16xi32>
        %exp3A_713 = math.exp %scan3A_688#7 : vector<16xf32>
        tpu.vector_store_idx %arg26[%add3A_683, %broadcast_in_dim3A_712], %exp3A_713 : memref<32x16xf32, #tpu.memory_space<vmem>>[vector<16xi32>, vector<16xi32>], vector<16xf32>,
        %add3A_714 = arith.constant 16 : i32
        %add3A_715 = vector.broadcast %add3A_714 : i32 to vector<16xi32>
        %add3A_716 = arith.addi %iota3A, %add3A_715 : vector<16xi32>
        %scan3A_717 = arith.constant 0 : i32
        %scan3A_718 = arith.constant 16 : i32
        %scan3A_719 = arith.addi %scan3A_717, %scan3A_718 : i32
        %scan3A_720 = arith.constant 1 : i32
        %scan3A_721:8 = scf.for %scan3A_776 = %scan3A_717 to %scan3A_719 step %scan3A_720 iter_args(%scan3A_777 = %broadcast_in_dim3A_3, %scan3A_778 = %broadcast_in_dim3A_3, %scan3A_779 = %broadcast_in_dim3A_3, %scan3A_780 = %broadcast_in_dim3A_3, %scan3A_781 = %broadcast_in_dim3A_3, %scan3A_782 = %broadcast_in_dim3A_3, %scan3A_783 = %broadcast_in_dim3A_3, %scan3A_784 = %broadcast_in_dim3A_3) -> (vector<16xf32>, vector<16xf32>, vector<16xf32>, vector<16xf32>, vector<16xf32>, vector<16xf32>, vector<16xf32>, vector<16xf32>)  : i32 {
          %broadcast_in_dim3A_785 = arith.constant 0 : i32
          %broadcast_in_dim3A_786 = vector.broadcast %broadcast_in_dim3A_785 : i32 to vector<16xi32>
          %add3A_787 = vector.broadcast %scan3A_776 : i32 to vector<16xi32>
          %add3A_788 = arith.addi %broadcast_in_dim3A_786, %add3A_787 : vector<16xi32>
          %gather3A = tpu.vector_load_idx %arg18[%add3A_716, %add3A_788] : memref<32x128xf32, #tpu.memory_space<vmem>>[vector<16xi32>, vector<16xi32>], vector<16xf32>,
          %gather3A_789 = tpu.vector_load_idx %arg20[%add3A_716, %add3A_788] : memref<32x128xf32, #tpu.memory_space<vmem>>[vector<16xi32>, vector<16xi32>], vector<16xf32>,
          %mul3A_790 = arith.mulf %gather3A, %gather3A_789 : vector<16xf32>
          %add3A_791 = arith.addf %scan3A_777, %mul3A_790 : vector<16xf32>
          %broadcast_in_dim3A_792 = arith.constant 16 : i32
          %broadcast_in_dim3A_793 = vector.broadcast %broadcast_in_dim3A_792 : i32 to vector<16xi32>
          %add3A_794 = vector.broadcast %scan3A_776 : i32 to vector<16xi32>
          %add3A_795 = arith.addi %broadcast_in_dim3A_793, %add3A_794 : vector<16xi32>
          %gather3A_796 = tpu.vector_load_idx %arg18[%add3A_716, %add3A_795] : memref<32x128xf32, #tpu.memory_space<vmem>>[vector<16xi32>, vector<16xi32>], vector<16xf32>,
          %gather3A_797 = tpu.vector_load_idx %arg20[%add3A_716, %add3A_795] : memref<32x128xf32, #tpu.memory_space<vmem>>[vector<16xi32>, vector<16xi32>], vector<16xf32>,
          %mul3A_798 = arith.mulf %gather3A_796, %gather3A_797 : vector<16xf32>
          %add3A_799 = arith.addf %scan3A_778, %mul3A_798 : vector<16xf32>
          %broadcast_in_dim3A_800 = arith.constant 32 : i32
          %broadcast_in_dim3A_801 = vector.broadcast %broadcast_in_dim3A_800 : i32 to vector<16xi32>
          %add3A_802 = vector.broadcast %scan3A_776 : i32 to vector<16xi32>
          %add3A_803 = arith.addi %broadcast_in_dim3A_801, %add3A_802 : vector<16xi32>
          %gather3A_804 = tpu.vector_load_idx %arg18[%add3A_716, %add3A_803] : memref<32x128xf32, #tpu.memory_space<vmem>>[vector<16xi32>, vector<16xi32>], vector<16xf32>,
          %gather3A_805 = tpu.vector_load_idx %arg20[%add3A_716, %add3A_803] : memref<32x128xf32, #tpu.memory_space<vmem>>[vector<16xi32>, vector<16xi32>], vector<16xf32>,
          %mul3A_806 = arith.mulf %gather3A_804, %gather3A_805 : vector<16xf32>
          %add3A_807 = arith.addf %scan3A_779, %mul3A_806 : vector<16xf32>
          %broadcast_in_dim3A_808 = arith.constant 48 : i32
          %broadcast_in_dim3A_809 = vector.broadcast %broadcast_in_dim3A_808 : i32 to vector<16xi32>
          %add3A_810 = vector.broadcast %scan3A_776 : i32 to vector<16xi32>
          %add3A_811 = arith.addi %broadcast_in_dim3A_809, %add3A_810 : vector<16xi32>
          %gather3A_812 = tpu.vector_load_idx %arg18[%add3A_716, %add3A_811] : memref<32x128xf32, #tpu.memory_space<vmem>>[vector<16xi32>, vector<16xi32>], vector<16xf32>,
          %gather3A_813 = tpu.vector_load_idx %arg20[%add3A_716, %add3A_811] : memref<32x128xf32, #tpu.memory_space<vmem>>[vector<16xi32>, vector<16xi32>], vector<16xf32>,
          %mul3A_814 = arith.mulf %gather3A_812, %gather3A_813 : vector<16xf32>
          %add3A_815 = arith.addf %scan3A_780, %mul3A_814 : vector<16xf32>
          %broadcast_in_dim3A_816 = arith.constant 64 : i32
          %broadcast_in_dim3A_817 = vector.broadcast %broadcast_in_dim3A_816 : i32 to vector<16xi32>
          %add3A_818 = vector.broadcast %scan3A_776 : i32 to vector<16xi32>
          %add3A_819 = arith.addi %broadcast_in_dim3A_817, %add3A_818 : vector<16xi32>
          %gather3A_820 = tpu.vector_load_idx %arg18[%add3A_716, %add3A_819] : memref<32x128xf32, #tpu.memory_space<vmem>>[vector<16xi32>, vector<16xi32>], vector<16xf32>,
          %gather3A_821 = tpu.vector_load_idx %arg20[%add3A_716, %add3A_819] : memref<32x128xf32, #tpu.memory_space<vmem>>[vector<16xi32>, vector<16xi32>], vector<16xf32>,
          %mul3A_822 = arith.mulf %gather3A_820, %gather3A_821 : vector<16xf32>
          %add3A_823 = arith.addf %scan3A_781, %mul3A_822 : vector<16xf32>
          %broadcast_in_dim3A_824 = arith.constant 80 : i32
          %broadcast_in_dim3A_825 = vector.broadcast %broadcast_in_dim3A_824 : i32 to vector<16xi32>
          %add3A_826 = vector.broadcast %scan3A_776 : i32 to vector<16xi32>
          %add3A_827 = arith.addi %broadcast_in_dim3A_825, %add3A_826 : vector<16xi32>
          %gather3A_828 = tpu.vector_load_idx %arg18[%add3A_716, %add3A_827] : memref<32x128xf32, #tpu.memory_space<vmem>>[vector<16xi32>, vector<16xi32>], vector<16xf32>,
          %gather3A_829 = tpu.vector_load_idx %arg20[%add3A_716, %add3A_827] : memref<32x128xf32, #tpu.memory_space<vmem>>[vector<16xi32>, vector<16xi32>], vector<16xf32>,
          %mul3A_830 = arith.mulf %gather3A_828, %gather3A_829 : vector<16xf32>
          %add3A_831 = arith.addf %scan3A_782, %mul3A_830 : vector<16xf32>
          %broadcast_in_dim3A_832 = arith.constant 96 : i32
          %broadcast_in_dim3A_833 = vector.broadcast %broadcast_in_dim3A_832 : i32 to vector<16xi32>
          %add3A_834 = vector.broadcast %scan3A_776 : i32 to vector<16xi32>
          %add3A_835 = arith.addi %broadcast_in_dim3A_833, %add3A_834 : vector<16xi32>
          %gather3A_836 = tpu.vector_load_idx %arg18[%add3A_716, %add3A_835] : memref<32x128xf32, #tpu.memory_space<vmem>>[vector<16xi32>, vector<16xi32>], vector<16xf32>,
          %gather3A_837 = tpu.vector_load_idx %arg20[%add3A_716, %add3A_835] : memref<32x128xf32, #tpu.memory_space<vmem>>[vector<16xi32>, vector<16xi32>], vector<16xf32>,
          %mul3A_838 = arith.mulf %gather3A_836, %gather3A_837 : vector<16xf32>
          %add3A_839 = arith.addf %scan3A_783, %mul3A_838 : vector<16xf32>
          %broadcast_in_dim3A_840 = arith.constant 112 : i32
          %broadcast_in_dim3A_841 = vector.broadcast %broadcast_in_dim3A_840 : i32 to vector<16xi32>
          %add3A_842 = vector.broadcast %scan3A_776 : i32 to vector<16xi32>
          %add3A_843 = arith.addi %broadcast_in_dim3A_841, %add3A_842 : vector<16xi32>
          %gather3A_844 = tpu.vector_load_idx %arg18[%add3A_716, %add3A_843] : memref<32x128xf32, #tpu.memory_space<vmem>>[vector<16xi32>, vector<16xi32>], vector<16xf32>,
          %gather3A_845 = tpu.vector_load_idx %arg20[%add3A_716, %add3A_843] : memref<32x128xf32, #tpu.memory_space<vmem>>[vector<16xi32>, vector<16xi32>], vector<16xf32>,
          %mul3A_846 = arith.mulf %gather3A_844, %gather3A_845 : vector<16xf32>
          %add3A_847 = arith.addf %scan3A_784, %mul3A_846 : vector<16xf32>
          scf.yield %add3A_791, %add3A_799, %add3A_807, %add3A_815, %add3A_823, %add3A_831, %add3A_839, %add3A_847 : vector<16xf32>, vector<16xf32>, vector<16xf32>, vector<16xf32>, vector<16xf32>, vector<16xf32>, vector<16xf32>, vector<16xf32>
        }
        %scan3A_722 = arith.constant 16 : i32
        %broadcast_in_dim3A_723 = arith.constant 0 : i32
        %broadcast_in_dim3A_724 = vector.broadcast %broadcast_in_dim3A_723 : i32 to vector<16xi32>
        %exp3A_725 = math.exp %scan3A_721#0 : vector<16xf32>
        tpu.vector_store_idx %arg26[%add3A_716, %broadcast_in_dim3A_724], %exp3A_725 : memref<32x16xf32, #tpu.memory_space<vmem>>[vector<16xi32>, vector<16xi32>], vector<16xf32>,
        %broadcast_in_dim3A_726 = arith.constant 1 : i32
        %broadcast_in_dim3A_727 = vector.broadcast %broadcast_in_dim3A_726 : i32 to vector<16xi32>
        %exp3A_728 = math.exp %scan3A_721#1 : vector<16xf32>
        tpu.vector_store_idx %arg26[%add3A_716, %broadcast_in_dim3A_727], %exp3A_728 : memref<32x16xf32, #tpu.memory_space<vmem>>[vector<16xi32>, vector<16xi32>], vector<16xf32>,
        %broadcast_in_dim3A_729 = arith.constant 2 : i32
        %broadcast_in_dim3A_730 = vector.broadcast %broadcast_in_dim3A_729 : i32 to vector<16xi32>
        %exp3A_731 = math.exp %scan3A_721#2 : vector<16xf32>
        tpu.vector_store_idx %arg26[%add3A_716, %broadcast_in_dim3A_730], %exp3A_731 : memref<32x16xf32, #tpu.memory_space<vmem>>[vector<16xi32>, vector<16xi32>], vector<16xf32>,
        %broadcast_in_dim3A_732 = arith.constant 3 : i32
        %broadcast_in_dim3A_733 = vector.broadcast %broadcast_in_dim3A_732 : i32 to vector<16xi32>
        %exp3A_734 = math.exp %scan3A_721#3 : vector<16xf32>
        tpu.vector_store_idx %arg26[%add3A_716, %broadcast_in_dim3A_733], %exp3A_734 : memref<32x16xf32, #tpu.memory_space<vmem>>[vector<16xi32>, vector<16xi32>], vector<16xf32>,
        %broadcast_in_dim3A_735 = arith.constant 4 : i32
        %broadcast_in_dim3A_736 = vector.broadcast %broadcast_in_dim3A_735 : i32 to vector<16xi32>
        %exp3A_737 = math.exp %scan3A_721#4 : vector<16xf32>
        tpu.vector_store_idx %arg26[%add3A_716, %broadcast_in_dim3A_736], %exp3A_737 : memref<32x16xf32, #tpu.memory_space<vmem>>[vector<16xi32>, vector<16xi32>], vector<16xf32>,
        %broadcast_in_dim3A_738 = arith.constant 5 : i32
        %broadcast_in_dim3A_739 = vector.broadcast %broadcast_in_dim3A_738 : i32 to vector<16xi32>
        %exp3A_740 = math.exp %scan3A_721#5 : vector<16xf32>
        tpu.vector_store_idx %arg26[%add3A_716, %broadcast_in_dim3A_739], %exp3A_740 : memref<32x16xf32, #tpu.memory_space<vmem>>[vector<16xi32>, vector<16xi32>], vector<16xf32>,
        %broadcast_in_dim3A_741 = arith.constant 6 : i32
        %broadcast_in_dim3A_742 = vector.broadcast %broadcast_in_dim3A_741 : i32 to vector<16xi32>
        %exp3A_743 = math.exp %scan3A_721#6 : vector<16xf32>
        tpu.vector_store_idx %arg26[%add3A_716, %broadcast_in_dim3A_742], %exp3A_743 : memref<32x16xf32, #tpu.memory_space<vmem>>[vector<16xi32>, vector<16xi32>], vector<16xf32>,
        %broadcast_in_dim3A_744 = arith.constant 7 : i32
        %broadcast_in_dim3A_745 = vector.broadcast %broadcast_in_dim3A_744 : i32 to vector<16xi32>
        %exp3A_746 = math.exp %scan3A_721#7 : vector<16xf32>
        tpu.vector_store_idx %arg26[%add3A_716, %broadcast_in_dim3A_745], %exp3A_746 : memref<32x16xf32, #tpu.memory_space<vmem>>[vector<16xi32>, vector<16xi32>], vector<16xf32>,
        %scan3A_747 = arith.constant 0 : i32
        %scan3A_748 = arith.constant 0 : i32
        %scan3A_749 = arith.constant 32 : i32
        %scan3A_750 = arith.addi %scan3A_748, %scan3A_749 : i32
        %scan3A_751 = arith.constant 1 : i32
        scf.for %scan3A_776 = %scan3A_748 to %scan3A_750 step %scan3A_751  : i32 {
          %broadcast_in_dim3A_777 = vector.broadcast %scan3A_776 : i32 to vector<16xi32>
          %broadcast_in_dim3A_778 = arith.constant 0 : i32
          %broadcast_in_dim3A_779 = vector.broadcast %broadcast_in_dim3A_778 : i32 to vector<16xi32>
          %gather3A = tpu.vector_load_idx %arg26[%broadcast_in_dim3A_777, %broadcast_in_dim3A_779] : memref<32x16xf32, #tpu.memory_space<vmem>>[vector<16xi32>, vector<16xi32>], vector<16xf32>,
          %get3A_780 = arith.index_cast %scan3A_776 : i32 to index
          %get3A_781 = arith.constant 0 : index
          %get3A_782 = tpu.vector_load %arg22[%get3A_780, %get3A_781] {strides = array<i32>} : memref<32x128xf32, #tpu.memory_space<vmem>>, vector<16xf32>,
          %mul3A_783 = arith.mulf %get3A_782, %gather3A : vector<16xf32>
          %swap3A_784 = arith.index_cast %scan3A_776 : i32 to index
          %swap3A_785 = arith.constant 0 : index
          %swap3A_786 = tpu.vector_load %arg24[%swap3A_784, %swap3A_785] {strides = array<i32>} : memref<32x128xf32, #tpu.memory_space<vmem>>, vector<16xf32>,
          tpu.vector_store %arg24[%swap3A_784, %swap3A_785], %mul3A_783 {strides = array<i32>} : memref<32x128xf32, #tpu.memory_space<vmem>>, vector<16xf32>,
          %broadcast_in_dim3A_787 = vector.broadcast %scan3A_776 : i32 to vector<16xi32>
          %broadcast_in_dim3A_788 = arith.constant 1 : i32
          %broadcast_in_dim3A_789 = vector.broadcast %broadcast_in_dim3A_788 : i32 to vector<16xi32>
          %gather3A_790 = tpu.vector_load_idx %arg26[%broadcast_in_dim3A_787, %broadcast_in_dim3A_789] : memref<32x16xf32, #tpu.memory_space<vmem>>[vector<16xi32>, vector<16xi32>], vector<16xf32>,
          %get3A_791 = arith.index_cast %scan3A_776 : i32 to index
          %get3A_792 = arith.constant 16 : index
          %get3A_793 = tpu.vector_load %arg22[%get3A_791, %get3A_792] {strides = array<i32>} : memref<32x128xf32, #tpu.memory_space<vmem>>, vector<16xf32>,
          %mul3A_794 = arith.mulf %get3A_793, %gather3A_790 : vector<16xf32>
          %swap3A_795 = arith.index_cast %scan3A_776 : i32 to index
          %swap3A_796 = arith.constant 16 : index
          %swap3A_797 = tpu.vector_load %arg24[%swap3A_795, %swap3A_796] {strides = array<i32>} : memref<32x128xf32, #tpu.memory_space<vmem>>, vector<16xf32>,
          tpu.vector_store %arg24[%swap3A_795, %swap3A_796], %mul3A_794 {strides = array<i32>} : memref<32x128xf32, #tpu.memory_space<vmem>>, vector<16xf32>,
          %broadcast_in_dim3A_798 = vector.broadcast %scan3A_776 : i32 to vector<16xi32>
          %broadcast_in_dim3A_799 = arith.constant 2 : i32
          %broadcast_in_dim3A_800 = vector.broadcast %broadcast_in_dim3A_799 : i32 to vector<16xi32>
          %gather3A_801 = tpu.vector_load_idx %arg26[%broadcast_in_dim3A_798, %broadcast_in_dim3A_800] : memref<32x16xf32, #tpu.memory_space<vmem>>[vector<16xi32>, vector<16xi32>], vector<16xf32>,
          %get3A_802 = arith.index_cast %scan3A_776 : i32 to index
          %get3A_803 = arith.constant 32 : index
          %get3A_804 = tpu.vector_load %arg22[%get3A_802, %get3A_803] {strides = array<i32>} : memref<32x128xf32, #tpu.memory_space<vmem>>, vector<16xf32>,
          %mul3A_805 = arith.mulf %get3A_804, %gather3A_801 : vector<16xf32>
          %swap3A_806 = arith.index_cast %scan3A_776 : i32 to index
          %swap3A_807 = arith.constant 32 : index
          %swap3A_808 = tpu.vector_load %arg24[%swap3A_806, %swap3A_807] {strides = array<i32>} : memref<32x128xf32, #tpu.memory_space<vmem>>, vector<16xf32>,
          tpu.vector_store %arg24[%swap3A_806, %swap3A_807], %mul3A_805 {strides = array<i32>} : memref<32x128xf32, #tpu.memory_space<vmem>>, vector<16xf32>,
          %broadcast_in_dim3A_809 = vector.broadcast %scan3A_776 : i32 to vector<16xi32>
          %broadcast_in_dim3A_810 = arith.constant 3 : i32
          %broadcast_in_dim3A_811 = vector.broadcast %broadcast_in_dim3A_810 : i32 to vector<16xi32>
          %gather3A_812 = tpu.vector_load_idx %arg26[%broadcast_in_dim3A_809, %broadcast_in_dim3A_811] : memref<32x16xf32, #tpu.memory_space<vmem>>[vector<16xi32>, vector<16xi32>], vector<16xf32>,
          %get3A_813 = arith.index_cast %scan3A_776 : i32 to index
          %get3A_814 = arith.constant 48 : index
          %get3A_815 = tpu.vector_load %arg22[%get3A_813, %get3A_814] {strides = array<i32>} : memref<32x128xf32, #tpu.memory_space<vmem>>, vector<16xf32>,
          %mul3A_816 = arith.mulf %get3A_815, %gather3A_812 : vector<16xf32>
          %swap3A_817 = arith.index_cast %scan3A_776 : i32 to index
          %swap3A_818 = arith.constant 48 : index
          %swap3A_819 = tpu.vector_load %arg24[%swap3A_817, %swap3A_818] {strides = array<i32>} : memref<32x128xf32, #tpu.memory_space<vmem>>, vector<16xf32>,
          tpu.vector_store %arg24[%swap3A_817, %swap3A_818], %mul3A_816 {strides = array<i32>} : memref<32x128xf32, #tpu.memory_space<vmem>>, vector<16xf32>,
          %broadcast_in_dim3A_820 = vector.broadcast %scan3A_776 : i32 to vector<16xi32>
          %broadcast_in_dim3A_821 = arith.constant 4 : i32
          %broadcast_in_dim3A_822 = vector.broadcast %broadcast_in_dim3A_821 : i32 to vector<16xi32>
          %gather3A_823 = tpu.vector_load_idx %arg26[%broadcast_in_dim3A_820, %broadcast_in_dim3A_822] : memref<32x16xf32, #tpu.memory_space<vmem>>[vector<16xi32>, vector<16xi32>], vector<16xf32>,
          %get3A_824 = arith.index_cast %scan3A_776 : i32 to index
          %get3A_825 = arith.constant 64 : index
          %get3A_826 = tpu.vector_load %arg22[%get3A_824, %get3A_825] {strides = array<i32>} : memref<32x128xf32, #tpu.memory_space<vmem>>, vector<16xf32>,
          %mul3A_827 = arith.mulf %get3A_826, %gather3A_823 : vector<16xf32>
          %swap3A_828 = arith.index_cast %scan3A_776 : i32 to index
          %swap3A_829 = arith.constant 64 : index
          %swap3A_830 = tpu.vector_load %arg24[%swap3A_828, %swap3A_829] {strides = array<i32>} : memref<32x128xf32, #tpu.memory_space<vmem>>, vector<16xf32>,
          tpu.vector_store %arg24[%swap3A_828, %swap3A_829], %mul3A_827 {strides = array<i32>} : memref<32x128xf32, #tpu.memory_space<vmem>>, vector<16xf32>,
          %broadcast_in_dim3A_831 = vector.broadcast %scan3A_776 : i32 to vector<16xi32>
          %broadcast_in_dim3A_832 = arith.constant 5 : i32
          %broadcast_in_dim3A_833 = vector.broadcast %broadcast_in_dim3A_832 : i32 to vector<16xi32>
          %gather3A_834 = tpu.vector_load_idx %arg26[%broadcast_in_dim3A_831, %broadcast_in_dim3A_833] : memref<32x16xf32, #tpu.memory_space<vmem>>[vector<16xi32>, vector<16xi32>], vector<16xf32>,
          %get3A_835 = arith.index_cast %scan3A_776 : i32 to index
          %get3A_836 = arith.constant 80 : index
          %get3A_837 = tpu.vector_load %arg22[%get3A_835, %get3A_836] {strides = array<i32>} : memref<32x128xf32, #tpu.memory_space<vmem>>, vector<16xf32>,
          %mul3A_838 = arith.mulf %get3A_837, %gather3A_834 : vector<16xf32>
          %swap3A_839 = arith.index_cast %scan3A_776 : i32 to index
          %swap3A_840 = arith.constant 80 : index
          %swap3A_841 = tpu.vector_load %arg24[%swap3A_839, %swap3A_840] {strides = array<i32>} : memref<32x128xf32, #tpu.memory_space<vmem>>, vector<16xf32>,
          tpu.vector_store %arg24[%swap3A_839, %swap3A_840], %mul3A_838 {strides = array<i32>} : memref<32x128xf32, #tpu.memory_space<vmem>>, vector<16xf32>,
          %broadcast_in_dim3A_842 = vector.broadcast %scan3A_776 : i32 to vector<16xi32>
          %broadcast_in_dim3A_843 = arith.constant 6 : i32
          %broadcast_in_dim3A_844 = vector.broadcast %broadcast_in_dim3A_843 : i32 to vector<16xi32>
          %gather3A_845 = tpu.vector_load_idx %arg26[%broadcast_in_dim3A_842, %broadcast_in_dim3A_844] : memref<32x16xf32, #tpu.memory_space<vmem>>[vector<16xi32>, vector<16xi32>], vector<16xf32>,
          %get3A_846 = arith.index_cast %scan3A_776 : i32 to index
          %get3A_847 = arith.constant 96 : index
          %get3A_848 = tpu.vector_load %arg22[%get3A_846, %get3A_847] {strides = array<i32>} : memref<32x128xf32, #tpu.memory_space<vmem>>, vector<16xf32>,
          %mul3A_849 = arith.mulf %get3A_848, %gather3A_845 : vector<16xf32>
          %swap3A_850 = arith.index_cast %scan3A_776 : i32 to index
          %swap3A_851 = arith.constant 96 : index
          %swap3A_852 = tpu.vector_load %arg24[%swap3A_850, %swap3A_851] {strides = array<i32>} : memref<32x128xf32, #tpu.memory_space<vmem>>, vector<16xf32>,
          tpu.vector_store %arg24[%swap3A_850, %swap3A_851], %mul3A_849 {strides = array<i32>} : memref<32x128xf32, #tpu.memory_space<vmem>>, vector<16xf32>,
          %broadcast_in_dim3A_853 = vector.broadcast %scan3A_776 : i32 to vector<16xi32>
          %broadcast_in_dim3A_854 = arith.constant 7 : i32
          %broadcast_in_dim3A_855 = vector.broadcast %broadcast_in_dim3A_854 : i32 to vector<16xi32>
          %gather3A_856 = tpu.vector_load_idx %arg26[%broadcast_in_dim3A_853, %broadcast_in_dim3A_855] : memref<32x16xf32, #tpu.memory_space<vmem>>[vector<16xi32>, vector<16xi32>], vector<16xf32>,
          %get3A_857 = arith.index_cast %scan3A_776 : i32 to index
          %get3A_858 = arith.constant 112 : index
          %get3A_859 = tpu.vector_load %arg22[%get3A_857, %get3A_858] {strides = array<i32>} : memref<32x128xf32, #tpu.memory_space<vmem>>, vector<16xf32>,
          %mul3A_860 = arith.mulf %get3A_859, %gather3A_856 : vector<16xf32>
          %swap3A_861 = arith.index_cast %scan3A_776 : i32 to index
          %swap3A_862 = arith.constant 112 : index
          %swap3A_863 = tpu.vector_load %arg24[%swap3A_861, %swap3A_862] {strides = array<i32>} : memref<32x128xf32, #tpu.memory_space<vmem>>, vector<16xf32>,
          tpu.vector_store %arg24[%swap3A_861, %swap3A_862], %mul3A_860 {strides = array<i32>} : memref<32x128xf32, #tpu.memory_space<vmem>>, vector<16xf32>,
        }
        %scan3A_752 = arith.constant 32 : i32
        %dma_start3A_753 = arith.constant 0 : i32
        %dma_start3A_754 = arith.constant 0 : i32
        %dma_start3A_755 = tpu.memref_slice %arg29[%dma_start3A_753, %dma_start3A_754] : memref<10240x128xf32, #tpu.memory_space<vmem_shared>> -> memref<10240x128xf32, #tpu.memory_space<vmem_shared>>
        tpu.enqueue_indirect_dma source(%arg24 : memref<32x128xf32, #tpu.memory_space<vmem>>) target(%dma_start3A_755 : memref<10240x128xf32, #tpu.memory_space<vmem_shared>>) offsets(%arg28 : memref<32xi32, #tpu.memory_space<vmem>>) semaphore(%arg34 : memref<!tpu.dma_semaphore, #tpu.memory_space<semaphore_mem>>) {add = true}
        %dma_start3A_756 = arith.constant 0 : i32
        %dma_start3A_757 = arith.constant 0 : i32
        %dma_start3A_758 = tpu.memref_slice %arg30[%dma_start3A_756, %dma_start3A_757] : memref<10240x16xf32, #tpu.memory_space<vmem_shared>> -> memref<10240x16xf32, #tpu.memory_space<vmem_shared>>
        tpu.enqueue_indirect_dma source(%arg26 : memref<32x16xf32, #tpu.memory_space<vmem>>) target(%dma_start3A_758 : memref<10240x16xf32, #tpu.memory_space<vmem_shared>>) offsets(%arg28 : memref<32xi32, #tpu.memory_space<vmem>>) semaphore(%arg34 : memref<!tpu.dma_semaphore, #tpu.memory_space<semaphore_mem>>) {add = true}
        %add3A_759 = arith.constant 2 : i32
        %add3A_760 = arith.addi %add3A_635, %add3A_759 : i32
        %mul3A_761 = arith.constant 32 : i32
        %mul3A_762 = arith.muli %add3A_760, %mul3A_761 : i32
        %multiple_of3A_763 = tpu.assume_multiple %mul3A_762, 32 : i32
        %dma_start3A_764 = tpu.memref_slice %arg11[%multiple_of3A_763] : memref<512xi32, #tpu.memory_space<vmem>> -> memref<32xi32, #tpu.memory_space<vmem>>
        %dma_start3A_765 = arith.constant 0 : i32
        %dma_start3A_766 = arith.constant 0 : i32
        %dma_start3A_767 = tpu.memref_slice %arg2[%dma_start3A_765, %dma_start3A_766] : memref<10240x128xf32, #tpu.memory_space<hbm>> -> memref<10240x128xf32, #tpu.memory_space<hbm>>
        tpu.enqueue_indirect_dma source(%dma_start3A_767 : memref<10240x128xf32, #tpu.memory_space<hbm>>) target(%arg18 : memref<32x128xf32, #tpu.memory_space<vmem>>) offsets(%dma_start3A_764 : memref<32xi32, #tpu.memory_space<vmem>>) semaphore(%arg32 : memref<!tpu.dma_semaphore, #tpu.memory_space<semaphore_mem>>)
        %dma_start3A_768 = tpu.memref_slice %arg15[%multiple_of3A_763] : memref<512xi32, #tpu.memory_space<vmem>> -> memref<32xi32, #tpu.memory_space<vmem>>
        %dma_start3A_769 = arith.constant 0 : i32
        %dma_start3A_770 = arith.constant 0 : i32
        %dma_start3A_771 = tpu.memref_slice %arg3[%dma_start3A_769, %dma_start3A_770] : memref<120000x128xf32, #tpu.memory_space<hbm>> -> memref<120000x128xf32, #tpu.memory_space<hbm>>
        tpu.enqueue_indirect_dma source(%dma_start3A_771 : memref<120000x128xf32, #tpu.memory_space<hbm>>) target(%arg20 : memref<32x128xf32, #tpu.memory_space<vmem>>) offsets(%dma_start3A_768 : memref<32xi32, #tpu.memory_space<vmem>>) semaphore(%arg32 : memref<!tpu.dma_semaphore, #tpu.memory_space<semaphore_mem>>)
        %dma_start3A_772 = tpu.memref_slice %arg16[%multiple_of3A_763] : memref<512xi32, #tpu.memory_space<vmem>> -> memref<32xi32, #tpu.memory_space<vmem>>
        %dma_start3A_773 = arith.constant 0 : i32
        %dma_start3A_774 = arith.constant 0 : i32
        %dma_start3A_775 = tpu.memref_slice %arg4[%dma_start3A_773, %dma_start3A_774] : memref<40000x128xf32, #tpu.memory_space<hbm>> -> memref<40000x128xf32, #tpu.memory_space<hbm>>
        tpu.enqueue_indirect_dma source(%dma_start3A_775 : memref<40000x128xf32, #tpu.memory_space<hbm>>) target(%arg22 : memref<32x128xf32, #tpu.memory_space<vmem>>) offsets(%dma_start3A_772 : memref<32xi32, #tpu.memory_space<vmem>>) semaphore(%arg32 : memref<!tpu.dma_semaphore, #tpu.memory_space<semaphore_mem>>)
      }
      %scan3A_244 = arith.constant 7 : i32
      %dma_wait3A_245 = arith.constant 0 : i32
      %dma_wait3A_246 = arith.constant 0 : i32
      %dma_wait3A_247 = tpu.memref_slice %arg29[%dma_wait3A_245, %dma_wait3A_246] : memref<10240x128xf32, #tpu.memory_space<vmem_shared>> -> memref<32x128xf32, #tpu.memory_space<vmem_shared>>
      %dma_wait3A_248 = arith.constant 0 : i32
      %dma_wait3A_249 = arith.constant 0 : i32
      %dma_wait3A_250 = tpu.memref_slice %arg29[%dma_wait3A_248, %dma_wait3A_249] : memref<10240x128xf32, #tpu.memory_space<vmem_shared>> -> memref<32x128xf32, #tpu.memory_space<vmem_shared>>
      tpu.wait_dma2 semaphore(%arg33 : memref<!tpu.dma_semaphore, #tpu.memory_space<semaphore_mem>>) src(%arg23 : memref<32x128xf32, #tpu.memory_space<vmem>>) dst(%dma_wait3A_250 : memref<32x128xf32, #tpu.memory_space<vmem_shared>>)
      %dma_wait3A_251 = arith.constant 0 : i32
      %dma_wait3A_252 = arith.constant 0 : i32
      %dma_wait3A_253 = tpu.memref_slice %arg30[%dma_wait3A_251, %dma_wait3A_252] : memref<10240x16xf32, #tpu.memory_space<vmem_shared>> -> memref<32x16xf32, #tpu.memory_space<vmem_shared>>
      %dma_wait3A_254 = arith.constant 0 : i32
      %dma_wait3A_255 = arith.constant 0 : i32
      %dma_wait3A_256 = tpu.memref_slice %arg30[%dma_wait3A_254, %dma_wait3A_255] : memref<10240x16xf32, #tpu.memory_space<vmem_shared>> -> memref<32x16xf32, #tpu.memory_space<vmem_shared>>
      tpu.wait_dma2 semaphore(%arg33 : memref<!tpu.dma_semaphore, #tpu.memory_space<semaphore_mem>>) src(%arg25 : memref<32x16xf32, #tpu.memory_space<vmem>>) dst(%dma_wait3A_256 : memref<32x16xf32, #tpu.memory_space<vmem_shared>>)
      %dma_wait3A_257 = arith.constant 0 : i32
      %dma_wait3A_258 = arith.constant 0 : i32
      %dma_wait3A_259 = tpu.memref_slice %arg2[%dma_wait3A_257, %dma_wait3A_258] : memref<10240x128xf32, #tpu.memory_space<hbm>> -> memref<32x128xf32, #tpu.memory_space<hbm>>
      %dma_wait3A_260 = arith.constant 0 : i32
      %dma_wait3A_261 = arith.constant 0 : i32
      %dma_wait3A_262 = tpu.memref_slice %arg2[%dma_wait3A_260, %dma_wait3A_261] : memref<10240x128xf32, #tpu.memory_space<hbm>> -> memref<32x128xf32, #tpu.memory_space<hbm>>
      tpu.wait_dma2 semaphore(%arg31 : memref<!tpu.dma_semaphore, #tpu.memory_space<semaphore_mem>>) src(%dma_wait3A_262 : memref<32x128xf32, #tpu.memory_space<hbm>>) dst(%arg17 : memref<32x128xf32, #tpu.memory_space<vmem>>)
      %dma_wait3A_263 = arith.constant 0 : i32
      %dma_wait3A_264 = arith.constant 0 : i32
      %dma_wait3A_265 = tpu.memref_slice %arg3[%dma_wait3A_263, %dma_wait3A_264] : memref<120000x128xf32, #tpu.memory_space<hbm>> -> memref<32x128xf32, #tpu.memory_space<hbm>>
      %dma_wait3A_266 = arith.constant 0 : i32
      %dma_wait3A_267 = arith.constant 0 : i32
      %dma_wait3A_268 = tpu.memref_slice %arg3[%dma_wait3A_266, %dma_wait3A_267] : memref<120000x128xf32, #tpu.memory_space<hbm>> -> memref<32x128xf32, #tpu.memory_space<hbm>>
      tpu.wait_dma2 semaphore(%arg31 : memref<!tpu.dma_semaphore, #tpu.memory_space<semaphore_mem>>) src(%dma_wait3A_268 : memref<32x128xf32, #tpu.memory_space<hbm>>) dst(%arg19 : memref<32x128xf32, #tpu.memory_space<vmem>>)
      %dma_wait3A_269 = arith.constant 0 : i32
      %dma_wait3A_270 = arith.constant 0 : i32
      %dma_wait3A_271 = tpu.memref_slice %arg4[%dma_wait3A_269, %dma_wait3A_270] : memref<40000x128xf32, #tpu.memory_space<hbm>> -> memref<32x128xf32, #tpu.memory_space<hbm>>
      %dma_wait3A_272 = arith.constant 0 : i32
      %dma_wait3A_273 = arith.constant 0 : i32
      %dma_wait3A_274 = tpu.memref_slice %arg4[%dma_wait3A_272, %dma_wait3A_273] : memref<40000x128xf32, #tpu.memory_space<hbm>> -> memref<32x128xf32, #tpu.memory_space<hbm>>
      tpu.wait_dma2 semaphore(%arg31 : memref<!tpu.dma_semaphore, #tpu.memory_space<semaphore_mem>>) src(%dma_wait3A_274 : memref<32x128xf32, #tpu.memory_space<hbm>>) dst(%arg21 : memref<32x128xf32, #tpu.memory_space<vmem>>)
      %multiple_of3A_275 = arith.constant 448 : i32
      %multiple_of3A_276 = tpu.assume_multiple %multiple_of3A_275, 32 : i32
      %add3A_277 = arith.constant 0 : i32
      %add3A_278 = arith.addi %multiple_of3A_276, %add3A_277 : i32
      %get3A = arith.index_cast %add3A_278 : i32 to index
      %get3A_279 = tpu.vector_load %arg11[%get3A] {strides = array<i32>} : memref<512xi32, #tpu.memory_space<vmem>>, vector<16xi32>,
      %swap3A_280 = arith.constant 0 : index
      %swap3A_281 = tpu.vector_load %arg27[%swap3A_280] {strides = array<i32>} : memref<32xi32, #tpu.memory_space<vmem>>, vector<16xi32>,
      tpu.vector_store %arg27[%swap3A_280], %get3A_279 {strides = array<i32>} : memref<32xi32, #tpu.memory_space<vmem>>, vector<16xi32>,
      %add3A_282 = arith.constant 16 : i32
      %add3A_283 = arith.addi %multiple_of3A_276, %add3A_282 : i32
      %get3A_284 = arith.index_cast %add3A_283 : i32 to index
      %get3A_285 = tpu.vector_load %arg11[%get3A_284] {strides = array<i32>} : memref<512xi32, #tpu.memory_space<vmem>>, vector<16xi32>,
      %swap3A_286 = arith.constant 16 : index
      %swap3A_287 = tpu.vector_load %arg27[%swap3A_286] {strides = array<i32>} : memref<32xi32, #tpu.memory_space<vmem>>, vector<16xi32>,
      tpu.vector_store %arg27[%swap3A_286], %get3A_285 {strides = array<i32>} : memref<32xi32, #tpu.memory_space<vmem>>, vector<16xi32>,
      %add3A_288 = arith.constant 0 : i32
      %add3A_289 = vector.broadcast %add3A_288 : i32 to vector<16xi32>
      %add3A_290 = arith.addi %iota3A, %add3A_289 : vector<16xi32>
      %scan3A_291 = arith.constant 0 : i32
      %scan3A_292 = arith.constant 16 : i32
      %scan3A_293 = arith.addi %scan3A_291, %scan3A_292 : i32
      %scan3A_294 = arith.constant 1 : i32
      %scan3A_295:8 = scf.for %scan3A_487 = %scan3A_291 to %scan3A_293 step %scan3A_294 iter_args(%scan3A_488 = %broadcast_in_dim3A_3, %scan3A_489 = %broadcast_in_dim3A_3, %scan3A_490 = %broadcast_in_dim3A_3, %scan3A_491 = %broadcast_in_dim3A_3, %scan3A_492 = %broadcast_in_dim3A_3, %scan3A_493 = %broadcast_in_dim3A_3, %scan3A_494 = %broadcast_in_dim3A_3, %scan3A_495 = %broadcast_in_dim3A_3) -> (vector<16xf32>, vector<16xf32>, vector<16xf32>, vector<16xf32>, vector<16xf32>, vector<16xf32>, vector<16xf32>, vector<16xf32>)  : i32 {
        %broadcast_in_dim3A_496 = arith.constant 0 : i32
        %broadcast_in_dim3A_497 = vector.broadcast %broadcast_in_dim3A_496 : i32 to vector<16xi32>
        %add3A_498 = vector.broadcast %scan3A_487 : i32 to vector<16xi32>
        %add3A_499 = arith.addi %broadcast_in_dim3A_497, %add3A_498 : vector<16xi32>
        %gather3A = tpu.vector_load_idx %arg17[%add3A_290, %add3A_499] : memref<32x128xf32, #tpu.memory_space<vmem>>[vector<16xi32>, vector<16xi32>], vector<16xf32>,
        %gather3A_500 = tpu.vector_load_idx %arg19[%add3A_290, %add3A_499] : memref<32x128xf32, #tpu.memory_space<vmem>>[vector<16xi32>, vector<16xi32>], vector<16xf32>,
        %mul3A_501 = arith.mulf %gather3A, %gather3A_500 : vector<16xf32>
        %add3A_502 = arith.addf %scan3A_488, %mul3A_501 : vector<16xf32>
        %broadcast_in_dim3A_503 = arith.constant 16 : i32
        %broadcast_in_dim3A_504 = vector.broadcast %broadcast_in_dim3A_503 : i32 to vector<16xi32>
        %add3A_505 = vector.broadcast %scan3A_487 : i32 to vector<16xi32>
        %add3A_506 = arith.addi %broadcast_in_dim3A_504, %add3A_505 : vector<16xi32>
        %gather3A_507 = tpu.vector_load_idx %arg17[%add3A_290, %add3A_506] : memref<32x128xf32, #tpu.memory_space<vmem>>[vector<16xi32>, vector<16xi32>], vector<16xf32>,
        %gather3A_508 = tpu.vector_load_idx %arg19[%add3A_290, %add3A_506] : memref<32x128xf32, #tpu.memory_space<vmem>>[vector<16xi32>, vector<16xi32>], vector<16xf32>,
        %mul3A_509 = arith.mulf %gather3A_507, %gather3A_508 : vector<16xf32>
        %add3A_510 = arith.addf %scan3A_489, %mul3A_509 : vector<16xf32>
        %broadcast_in_dim3A_511 = arith.constant 32 : i32
        %broadcast_in_dim3A_512 = vector.broadcast %broadcast_in_dim3A_511 : i32 to vector<16xi32>
        %add3A_513 = vector.broadcast %scan3A_487 : i32 to vector<16xi32>
        %add3A_514 = arith.addi %broadcast_in_dim3A_512, %add3A_513 : vector<16xi32>
        %gather3A_515 = tpu.vector_load_idx %arg17[%add3A_290, %add3A_514] : memref<32x128xf32, #tpu.memory_space<vmem>>[vector<16xi32>, vector<16xi32>], vector<16xf32>,
        %gather3A_516 = tpu.vector_load_idx %arg19[%add3A_290, %add3A_514] : memref<32x128xf32, #tpu.memory_space<vmem>>[vector<16xi32>, vector<16xi32>], vector<16xf32>,
        %mul3A_517 = arith.mulf %gather3A_515, %gather3A_516 : vector<16xf32>
        %add3A_518 = arith.addf %scan3A_490, %mul3A_517 : vector<16xf32>
        %broadcast_in_dim3A_519 = arith.constant 48 : i32
        %broadcast_in_dim3A_520 = vector.broadcast %broadcast_in_dim3A_519 : i32 to vector<16xi32>
        %add3A_521 = vector.broadcast %scan3A_487 : i32 to vector<16xi32>
        %add3A_522 = arith.addi %broadcast_in_dim3A_520, %add3A_521 : vector<16xi32>
        %gather3A_523 = tpu.vector_load_idx %arg17[%add3A_290, %add3A_522] : memref<32x128xf32, #tpu.memory_space<vmem>>[vector<16xi32>, vector<16xi32>], vector<16xf32>,
        %gather3A_524 = tpu.vector_load_idx %arg19[%add3A_290, %add3A_522] : memref<32x128xf32, #tpu.memory_space<vmem>>[vector<16xi32>, vector<16xi32>], vector<16xf32>,
        %mul3A_525 = arith.mulf %gather3A_523, %gather3A_524 : vector<16xf32>
        %add3A_526 = arith.addf %scan3A_491, %mul3A_525 : vector<16xf32>
        %broadcast_in_dim3A_527 = arith.constant 64 : i32
        %broadcast_in_dim3A_528 = vector.broadcast %broadcast_in_dim3A_527 : i32 to vector<16xi32>
        %add3A_529 = vector.broadcast %scan3A_487 : i32 to vector<16xi32>
        %add3A_530 = arith.addi %broadcast_in_dim3A_528, %add3A_529 : vector<16xi32>
        %gather3A_531 = tpu.vector_load_idx %arg17[%add3A_290, %add3A_530] : memref<32x128xf32, #tpu.memory_space<vmem>>[vector<16xi32>, vector<16xi32>], vector<16xf32>,
        %gather3A_532 = tpu.vector_load_idx %arg19[%add3A_290, %add3A_530] : memref<32x128xf32, #tpu.memory_space<vmem>>[vector<16xi32>, vector<16xi32>], vector<16xf32>,
        %mul3A_533 = arith.mulf %gather3A_531, %gather3A_532 : vector<16xf32>
        %add3A_534 = arith.addf %scan3A_492, %mul3A_533 : vector<16xf32>
        %broadcast_in_dim3A_535 = arith.constant 80 : i32
        %broadcast_in_dim3A_536 = vector.broadcast %broadcast_in_dim3A_535 : i32 to vector<16xi32>
        %add3A_537 = vector.broadcast %scan3A_487 : i32 to vector<16xi32>
        %add3A_538 = arith.addi %broadcast_in_dim3A_536, %add3A_537 : vector<16xi32>
        %gather3A_539 = tpu.vector_load_idx %arg17[%add3A_290, %add3A_538] : memref<32x128xf32, #tpu.memory_space<vmem>>[vector<16xi32>, vector<16xi32>], vector<16xf32>,
        %gather3A_540 = tpu.vector_load_idx %arg19[%add3A_290, %add3A_538] : memref<32x128xf32, #tpu.memory_space<vmem>>[vector<16xi32>, vector<16xi32>], vector<16xf32>,
        %mul3A_541 = arith.mulf %gather3A_539, %gather3A_540 : vector<16xf32>
        %add3A_542 = arith.addf %scan3A_493, %mul3A_541 : vector<16xf32>
        %broadcast_in_dim3A_543 = arith.constant 96 : i32
        %broadcast_in_dim3A_544 = vector.broadcast %broadcast_in_dim3A_543 : i32 to vector<16xi32>
        %add3A_545 = vector.broadcast %scan3A_487 : i32 to vector<16xi32>
        %add3A_546 = arith.addi %broadcast_in_dim3A_544, %add3A_545 : vector<16xi32>
        %gather3A_547 = tpu.vector_load_idx %arg17[%add3A_290, %add3A_546] : memref<32x128xf32, #tpu.memory_space<vmem>>[vector<16xi32>, vector<16xi32>], vector<16xf32>,
        %gather3A_548 = tpu.vector_load_idx %arg19[%add3A_290, %add3A_546] : memref<32x128xf32, #tpu.memory_space<vmem>>[vector<16xi32>, vector<16xi32>], vector<16xf32>,
        %mul3A_549 = arith.mulf %gather3A_547, %gather3A_548 : vector<16xf32>
        %add3A_550 = arith.addf %scan3A_494, %mul3A_549 : vector<16xf32>
        %broadcast_in_dim3A_551 = arith.constant 112 : i32
        %broadcast_in_dim3A_552 = vector.broadcast %broadcast_in_dim3A_551 : i32 to vector<16xi32>
        %add3A_553 = vector.broadcast %scan3A_487 : i32 to vector<16xi32>
        %add3A_554 = arith.addi %broadcast_in_dim3A_552, %add3A_553 : vector<16xi32>
        %gather3A_555 = tpu.vector_load_idx %arg17[%add3A_290, %add3A_554] : memref<32x128xf32, #tpu.memory_space<vmem>>[vector<16xi32>, vector<16xi32>], vector<16xf32>,
        %gather3A_556 = tpu.vector_load_idx %arg19[%add3A_290, %add3A_554] : memref<32x128xf32, #tpu.memory_space<vmem>>[vector<16xi32>, vector<16xi32>], vector<16xf32>,
        %mul3A_557 = arith.mulf %gather3A_555, %gather3A_556 : vector<16xf32>
        %add3A_558 = arith.addf %scan3A_495, %mul3A_557 : vector<16xf32>
        scf.yield %add3A_502, %add3A_510, %add3A_518, %add3A_526, %add3A_534, %add3A_542, %add3A_550, %add3A_558 : vector<16xf32>, vector<16xf32>, vector<16xf32>, vector<16xf32>, vector<16xf32>, vector<16xf32>, vector<16xf32>, vector<16xf32>
      }
      %scan3A_296 = arith.constant 16 : i32
      %broadcast_in_dim3A_297 = arith.constant 0 : i32
      %broadcast_in_dim3A_298 = vector.broadcast %broadcast_in_dim3A_297 : i32 to vector<16xi32>
      %exp3A = math.exp %scan3A_295#0 : vector<16xf32>
      tpu.vector_store_idx %arg25[%add3A_290, %broadcast_in_dim3A_298], %exp3A : memref<32x16xf32, #tpu.memory_space<vmem>>[vector<16xi32>, vector<16xi32>], vector<16xf32>,
      %broadcast_in_dim3A_299 = arith.constant 1 : i32
      %broadcast_in_dim3A_300 = vector.broadcast %broadcast_in_dim3A_299 : i32 to vector<16xi32>
      %exp3A_301 = math.exp %scan3A_295#1 : vector<16xf32>
      tpu.vector_store_idx %arg25[%add3A_290, %broadcast_in_dim3A_300], %exp3A_301 : memref<32x16xf32, #tpu.memory_space<vmem>>[vector<16xi32>, vector<16xi32>], vector<16xf32>,
      %broadcast_in_dim3A_302 = arith.constant 2 : i32
      %broadcast_in_dim3A_303 = vector.broadcast %broadcast_in_dim3A_302 : i32 to vector<16xi32>
      %exp3A_304 = math.exp %scan3A_295#2 : vector<16xf32>
      tpu.vector_store_idx %arg25[%add3A_290, %broadcast_in_dim3A_303], %exp3A_304 : memref<32x16xf32, #tpu.memory_space<vmem>>[vector<16xi32>, vector<16xi32>], vector<16xf32>,
      %broadcast_in_dim3A_305 = arith.constant 3 : i32
      %broadcast_in_dim3A_306 = vector.broadcast %broadcast_in_dim3A_305 : i32 to vector<16xi32>
      %exp3A_307 = math.exp %scan3A_295#3 : vector<16xf32>
      tpu.vector_store_idx %arg25[%add3A_290, %broadcast_in_dim3A_306], %exp3A_307 : memref<32x16xf32, #tpu.memory_space<vmem>>[vector<16xi32>, vector<16xi32>], vector<16xf32>,
      %broadcast_in_dim3A_308 = arith.constant 4 : i32
      %broadcast_in_dim3A_309 = vector.broadcast %broadcast_in_dim3A_308 : i32 to vector<16xi32>
      %exp3A_310 = math.exp %scan3A_295#4 : vector<16xf32>
      tpu.vector_store_idx %arg25[%add3A_290, %broadcast_in_dim3A_309], %exp3A_310 : memref<32x16xf32, #tpu.memory_space<vmem>>[vector<16xi32>, vector<16xi32>], vector<16xf32>,
      %broadcast_in_dim3A_311 = arith.constant 5 : i32
      %broadcast_in_dim3A_312 = vector.broadcast %broadcast_in_dim3A_311 : i32 to vector<16xi32>
      %exp3A_313 = math.exp %scan3A_295#5 : vector<16xf32>
      tpu.vector_store_idx %arg25[%add3A_290, %broadcast_in_dim3A_312], %exp3A_313 : memref<32x16xf32, #tpu.memory_space<vmem>>[vector<16xi32>, vector<16xi32>], vector<16xf32>,
      %broadcast_in_dim3A_314 = arith.constant 6 : i32
      %broadcast_in_dim3A_315 = vector.broadcast %broadcast_in_dim3A_314 : i32 to vector<16xi32>
      %exp3A_316 = math.exp %scan3A_295#6 : vector<16xf32>
      tpu.vector_store_idx %arg25[%add3A_290, %broadcast_in_dim3A_315], %exp3A_316 : memref<32x16xf32, #tpu.memory_space<vmem>>[vector<16xi32>, vector<16xi32>], vector<16xf32>,
      %broadcast_in_dim3A_317 = arith.constant 7 : i32
      %broadcast_in_dim3A_318 = vector.broadcast %broadcast_in_dim3A_317 : i32 to vector<16xi32>
      %exp3A_319 = math.exp %scan3A_295#7 : vector<16xf32>
      tpu.vector_store_idx %arg25[%add3A_290, %broadcast_in_dim3A_318], %exp3A_319 : memref<32x16xf32, #tpu.memory_space<vmem>>[vector<16xi32>, vector<16xi32>], vector<16xf32>,
      %add3A_320 = arith.constant 16 : i32
      %add3A_321 = vector.broadcast %add3A_320 : i32 to vector<16xi32>
      %add3A_322 = arith.addi %iota3A, %add3A_321 : vector<16xi32>
      %scan3A_323 = arith.constant 0 : i32
      %scan3A_324 = arith.constant 16 : i32
      %scan3A_325 = arith.addi %scan3A_323, %scan3A_324 : i32
      %scan3A_326 = arith.constant 1 : i32
      %scan3A_327:8 = scf.for %scan3A_487 = %scan3A_323 to %scan3A_325 step %scan3A_326 iter_args(%scan3A_488 = %broadcast_in_dim3A_3, %scan3A_489 = %broadcast_in_dim3A_3, %scan3A_490 = %broadcast_in_dim3A_3, %scan3A_491 = %broadcast_in_dim3A_3, %scan3A_492 = %broadcast_in_dim3A_3, %scan3A_493 = %broadcast_in_dim3A_3, %scan3A_494 = %broadcast_in_dim3A_3, %scan3A_495 = %broadcast_in_dim3A_3) -> (vector<16xf32>, vector<16xf32>, vector<16xf32>, vector<16xf32>, vector<16xf32>, vector<16xf32>, vector<16xf32>, vector<16xf32>)  : i32 {
        %broadcast_in_dim3A_496 = arith.constant 0 : i32
        %broadcast_in_dim3A_497 = vector.broadcast %broadcast_in_dim3A_496 : i32 to vector<16xi32>
        %add3A_498 = vector.broadcast %scan3A_487 : i32 to vector<16xi32>
        %add3A_499 = arith.addi %broadcast_in_dim3A_497, %add3A_498 : vector<16xi32>
        %gather3A = tpu.vector_load_idx %arg17[%add3A_322, %add3A_499] : memref<32x128xf32, #tpu.memory_space<vmem>>[vector<16xi32>, vector<16xi32>], vector<16xf32>,
        %gather3A_500 = tpu.vector_load_idx %arg19[%add3A_322, %add3A_499] : memref<32x128xf32, #tpu.memory_space<vmem>>[vector<16xi32>, vector<16xi32>], vector<16xf32>,
        %mul3A_501 = arith.mulf %gather3A, %gather3A_500 : vector<16xf32>
        %add3A_502 = arith.addf %scan3A_488, %mul3A_501 : vector<16xf32>
        %broadcast_in_dim3A_503 = arith.constant 16 : i32
        %broadcast_in_dim3A_504 = vector.broadcast %broadcast_in_dim3A_503 : i32 to vector<16xi32>
        %add3A_505 = vector.broadcast %scan3A_487 : i32 to vector<16xi32>
        %add3A_506 = arith.addi %broadcast_in_dim3A_504, %add3A_505 : vector<16xi32>
        %gather3A_507 = tpu.vector_load_idx %arg17[%add3A_322, %add3A_506] : memref<32x128xf32, #tpu.memory_space<vmem>>[vector<16xi32>, vector<16xi32>], vector<16xf32>,
        %gather3A_508 = tpu.vector_load_idx %arg19[%add3A_322, %add3A_506] : memref<32x128xf32, #tpu.memory_space<vmem>>[vector<16xi32>, vector<16xi32>], vector<16xf32>,
        %mul3A_509 = arith.mulf %gather3A_507, %gather3A_508 : vector<16xf32>
        %add3A_510 = arith.addf %scan3A_489, %mul3A_509 : vector<16xf32>
        %broadcast_in_dim3A_511 = arith.constant 32 : i32
        %broadcast_in_dim3A_512 = vector.broadcast %broadcast_in_dim3A_511 : i32 to vector<16xi32>
        %add3A_513 = vector.broadcast %scan3A_487 : i32 to vector<16xi32>
        %add3A_514 = arith.addi %broadcast_in_dim3A_512, %add3A_513 : vector<16xi32>
        %gather3A_515 = tpu.vector_load_idx %arg17[%add3A_322, %add3A_514] : memref<32x128xf32, #tpu.memory_space<vmem>>[vector<16xi32>, vector<16xi32>], vector<16xf32>,
        %gather3A_516 = tpu.vector_load_idx %arg19[%add3A_322, %add3A_514] : memref<32x128xf32, #tpu.memory_space<vmem>>[vector<16xi32>, vector<16xi32>], vector<16xf32>,
        %mul3A_517 = arith.mulf %gather3A_515, %gather3A_516 : vector<16xf32>
        %add3A_518 = arith.addf %scan3A_490, %mul3A_517 : vector<16xf32>
        %broadcast_in_dim3A_519 = arith.constant 48 : i32
        %broadcast_in_dim3A_520 = vector.broadcast %broadcast_in_dim3A_519 : i32 to vector<16xi32>
        %add3A_521 = vector.broadcast %scan3A_487 : i32 to vector<16xi32>
        %add3A_522 = arith.addi %broadcast_in_dim3A_520, %add3A_521 : vector<16xi32>
        %gather3A_523 = tpu.vector_load_idx %arg17[%add3A_322, %add3A_522] : memref<32x128xf32, #tpu.memory_space<vmem>>[vector<16xi32>, vector<16xi32>], vector<16xf32>,
        %gather3A_524 = tpu.vector_load_idx %arg19[%add3A_322, %add3A_522] : memref<32x128xf32, #tpu.memory_space<vmem>>[vector<16xi32>, vector<16xi32>], vector<16xf32>,
        %mul3A_525 = arith.mulf %gather3A_523, %gather3A_524 : vector<16xf32>
        %add3A_526 = arith.addf %scan3A_491, %mul3A_525 : vector<16xf32>
        %broadcast_in_dim3A_527 = arith.constant 64 : i32
        %broadcast_in_dim3A_528 = vector.broadcast %broadcast_in_dim3A_527 : i32 to vector<16xi32>
        %add3A_529 = vector.broadcast %scan3A_487 : i32 to vector<16xi32>
        %add3A_530 = arith.addi %broadcast_in_dim3A_528, %add3A_529 : vector<16xi32>
        %gather3A_531 = tpu.vector_load_idx %arg17[%add3A_322, %add3A_530] : memref<32x128xf32, #tpu.memory_space<vmem>>[vector<16xi32>, vector<16xi32>], vector<16xf32>,
        %gather3A_532 = tpu.vector_load_idx %arg19[%add3A_322, %add3A_530] : memref<32x128xf32, #tpu.memory_space<vmem>>[vector<16xi32>, vector<16xi32>], vector<16xf32>,
        %mul3A_533 = arith.mulf %gather3A_531, %gather3A_532 : vector<16xf32>
        %add3A_534 = arith.addf %scan3A_492, %mul3A_533 : vector<16xf32>
        %broadcast_in_dim3A_535 = arith.constant 80 : i32
        %broadcast_in_dim3A_536 = vector.broadcast %broadcast_in_dim3A_535 : i32 to vector<16xi32>
        %add3A_537 = vector.broadcast %scan3A_487 : i32 to vector<16xi32>
        %add3A_538 = arith.addi %broadcast_in_dim3A_536, %add3A_537 : vector<16xi32>
        %gather3A_539 = tpu.vector_load_idx %arg17[%add3A_322, %add3A_538] : memref<32x128xf32, #tpu.memory_space<vmem>>[vector<16xi32>, vector<16xi32>], vector<16xf32>,
        %gather3A_540 = tpu.vector_load_idx %arg19[%add3A_322, %add3A_538] : memref<32x128xf32, #tpu.memory_space<vmem>>[vector<16xi32>, vector<16xi32>], vector<16xf32>,
        %mul3A_541 = arith.mulf %gather3A_539, %gather3A_540 : vector<16xf32>
        %add3A_542 = arith.addf %scan3A_493, %mul3A_541 : vector<16xf32>
        %broadcast_in_dim3A_543 = arith.constant 96 : i32
        %broadcast_in_dim3A_544 = vector.broadcast %broadcast_in_dim3A_543 : i32 to vector<16xi32>
        %add3A_545 = vector.broadcast %scan3A_487 : i32 to vector<16xi32>
        %add3A_546 = arith.addi %broadcast_in_dim3A_544, %add3A_545 : vector<16xi32>
        %gather3A_547 = tpu.vector_load_idx %arg17[%add3A_322, %add3A_546] : memref<32x128xf32, #tpu.memory_space<vmem>>[vector<16xi32>, vector<16xi32>], vector<16xf32>,
        %gather3A_548 = tpu.vector_load_idx %arg19[%add3A_322, %add3A_546] : memref<32x128xf32, #tpu.memory_space<vmem>>[vector<16xi32>, vector<16xi32>], vector<16xf32>,
        %mul3A_549 = arith.mulf %gather3A_547, %gather3A_548 : vector<16xf32>
        %add3A_550 = arith.addf %scan3A_494, %mul3A_549 : vector<16xf32>
        %broadcast_in_dim3A_551 = arith.constant 112 : i32
        %broadcast_in_dim3A_552 = vector.broadcast %broadcast_in_dim3A_551 : i32 to vector<16xi32>
        %add3A_553 = vector.broadcast %scan3A_487 : i32 to vector<16xi32>
        %add3A_554 = arith.addi %broadcast_in_dim3A_552, %add3A_553 : vector<16xi32>
        %gather3A_555 = tpu.vector_load_idx %arg17[%add3A_322, %add3A_554] : memref<32x128xf32, #tpu.memory_space<vmem>>[vector<16xi32>, vector<16xi32>], vector<16xf32>,
        %gather3A_556 = tpu.vector_load_idx %arg19[%add3A_322, %add3A_554] : memref<32x128xf32, #tpu.memory_space<vmem>>[vector<16xi32>, vector<16xi32>], vector<16xf32>,
        %mul3A_557 = arith.mulf %gather3A_555, %gather3A_556 : vector<16xf32>
        %add3A_558 = arith.addf %scan3A_495, %mul3A_557 : vector<16xf32>
        scf.yield %add3A_502, %add3A_510, %add3A_518, %add3A_526, %add3A_534, %add3A_542, %add3A_550, %add3A_558 : vector<16xf32>, vector<16xf32>, vector<16xf32>, vector<16xf32>, vector<16xf32>, vector<16xf32>, vector<16xf32>, vector<16xf32>
      }
      %scan3A_328 = arith.constant 16 : i32
      %broadcast_in_dim3A_329 = arith.constant 0 : i32
      %broadcast_in_dim3A_330 = vector.broadcast %broadcast_in_dim3A_329 : i32 to vector<16xi32>
      %exp3A_331 = math.exp %scan3A_327#0 : vector<16xf32>
      tpu.vector_store_idx %arg25[%add3A_322, %broadcast_in_dim3A_330], %exp3A_331 : memref<32x16xf32, #tpu.memory_space<vmem>>[vector<16xi32>, vector<16xi32>], vector<16xf32>,
      %broadcast_in_dim3A_332 = arith.constant 1 : i32
      %broadcast_in_dim3A_333 = vector.broadcast %broadcast_in_dim3A_332 : i32 to vector<16xi32>
      %exp3A_334 = math.exp %scan3A_327#1 : vector<16xf32>
      tpu.vector_store_idx %arg25[%add3A_322, %broadcast_in_dim3A_333], %exp3A_334 : memref<32x16xf32, #tpu.memory_space<vmem>>[vector<16xi32>, vector<16xi32>], vector<16xf32>,
      %broadcast_in_dim3A_335 = arith.constant 2 : i32
      %broadcast_in_dim3A_336 = vector.broadcast %broadcast_in_dim3A_335 : i32 to vector<16xi32>
      %exp3A_337 = math.exp %scan3A_327#2 : vector<16xf32>
      tpu.vector_store_idx %arg25[%add3A_322, %broadcast_in_dim3A_336], %exp3A_337 : memref<32x16xf32, #tpu.memory_space<vmem>>[vector<16xi32>, vector<16xi32>], vector<16xf32>,
      %broadcast_in_dim3A_338 = arith.constant 3 : i32
      %broadcast_in_dim3A_339 = vector.broadcast %broadcast_in_dim3A_338 : i32 to vector<16xi32>
      %exp3A_340 = math.exp %scan3A_327#3 : vector<16xf32>
      tpu.vector_store_idx %arg25[%add3A_322, %broadcast_in_dim3A_339], %exp3A_340 : memref<32x16xf32, #tpu.memory_space<vmem>>[vector<16xi32>, vector<16xi32>], vector<16xf32>,
      %broadcast_in_dim3A_341 = arith.constant 4 : i32
      %broadcast_in_dim3A_342 = vector.broadcast %broadcast_in_dim3A_341 : i32 to vector<16xi32>
      %exp3A_343 = math.exp %scan3A_327#4 : vector<16xf32>
      tpu.vector_store_idx %arg25[%add3A_322, %broadcast_in_dim3A_342], %exp3A_343 : memref<32x16xf32, #tpu.memory_space<vmem>>[vector<16xi32>, vector<16xi32>], vector<16xf32>,
      %broadcast_in_dim3A_344 = arith.constant 5 : i32
      %broadcast_in_dim3A_345 = vector.broadcast %broadcast_in_dim3A_344 : i32 to vector<16xi32>
      %exp3A_346 = math.exp %scan3A_327#5 : vector<16xf32>
      tpu.vector_store_idx %arg25[%add3A_322, %broadcast_in_dim3A_345], %exp3A_346 : memref<32x16xf32, #tpu.memory_space<vmem>>[vector<16xi32>, vector<16xi32>], vector<16xf32>,
      %broadcast_in_dim3A_347 = arith.constant 6 : i32
      %broadcast_in_dim3A_348 = vector.broadcast %broadcast_in_dim3A_347 : i32 to vector<16xi32>
      %exp3A_349 = math.exp %scan3A_327#6 : vector<16xf32>
      tpu.vector_store_idx %arg25[%add3A_322, %broadcast_in_dim3A_348], %exp3A_349 : memref<32x16xf32, #tpu.memory_space<vmem>>[vector<16xi32>, vector<16xi32>], vector<16xf32>,
      %broadcast_in_dim3A_350 = arith.constant 7 : i32
      %broadcast_in_dim3A_351 = vector.broadcast %broadcast_in_dim3A_350 : i32 to vector<16xi32>
      %exp3A_352 = math.exp %scan3A_327#7 : vector<16xf32>
      tpu.vector_store_idx %arg25[%add3A_322, %broadcast_in_dim3A_351], %exp3A_352 : memref<32x16xf32, #tpu.memory_space<vmem>>[vector<16xi32>, vector<16xi32>], vector<16xf32>,
      %scan3A_353 = arith.constant 0 : i32
      %scan3A_354 = arith.constant 0 : i32
      %scan3A_355 = arith.constant 32 : i32
      %scan3A_356 = arith.addi %scan3A_354, %scan3A_355 : i32
      %scan3A_357 = arith.constant 1 : i32
      scf.for %scan3A_487 = %scan3A_354 to %scan3A_356 step %scan3A_357  : i32 {
        %broadcast_in_dim3A_488 = vector.broadcast %scan3A_487 : i32 to vector<16xi32>
        %broadcast_in_dim3A_489 = arith.constant 0 : i32
        %broadcast_in_dim3A_490 = vector.broadcast %broadcast_in_dim3A_489 : i32 to vector<16xi32>
        %gather3A = tpu.vector_load_idx %arg25[%broadcast_in_dim3A_488, %broadcast_in_dim3A_490] : memref<32x16xf32, #tpu.memory_space<vmem>>[vector<16xi32>, vector<16xi32>], vector<16xf32>,
        %get3A_491 = arith.index_cast %scan3A_487 : i32 to index
        %get3A_492 = arith.constant 0 : index
        %get3A_493 = tpu.vector_load %arg21[%get3A_491, %get3A_492] {strides = array<i32>} : memref<32x128xf32, #tpu.memory_space<vmem>>, vector<16xf32>,
        %mul3A_494 = arith.mulf %get3A_493, %gather3A : vector<16xf32>
        %swap3A_495 = arith.index_cast %scan3A_487 : i32 to index
        %swap3A_496 = arith.constant 0 : index
        %swap3A_497 = tpu.vector_load %arg23[%swap3A_495, %swap3A_496] {strides = array<i32>} : memref<32x128xf32, #tpu.memory_space<vmem>>, vector<16xf32>,
        tpu.vector_store %arg23[%swap3A_495, %swap3A_496], %mul3A_494 {strides = array<i32>} : memref<32x128xf32, #tpu.memory_space<vmem>>, vector<16xf32>,
        %broadcast_in_dim3A_498 = vector.broadcast %scan3A_487 : i32 to vector<16xi32>
        %broadcast_in_dim3A_499 = arith.constant 1 : i32
        %broadcast_in_dim3A_500 = vector.broadcast %broadcast_in_dim3A_499 : i32 to vector<16xi32>
        %gather3A_501 = tpu.vector_load_idx %arg25[%broadcast_in_dim3A_498, %broadcast_in_dim3A_500] : memref<32x16xf32, #tpu.memory_space<vmem>>[vector<16xi32>, vector<16xi32>], vector<16xf32>,
        %get3A_502 = arith.index_cast %scan3A_487 : i32 to index
        %get3A_503 = arith.constant 16 : index
        %get3A_504 = tpu.vector_load %arg21[%get3A_502, %get3A_503] {strides = array<i32>} : memref<32x128xf32, #tpu.memory_space<vmem>>, vector<16xf32>,
        %mul3A_505 = arith.mulf %get3A_504, %gather3A_501 : vector<16xf32>
        %swap3A_506 = arith.index_cast %scan3A_487 : i32 to index
        %swap3A_507 = arith.constant 16 : index
        %swap3A_508 = tpu.vector_load %arg23[%swap3A_506, %swap3A_507] {strides = array<i32>} : memref<32x128xf32, #tpu.memory_space<vmem>>, vector<16xf32>,
        tpu.vector_store %arg23[%swap3A_506, %swap3A_507], %mul3A_505 {strides = array<i32>} : memref<32x128xf32, #tpu.memory_space<vmem>>, vector<16xf32>,
        %broadcast_in_dim3A_509 = vector.broadcast %scan3A_487 : i32 to vector<16xi32>
        %broadcast_in_dim3A_510 = arith.constant 2 : i32
        %broadcast_in_dim3A_511 = vector.broadcast %broadcast_in_dim3A_510 : i32 to vector<16xi32>
        %gather3A_512 = tpu.vector_load_idx %arg25[%broadcast_in_dim3A_509, %broadcast_in_dim3A_511] : memref<32x16xf32, #tpu.memory_space<vmem>>[vector<16xi32>, vector<16xi32>], vector<16xf32>,
        %get3A_513 = arith.index_cast %scan3A_487 : i32 to index
        %get3A_514 = arith.constant 32 : index
        %get3A_515 = tpu.vector_load %arg21[%get3A_513, %get3A_514] {strides = array<i32>} : memref<32x128xf32, #tpu.memory_space<vmem>>, vector<16xf32>,
        %mul3A_516 = arith.mulf %get3A_515, %gather3A_512 : vector<16xf32>
        %swap3A_517 = arith.index_cast %scan3A_487 : i32 to index
        %swap3A_518 = arith.constant 32 : index
        %swap3A_519 = tpu.vector_load %arg23[%swap3A_517, %swap3A_518] {strides = array<i32>} : memref<32x128xf32, #tpu.memory_space<vmem>>, vector<16xf32>,
        tpu.vector_store %arg23[%swap3A_517, %swap3A_518], %mul3A_516 {strides = array<i32>} : memref<32x128xf32, #tpu.memory_space<vmem>>, vector<16xf32>,
        %broadcast_in_dim3A_520 = vector.broadcast %scan3A_487 : i32 to vector<16xi32>
        %broadcast_in_dim3A_521 = arith.constant 3 : i32
        %broadcast_in_dim3A_522 = vector.broadcast %broadcast_in_dim3A_521 : i32 to vector<16xi32>
        %gather3A_523 = tpu.vector_load_idx %arg25[%broadcast_in_dim3A_520, %broadcast_in_dim3A_522] : memref<32x16xf32, #tpu.memory_space<vmem>>[vector<16xi32>, vector<16xi32>], vector<16xf32>,
        %get3A_524 = arith.index_cast %scan3A_487 : i32 to index
        %get3A_525 = arith.constant 48 : index
        %get3A_526 = tpu.vector_load %arg21[%get3A_524, %get3A_525] {strides = array<i32>} : memref<32x128xf32, #tpu.memory_space<vmem>>, vector<16xf32>,
        %mul3A_527 = arith.mulf %get3A_526, %gather3A_523 : vector<16xf32>
        %swap3A_528 = arith.index_cast %scan3A_487 : i32 to index
        %swap3A_529 = arith.constant 48 : index
        %swap3A_530 = tpu.vector_load %arg23[%swap3A_528, %swap3A_529] {strides = array<i32>} : memref<32x128xf32, #tpu.memory_space<vmem>>, vector<16xf32>,
        tpu.vector_store %arg23[%swap3A_528, %swap3A_529], %mul3A_527 {strides = array<i32>} : memref<32x128xf32, #tpu.memory_space<vmem>>, vector<16xf32>,
        %broadcast_in_dim3A_531 = vector.broadcast %scan3A_487 : i32 to vector<16xi32>
        %broadcast_in_dim3A_532 = arith.constant 4 : i32
        %broadcast_in_dim3A_533 = vector.broadcast %broadcast_in_dim3A_532 : i32 to vector<16xi32>
        %gather3A_534 = tpu.vector_load_idx %arg25[%broadcast_in_dim3A_531, %broadcast_in_dim3A_533] : memref<32x16xf32, #tpu.memory_space<vmem>>[vector<16xi32>, vector<16xi32>], vector<16xf32>,
        %get3A_535 = arith.index_cast %scan3A_487 : i32 to index
        %get3A_536 = arith.constant 64 : index
        %get3A_537 = tpu.vector_load %arg21[%get3A_535, %get3A_536] {strides = array<i32>} : memref<32x128xf32, #tpu.memory_space<vmem>>, vector<16xf32>,
        %mul3A_538 = arith.mulf %get3A_537, %gather3A_534 : vector<16xf32>
        %swap3A_539 = arith.index_cast %scan3A_487 : i32 to index
        %swap3A_540 = arith.constant 64 : index
        %swap3A_541 = tpu.vector_load %arg23[%swap3A_539, %swap3A_540] {strides = array<i32>} : memref<32x128xf32, #tpu.memory_space<vmem>>, vector<16xf32>,
        tpu.vector_store %arg23[%swap3A_539, %swap3A_540], %mul3A_538 {strides = array<i32>} : memref<32x128xf32, #tpu.memory_space<vmem>>, vector<16xf32>,
        %broadcast_in_dim3A_542 = vector.broadcast %scan3A_487 : i32 to vector<16xi32>
        %broadcast_in_dim3A_543 = arith.constant 5 : i32
        %broadcast_in_dim3A_544 = vector.broadcast %broadcast_in_dim3A_543 : i32 to vector<16xi32>
        %gather3A_545 = tpu.vector_load_idx %arg25[%broadcast_in_dim3A_542, %broadcast_in_dim3A_544] : memref<32x16xf32, #tpu.memory_space<vmem>>[vector<16xi32>, vector<16xi32>], vector<16xf32>,
        %get3A_546 = arith.index_cast %scan3A_487 : i32 to index
        %get3A_547 = arith.constant 80 : index
        %get3A_548 = tpu.vector_load %arg21[%get3A_546, %get3A_547] {strides = array<i32>} : memref<32x128xf32, #tpu.memory_space<vmem>>, vector<16xf32>,
        %mul3A_549 = arith.mulf %get3A_548, %gather3A_545 : vector<16xf32>
        %swap3A_550 = arith.index_cast %scan3A_487 : i32 to index
        %swap3A_551 = arith.constant 80 : index
        %swap3A_552 = tpu.vector_load %arg23[%swap3A_550, %swap3A_551] {strides = array<i32>} : memref<32x128xf32, #tpu.memory_space<vmem>>, vector<16xf32>,
        tpu.vector_store %arg23[%swap3A_550, %swap3A_551], %mul3A_549 {strides = array<i32>} : memref<32x128xf32, #tpu.memory_space<vmem>>, vector<16xf32>,
        %broadcast_in_dim3A_553 = vector.broadcast %scan3A_487 : i32 to vector<16xi32>
        %broadcast_in_dim3A_554 = arith.constant 6 : i32
        %broadcast_in_dim3A_555 = vector.broadcast %broadcast_in_dim3A_554 : i32 to vector<16xi32>
        %gather3A_556 = tpu.vector_load_idx %arg25[%broadcast_in_dim3A_553, %broadcast_in_dim3A_555] : memref<32x16xf32, #tpu.memory_space<vmem>>[vector<16xi32>, vector<16xi32>], vector<16xf32>,
        %get3A_557 = arith.index_cast %scan3A_487 : i32 to index
        %get3A_558 = arith.constant 96 : index
        %get3A_559 = tpu.vector_load %arg21[%get3A_557, %get3A_558] {strides = array<i32>} : memref<32x128xf32, #tpu.memory_space<vmem>>, vector<16xf32>,
        %mul3A_560 = arith.mulf %get3A_559, %gather3A_556 : vector<16xf32>
        %swap3A_561 = arith.index_cast %scan3A_487 : i32 to index
        %swap3A_562 = arith.constant 96 : index
        %swap3A_563 = tpu.vector_load %arg23[%swap3A_561, %swap3A_562] {strides = array<i32>} : memref<32x128xf32, #tpu.memory_space<vmem>>, vector<16xf32>,
        tpu.vector_store %arg23[%swap3A_561, %swap3A_562], %mul3A_560 {strides = array<i32>} : memref<32x128xf32, #tpu.memory_space<vmem>>, vector<16xf32>,
        %broadcast_in_dim3A_564 = vector.broadcast %scan3A_487 : i32 to vector<16xi32>
        %broadcast_in_dim3A_565 = arith.constant 7 : i32
        %broadcast_in_dim3A_566 = vector.broadcast %broadcast_in_dim3A_565 : i32 to vector<16xi32>
        %gather3A_567 = tpu.vector_load_idx %arg25[%broadcast_in_dim3A_564, %broadcast_in_dim3A_566] : memref<32x16xf32, #tpu.memory_space<vmem>>[vector<16xi32>, vector<16xi32>], vector<16xf32>,
        %get3A_568 = arith.index_cast %scan3A_487 : i32 to index
        %get3A_569 = arith.constant 112 : index
        %get3A_570 = tpu.vector_load %arg21[%get3A_568, %get3A_569] {strides = array<i32>} : memref<32x128xf32, #tpu.memory_space<vmem>>, vector<16xf32>,
        %mul3A_571 = arith.mulf %get3A_570, %gather3A_567 : vector<16xf32>
        %swap3A_572 = arith.index_cast %scan3A_487 : i32 to index
        %swap3A_573 = arith.constant 112 : index
        %swap3A_574 = tpu.vector_load %arg23[%swap3A_572, %swap3A_573] {strides = array<i32>} : memref<32x128xf32, #tpu.memory_space<vmem>>, vector<16xf32>,
        tpu.vector_store %arg23[%swap3A_572, %swap3A_573], %mul3A_571 {strides = array<i32>} : memref<32x128xf32, #tpu.memory_space<vmem>>, vector<16xf32>,
      }
      %scan3A_358 = arith.constant 32 : i32
      %dma_start3A_359 = arith.constant 0 : i32
      %dma_start3A_360 = arith.constant 0 : i32
      %dma_start3A_361 = tpu.memref_slice %arg29[%dma_start3A_359, %dma_start3A_360] : memref<10240x128xf32, #tpu.memory_space<vmem_shared>> -> memref<10240x128xf32, #tpu.memory_space<vmem_shared>>
      tpu.enqueue_indirect_dma source(%arg23 : memref<32x128xf32, #tpu.memory_space<vmem>>) target(%dma_start3A_361 : memref<10240x128xf32, #tpu.memory_space<vmem_shared>>) offsets(%arg27 : memref<32xi32, #tpu.memory_space<vmem>>) semaphore(%arg33 : memref<!tpu.dma_semaphore, #tpu.memory_space<semaphore_mem>>) {add = true}
      %dma_start3A_362 = arith.constant 0 : i32
      %dma_start3A_363 = arith.constant 0 : i32
      %dma_start3A_364 = tpu.memref_slice %arg30[%dma_start3A_362, %dma_start3A_363] : memref<10240x16xf32, #tpu.memory_space<vmem_shared>> -> memref<10240x16xf32, #tpu.memory_space<vmem_shared>>
      tpu.enqueue_indirect_dma source(%arg25 : memref<32x16xf32, #tpu.memory_space<vmem>>) target(%dma_start3A_364 : memref<10240x16xf32, #tpu.memory_space<vmem_shared>>) offsets(%arg27 : memref<32xi32, #tpu.memory_space<vmem>>) semaphore(%arg33 : memref<!tpu.dma_semaphore, #tpu.memory_space<semaphore_mem>>) {add = true}
      %dma_wait3A_365 = arith.constant 0 : i32
      %dma_wait3A_366 = arith.constant 0 : i32
      %dma_wait3A_367 = tpu.memref_slice %arg29[%dma_wait3A_365, %dma_wait3A_366] : memref<10240x128xf32, #tpu.memory_space<vmem_shared>> -> memref<32x128xf32, #tpu.memory_space<vmem_shared>>
      %dma_wait3A_368 = arith.constant 0 : i32
      %dma_wait3A_369 = arith.constant 0 : i32
      %dma_wait3A_370 = tpu.memref_slice %arg29[%dma_wait3A_368, %dma_wait3A_369] : memref<10240x128xf32, #tpu.memory_space<vmem_shared>> -> memref<32x128xf32, #tpu.memory_space<vmem_shared>>
      tpu.wait_dma2 semaphore(%arg34 : memref<!tpu.dma_semaphore, #tpu.memory_space<semaphore_mem>>) src(%arg24 : memref<32x128xf32, #tpu.memory_space<vmem>>) dst(%dma_wait3A_370 : memref<32x128xf32, #tpu.memory_space<vmem_shared>>)
      %dma_wait3A_371 = arith.constant 0 : i32
      %dma_wait3A_372 = arith.constant 0 : i32
      %dma_wait3A_373 = tpu.memref_slice %arg30[%dma_wait3A_371, %dma_wait3A_372] : memref<10240x16xf32, #tpu.memory_space<vmem_shared>> -> memref<32x16xf32, #tpu.memory_space<vmem_shared>>
      %dma_wait3A_374 = arith.constant 0 : i32
      %dma_wait3A_375 = arith.constant 0 : i32
      %dma_wait3A_376 = tpu.memref_slice %arg30[%dma_wait3A_374, %dma_wait3A_375] : memref<10240x16xf32, #tpu.memory_space<vmem_shared>> -> memref<32x16xf32, #tpu.memory_space<vmem_shared>>
      tpu.wait_dma2 semaphore(%arg34 : memref<!tpu.dma_semaphore, #tpu.memory_space<semaphore_mem>>) src(%arg26 : memref<32x16xf32, #tpu.memory_space<vmem>>) dst(%dma_wait3A_376 : memref<32x16xf32, #tpu.memory_space<vmem_shared>>)
      %dma_wait3A_377 = arith.constant 0 : i32
      %dma_wait3A_378 = arith.constant 0 : i32
      %dma_wait3A_379 = tpu.memref_slice %arg2[%dma_wait3A_377, %dma_wait3A_378] : memref<10240x128xf32, #tpu.memory_space<hbm>> -> memref<32x128xf32, #tpu.memory_space<hbm>>
      %dma_wait3A_380 = arith.constant 0 : i32
      %dma_wait3A_381 = arith.constant 0 : i32
      %dma_wait3A_382 = tpu.memref_slice %arg2[%dma_wait3A_380, %dma_wait3A_381] : memref<10240x128xf32, #tpu.memory_space<hbm>> -> memref<32x128xf32, #tpu.memory_space<hbm>>
      tpu.wait_dma2 semaphore(%arg32 : memref<!tpu.dma_semaphore, #tpu.memory_space<semaphore_mem>>) src(%dma_wait3A_382 : memref<32x128xf32, #tpu.memory_space<hbm>>) dst(%arg18 : memref<32x128xf32, #tpu.memory_space<vmem>>)
      %dma_wait3A_383 = arith.constant 0 : i32
      %dma_wait3A_384 = arith.constant 0 : i32
      %dma_wait3A_385 = tpu.memref_slice %arg3[%dma_wait3A_383, %dma_wait3A_384] : memref<120000x128xf32, #tpu.memory_space<hbm>> -> memref<32x128xf32, #tpu.memory_space<hbm>>
      %dma_wait3A_386 = arith.constant 0 : i32
      %dma_wait3A_387 = arith.constant 0 : i32
      %dma_wait3A_388 = tpu.memref_slice %arg3[%dma_wait3A_386, %dma_wait3A_387] : memref<120000x128xf32, #tpu.memory_space<hbm>> -> memref<32x128xf32, #tpu.memory_space<hbm>>
      tpu.wait_dma2 semaphore(%arg32 : memref<!tpu.dma_semaphore, #tpu.memory_space<semaphore_mem>>) src(%dma_wait3A_388 : memref<32x128xf32, #tpu.memory_space<hbm>>) dst(%arg20 : memref<32x128xf32, #tpu.memory_space<vmem>>)
      %dma_wait3A_389 = arith.constant 0 : i32
      %dma_wait3A_390 = arith.constant 0 : i32
      %dma_wait3A_391 = tpu.memref_slice %arg4[%dma_wait3A_389, %dma_wait3A_390] : memref<40000x128xf32, #tpu.memory_space<hbm>> -> memref<32x128xf32, #tpu.memory_space<hbm>>
      %dma_wait3A_392 = arith.constant 0 : i32
      %dma_wait3A_393 = arith.constant 0 : i32
      %dma_wait3A_394 = tpu.memref_slice %arg4[%dma_wait3A_392, %dma_wait3A_393] : memref<40000x128xf32, #tpu.memory_space<hbm>> -> memref<32x128xf32, #tpu.memory_space<hbm>>
      tpu.wait_dma2 semaphore(%arg32 : memref<!tpu.dma_semaphore, #tpu.memory_space<semaphore_mem>>) src(%dma_wait3A_394 : memref<32x128xf32, #tpu.memory_space<hbm>>) dst(%arg22 : memref<32x128xf32, #tpu.memory_space<vmem>>)
      %multiple_of3A_395 = arith.constant 480 : i32
      %multiple_of3A_396 = tpu.assume_multiple %multiple_of3A_395, 32 : i32
      %add3A_397 = arith.constant 0 : i32
      %add3A_398 = arith.addi %multiple_of3A_396, %add3A_397 : i32
      %get3A_399 = arith.index_cast %add3A_398 : i32 to index
      %get3A_400 = tpu.vector_load %arg11[%get3A_399] {strides = array<i32>} : memref<512xi32, #tpu.memory_space<vmem>>, vector<16xi32>,
      %swap3A_401 = arith.constant 0 : index
      %swap3A_402 = tpu.vector_load %arg28[%swap3A_401] {strides = array<i32>} : memref<32xi32, #tpu.memory_space<vmem>>, vector<16xi32>,
      tpu.vector_store %arg28[%swap3A_401], %get3A_400 {strides = array<i32>} : memref<32xi32, #tpu.memory_space<vmem>>, vector<16xi32>,
      %add3A_403 = arith.constant 16 : i32
      %add3A_404 = arith.addi %multiple_of3A_396, %add3A_403 : i32
      %get3A_405 = arith.index_cast %add3A_404 : i32 to index
      %get3A_406 = tpu.vector_load %arg11[%get3A_405] {strides = array<i32>} : memref<512xi32, #tpu.memory_space<vmem>>, vector<16xi32>,
      %swap3A_407 = arith.constant 16 : index
      %swap3A_408 = tpu.vector_load %arg28[%swap3A_407] {strides = array<i32>} : memref<32xi32, #tpu.memory_space<vmem>>, vector<16xi32>,
      tpu.vector_store %arg28[%swap3A_407], %get3A_406 {strides = array<i32>} : memref<32xi32, #tpu.memory_space<vmem>>, vector<16xi32>,
      %add3A_409 = arith.constant 0 : i32
      %add3A_410 = vector.broadcast %add3A_409 : i32 to vector<16xi32>
      %add3A_411 = arith.addi %iota3A, %add3A_410 : vector<16xi32>
      %scan3A_412 = arith.constant 0 : i32
      %scan3A_413 = arith.constant 16 : i32
      %scan3A_414 = arith.addi %scan3A_412, %scan3A_413 : i32
      %scan3A_415 = arith.constant 1 : i32
      %scan3A_416:8 = scf.for %scan3A_487 = %scan3A_412 to %scan3A_414 step %scan3A_415 iter_args(%scan3A_488 = %broadcast_in_dim3A_3, %scan3A_489 = %broadcast_in_dim3A_3, %scan3A_490 = %broadcast_in_dim3A_3, %scan3A_491 = %broadcast_in_dim3A_3, %scan3A_492 = %broadcast_in_dim3A_3, %scan3A_493 = %broadcast_in_dim3A_3, %scan3A_494 = %broadcast_in_dim3A_3, %scan3A_495 = %broadcast_in_dim3A_3) -> (vector<16xf32>, vector<16xf32>, vector<16xf32>, vector<16xf32>, vector<16xf32>, vector<16xf32>, vector<16xf32>, vector<16xf32>)  : i32 {
        %broadcast_in_dim3A_496 = arith.constant 0 : i32
        %broadcast_in_dim3A_497 = vector.broadcast %broadcast_in_dim3A_496 : i32 to vector<16xi32>
        %add3A_498 = vector.broadcast %scan3A_487 : i32 to vector<16xi32>
        %add3A_499 = arith.addi %broadcast_in_dim3A_497, %add3A_498 : vector<16xi32>
        %gather3A = tpu.vector_load_idx %arg18[%add3A_411, %add3A_499] : memref<32x128xf32, #tpu.memory_space<vmem>>[vector<16xi32>, vector<16xi32>], vector<16xf32>,
        %gather3A_500 = tpu.vector_load_idx %arg20[%add3A_411, %add3A_499] : memref<32x128xf32, #tpu.memory_space<vmem>>[vector<16xi32>, vector<16xi32>], vector<16xf32>,
        %mul3A_501 = arith.mulf %gather3A, %gather3A_500 : vector<16xf32>
        %add3A_502 = arith.addf %scan3A_488, %mul3A_501 : vector<16xf32>
        %broadcast_in_dim3A_503 = arith.constant 16 : i32
        %broadcast_in_dim3A_504 = vector.broadcast %broadcast_in_dim3A_503 : i32 to vector<16xi32>
        %add3A_505 = vector.broadcast %scan3A_487 : i32 to vector<16xi32>
        %add3A_506 = arith.addi %broadcast_in_dim3A_504, %add3A_505 : vector<16xi32>
        %gather3A_507 = tpu.vector_load_idx %arg18[%add3A_411, %add3A_506] : memref<32x128xf32, #tpu.memory_space<vmem>>[vector<16xi32>, vector<16xi32>], vector<16xf32>,
        %gather3A_508 = tpu.vector_load_idx %arg20[%add3A_411, %add3A_506] : memref<32x128xf32, #tpu.memory_space<vmem>>[vector<16xi32>, vector<16xi32>], vector<16xf32>,
        %mul3A_509 = arith.mulf %gather3A_507, %gather3A_508 : vector<16xf32>
        %add3A_510 = arith.addf %scan3A_489, %mul3A_509 : vector<16xf32>
        %broadcast_in_dim3A_511 = arith.constant 32 : i32
        %broadcast_in_dim3A_512 = vector.broadcast %broadcast_in_dim3A_511 : i32 to vector<16xi32>
        %add3A_513 = vector.broadcast %scan3A_487 : i32 to vector<16xi32>
        %add3A_514 = arith.addi %broadcast_in_dim3A_512, %add3A_513 : vector<16xi32>
        %gather3A_515 = tpu.vector_load_idx %arg18[%add3A_411, %add3A_514] : memref<32x128xf32, #tpu.memory_space<vmem>>[vector<16xi32>, vector<16xi32>], vector<16xf32>,
        %gather3A_516 = tpu.vector_load_idx %arg20[%add3A_411, %add3A_514] : memref<32x128xf32, #tpu.memory_space<vmem>>[vector<16xi32>, vector<16xi32>], vector<16xf32>,
        %mul3A_517 = arith.mulf %gather3A_515, %gather3A_516 : vector<16xf32>
        %add3A_518 = arith.addf %scan3A_490, %mul3A_517 : vector<16xf32>
        %broadcast_in_dim3A_519 = arith.constant 48 : i32
        %broadcast_in_dim3A_520 = vector.broadcast %broadcast_in_dim3A_519 : i32 to vector<16xi32>
        %add3A_521 = vector.broadcast %scan3A_487 : i32 to vector<16xi32>
        %add3A_522 = arith.addi %broadcast_in_dim3A_520, %add3A_521 : vector<16xi32>
        %gather3A_523 = tpu.vector_load_idx %arg18[%add3A_411, %add3A_522] : memref<32x128xf32, #tpu.memory_space<vmem>>[vector<16xi32>, vector<16xi32>], vector<16xf32>,
        %gather3A_524 = tpu.vector_load_idx %arg20[%add3A_411, %add3A_522] : memref<32x128xf32, #tpu.memory_space<vmem>>[vector<16xi32>, vector<16xi32>], vector<16xf32>,
        %mul3A_525 = arith.mulf %gather3A_523, %gather3A_524 : vector<16xf32>
        %add3A_526 = arith.addf %scan3A_491, %mul3A_525 : vector<16xf32>
        %broadcast_in_dim3A_527 = arith.constant 64 : i32
        %broadcast_in_dim3A_528 = vector.broadcast %broadcast_in_dim3A_527 : i32 to vector<16xi32>
        %add3A_529 = vector.broadcast %scan3A_487 : i32 to vector<16xi32>
        %add3A_530 = arith.addi %broadcast_in_dim3A_528, %add3A_529 : vector<16xi32>
        %gather3A_531 = tpu.vector_load_idx %arg18[%add3A_411, %add3A_530] : memref<32x128xf32, #tpu.memory_space<vmem>>[vector<16xi32>, vector<16xi32>], vector<16xf32>,
        %gather3A_532 = tpu.vector_load_idx %arg20[%add3A_411, %add3A_530] : memref<32x128xf32, #tpu.memory_space<vmem>>[vector<16xi32>, vector<16xi32>], vector<16xf32>,
        %mul3A_533 = arith.mulf %gather3A_531, %gather3A_532 : vector<16xf32>
        %add3A_534 = arith.addf %scan3A_492, %mul3A_533 : vector<16xf32>
        %broadcast_in_dim3A_535 = arith.constant 80 : i32
        %broadcast_in_dim3A_536 = vector.broadcast %broadcast_in_dim3A_535 : i32 to vector<16xi32>
        %add3A_537 = vector.broadcast %scan3A_487 : i32 to vector<16xi32>
        %add3A_538 = arith.addi %broadcast_in_dim3A_536, %add3A_537 : vector<16xi32>
        %gather3A_539 = tpu.vector_load_idx %arg18[%add3A_411, %add3A_538] : memref<32x128xf32, #tpu.memory_space<vmem>>[vector<16xi32>, vector<16xi32>], vector<16xf32>,
        %gather3A_540 = tpu.vector_load_idx %arg20[%add3A_411, %add3A_538] : memref<32x128xf32, #tpu.memory_space<vmem>>[vector<16xi32>, vector<16xi32>], vector<16xf32>,
        %mul3A_541 = arith.mulf %gather3A_539, %gather3A_540 : vector<16xf32>
        %add3A_542 = arith.addf %scan3A_493, %mul3A_541 : vector<16xf32>
        %broadcast_in_dim3A_543 = arith.constant 96 : i32
        %broadcast_in_dim3A_544 = vector.broadcast %broadcast_in_dim3A_543 : i32 to vector<16xi32>
        %add3A_545 = vector.broadcast %scan3A_487 : i32 to vector<16xi32>
        %add3A_546 = arith.addi %broadcast_in_dim3A_544, %add3A_545 : vector<16xi32>
        %gather3A_547 = tpu.vector_load_idx %arg18[%add3A_411, %add3A_546] : memref<32x128xf32, #tpu.memory_space<vmem>>[vector<16xi32>, vector<16xi32>], vector<16xf32>,
        %gather3A_548 = tpu.vector_load_idx %arg20[%add3A_411, %add3A_546] : memref<32x128xf32, #tpu.memory_space<vmem>>[vector<16xi32>, vector<16xi32>], vector<16xf32>,
        %mul3A_549 = arith.mulf %gather3A_547, %gather3A_548 : vector<16xf32>
        %add3A_550 = arith.addf %scan3A_494, %mul3A_549 : vector<16xf32>
        %broadcast_in_dim3A_551 = arith.constant 112 : i32
        %broadcast_in_dim3A_552 = vector.broadcast %broadcast_in_dim3A_551 : i32 to vector<16xi32>
        %add3A_553 = vector.broadcast %scan3A_487 : i32 to vector<16xi32>
        %add3A_554 = arith.addi %broadcast_in_dim3A_552, %add3A_553 : vector<16xi32>
        %gather3A_555 = tpu.vector_load_idx %arg18[%add3A_411, %add3A_554] : memref<32x128xf32, #tpu.memory_space<vmem>>[vector<16xi32>, vector<16xi32>], vector<16xf32>,
        %gather3A_556 = tpu.vector_load_idx %arg20[%add3A_411, %add3A_554] : memref<32x128xf32, #tpu.memory_space<vmem>>[vector<16xi32>, vector<16xi32>], vector<16xf32>,
        %mul3A_557 = arith.mulf %gather3A_555, %gather3A_556 : vector<16xf32>
        %add3A_558 = arith.addf %scan3A_495, %mul3A_557 : vector<16xf32>
        scf.yield %add3A_502, %add3A_510, %add3A_518, %add3A_526, %add3A_534, %add3A_542, %add3A_550, %add3A_558 : vector<16xf32>, vector<16xf32>, vector<16xf32>, vector<16xf32>, vector<16xf32>, vector<16xf32>, vector<16xf32>, vector<16xf32>
      }
      %scan3A_417 = arith.constant 16 : i32
      %broadcast_in_dim3A_418 = arith.constant 0 : i32
      %broadcast_in_dim3A_419 = vector.broadcast %broadcast_in_dim3A_418 : i32 to vector<16xi32>
      %exp3A_420 = math.exp %scan3A_416#0 : vector<16xf32>
      tpu.vector_store_idx %arg26[%add3A_411, %broadcast_in_dim3A_419], %exp3A_420 : memref<32x16xf32, #tpu.memory_space<vmem>>[vector<16xi32>, vector<16xi32>], vector<16xf32>,
      %broadcast_in_dim3A_421 = arith.constant 1 : i32
      %broadcast_in_dim3A_422 = vector.broadcast %broadcast_in_dim3A_421 : i32 to vector<16xi32>
      %exp3A_423 = math.exp %scan3A_416#1 : vector<16xf32>
      tpu.vector_store_idx %arg26[%add3A_411, %broadcast_in_dim3A_422], %exp3A_423 : memref<32x16xf32, #tpu.memory_space<vmem>>[vector<16xi32>, vector<16xi32>], vector<16xf32>,
      %broadcast_in_dim3A_424 = arith.constant 2 : i32
      %broadcast_in_dim3A_425 = vector.broadcast %broadcast_in_dim3A_424 : i32 to vector<16xi32>
      %exp3A_426 = math.exp %scan3A_416#2 : vector<16xf32>
      tpu.vector_store_idx %arg26[%add3A_411, %broadcast_in_dim3A_425], %exp3A_426 : memref<32x16xf32, #tpu.memory_space<vmem>>[vector<16xi32>, vector<16xi32>], vector<16xf32>,
      %broadcast_in_dim3A_427 = arith.constant 3 : i32
      %broadcast_in_dim3A_428 = vector.broadcast %broadcast_in_dim3A_427 : i32 to vector<16xi32>
      %exp3A_429 = math.exp %scan3A_416#3 : vector<16xf32>
      tpu.vector_store_idx %arg26[%add3A_411, %broadcast_in_dim3A_428], %exp3A_429 : memref<32x16xf32, #tpu.memory_space<vmem>>[vector<16xi32>, vector<16xi32>], vector<16xf32>,
      %broadcast_in_dim3A_430 = arith.constant 4 : i32
      %broadcast_in_dim3A_431 = vector.broadcast %broadcast_in_dim3A_430 : i32 to vector<16xi32>
      %exp3A_432 = math.exp %scan3A_416#4 : vector<16xf32>
      tpu.vector_store_idx %arg26[%add3A_411, %broadcast_in_dim3A_431], %exp3A_432 : memref<32x16xf32, #tpu.memory_space<vmem>>[vector<16xi32>, vector<16xi32>], vector<16xf32>,
      %broadcast_in_dim3A_433 = arith.constant 5 : i32
      %broadcast_in_dim3A_434 = vector.broadcast %broadcast_in_dim3A_433 : i32 to vector<16xi32>
      %exp3A_435 = math.exp %scan3A_416#5 : vector<16xf32>
      tpu.vector_store_idx %arg26[%add3A_411, %broadcast_in_dim3A_434], %exp3A_435 : memref<32x16xf32, #tpu.memory_space<vmem>>[vector<16xi32>, vector<16xi32>], vector<16xf32>,
      %broadcast_in_dim3A_436 = arith.constant 6 : i32
      %broadcast_in_dim3A_437 = vector.broadcast %broadcast_in_dim3A_436 : i32 to vector<16xi32>
      %exp3A_438 = math.exp %scan3A_416#6 : vector<16xf32>
      tpu.vector_store_idx %arg26[%add3A_411, %broadcast_in_dim3A_437], %exp3A_438 : memref<32x16xf32, #tpu.memory_space<vmem>>[vector<16xi32>, vector<16xi32>], vector<16xf32>,
      %broadcast_in_dim3A_439 = arith.constant 7 : i32
      %broadcast_in_dim3A_440 = vector.broadcast %broadcast_in_dim3A_439 : i32 to vector<16xi32>
      %exp3A_441 = math.exp %scan3A_416#7 : vector<16xf32>
      tpu.vector_store_idx %arg26[%add3A_411, %broadcast_in_dim3A_440], %exp3A_441 : memref<32x16xf32, #tpu.memory_space<vmem>>[vector<16xi32>, vector<16xi32>], vector<16xf32>,
      %add3A_442 = arith.constant 16 : i32
      %add3A_443 = vector.broadcast %add3A_442 : i32 to vector<16xi32>
      %add3A_444 = arith.addi %iota3A, %add3A_443 : vector<16xi32>
      %scan3A_445 = arith.constant 0 : i32
      %scan3A_446 = arith.constant 16 : i32
      %scan3A_447 = arith.addi %scan3A_445, %scan3A_446 : i32
      %scan3A_448 = arith.constant 1 : i32
      %scan3A_449:8 = scf.for %scan3A_487 = %scan3A_445 to %scan3A_447 step %scan3A_448 iter_args(%scan3A_488 = %broadcast_in_dim3A_3, %scan3A_489 = %broadcast_in_dim3A_3, %scan3A_490 = %broadcast_in_dim3A_3, %scan3A_491 = %broadcast_in_dim3A_3, %scan3A_492 = %broadcast_in_dim3A_3, %scan3A_493 = %broadcast_in_dim3A_3, %scan3A_494 = %broadcast_in_dim3A_3, %scan3A_495 = %broadcast_in_dim3A_3) -> (vector<16xf32>, vector<16xf32>, vector<16xf32>, vector<16xf32>, vector<16xf32>, vector<16xf32>, vector<16xf32>, vector<16xf32>)  : i32 {
        %broadcast_in_dim3A_496 = arith.constant 0 : i32
        %broadcast_in_dim3A_497 = vector.broadcast %broadcast_in_dim3A_496 : i32 to vector<16xi32>
        %add3A_498 = vector.broadcast %scan3A_487 : i32 to vector<16xi32>
        %add3A_499 = arith.addi %broadcast_in_dim3A_497, %add3A_498 : vector<16xi32>
        %gather3A = tpu.vector_load_idx %arg18[%add3A_444, %add3A_499] : memref<32x128xf32, #tpu.memory_space<vmem>>[vector<16xi32>, vector<16xi32>], vector<16xf32>,
        %gather3A_500 = tpu.vector_load_idx %arg20[%add3A_444, %add3A_499] : memref<32x128xf32, #tpu.memory_space<vmem>>[vector<16xi32>, vector<16xi32>], vector<16xf32>,
        %mul3A_501 = arith.mulf %gather3A, %gather3A_500 : vector<16xf32>
        %add3A_502 = arith.addf %scan3A_488, %mul3A_501 : vector<16xf32>
        %broadcast_in_dim3A_503 = arith.constant 16 : i32
        %broadcast_in_dim3A_504 = vector.broadcast %broadcast_in_dim3A_503 : i32 to vector<16xi32>
        %add3A_505 = vector.broadcast %scan3A_487 : i32 to vector<16xi32>
        %add3A_506 = arith.addi %broadcast_in_dim3A_504, %add3A_505 : vector<16xi32>
        %gather3A_507 = tpu.vector_load_idx %arg18[%add3A_444, %add3A_506] : memref<32x128xf32, #tpu.memory_space<vmem>>[vector<16xi32>, vector<16xi32>], vector<16xf32>,
        %gather3A_508 = tpu.vector_load_idx %arg20[%add3A_444, %add3A_506] : memref<32x128xf32, #tpu.memory_space<vmem>>[vector<16xi32>, vector<16xi32>], vector<16xf32>,
        %mul3A_509 = arith.mulf %gather3A_507, %gather3A_508 : vector<16xf32>
        %add3A_510 = arith.addf %scan3A_489, %mul3A_509 : vector<16xf32>
        %broadcast_in_dim3A_511 = arith.constant 32 : i32
        %broadcast_in_dim3A_512 = vector.broadcast %broadcast_in_dim3A_511 : i32 to vector<16xi32>
        %add3A_513 = vector.broadcast %scan3A_487 : i32 to vector<16xi32>
        %add3A_514 = arith.addi %broadcast_in_dim3A_512, %add3A_513 : vector<16xi32>
        %gather3A_515 = tpu.vector_load_idx %arg18[%add3A_444, %add3A_514] : memref<32x128xf32, #tpu.memory_space<vmem>>[vector<16xi32>, vector<16xi32>], vector<16xf32>,
        %gather3A_516 = tpu.vector_load_idx %arg20[%add3A_444, %add3A_514] : memref<32x128xf32, #tpu.memory_space<vmem>>[vector<16xi32>, vector<16xi32>], vector<16xf32>,
        %mul3A_517 = arith.mulf %gather3A_515, %gather3A_516 : vector<16xf32>
        %add3A_518 = arith.addf %scan3A_490, %mul3A_517 : vector<16xf32>
        %broadcast_in_dim3A_519 = arith.constant 48 : i32
        %broadcast_in_dim3A_520 = vector.broadcast %broadcast_in_dim3A_519 : i32 to vector<16xi32>
        %add3A_521 = vector.broadcast %scan3A_487 : i32 to vector<16xi32>
        %add3A_522 = arith.addi %broadcast_in_dim3A_520, %add3A_521 : vector<16xi32>
        %gather3A_523 = tpu.vector_load_idx %arg18[%add3A_444, %add3A_522] : memref<32x128xf32, #tpu.memory_space<vmem>>[vector<16xi32>, vector<16xi32>], vector<16xf32>,
        %gather3A_524 = tpu.vector_load_idx %arg20[%add3A_444, %add3A_522] : memref<32x128xf32, #tpu.memory_space<vmem>>[vector<16xi32>, vector<16xi32>], vector<16xf32>,
        %mul3A_525 = arith.mulf %gather3A_523, %gather3A_524 : vector<16xf32>
        %add3A_526 = arith.addf %scan3A_491, %mul3A_525 : vector<16xf32>
        %broadcast_in_dim3A_527 = arith.constant 64 : i32
        %broadcast_in_dim3A_528 = vector.broadcast %broadcast_in_dim3A_527 : i32 to vector<16xi32>
        %add3A_529 = vector.broadcast %scan3A_487 : i32 to vector<16xi32>
        %add3A_530 = arith.addi %broadcast_in_dim3A_528, %add3A_529 : vector<16xi32>
        %gather3A_531 = tpu.vector_load_idx %arg18[%add3A_444, %add3A_530] : memref<32x128xf32, #tpu.memory_space<vmem>>[vector<16xi32>, vector<16xi32>], vector<16xf32>,
        %gather3A_532 = tpu.vector_load_idx %arg20[%add3A_444, %add3A_530] : memref<32x128xf32, #tpu.memory_space<vmem>>[vector<16xi32>, vector<16xi32>], vector<16xf32>,
        %mul3A_533 = arith.mulf %gather3A_531, %gather3A_532 : vector<16xf32>
        %add3A_534 = arith.addf %scan3A_492, %mul3A_533 : vector<16xf32>
        %broadcast_in_dim3A_535 = arith.constant 80 : i32
        %broadcast_in_dim3A_536 = vector.broadcast %broadcast_in_dim3A_535 : i32 to vector<16xi32>
        %add3A_537 = vector.broadcast %scan3A_487 : i32 to vector<16xi32>
        %add3A_538 = arith.addi %broadcast_in_dim3A_536, %add3A_537 : vector<16xi32>
        %gather3A_539 = tpu.vector_load_idx %arg18[%add3A_444, %add3A_538] : memref<32x128xf32, #tpu.memory_space<vmem>>[vector<16xi32>, vector<16xi32>], vector<16xf32>,
        %gather3A_540 = tpu.vector_load_idx %arg20[%add3A_444, %add3A_538] : memref<32x128xf32, #tpu.memory_space<vmem>>[vector<16xi32>, vector<16xi32>], vector<16xf32>,
        %mul3A_541 = arith.mulf %gather3A_539, %gather3A_540 : vector<16xf32>
        %add3A_542 = arith.addf %scan3A_493, %mul3A_541 : vector<16xf32>
        %broadcast_in_dim3A_543 = arith.constant 96 : i32
        %broadcast_in_dim3A_544 = vector.broadcast %broadcast_in_dim3A_543 : i32 to vector<16xi32>
        %add3A_545 = vector.broadcast %scan3A_487 : i32 to vector<16xi32>
        %add3A_546 = arith.addi %broadcast_in_dim3A_544, %add3A_545 : vector<16xi32>
        %gather3A_547 = tpu.vector_load_idx %arg18[%add3A_444, %add3A_546] : memref<32x128xf32, #tpu.memory_space<vmem>>[vector<16xi32>, vector<16xi32>], vector<16xf32>,
        %gather3A_548 = tpu.vector_load_idx %arg20[%add3A_444, %add3A_546] : memref<32x128xf32, #tpu.memory_space<vmem>>[vector<16xi32>, vector<16xi32>], vector<16xf32>,
        %mul3A_549 = arith.mulf %gather3A_547, %gather3A_548 : vector<16xf32>
        %add3A_550 = arith.addf %scan3A_494, %mul3A_549 : vector<16xf32>
        %broadcast_in_dim3A_551 = arith.constant 112 : i32
        %broadcast_in_dim3A_552 = vector.broadcast %broadcast_in_dim3A_551 : i32 to vector<16xi32>
        %add3A_553 = vector.broadcast %scan3A_487 : i32 to vector<16xi32>
        %add3A_554 = arith.addi %broadcast_in_dim3A_552, %add3A_553 : vector<16xi32>
        %gather3A_555 = tpu.vector_load_idx %arg18[%add3A_444, %add3A_554] : memref<32x128xf32, #tpu.memory_space<vmem>>[vector<16xi32>, vector<16xi32>], vector<16xf32>,
        %gather3A_556 = tpu.vector_load_idx %arg20[%add3A_444, %add3A_554] : memref<32x128xf32, #tpu.memory_space<vmem>>[vector<16xi32>, vector<16xi32>], vector<16xf32>,
        %mul3A_557 = arith.mulf %gather3A_555, %gather3A_556 : vector<16xf32>
        %add3A_558 = arith.addf %scan3A_495, %mul3A_557 : vector<16xf32>
        scf.yield %add3A_502, %add3A_510, %add3A_518, %add3A_526, %add3A_534, %add3A_542, %add3A_550, %add3A_558 : vector<16xf32>, vector<16xf32>, vector<16xf32>, vector<16xf32>, vector<16xf32>, vector<16xf32>, vector<16xf32>, vector<16xf32>
      }
      %scan3A_450 = arith.constant 16 : i32
      %broadcast_in_dim3A_451 = arith.constant 0 : i32
      %broadcast_in_dim3A_452 = vector.broadcast %broadcast_in_dim3A_451 : i32 to vector<16xi32>
      %exp3A_453 = math.exp %scan3A_449#0 : vector<16xf32>
      tpu.vector_store_idx %arg26[%add3A_444, %broadcast_in_dim3A_452], %exp3A_453 : memref<32x16xf32, #tpu.memory_space<vmem>>[vector<16xi32>, vector<16xi32>], vector<16xf32>,
      %broadcast_in_dim3A_454 = arith.constant 1 : i32
      %broadcast_in_dim3A_455 = vector.broadcast %broadcast_in_dim3A_454 : i32 to vector<16xi32>
      %exp3A_456 = math.exp %scan3A_449#1 : vector<16xf32>
      tpu.vector_store_idx %arg26[%add3A_444, %broadcast_in_dim3A_455], %exp3A_456 : memref<32x16xf32, #tpu.memory_space<vmem>>[vector<16xi32>, vector<16xi32>], vector<16xf32>,
      %broadcast_in_dim3A_457 = arith.constant 2 : i32
      %broadcast_in_dim3A_458 = vector.broadcast %broadcast_in_dim3A_457 : i32 to vector<16xi32>
      %exp3A_459 = math.exp %scan3A_449#2 : vector<16xf32>
      tpu.vector_store_idx %arg26[%add3A_444, %broadcast_in_dim3A_458], %exp3A_459 : memref<32x16xf32, #tpu.memory_space<vmem>>[vector<16xi32>, vector<16xi32>], vector<16xf32>,
      %broadcast_in_dim3A_460 = arith.constant 3 : i32
      %broadcast_in_dim3A_461 = vector.broadcast %broadcast_in_dim3A_460 : i32 to vector<16xi32>
      %exp3A_462 = math.exp %scan3A_449#3 : vector<16xf32>
      tpu.vector_store_idx %arg26[%add3A_444, %broadcast_in_dim3A_461], %exp3A_462 : memref<32x16xf32, #tpu.memory_space<vmem>>[vector<16xi32>, vector<16xi32>], vector<16xf32>,
      %broadcast_in_dim3A_463 = arith.constant 4 : i32
      %broadcast_in_dim3A_464 = vector.broadcast %broadcast_in_dim3A_463 : i32 to vector<16xi32>
      %exp3A_465 = math.exp %scan3A_449#4 : vector<16xf32>
      tpu.vector_store_idx %arg26[%add3A_444, %broadcast_in_dim3A_464], %exp3A_465 : memref<32x16xf32, #tpu.memory_space<vmem>>[vector<16xi32>, vector<16xi32>], vector<16xf32>,
      %broadcast_in_dim3A_466 = arith.constant 5 : i32
      %broadcast_in_dim3A_467 = vector.broadcast %broadcast_in_dim3A_466 : i32 to vector<16xi32>
      %exp3A_468 = math.exp %scan3A_449#5 : vector<16xf32>
      tpu.vector_store_idx %arg26[%add3A_444, %broadcast_in_dim3A_467], %exp3A_468 : memref<32x16xf32, #tpu.memory_space<vmem>>[vector<16xi32>, vector<16xi32>], vector<16xf32>,
      %broadcast_in_dim3A_469 = arith.constant 6 : i32
      %broadcast_in_dim3A_470 = vector.broadcast %broadcast_in_dim3A_469 : i32 to vector<16xi32>
      %exp3A_471 = math.exp %scan3A_449#6 : vector<16xf32>
      tpu.vector_store_idx %arg26[%add3A_444, %broadcast_in_dim3A_470], %exp3A_471 : memref<32x16xf32, #tpu.memory_space<vmem>>[vector<16xi32>, vector<16xi32>], vector<16xf32>,
      %broadcast_in_dim3A_472 = arith.constant 7 : i32
      %broadcast_in_dim3A_473 = vector.broadcast %broadcast_in_dim3A_472 : i32 to vector<16xi32>
      %exp3A_474 = math.exp %scan3A_449#7 : vector<16xf32>
      tpu.vector_store_idx %arg26[%add3A_444, %broadcast_in_dim3A_473], %exp3A_474 : memref<32x16xf32, #tpu.memory_space<vmem>>[vector<16xi32>, vector<16xi32>], vector<16xf32>,
      %scan3A_475 = arith.constant 0 : i32
      %scan3A_476 = arith.constant 0 : i32
      %scan3A_477 = arith.constant 32 : i32
      %scan3A_478 = arith.addi %scan3A_476, %scan3A_477 : i32
      %scan3A_479 = arith.constant 1 : i32
      scf.for %scan3A_487 = %scan3A_476 to %scan3A_478 step %scan3A_479  : i32 {
        %broadcast_in_dim3A_488 = vector.broadcast %scan3A_487 : i32 to vector<16xi32>
        %broadcast_in_dim3A_489 = arith.constant 0 : i32
        %broadcast_in_dim3A_490 = vector.broadcast %broadcast_in_dim3A_489 : i32 to vector<16xi32>
        %gather3A = tpu.vector_load_idx %arg26[%broadcast_in_dim3A_488, %broadcast_in_dim3A_490] : memref<32x16xf32, #tpu.memory_space<vmem>>[vector<16xi32>, vector<16xi32>], vector<16xf32>,
        %get3A_491 = arith.index_cast %scan3A_487 : i32 to index
        %get3A_492 = arith.constant 0 : index
        %get3A_493 = tpu.vector_load %arg22[%get3A_491, %get3A_492] {strides = array<i32>} : memref<32x128xf32, #tpu.memory_space<vmem>>, vector<16xf32>,
        %mul3A_494 = arith.mulf %get3A_493, %gather3A : vector<16xf32>
        %swap3A_495 = arith.index_cast %scan3A_487 : i32 to index
        %swap3A_496 = arith.constant 0 : index
        %swap3A_497 = tpu.vector_load %arg24[%swap3A_495, %swap3A_496] {strides = array<i32>} : memref<32x128xf32, #tpu.memory_space<vmem>>, vector<16xf32>,
        tpu.vector_store %arg24[%swap3A_495, %swap3A_496], %mul3A_494 {strides = array<i32>} : memref<32x128xf32, #tpu.memory_space<vmem>>, vector<16xf32>,
        %broadcast_in_dim3A_498 = vector.broadcast %scan3A_487 : i32 to vector<16xi32>
        %broadcast_in_dim3A_499 = arith.constant 1 : i32
        %broadcast_in_dim3A_500 = vector.broadcast %broadcast_in_dim3A_499 : i32 to vector<16xi32>
        %gather3A_501 = tpu.vector_load_idx %arg26[%broadcast_in_dim3A_498, %broadcast_in_dim3A_500] : memref<32x16xf32, #tpu.memory_space<vmem>>[vector<16xi32>, vector<16xi32>], vector<16xf32>,
        %get3A_502 = arith.index_cast %scan3A_487 : i32 to index
        %get3A_503 = arith.constant 16 : index
        %get3A_504 = tpu.vector_load %arg22[%get3A_502, %get3A_503] {strides = array<i32>} : memref<32x128xf32, #tpu.memory_space<vmem>>, vector<16xf32>,
        %mul3A_505 = arith.mulf %get3A_504, %gather3A_501 : vector<16xf32>
        %swap3A_506 = arith.index_cast %scan3A_487 : i32 to index
        %swap3A_507 = arith.constant 16 : index
        %swap3A_508 = tpu.vector_load %arg24[%swap3A_506, %swap3A_507] {strides = array<i32>} : memref<32x128xf32, #tpu.memory_space<vmem>>, vector<16xf32>,
        tpu.vector_store %arg24[%swap3A_506, %swap3A_507], %mul3A_505 {strides = array<i32>} : memref<32x128xf32, #tpu.memory_space<vmem>>, vector<16xf32>,
        %broadcast_in_dim3A_509 = vector.broadcast %scan3A_487 : i32 to vector<16xi32>
        %broadcast_in_dim3A_510 = arith.constant 2 : i32
        %broadcast_in_dim3A_511 = vector.broadcast %broadcast_in_dim3A_510 : i32 to vector<16xi32>
        %gather3A_512 = tpu.vector_load_idx %arg26[%broadcast_in_dim3A_509, %broadcast_in_dim3A_511] : memref<32x16xf32, #tpu.memory_space<vmem>>[vector<16xi32>, vector<16xi32>], vector<16xf32>,
        %get3A_513 = arith.index_cast %scan3A_487 : i32 to index
        %get3A_514 = arith.constant 32 : index
        %get3A_515 = tpu.vector_load %arg22[%get3A_513, %get3A_514] {strides = array<i32>} : memref<32x128xf32, #tpu.memory_space<vmem>>, vector<16xf32>,
        %mul3A_516 = arith.mulf %get3A_515, %gather3A_512 : vector<16xf32>
        %swap3A_517 = arith.index_cast %scan3A_487 : i32 to index
        %swap3A_518 = arith.constant 32 : index
        %swap3A_519 = tpu.vector_load %arg24[%swap3A_517, %swap3A_518] {strides = array<i32>} : memref<32x128xf32, #tpu.memory_space<vmem>>, vector<16xf32>,
        tpu.vector_store %arg24[%swap3A_517, %swap3A_518], %mul3A_516 {strides = array<i32>} : memref<32x128xf32, #tpu.memory_space<vmem>>, vector<16xf32>,
        %broadcast_in_dim3A_520 = vector.broadcast %scan3A_487 : i32 to vector<16xi32>
        %broadcast_in_dim3A_521 = arith.constant 3 : i32
        %broadcast_in_dim3A_522 = vector.broadcast %broadcast_in_dim3A_521 : i32 to vector<16xi32>
        %gather3A_523 = tpu.vector_load_idx %arg26[%broadcast_in_dim3A_520, %broadcast_in_dim3A_522] : memref<32x16xf32, #tpu.memory_space<vmem>>[vector<16xi32>, vector<16xi32>], vector<16xf32>,
        %get3A_524 = arith.index_cast %scan3A_487 : i32 to index
        %get3A_525 = arith.constant 48 : index
        %get3A_526 = tpu.vector_load %arg22[%get3A_524, %get3A_525] {strides = array<i32>} : memref<32x128xf32, #tpu.memory_space<vmem>>, vector<16xf32>,
        %mul3A_527 = arith.mulf %get3A_526, %gather3A_523 : vector<16xf32>
        %swap3A_528 = arith.index_cast %scan3A_487 : i32 to index
        %swap3A_529 = arith.constant 48 : index
        %swap3A_530 = tpu.vector_load %arg24[%swap3A_528, %swap3A_529] {strides = array<i32>} : memref<32x128xf32, #tpu.memory_space<vmem>>, vector<16xf32>,
        tpu.vector_store %arg24[%swap3A_528, %swap3A_529], %mul3A_527 {strides = array<i32>} : memref<32x128xf32, #tpu.memory_space<vmem>>, vector<16xf32>,
        %broadcast_in_dim3A_531 = vector.broadcast %scan3A_487 : i32 to vector<16xi32>
        %broadcast_in_dim3A_532 = arith.constant 4 : i32
        %broadcast_in_dim3A_533 = vector.broadcast %broadcast_in_dim3A_532 : i32 to vector<16xi32>
        %gather3A_534 = tpu.vector_load_idx %arg26[%broadcast_in_dim3A_531, %broadcast_in_dim3A_533] : memref<32x16xf32, #tpu.memory_space<vmem>>[vector<16xi32>, vector<16xi32>], vector<16xf32>,
        %get3A_535 = arith.index_cast %scan3A_487 : i32 to index
        %get3A_536 = arith.constant 64 : index
        %get3A_537 = tpu.vector_load %arg22[%get3A_535, %get3A_536] {strides = array<i32>} : memref<32x128xf32, #tpu.memory_space<vmem>>, vector<16xf32>,
        %mul3A_538 = arith.mulf %get3A_537, %gather3A_534 : vector<16xf32>
        %swap3A_539 = arith.index_cast %scan3A_487 : i32 to index
        %swap3A_540 = arith.constant 64 : index
        %swap3A_541 = tpu.vector_load %arg24[%swap3A_539, %swap3A_540] {strides = array<i32>} : memref<32x128xf32, #tpu.memory_space<vmem>>, vector<16xf32>,
        tpu.vector_store %arg24[%swap3A_539, %swap3A_540], %mul3A_538 {strides = array<i32>} : memref<32x128xf32, #tpu.memory_space<vmem>>, vector<16xf32>,
        %broadcast_in_dim3A_542 = vector.broadcast %scan3A_487 : i32 to vector<16xi32>
        %broadcast_in_dim3A_543 = arith.constant 5 : i32
        %broadcast_in_dim3A_544 = vector.broadcast %broadcast_in_dim3A_543 : i32 to vector<16xi32>
        %gather3A_545 = tpu.vector_load_idx %arg26[%broadcast_in_dim3A_542, %broadcast_in_dim3A_544] : memref<32x16xf32, #tpu.memory_space<vmem>>[vector<16xi32>, vector<16xi32>], vector<16xf32>,
        %get3A_546 = arith.index_cast %scan3A_487 : i32 to index
        %get3A_547 = arith.constant 80 : index
        %get3A_548 = tpu.vector_load %arg22[%get3A_546, %get3A_547] {strides = array<i32>} : memref<32x128xf32, #tpu.memory_space<vmem>>, vector<16xf32>,
        %mul3A_549 = arith.mulf %get3A_548, %gather3A_545 : vector<16xf32>
        %swap3A_550 = arith.index_cast %scan3A_487 : i32 to index
        %swap3A_551 = arith.constant 80 : index
        %swap3A_552 = tpu.vector_load %arg24[%swap3A_550, %swap3A_551] {strides = array<i32>} : memref<32x128xf32, #tpu.memory_space<vmem>>, vector<16xf32>,
        tpu.vector_store %arg24[%swap3A_550, %swap3A_551], %mul3A_549 {strides = array<i32>} : memref<32x128xf32, #tpu.memory_space<vmem>>, vector<16xf32>,
        %broadcast_in_dim3A_553 = vector.broadcast %scan3A_487 : i32 to vector<16xi32>
        %broadcast_in_dim3A_554 = arith.constant 6 : i32
        %broadcast_in_dim3A_555 = vector.broadcast %broadcast_in_dim3A_554 : i32 to vector<16xi32>
        %gather3A_556 = tpu.vector_load_idx %arg26[%broadcast_in_dim3A_553, %broadcast_in_dim3A_555] : memref<32x16xf32, #tpu.memory_space<vmem>>[vector<16xi32>, vector<16xi32>], vector<16xf32>,
        %get3A_557 = arith.index_cast %scan3A_487 : i32 to index
        %get3A_558 = arith.constant 96 : index
        %get3A_559 = tpu.vector_load %arg22[%get3A_557, %get3A_558] {strides = array<i32>} : memref<32x128xf32, #tpu.memory_space<vmem>>, vector<16xf32>,
        %mul3A_560 = arith.mulf %get3A_559, %gather3A_556 : vector<16xf32>
        %swap3A_561 = arith.index_cast %scan3A_487 : i32 to index
        %swap3A_562 = arith.constant 96 : index
        %swap3A_563 = tpu.vector_load %arg24[%swap3A_561, %swap3A_562] {strides = array<i32>} : memref<32x128xf32, #tpu.memory_space<vmem>>, vector<16xf32>,
        tpu.vector_store %arg24[%swap3A_561, %swap3A_562], %mul3A_560 {strides = array<i32>} : memref<32x128xf32, #tpu.memory_space<vmem>>, vector<16xf32>,
        %broadcast_in_dim3A_564 = vector.broadcast %scan3A_487 : i32 to vector<16xi32>
        %broadcast_in_dim3A_565 = arith.constant 7 : i32
        %broadcast_in_dim3A_566 = vector.broadcast %broadcast_in_dim3A_565 : i32 to vector<16xi32>
        %gather3A_567 = tpu.vector_load_idx %arg26[%broadcast_in_dim3A_564, %broadcast_in_dim3A_566] : memref<32x16xf32, #tpu.memory_space<vmem>>[vector<16xi32>, vector<16xi32>], vector<16xf32>,
        %get3A_568 = arith.index_cast %scan3A_487 : i32 to index
        %get3A_569 = arith.constant 112 : index
        %get3A_570 = tpu.vector_load %arg22[%get3A_568, %get3A_569] {strides = array<i32>} : memref<32x128xf32, #tpu.memory_space<vmem>>, vector<16xf32>,
        %mul3A_571 = arith.mulf %get3A_570, %gather3A_567 : vector<16xf32>
        %swap3A_572 = arith.index_cast %scan3A_487 : i32 to index
        %swap3A_573 = arith.constant 112 : index
        %swap3A_574 = tpu.vector_load %arg24[%swap3A_572, %swap3A_573] {strides = array<i32>} : memref<32x128xf32, #tpu.memory_space<vmem>>, vector<16xf32>,
        tpu.vector_store %arg24[%swap3A_572, %swap3A_573], %mul3A_571 {strides = array<i32>} : memref<32x128xf32, #tpu.memory_space<vmem>>, vector<16xf32>,
      }
      %scan3A_480 = arith.constant 32 : i32
      %dma_start3A_481 = arith.constant 0 : i32
      %dma_start3A_482 = arith.constant 0 : i32
      %dma_start3A_483 = tpu.memref_slice %arg29[%dma_start3A_481, %dma_start3A_482] : memref<10240x128xf32, #tpu.memory_space<vmem_shared>> -> memref<10240x128xf32, #tpu.memory_space<vmem_shared>>
      tpu.enqueue_indirect_dma source(%arg24 : memref<32x128xf32, #tpu.memory_space<vmem>>) target(%dma_start3A_483 : memref<10240x128xf32, #tpu.memory_space<vmem_shared>>) offsets(%arg28 : memref<32xi32, #tpu.memory_space<vmem>>) semaphore(%arg34 : memref<!tpu.dma_semaphore, #tpu.memory_space<semaphore_mem>>) {add = true}
      %dma_start3A_484 = arith.constant 0 : i32
      %dma_start3A_485 = arith.constant 0 : i32
      %dma_start3A_486 = tpu.memref_slice %arg30[%dma_start3A_484, %dma_start3A_485] : memref<10240x16xf32, #tpu.memory_space<vmem_shared>> -> memref<10240x16xf32, #tpu.memory_space<vmem_shared>>
      tpu.enqueue_indirect_dma source(%arg26 : memref<32x16xf32, #tpu.memory_space<vmem>>) target(%dma_start3A_486 : memref<10240x16xf32, #tpu.memory_space<vmem_shared>>) offsets(%arg28 : memref<32xi32, #tpu.memory_space<vmem>>) semaphore(%arg34 : memref<!tpu.dma_semaphore, #tpu.memory_space<semaphore_mem>>) {add = true}
    }
    %scan3A_114 = arith.constant 20 : i32
    %dma_wait3A = arith.constant 0 : i32
    %dma_wait3A_115 = arith.constant 0 : i32
    %dma_wait3A_116 = tpu.memref_slice %arg29[%dma_wait3A, %dma_wait3A_115] : memref<10240x128xf32, #tpu.memory_space<vmem_shared>> -> memref<32x128xf32, #tpu.memory_space<vmem_shared>>
    %dma_wait3A_117 = arith.constant 0 : i32
    %dma_wait3A_118 = arith.constant 0 : i32
    %dma_wait3A_119 = tpu.memref_slice %arg29[%dma_wait3A_117, %dma_wait3A_118] : memref<10240x128xf32, #tpu.memory_space<vmem_shared>> -> memref<32x128xf32, #tpu.memory_space<vmem_shared>>
    tpu.wait_dma2 semaphore(%arg33 : memref<!tpu.dma_semaphore, #tpu.memory_space<semaphore_mem>>) src(%arg23 : memref<32x128xf32, #tpu.memory_space<vmem>>) dst(%dma_wait3A_119 : memref<32x128xf32, #tpu.memory_space<vmem_shared>>)
    %dma_wait3A_120 = arith.constant 0 : i32
    %dma_wait3A_121 = arith.constant 0 : i32
    %dma_wait3A_122 = tpu.memref_slice %arg30[%dma_wait3A_120, %dma_wait3A_121] : memref<10240x16xf32, #tpu.memory_space<vmem_shared>> -> memref<32x16xf32, #tpu.memory_space<vmem_shared>>
    %dma_wait3A_123 = arith.constant 0 : i32
    %dma_wait3A_124 = arith.constant 0 : i32
    %dma_wait3A_125 = tpu.memref_slice %arg30[%dma_wait3A_123, %dma_wait3A_124] : memref<10240x16xf32, #tpu.memory_space<vmem_shared>> -> memref<32x16xf32, #tpu.memory_space<vmem_shared>>
    tpu.wait_dma2 semaphore(%arg33 : memref<!tpu.dma_semaphore, #tpu.memory_space<semaphore_mem>>) src(%arg25 : memref<32x16xf32, #tpu.memory_space<vmem>>) dst(%dma_wait3A_125 : memref<32x16xf32, #tpu.memory_space<vmem_shared>>)
    %dma_wait3A_126 = arith.constant 0 : i32
    %dma_wait3A_127 = arith.constant 0 : i32
    %dma_wait3A_128 = tpu.memref_slice %arg29[%dma_wait3A_126, %dma_wait3A_127] : memref<10240x128xf32, #tpu.memory_space<vmem_shared>> -> memref<32x128xf32, #tpu.memory_space<vmem_shared>>
    %dma_wait3A_129 = arith.constant 0 : i32
    %dma_wait3A_130 = arith.constant 0 : i32
    %dma_wait3A_131 = tpu.memref_slice %arg29[%dma_wait3A_129, %dma_wait3A_130] : memref<10240x128xf32, #tpu.memory_space<vmem_shared>> -> memref<32x128xf32, #tpu.memory_space<vmem_shared>>
    tpu.wait_dma2 semaphore(%arg34 : memref<!tpu.dma_semaphore, #tpu.memory_space<semaphore_mem>>) src(%arg24 : memref<32x128xf32, #tpu.memory_space<vmem>>) dst(%dma_wait3A_131 : memref<32x128xf32, #tpu.memory_space<vmem_shared>>)
    %dma_wait3A_132 = arith.constant 0 : i32
    %dma_wait3A_133 = arith.constant 0 : i32
    %dma_wait3A_134 = tpu.memref_slice %arg30[%dma_wait3A_132, %dma_wait3A_133] : memref<10240x16xf32, #tpu.memory_space<vmem_shared>> -> memref<32x16xf32, #tpu.memory_space<vmem_shared>>
    %dma_wait3A_135 = arith.constant 0 : i32
    %dma_wait3A_136 = arith.constant 0 : i32
    %dma_wait3A_137 = tpu.memref_slice %arg30[%dma_wait3A_135, %dma_wait3A_136] : memref<10240x16xf32, #tpu.memory_space<vmem_shared>> -> memref<32x16xf32, #tpu.memory_space<vmem_shared>>
    tpu.wait_dma2 semaphore(%arg34 : memref<!tpu.dma_semaphore, #tpu.memory_space<semaphore_mem>>) src(%arg26 : memref<32x16xf32, #tpu.memory_space<vmem>>) dst(%dma_wait3A_137 : memref<32x16xf32, #tpu.memory_space<vmem_shared>>)
    %barrier3A_138 = arith.constant 0 : index
    tpu.barrier barrier_id(%barrier3A_138)
    %mul3A_139 = arith.constant 640 : i32
    %mul3A_140 = arith.muli %arg1, %mul3A_139 : i32
    "tpu.region"() ({
      %run_scoped3A = tpu.sem_alloc : memref<!tpu.dma_semaphore, #tpu.memory_space<semaphore_mem>>
      %dma_start3A_141 = arith.constant 0 : i32
      %dma_start3A_142 = tpu.memref_slice %arg9[%arg0, %mul3A_140, %dma_start3A_141] : memref<2x10240x128xf32, #tpu.memory_space<hbm>> -> memref<1x640x128xf32, #tpu.memory_space<hbm>>
      %dma_start3A_143 = tpu.memref_squeeze %dma_start3A_142 : memref<1x640x128xf32, #tpu.memory_space<hbm>> -> memref<640x128xf32, #tpu.memory_space<hbm>>
      %dma_start3A_144 = arith.constant 0 : i32
      %dma_start3A_145 = tpu.memref_slice %arg29[%mul3A_140, %dma_start3A_144] : memref<10240x128xf32, #tpu.memory_space<vmem_shared>> -> memref<640x128xf32, #tpu.memory_space<vmem_shared>>
      tpu.enqueue_dma source(%dma_start3A_145 : memref<640x128xf32, #tpu.memory_space<vmem_shared>>) target(%dma_start3A_143 : memref<640x128xf32, #tpu.memory_space<hbm>>) target_semaphore(%run_scoped3A : memref<!tpu.dma_semaphore, #tpu.memory_space<semaphore_mem>>)
      %dma_wait3A_146 = arith.constant 0 : i32
      %dma_wait3A_147 = tpu.memref_slice %arg9[%arg0, %mul3A_140, %dma_wait3A_146] : memref<2x10240x128xf32, #tpu.memory_space<hbm>> -> memref<1x640x128xf32, #tpu.memory_space<hbm>>
      %dma_wait3A_148 = tpu.memref_squeeze %dma_wait3A_147 : memref<1x640x128xf32, #tpu.memory_space<hbm>> -> memref<640x128xf32, #tpu.memory_space<hbm>>
      %dma_wait3A_149 = arith.constant 0 : i32
      %dma_wait3A_150 = tpu.memref_slice %arg29[%mul3A_140, %dma_wait3A_149] : memref<10240x128xf32, #tpu.memory_space<vmem_shared>> -> memref<640x128xf32, #tpu.memory_space<vmem_shared>>
      tpu.wait_dma2 semaphore(%run_scoped3A : memref<!tpu.dma_semaphore, #tpu.memory_space<semaphore_mem>>) src(%dma_wait3A_150 : memref<640x128xf32, #tpu.memory_space<vmem_shared>>) dst(%dma_wait3A_148 : memref<640x128xf32, #tpu.memory_space<hbm>>)
      tpu.yield
    }) : () -> ()
    "tpu.region"() ({
      %run_scoped3A = tpu.sem_alloc : memref<!tpu.dma_semaphore, #tpu.memory_space<semaphore_mem>>
      %dma_start3A_141 = arith.constant 0 : i32
      %dma_start3A_142 = tpu.memref_slice %arg10[%arg0, %mul3A_140, %dma_start3A_141] : memref<2x10240x16xf32, #tpu.memory_space<hbm>> -> memref<1x640x16xf32, #tpu.memory_space<hbm>>
      %dma_start3A_143 = tpu.memref_squeeze %dma_start3A_142 : memref<1x640x16xf32, #tpu.memory_space<hbm>> -> memref<640x16xf32, #tpu.memory_space<hbm>>
      %dma_start3A_144 = arith.constant 0 : i32
      %dma_start3A_145 = tpu.memref_slice %arg30[%mul3A_140, %dma_start3A_144] : memref<10240x16xf32, #tpu.memory_space<vmem_shared>> -> memref<640x16xf32, #tpu.memory_space<vmem_shared>>
      tpu.enqueue_dma source(%dma_start3A_145 : memref<640x16xf32, #tpu.memory_space<vmem_shared>>) target(%dma_start3A_143 : memref<640x16xf32, #tpu.memory_space<hbm>>) target_semaphore(%run_scoped3A : memref<!tpu.dma_semaphore, #tpu.memory_space<semaphore_mem>>)
      %dma_wait3A_146 = arith.constant 0 : i32
      %dma_wait3A_147 = tpu.memref_slice %arg10[%arg0, %mul3A_140, %dma_wait3A_146] : memref<2x10240x16xf32, #tpu.memory_space<hbm>> -> memref<1x640x16xf32, #tpu.memory_space<hbm>>
      %dma_wait3A_148 = tpu.memref_squeeze %dma_wait3A_147 : memref<1x640x16xf32, #tpu.memory_space<hbm>> -> memref<640x16xf32, #tpu.memory_space<hbm>>
      %dma_wait3A_149 = arith.constant 0 : i32
      %dma_wait3A_150 = tpu.memref_slice %arg30[%mul3A_140, %dma_wait3A_149] : memref<10240x16xf32, #tpu.memory_space<vmem_shared>> -> memref<640x16xf32, #tpu.memory_space<vmem_shared>>
      tpu.wait_dma2 semaphore(%run_scoped3A : memref<!tpu.dma_semaphore, #tpu.memory_space<semaphore_mem>>) src(%dma_wait3A_150 : memref<640x16xf32, #tpu.memory_space<vmem_shared>>) dst(%dma_wait3A_148 : memref<640x16xf32, #tpu.memory_space<hbm>>)
      tpu.yield
    }) : () -> ()
    return
  }
}

module attributes {stable_mosaic.version = 14 : i64} {
  func.func @_prep_body(%arg0: i32, %arg1: memref<400x128xf32, #tpu.memory_space<vmem>>, %arg2: memref<1x400x1xi32, #tpu.memory_space<vmem>>, %arg3: memref<3x128x128xf32, #tpu.memory_space<vmem>>, %arg4: memref<3x128xf32, #tpu.memory_space<vmem>>, %arg5: memref<3x128x128xf32, #tpu.memory_space<vmem>>, %arg6: memref<3x128xf32, #tpu.memory_space<vmem>>, %arg7: memref<3x128x128xf32, #tpu.memory_space<vmem>>, %arg8: memref<3x128xf32, #tpu.memory_space<vmem>>, %arg9: memref<4x128x128xf32, #tpu.memory_space<vmem>>, %arg10: memref<4x128x128xf32, #tpu.memory_space<vmem>>, %arg11: memref<3x4x3x128xf32, #tpu.memory_space<vmem>>, %arg12: memref<400x128xf32, #tpu.memory_space<vmem>>, %arg13: memref<3x4x400x128xf32, #tpu.memory_space<vmem>>, %arg14: memref<4x400x128xf32, #tpu.memory_space<vmem>>) attributes {dimension_semantics = [#tpu.dimension_semantics<arbitrary>], iteration_bounds = array<i64: 25>, scalar_prefetch = 0 : i64, scratch_operands = 0 : i64, tpu.core_type = #tpu.core_type<tc>, window_params = [{transform_indices = @transform_0, window_bounds = array<i64: 400, 128>}, {transform_indices = @transform_1, window_bounds = array<i64: 1, 400, 1>}, {pipeline_mode = #tpu.pipeline_mode<synchronous>, transform_indices = @transform_2, window_bounds = array<i64: 3, 128, 128>}, {pipeline_mode = #tpu.pipeline_mode<synchronous>, transform_indices = @transform_3, window_bounds = array<i64: 3, 128>}, {pipeline_mode = #tpu.pipeline_mode<synchronous>, transform_indices = @transform_4, window_bounds = array<i64: 3, 128, 128>}, {pipeline_mode = #tpu.pipeline_mode<synchronous>, transform_indices = @transform_5, window_bounds = array<i64: 3, 128>}, {pipeline_mode = #tpu.pipeline_mode<synchronous>, transform_indices = @transform_6, window_bounds = array<i64: 3, 128, 128>}, {pipeline_mode = #tpu.pipeline_mode<synchronous>, transform_indices = @transform_7, window_bounds = array<i64: 3, 128>}, {pipeline_mode = #tpu.pipeline_mode<synchronous>, transform_indices = @transform_8, window_bounds = array<i64: 4, 128, 128>}, {pipeline_mode = #tpu.pipeline_mode<synchronous>, transform_indices = @transform_9, window_bounds = array<i64: 4, 128, 128>}, {pipeline_mode = #tpu.pipeline_mode<synchronous>, transform_indices = @transform_10, window_bounds = array<i64: 3, 4, 3, 128>}, {transform_indices = @transform_11, window_bounds = array<i64: 400, 128>}, {transform_indices = @transform_12, window_bounds = array<i64: 3, 4, 400, 128>}, {transform_indices = @transform_13, window_bounds = array<i64: 4, 400, 128>}]} {
    %get3A = arith.constant 0 : index
    %get3A_0 = arith.constant 0 : index
    %get3A_1 = vector.load %arg1[%get3A, %get3A_0] : memref<400x128xf32, #tpu.memory_space<vmem>>, vector<400x128xf32>
    %get3A_2 = arith.constant 0 : index
    %get3A_3 = arith.constant 0 : index
    %get3A_4 = arith.constant 0 : index
    %get3A_5 = vector.load %arg2[%get3A_2, %get3A_3, %get3A_4] : memref<1x400x1xi32, #tpu.memory_space<vmem>>, vector<1x400x1xi32>
    %get3A_6 = vector.shape_cast %get3A_5 : vector<1x400x1xi32> to vector<400x1xi32>
    %get3A_7 = arith.constant 0 : index
    %get3A_8 = arith.constant 0 : index
    %get3A_9 = vector.load %arg4[%get3A_7, %get3A_8] : memref<3x128xf32, #tpu.memory_space<vmem>>, vector<3x128xf32>
    %get3A_10 = arith.constant 0 : index
    %get3A_11 = arith.constant 0 : index
    %get3A_12 = arith.constant 0 : index
    %get3A_13 = vector.load %arg3[%get3A_10, %get3A_11, %get3A_12] : memref<3x128x128xf32, #tpu.memory_space<vmem>>, vector<1x128x128xf32>
    %get3A_14 = vector.shape_cast %get3A_13 : vector<1x128x128xf32> to vector<128x128xf32>
    %dot_general3A = arith.constant dense<0.000000e+00> : vector<400x128xf32>
    %dot_general3A_15 = tpu.matmul %get3A_1, %get3A_14, %dot_general3A {dimension_numbers = #tpu.dot_dimension_numbers<[1], [0], [0], [1], [0, 0, 1, 1], [], []>, transpose_lhs_hint = false} : vector<400x128xf32>, vector<128x128xf32>, vector<400x128xf32> -> vector<400x128xf32>
    %slice3A = vector.extract_strided_slice %get3A_9 {offsets = [0, 0], sizes = [1, 128], strides = [1, 1]} : vector<3x128xf32> to vector<1x128xf32>
    %add3A = vector.broadcast %slice3A : vector<1x128xf32> to vector<400x128xf32>
    %add3A_16 = arith.addf %dot_general3A_15, %add3A : vector<400x128xf32>
    %get3A_17 = arith.constant 1 : index
    %get3A_18 = arith.constant 0 : index
    %get3A_19 = arith.constant 0 : index
    %get3A_20 = vector.load %arg3[%get3A_17, %get3A_18, %get3A_19] : memref<3x128x128xf32, #tpu.memory_space<vmem>>, vector<1x128x128xf32>
    %get3A_21 = vector.shape_cast %get3A_20 : vector<1x128x128xf32> to vector<128x128xf32>
    %dot_general3A_22 = arith.constant dense<0.000000e+00> : vector<400x128xf32>
    %dot_general3A_23 = tpu.matmul %get3A_1, %get3A_21, %dot_general3A_22 {dimension_numbers = #tpu.dot_dimension_numbers<[1], [0], [0], [1], [0, 0, 1, 1], [], []>, transpose_lhs_hint = false} : vector<400x128xf32>, vector<128x128xf32>, vector<400x128xf32> -> vector<400x128xf32>
    %slice3A_24 = vector.extract_strided_slice %get3A_9 {offsets = [1, 0], sizes = [1, 128], strides = [1, 1]} : vector<3x128xf32> to vector<1x128xf32>
    %add3A_25 = vector.broadcast %slice3A_24 : vector<1x128xf32> to vector<400x128xf32>
    %add3A_26 = arith.addf %dot_general3A_23, %add3A_25 : vector<400x128xf32>
    %get3A_27 = arith.constant 2 : index
    %get3A_28 = arith.constant 0 : index
    %get3A_29 = arith.constant 0 : index
    %get3A_30 = vector.load %arg3[%get3A_27, %get3A_28, %get3A_29] : memref<3x128x128xf32, #tpu.memory_space<vmem>>, vector<1x128x128xf32>
    %get3A_31 = vector.shape_cast %get3A_30 : vector<1x128x128xf32> to vector<128x128xf32>
    %dot_general3A_32 = arith.constant dense<0.000000e+00> : vector<400x128xf32>
    %dot_general3A_33 = tpu.matmul %get3A_1, %get3A_31, %dot_general3A_32 {dimension_numbers = #tpu.dot_dimension_numbers<[1], [0], [0], [1], [0, 0, 1, 1], [], []>, transpose_lhs_hint = false} : vector<400x128xf32>, vector<128x128xf32>, vector<400x128xf32> -> vector<400x128xf32>
    %slice3A_34 = vector.extract_strided_slice %get3A_9 {offsets = [2, 0], sizes = [1, 128], strides = [1, 1]} : vector<3x128xf32> to vector<1x128xf32>
    %add3A_35 = vector.broadcast %slice3A_34 : vector<1x128xf32> to vector<400x128xf32>
    %add3A_36 = arith.addf %dot_general3A_33, %add3A_35 : vector<400x128xf32>
    %eq3A = arith.constant 1 : i32
    %eq3A_37 = vector.broadcast %eq3A : i32 to vector<400x1xi32>
    %eq3A_38 = arith.cmpi eq, %get3A_6, %eq3A_37 : vector<400x1xi32>
    %broadcast_in_dim3A = vector.shape_cast %eq3A_38 : vector<400x1xi1> to vector<400x1xi1>
    %broadcast_in_dim3A_39 = vector.broadcast %broadcast_in_dim3A : vector<400x1xi1> to vector<400x128xi1>
    %select_n3A = arith.select %broadcast_in_dim3A_39, %add3A_26, %add3A_36 : vector<400x128xi1>, vector<400x128xf32>
    %eq3A_40 = arith.constant 0 : i32
    %eq3A_41 = vector.broadcast %eq3A_40 : i32 to vector<400x1xi32>
    %eq3A_42 = arith.cmpi eq, %get3A_6, %eq3A_41 : vector<400x1xi32>
    %broadcast_in_dim3A_43 = vector.shape_cast %eq3A_42 : vector<400x1xi1> to vector<400x1xi1>
    %broadcast_in_dim3A_44 = vector.broadcast %broadcast_in_dim3A_43 : vector<400x1xi1> to vector<400x128xi1>
    %select_n3A_45 = arith.select %broadcast_in_dim3A_44, %add3A_16, %select_n3A : vector<400x128xi1>, vector<400x128xf32>
    %get3A_46 = arith.constant 0 : index
    %get3A_47 = arith.constant 0 : index
    %get3A_48 = vector.load %arg6[%get3A_46, %get3A_47] : memref<3x128xf32, #tpu.memory_space<vmem>>, vector<3x128xf32>
    %get3A_49 = arith.constant 0 : index
    %get3A_50 = arith.constant 0 : index
    %get3A_51 = arith.constant 0 : index
    %get3A_52 = vector.load %arg5[%get3A_49, %get3A_50, %get3A_51] : memref<3x128x128xf32, #tpu.memory_space<vmem>>, vector<1x128x128xf32>
    %get3A_53 = vector.shape_cast %get3A_52 : vector<1x128x128xf32> to vector<128x128xf32>
    %dot_general3A_54 = arith.constant dense<0.000000e+00> : vector<400x128xf32>
    %dot_general3A_55 = tpu.matmul %get3A_1, %get3A_53, %dot_general3A_54 {dimension_numbers = #tpu.dot_dimension_numbers<[1], [0], [0], [1], [0, 0, 1, 1], [], []>, transpose_lhs_hint = false} : vector<400x128xf32>, vector<128x128xf32>, vector<400x128xf32> -> vector<400x128xf32>
    %slice3A_56 = vector.extract_strided_slice %get3A_48 {offsets = [0, 0], sizes = [1, 128], strides = [1, 1]} : vector<3x128xf32> to vector<1x128xf32>
    %add3A_57 = vector.broadcast %slice3A_56 : vector<1x128xf32> to vector<400x128xf32>
    %add3A_58 = arith.addf %dot_general3A_55, %add3A_57 : vector<400x128xf32>
    %get3A_59 = arith.constant 1 : index
    %get3A_60 = arith.constant 0 : index
    %get3A_61 = arith.constant 0 : index
    %get3A_62 = vector.load %arg5[%get3A_59, %get3A_60, %get3A_61] : memref<3x128x128xf32, #tpu.memory_space<vmem>>, vector<1x128x128xf32>
    %get3A_63 = vector.shape_cast %get3A_62 : vector<1x128x128xf32> to vector<128x128xf32>
    %dot_general3A_64 = arith.constant dense<0.000000e+00> : vector<400x128xf32>
    %dot_general3A_65 = tpu.matmul %get3A_1, %get3A_63, %dot_general3A_64 {dimension_numbers = #tpu.dot_dimension_numbers<[1], [0], [0], [1], [0, 0, 1, 1], [], []>, transpose_lhs_hint = false} : vector<400x128xf32>, vector<128x128xf32>, vector<400x128xf32> -> vector<400x128xf32>
    %slice3A_66 = vector.extract_strided_slice %get3A_48 {offsets = [1, 0], sizes = [1, 128], strides = [1, 1]} : vector<3x128xf32> to vector<1x128xf32>
    %add3A_67 = vector.broadcast %slice3A_66 : vector<1x128xf32> to vector<400x128xf32>
    %add3A_68 = arith.addf %dot_general3A_65, %add3A_67 : vector<400x128xf32>
    %get3A_69 = arith.constant 2 : index
    %get3A_70 = arith.constant 0 : index
    %get3A_71 = arith.constant 0 : index
    %get3A_72 = vector.load %arg5[%get3A_69, %get3A_70, %get3A_71] : memref<3x128x128xf32, #tpu.memory_space<vmem>>, vector<1x128x128xf32>
    %get3A_73 = vector.shape_cast %get3A_72 : vector<1x128x128xf32> to vector<128x128xf32>
    %dot_general3A_74 = arith.constant dense<0.000000e+00> : vector<400x128xf32>
    %dot_general3A_75 = tpu.matmul %get3A_1, %get3A_73, %dot_general3A_74 {dimension_numbers = #tpu.dot_dimension_numbers<[1], [0], [0], [1], [0, 0, 1, 1], [], []>, transpose_lhs_hint = false} : vector<400x128xf32>, vector<128x128xf32>, vector<400x128xf32> -> vector<400x128xf32>
    %slice3A_76 = vector.extract_strided_slice %get3A_48 {offsets = [2, 0], sizes = [1, 128], strides = [1, 1]} : vector<3x128xf32> to vector<1x128xf32>
    %add3A_77 = vector.broadcast %slice3A_76 : vector<1x128xf32> to vector<400x128xf32>
    %add3A_78 = arith.addf %dot_general3A_75, %add3A_77 : vector<400x128xf32>
    %eq3A_79 = arith.constant 1 : i32
    %eq3A_80 = vector.broadcast %eq3A_79 : i32 to vector<400x1xi32>
    %eq3A_81 = arith.cmpi eq, %get3A_6, %eq3A_80 : vector<400x1xi32>
    %broadcast_in_dim3A_82 = vector.shape_cast %eq3A_81 : vector<400x1xi1> to vector<400x1xi1>
    %broadcast_in_dim3A_83 = vector.broadcast %broadcast_in_dim3A_82 : vector<400x1xi1> to vector<400x128xi1>
    %select_n3A_84 = arith.select %broadcast_in_dim3A_83, %add3A_68, %add3A_78 : vector<400x128xi1>, vector<400x128xf32>
    %eq3A_85 = arith.constant 0 : i32
    %eq3A_86 = vector.broadcast %eq3A_85 : i32 to vector<400x1xi32>
    %eq3A_87 = arith.cmpi eq, %get3A_6, %eq3A_86 : vector<400x1xi32>
    %broadcast_in_dim3A_88 = vector.shape_cast %eq3A_87 : vector<400x1xi1> to vector<400x1xi1>
    %broadcast_in_dim3A_89 = vector.broadcast %broadcast_in_dim3A_88 : vector<400x1xi1> to vector<400x128xi1>
    %select_n3A_90 = arith.select %broadcast_in_dim3A_89, %add3A_58, %select_n3A_84 : vector<400x128xi1>, vector<400x128xf32>
    %get3A_91 = arith.constant 0 : index
    %get3A_92 = arith.constant 0 : index
    %get3A_93 = vector.load %arg8[%get3A_91, %get3A_92] : memref<3x128xf32, #tpu.memory_space<vmem>>, vector<3x128xf32>
    %get3A_94 = arith.constant 0 : index
    %get3A_95 = arith.constant 0 : index
    %get3A_96 = arith.constant 0 : index
    %get3A_97 = vector.load %arg7[%get3A_94, %get3A_95, %get3A_96] : memref<3x128x128xf32, #tpu.memory_space<vmem>>, vector<1x128x128xf32>
    %get3A_98 = vector.shape_cast %get3A_97 : vector<1x128x128xf32> to vector<128x128xf32>
    %dot_general3A_99 = arith.constant dense<0.000000e+00> : vector<400x128xf32>
    %dot_general3A_100 = tpu.matmul %get3A_1, %get3A_98, %dot_general3A_99 {dimension_numbers = #tpu.dot_dimension_numbers<[1], [0], [0], [1], [0, 0, 1, 1], [], []>, transpose_lhs_hint = false} : vector<400x128xf32>, vector<128x128xf32>, vector<400x128xf32> -> vector<400x128xf32>
    %slice3A_101 = vector.extract_strided_slice %get3A_93 {offsets = [0, 0], sizes = [1, 128], strides = [1, 1]} : vector<3x128xf32> to vector<1x128xf32>
    %add3A_102 = vector.broadcast %slice3A_101 : vector<1x128xf32> to vector<400x128xf32>
    %add3A_103 = arith.addf %dot_general3A_100, %add3A_102 : vector<400x128xf32>
    %get3A_104 = arith.constant 1 : index
    %get3A_105 = arith.constant 0 : index
    %get3A_106 = arith.constant 0 : index
    %get3A_107 = vector.load %arg7[%get3A_104, %get3A_105, %get3A_106] : memref<3x128x128xf32, #tpu.memory_space<vmem>>, vector<1x128x128xf32>
    %get3A_108 = vector.shape_cast %get3A_107 : vector<1x128x128xf32> to vector<128x128xf32>
    %dot_general3A_109 = arith.constant dense<0.000000e+00> : vector<400x128xf32>
    %dot_general3A_110 = tpu.matmul %get3A_1, %get3A_108, %dot_general3A_109 {dimension_numbers = #tpu.dot_dimension_numbers<[1], [0], [0], [1], [0, 0, 1, 1], [], []>, transpose_lhs_hint = false} : vector<400x128xf32>, vector<128x128xf32>, vector<400x128xf32> -> vector<400x128xf32>
    %slice3A_111 = vector.extract_strided_slice %get3A_93 {offsets = [1, 0], sizes = [1, 128], strides = [1, 1]} : vector<3x128xf32> to vector<1x128xf32>
    %add3A_112 = vector.broadcast %slice3A_111 : vector<1x128xf32> to vector<400x128xf32>
    %add3A_113 = arith.addf %dot_general3A_110, %add3A_112 : vector<400x128xf32>
    %get3A_114 = arith.constant 2 : index
    %get3A_115 = arith.constant 0 : index
    %get3A_116 = arith.constant 0 : index
    %get3A_117 = vector.load %arg7[%get3A_114, %get3A_115, %get3A_116] : memref<3x128x128xf32, #tpu.memory_space<vmem>>, vector<1x128x128xf32>
    %get3A_118 = vector.shape_cast %get3A_117 : vector<1x128x128xf32> to vector<128x128xf32>
    %dot_general3A_119 = arith.constant dense<0.000000e+00> : vector<400x128xf32>
    %dot_general3A_120 = tpu.matmul %get3A_1, %get3A_118, %dot_general3A_119 {dimension_numbers = #tpu.dot_dimension_numbers<[1], [0], [0], [1], [0, 0, 1, 1], [], []>, transpose_lhs_hint = false} : vector<400x128xf32>, vector<128x128xf32>, vector<400x128xf32> -> vector<400x128xf32>
    %slice3A_121 = vector.extract_strided_slice %get3A_93 {offsets = [2, 0], sizes = [1, 128], strides = [1, 1]} : vector<3x128xf32> to vector<1x128xf32>
    %add3A_122 = vector.broadcast %slice3A_121 : vector<1x128xf32> to vector<400x128xf32>
    %add3A_123 = arith.addf %dot_general3A_120, %add3A_122 : vector<400x128xf32>
    %eq3A_124 = arith.constant 1 : i32
    %eq3A_125 = vector.broadcast %eq3A_124 : i32 to vector<400x1xi32>
    %eq3A_126 = arith.cmpi eq, %get3A_6, %eq3A_125 : vector<400x1xi32>
    %broadcast_in_dim3A_127 = vector.shape_cast %eq3A_126 : vector<400x1xi1> to vector<400x1xi1>
    %broadcast_in_dim3A_128 = vector.broadcast %broadcast_in_dim3A_127 : vector<400x1xi1> to vector<400x128xi1>
    %select_n3A_129 = arith.select %broadcast_in_dim3A_128, %add3A_113, %add3A_123 : vector<400x128xi1>, vector<400x128xf32>
    %eq3A_130 = arith.constant 0 : i32
    %eq3A_131 = vector.broadcast %eq3A_130 : i32 to vector<400x1xi32>
    %eq3A_132 = arith.cmpi eq, %get3A_6, %eq3A_131 : vector<400x1xi32>
    %broadcast_in_dim3A_133 = vector.shape_cast %eq3A_132 : vector<400x1xi1> to vector<400x1xi1>
    %broadcast_in_dim3A_134 = vector.broadcast %broadcast_in_dim3A_133 : vector<400x1xi1> to vector<400x128xi1>
    %select_n3A_135 = arith.select %broadcast_in_dim3A_134, %add3A_103, %select_n3A_129 : vector<400x128xi1>, vector<400x128xf32>
    %mul3A = arith.constant 2.500000e-01 : f32
    %mul3A_136 = vector.broadcast %mul3A : f32 to vector<400x128xf32>
    %mul3A_137 = arith.mulf %select_n3A_90, %mul3A_136 : vector<400x128xf32>
    %swap3A = arith.constant 0 : index
    %swap3A_138 = arith.constant 0 : index
    %swap3A_139 = vector.load %arg12[%swap3A, %swap3A_138] : memref<400x128xf32, #tpu.memory_space<vmem>>, vector<400x128xf32>
    tpu.vector_store %arg12[%swap3A, %swap3A_138], %mul3A_137 {strides = array<i32>} : memref<400x128xf32, #tpu.memory_space<vmem>>, vector<400x128xf32>,
    %get3A_140 = arith.constant 0 : index
    %get3A_141 = arith.constant 0 : index
    %get3A_142 = arith.constant 0 : index
    %get3A_143 = vector.load %arg9[%get3A_140, %get3A_141, %get3A_142] : memref<4x128x128xf32, #tpu.memory_space<vmem>>, vector<1x128x128xf32>
    %get3A_144 = vector.shape_cast %get3A_143 : vector<1x128x128xf32> to vector<128x128xf32>
    %dot_general3A_145 = arith.constant dense<0.000000e+00> : vector<400x128xf32>
    %dot_general3A_146 = tpu.matmul %select_n3A_45, %get3A_144, %dot_general3A_145 {dimension_numbers = #tpu.dot_dimension_numbers<[1], [0], [0], [1], [0, 0, 1, 1], [], []>, transpose_lhs_hint = false} : vector<400x128xf32>, vector<128x128xf32>, vector<400x128xf32> -> vector<400x128xf32>
    %get3A_147 = arith.constant 0 : index
    %get3A_148 = arith.constant 0 : index
    %get3A_149 = arith.constant 0 : index
    %get3A_150 = vector.load %arg10[%get3A_147, %get3A_148, %get3A_149] : memref<4x128x128xf32, #tpu.memory_space<vmem>>, vector<1x128x128xf32>
    %get3A_151 = vector.shape_cast %get3A_150 : vector<1x128x128xf32> to vector<128x128xf32>
    %dot_general3A_152 = arith.constant dense<0.000000e+00> : vector<400x128xf32>
    %dot_general3A_153 = tpu.matmul %select_n3A_135, %get3A_151, %dot_general3A_152 {dimension_numbers = #tpu.dot_dimension_numbers<[1], [0], [0], [1], [0, 0, 1, 1], [], []>, transpose_lhs_hint = false} : vector<400x128xf32>, vector<128x128xf32>, vector<400x128xf32> -> vector<400x128xf32>
    %swap3A_154 = arith.constant 0 : index
    %swap3A_155 = arith.constant 0 : index
    %swap3A_156 = arith.constant 0 : index
    %swap3A_157 = vector.load %arg14[%swap3A_154, %swap3A_155, %swap3A_156] : memref<4x400x128xf32, #tpu.memory_space<vmem>>, vector<1x400x128xf32>
    %swap3A_158 = vector.shape_cast %swap3A_157 : vector<1x400x128xf32> to vector<400x128xf32>
    %swap3A_159 = vector.shape_cast %dot_general3A_153 : vector<400x128xf32> to vector<1x400x128xf32>
    tpu.vector_store %arg14[%swap3A_154, %swap3A_155, %swap3A_156], %swap3A_159 {strides = array<i32>} : memref<4x400x128xf32, #tpu.memory_space<vmem>>, vector<1x400x128xf32>,
    %get3A_160 = arith.constant 0 : index
    %get3A_161 = arith.constant 0 : index
    %get3A_162 = arith.constant 0 : index
    %get3A_163 = arith.constant 0 : index
    %get3A_164 = vector.load %arg11[%get3A_160, %get3A_161, %get3A_162, %get3A_163] : memref<3x4x3x128xf32, #tpu.memory_space<vmem>>, vector<1x1x3x128xf32>
    %get3A_165 = vector.shape_cast %get3A_164 : vector<1x1x3x128xf32> to vector<3x128xf32>
    %slice3A_166 = vector.extract_strided_slice %get3A_165 {offsets = [2, 0], sizes = [1, 128], strides = [1, 1]} : vector<3x128xf32> to vector<1x128xf32>
    %eq3A_167 = arith.constant 1 : i32
    %eq3A_168 = vector.broadcast %eq3A_167 : i32 to vector<400x1xi32>
    %eq3A_169 = arith.cmpi eq, %get3A_6, %eq3A_168 : vector<400x1xi32>
    %slice3A_170 = vector.extract_strided_slice %get3A_165 {offsets = [1, 0], sizes = [1, 128], strides = [1, 1]} : vector<3x128xf32> to vector<1x128xf32>
    %broadcast_in_dim3A_171 = vector.shape_cast %eq3A_169 : vector<400x1xi1> to vector<400x1xi1>
    %broadcast_in_dim3A_172 = vector.broadcast %broadcast_in_dim3A_171 : vector<400x1xi1> to vector<400x128xi1>
    %broadcast_in_dim3A_173 = vector.shape_cast %slice3A_170 : vector<1x128xf32> to vector<1x128xf32>
    %broadcast_in_dim3A_174 = vector.broadcast %broadcast_in_dim3A_173 : vector<1x128xf32> to vector<400x128xf32>
    %broadcast_in_dim3A_175 = vector.shape_cast %slice3A_166 : vector<1x128xf32> to vector<1x128xf32>
    %broadcast_in_dim3A_176 = vector.broadcast %broadcast_in_dim3A_175 : vector<1x128xf32> to vector<400x128xf32>
    %select_n3A_177 = arith.select %broadcast_in_dim3A_172, %broadcast_in_dim3A_174, %broadcast_in_dim3A_176 : vector<400x128xi1>, vector<400x128xf32>
    %eq3A_178 = arith.constant 0 : i32
    %eq3A_179 = vector.broadcast %eq3A_178 : i32 to vector<400x1xi32>
    %eq3A_180 = arith.cmpi eq, %get3A_6, %eq3A_179 : vector<400x1xi32>
    %slice3A_181 = vector.extract_strided_slice %get3A_165 {offsets = [0, 0], sizes = [1, 128], strides = [1, 1]} : vector<3x128xf32> to vector<1x128xf32>
    %broadcast_in_dim3A_182 = vector.shape_cast %eq3A_180 : vector<400x1xi1> to vector<400x1xi1>
    %broadcast_in_dim3A_183 = vector.broadcast %broadcast_in_dim3A_182 : vector<400x1xi1> to vector<400x128xi1>
    %broadcast_in_dim3A_184 = vector.shape_cast %slice3A_181 : vector<1x128xf32> to vector<1x128xf32>
    %broadcast_in_dim3A_185 = vector.broadcast %broadcast_in_dim3A_184 : vector<1x128xf32> to vector<400x128xf32>
    %select_n3A_186 = arith.select %broadcast_in_dim3A_183, %broadcast_in_dim3A_185, %select_n3A_177 : vector<400x128xi1>, vector<400x128xf32>
    %mul3A_187 = arith.mulf %dot_general3A_146, %select_n3A_186 : vector<400x128xf32>
    %swap3A_188 = arith.constant 0 : index
    %swap3A_189 = arith.constant 0 : index
    %swap3A_190 = arith.constant 0 : index
    %swap3A_191 = arith.constant 0 : index
    %swap3A_192 = vector.load %arg13[%swap3A_188, %swap3A_189, %swap3A_190, %swap3A_191] : memref<3x4x400x128xf32, #tpu.memory_space<vmem>>, vector<1x1x400x128xf32>
    %swap3A_193 = vector.shape_cast %swap3A_192 : vector<1x1x400x128xf32> to vector<400x128xf32>
    %swap3A_194 = vector.shape_cast %mul3A_187 : vector<400x128xf32> to vector<1x1x400x128xf32>
    tpu.vector_store %arg13[%swap3A_188, %swap3A_189, %swap3A_190, %swap3A_191], %swap3A_194 {strides = array<i32>} : memref<3x4x400x128xf32, #tpu.memory_space<vmem>>, vector<1x1x400x128xf32>,
    %get3A_195 = arith.constant 1 : index
    %get3A_196 = arith.constant 0 : index
    %get3A_197 = arith.constant 0 : index
    %get3A_198 = arith.constant 0 : index
    %get3A_199 = vector.load %arg11[%get3A_195, %get3A_196, %get3A_197, %get3A_198] : memref<3x4x3x128xf32, #tpu.memory_space<vmem>>, vector<1x1x3x128xf32>
    %get3A_200 = vector.shape_cast %get3A_199 : vector<1x1x3x128xf32> to vector<3x128xf32>
    %slice3A_201 = vector.extract_strided_slice %get3A_200 {offsets = [2, 0], sizes = [1, 128], strides = [1, 1]} : vector<3x128xf32> to vector<1x128xf32>
    %eq3A_202 = arith.constant 1 : i32
    %eq3A_203 = vector.broadcast %eq3A_202 : i32 to vector<400x1xi32>
    %eq3A_204 = arith.cmpi eq, %get3A_6, %eq3A_203 : vector<400x1xi32>
    %slice3A_205 = vector.extract_strided_slice %get3A_200 {offsets = [1, 0], sizes = [1, 128], strides = [1, 1]} : vector<3x128xf32> to vector<1x128xf32>
    %broadcast_in_dim3A_206 = vector.shape_cast %eq3A_204 : vector<400x1xi1> to vector<400x1xi1>
    %broadcast_in_dim3A_207 = vector.broadcast %broadcast_in_dim3A_206 : vector<400x1xi1> to vector<400x128xi1>
    %broadcast_in_dim3A_208 = vector.shape_cast %slice3A_205 : vector<1x128xf32> to vector<1x128xf32>
    %broadcast_in_dim3A_209 = vector.broadcast %broadcast_in_dim3A_208 : vector<1x128xf32> to vector<400x128xf32>
    %broadcast_in_dim3A_210 = vector.shape_cast %slice3A_201 : vector<1x128xf32> to vector<1x128xf32>
    %broadcast_in_dim3A_211 = vector.broadcast %broadcast_in_dim3A_210 : vector<1x128xf32> to vector<400x128xf32>
    %select_n3A_212 = arith.select %broadcast_in_dim3A_207, %broadcast_in_dim3A_209, %broadcast_in_dim3A_211 : vector<400x128xi1>, vector<400x128xf32>
    %eq3A_213 = arith.constant 0 : i32
    %eq3A_214 = vector.broadcast %eq3A_213 : i32 to vector<400x1xi32>
    %eq3A_215 = arith.cmpi eq, %get3A_6, %eq3A_214 : vector<400x1xi32>
    %slice3A_216 = vector.extract_strided_slice %get3A_200 {offsets = [0, 0], sizes = [1, 128], strides = [1, 1]} : vector<3x128xf32> to vector<1x128xf32>
    %broadcast_in_dim3A_217 = vector.shape_cast %eq3A_215 : vector<400x1xi1> to vector<400x1xi1>
    %broadcast_in_dim3A_218 = vector.broadcast %broadcast_in_dim3A_217 : vector<400x1xi1> to vector<400x128xi1>
    %broadcast_in_dim3A_219 = vector.shape_cast %slice3A_216 : vector<1x128xf32> to vector<1x128xf32>
    %broadcast_in_dim3A_220 = vector.broadcast %broadcast_in_dim3A_219 : vector<1x128xf32> to vector<400x128xf32>
    %select_n3A_221 = arith.select %broadcast_in_dim3A_218, %broadcast_in_dim3A_220, %select_n3A_212 : vector<400x128xi1>, vector<400x128xf32>
    %mul3A_222 = arith.mulf %dot_general3A_146, %select_n3A_221 : vector<400x128xf32>
    %swap3A_223 = arith.constant 1 : index
    %swap3A_224 = arith.constant 0 : index
    %swap3A_225 = arith.constant 0 : index
    %swap3A_226 = arith.constant 0 : index
    %swap3A_227 = vector.load %arg13[%swap3A_223, %swap3A_224, %swap3A_225, %swap3A_226] : memref<3x4x400x128xf32, #tpu.memory_space<vmem>>, vector<1x1x400x128xf32>
    %swap3A_228 = vector.shape_cast %swap3A_227 : vector<1x1x400x128xf32> to vector<400x128xf32>
    %swap3A_229 = vector.shape_cast %mul3A_222 : vector<400x128xf32> to vector<1x1x400x128xf32>
    tpu.vector_store %arg13[%swap3A_223, %swap3A_224, %swap3A_225, %swap3A_226], %swap3A_229 {strides = array<i32>} : memref<3x4x400x128xf32, #tpu.memory_space<vmem>>, vector<1x1x400x128xf32>,
    %get3A_230 = arith.constant 2 : index
    %get3A_231 = arith.constant 0 : index
    %get3A_232 = arith.constant 0 : index
    %get3A_233 = arith.constant 0 : index
    %get3A_234 = vector.load %arg11[%get3A_230, %get3A_231, %get3A_232, %get3A_233] : memref<3x4x3x128xf32, #tpu.memory_space<vmem>>, vector<1x1x3x128xf32>
    %get3A_235 = vector.shape_cast %get3A_234 : vector<1x1x3x128xf32> to vector<3x128xf32>
    %slice3A_236 = vector.extract_strided_slice %get3A_235 {offsets = [2, 0], sizes = [1, 128], strides = [1, 1]} : vector<3x128xf32> to vector<1x128xf32>
    %eq3A_237 = arith.constant 1 : i32
    %eq3A_238 = vector.broadcast %eq3A_237 : i32 to vector<400x1xi32>
    %eq3A_239 = arith.cmpi eq, %get3A_6, %eq3A_238 : vector<400x1xi32>
    %slice3A_240 = vector.extract_strided_slice %get3A_235 {offsets = [1, 0], sizes = [1, 128], strides = [1, 1]} : vector<3x128xf32> to vector<1x128xf32>
    %broadcast_in_dim3A_241 = vector.shape_cast %eq3A_239 : vector<400x1xi1> to vector<400x1xi1>
    %broadcast_in_dim3A_242 = vector.broadcast %broadcast_in_dim3A_241 : vector<400x1xi1> to vector<400x128xi1>
    %broadcast_in_dim3A_243 = vector.shape_cast %slice3A_240 : vector<1x128xf32> to vector<1x128xf32>
    %broadcast_in_dim3A_244 = vector.broadcast %broadcast_in_dim3A_243 : vector<1x128xf32> to vector<400x128xf32>
    %broadcast_in_dim3A_245 = vector.shape_cast %slice3A_236 : vector<1x128xf32> to vector<1x128xf32>
    %broadcast_in_dim3A_246 = vector.broadcast %broadcast_in_dim3A_245 : vector<1x128xf32> to vector<400x128xf32>
    %select_n3A_247 = arith.select %broadcast_in_dim3A_242, %broadcast_in_dim3A_244, %broadcast_in_dim3A_246 : vector<400x128xi1>, vector<400x128xf32>
    %eq3A_248 = arith.constant 0 : i32
    %eq3A_249 = vector.broadcast %eq3A_248 : i32 to vector<400x1xi32>
    %eq3A_250 = arith.cmpi eq, %get3A_6, %eq3A_249 : vector<400x1xi32>
    %slice3A_251 = vector.extract_strided_slice %get3A_235 {offsets = [0, 0], sizes = [1, 128], strides = [1, 1]} : vector<3x128xf32> to vector<1x128xf32>
    %broadcast_in_dim3A_252 = vector.shape_cast %eq3A_250 : vector<400x1xi1> to vector<400x1xi1>
    %broadcast_in_dim3A_253 = vector.broadcast %broadcast_in_dim3A_252 : vector<400x1xi1> to vector<400x128xi1>
    %broadcast_in_dim3A_254 = vector.shape_cast %slice3A_251 : vector<1x128xf32> to vector<1x128xf32>
    %broadcast_in_dim3A_255 = vector.broadcast %broadcast_in_dim3A_254 : vector<1x128xf32> to vector<400x128xf32>
    %select_n3A_256 = arith.select %broadcast_in_dim3A_253, %broadcast_in_dim3A_255, %select_n3A_247 : vector<400x128xi1>, vector<400x128xf32>
    %mul3A_257 = arith.mulf %dot_general3A_146, %select_n3A_256 : vector<400x128xf32>
    %swap3A_258 = arith.constant 2 : index
    %swap3A_259 = arith.constant 0 : index
    %swap3A_260 = arith.constant 0 : index
    %swap3A_261 = arith.constant 0 : index
    %swap3A_262 = vector.load %arg13[%swap3A_258, %swap3A_259, %swap3A_260, %swap3A_261] : memref<3x4x400x128xf32, #tpu.memory_space<vmem>>, vector<1x1x400x128xf32>
    %swap3A_263 = vector.shape_cast %swap3A_262 : vector<1x1x400x128xf32> to vector<400x128xf32>
    %swap3A_264 = vector.shape_cast %mul3A_257 : vector<400x128xf32> to vector<1x1x400x128xf32>
    tpu.vector_store %arg13[%swap3A_258, %swap3A_259, %swap3A_260, %swap3A_261], %swap3A_264 {strides = array<i32>} : memref<3x4x400x128xf32, #tpu.memory_space<vmem>>, vector<1x1x400x128xf32>,
    %get3A_265 = arith.constant 1 : index
    %get3A_266 = arith.constant 0 : index
    %get3A_267 = arith.constant 0 : index
    %get3A_268 = vector.load %arg9[%get3A_265, %get3A_266, %get3A_267] : memref<4x128x128xf32, #tpu.memory_space<vmem>>, vector<1x128x128xf32>
    %get3A_269 = vector.shape_cast %get3A_268 : vector<1x128x128xf32> to vector<128x128xf32>
    %dot_general3A_270 = arith.constant dense<0.000000e+00> : vector<400x128xf32>
    %dot_general3A_271 = tpu.matmul %select_n3A_45, %get3A_269, %dot_general3A_270 {dimension_numbers = #tpu.dot_dimension_numbers<[1], [0], [0], [1], [0, 0, 1, 1], [], []>, transpose_lhs_hint = false} : vector<400x128xf32>, vector<128x128xf32>, vector<400x128xf32> -> vector<400x128xf32>
    %get3A_272 = arith.constant 1 : index
    %get3A_273 = arith.constant 0 : index
    %get3A_274 = arith.constant 0 : index
    %get3A_275 = vector.load %arg10[%get3A_272, %get3A_273, %get3A_274] : memref<4x128x128xf32, #tpu.memory_space<vmem>>, vector<1x128x128xf32>
    %get3A_276 = vector.shape_cast %get3A_275 : vector<1x128x128xf32> to vector<128x128xf32>
    %dot_general3A_277 = arith.constant dense<0.000000e+00> : vector<400x128xf32>
    %dot_general3A_278 = tpu.matmul %select_n3A_135, %get3A_276, %dot_general3A_277 {dimension_numbers = #tpu.dot_dimension_numbers<[1], [0], [0], [1], [0, 0, 1, 1], [], []>, transpose_lhs_hint = false} : vector<400x128xf32>, vector<128x128xf32>, vector<400x128xf32> -> vector<400x128xf32>
    %swap3A_279 = arith.constant 1 : index
    %swap3A_280 = arith.constant 0 : index
    %swap3A_281 = arith.constant 0 : index
    %swap3A_282 = vector.load %arg14[%swap3A_279, %swap3A_280, %swap3A_281] : memref<4x400x128xf32, #tpu.memory_space<vmem>>, vector<1x400x128xf32>
    %swap3A_283 = vector.shape_cast %swap3A_282 : vector<1x400x128xf32> to vector<400x128xf32>
    %swap3A_284 = vector.shape_cast %dot_general3A_278 : vector<400x128xf32> to vector<1x400x128xf32>
    tpu.vector_store %arg14[%swap3A_279, %swap3A_280, %swap3A_281], %swap3A_284 {strides = array<i32>} : memref<4x400x128xf32, #tpu.memory_space<vmem>>, vector<1x400x128xf32>,
    %get3A_285 = arith.constant 0 : index
    %get3A_286 = arith.constant 1 : index
    %get3A_287 = arith.constant 0 : index
    %get3A_288 = arith.constant 0 : index
    %get3A_289 = vector.load %arg11[%get3A_285, %get3A_286, %get3A_287, %get3A_288] : memref<3x4x3x128xf32, #tpu.memory_space<vmem>>, vector<1x1x3x128xf32>
    %get3A_290 = vector.shape_cast %get3A_289 : vector<1x1x3x128xf32> to vector<3x128xf32>
    %slice3A_291 = vector.extract_strided_slice %get3A_290 {offsets = [2, 0], sizes = [1, 128], strides = [1, 1]} : vector<3x128xf32> to vector<1x128xf32>
    %eq3A_292 = arith.constant 1 : i32
    %eq3A_293 = vector.broadcast %eq3A_292 : i32 to vector<400x1xi32>
    %eq3A_294 = arith.cmpi eq, %get3A_6, %eq3A_293 : vector<400x1xi32>
    %slice3A_295 = vector.extract_strided_slice %get3A_290 {offsets = [1, 0], sizes = [1, 128], strides = [1, 1]} : vector<3x128xf32> to vector<1x128xf32>
    %broadcast_in_dim3A_296 = vector.shape_cast %eq3A_294 : vector<400x1xi1> to vector<400x1xi1>
    %broadcast_in_dim3A_297 = vector.broadcast %broadcast_in_dim3A_296 : vector<400x1xi1> to vector<400x128xi1>
    %broadcast_in_dim3A_298 = vector.shape_cast %slice3A_295 : vector<1x128xf32> to vector<1x128xf32>
    %broadcast_in_dim3A_299 = vector.broadcast %broadcast_in_dim3A_298 : vector<1x128xf32> to vector<400x128xf32>
    %broadcast_in_dim3A_300 = vector.shape_cast %slice3A_291 : vector<1x128xf32> to vector<1x128xf32>
    %broadcast_in_dim3A_301 = vector.broadcast %broadcast_in_dim3A_300 : vector<1x128xf32> to vector<400x128xf32>
    %select_n3A_302 = arith.select %broadcast_in_dim3A_297, %broadcast_in_dim3A_299, %broadcast_in_dim3A_301 : vector<400x128xi1>, vector<400x128xf32>
    %eq3A_303 = arith.constant 0 : i32
    %eq3A_304 = vector.broadcast %eq3A_303 : i32 to vector<400x1xi32>
    %eq3A_305 = arith.cmpi eq, %get3A_6, %eq3A_304 : vector<400x1xi32>
    %slice3A_306 = vector.extract_strided_slice %get3A_290 {offsets = [0, 0], sizes = [1, 128], strides = [1, 1]} : vector<3x128xf32> to vector<1x128xf32>
    %broadcast_in_dim3A_307 = vector.shape_cast %eq3A_305 : vector<400x1xi1> to vector<400x1xi1>
    %broadcast_in_dim3A_308 = vector.broadcast %broadcast_in_dim3A_307 : vector<400x1xi1> to vector<400x128xi1>
    %broadcast_in_dim3A_309 = vector.shape_cast %slice3A_306 : vector<1x128xf32> to vector<1x128xf32>
    %broadcast_in_dim3A_310 = vector.broadcast %broadcast_in_dim3A_309 : vector<1x128xf32> to vector<400x128xf32>
    %select_n3A_311 = arith.select %broadcast_in_dim3A_308, %broadcast_in_dim3A_310, %select_n3A_302 : vector<400x128xi1>, vector<400x128xf32>
    %mul3A_312 = arith.mulf %dot_general3A_271, %select_n3A_311 : vector<400x128xf32>
    %swap3A_313 = arith.constant 0 : index
    %swap3A_314 = arith.constant 1 : index
    %swap3A_315 = arith.constant 0 : index
    %swap3A_316 = arith.constant 0 : index
    %swap3A_317 = vector.load %arg13[%swap3A_313, %swap3A_314, %swap3A_315, %swap3A_316] : memref<3x4x400x128xf32, #tpu.memory_space<vmem>>, vector<1x1x400x128xf32>
    %swap3A_318 = vector.shape_cast %swap3A_317 : vector<1x1x400x128xf32> to vector<400x128xf32>
    %swap3A_319 = vector.shape_cast %mul3A_312 : vector<400x128xf32> to vector<1x1x400x128xf32>
    tpu.vector_store %arg13[%swap3A_313, %swap3A_314, %swap3A_315, %swap3A_316], %swap3A_319 {strides = array<i32>} : memref<3x4x400x128xf32, #tpu.memory_space<vmem>>, vector<1x1x400x128xf32>,
    %get3A_320 = arith.constant 1 : index
    %get3A_321 = arith.constant 1 : index
    %get3A_322 = arith.constant 0 : index
    %get3A_323 = arith.constant 0 : index
    %get3A_324 = vector.load %arg11[%get3A_320, %get3A_321, %get3A_322, %get3A_323] : memref<3x4x3x128xf32, #tpu.memory_space<vmem>>, vector<1x1x3x128xf32>
    %get3A_325 = vector.shape_cast %get3A_324 : vector<1x1x3x128xf32> to vector<3x128xf32>
    %slice3A_326 = vector.extract_strided_slice %get3A_325 {offsets = [2, 0], sizes = [1, 128], strides = [1, 1]} : vector<3x128xf32> to vector<1x128xf32>
    %eq3A_327 = arith.constant 1 : i32
    %eq3A_328 = vector.broadcast %eq3A_327 : i32 to vector<400x1xi32>
    %eq3A_329 = arith.cmpi eq, %get3A_6, %eq3A_328 : vector<400x1xi32>
    %slice3A_330 = vector.extract_strided_slice %get3A_325 {offsets = [1, 0], sizes = [1, 128], strides = [1, 1]} : vector<3x128xf32> to vector<1x128xf32>
    %broadcast_in_dim3A_331 = vector.shape_cast %eq3A_329 : vector<400x1xi1> to vector<400x1xi1>
    %broadcast_in_dim3A_332 = vector.broadcast %broadcast_in_dim3A_331 : vector<400x1xi1> to vector<400x128xi1>
    %broadcast_in_dim3A_333 = vector.shape_cast %slice3A_330 : vector<1x128xf32> to vector<1x128xf32>
    %broadcast_in_dim3A_334 = vector.broadcast %broadcast_in_dim3A_333 : vector<1x128xf32> to vector<400x128xf32>
    %broadcast_in_dim3A_335 = vector.shape_cast %slice3A_326 : vector<1x128xf32> to vector<1x128xf32>
    %broadcast_in_dim3A_336 = vector.broadcast %broadcast_in_dim3A_335 : vector<1x128xf32> to vector<400x128xf32>
    %select_n3A_337 = arith.select %broadcast_in_dim3A_332, %broadcast_in_dim3A_334, %broadcast_in_dim3A_336 : vector<400x128xi1>, vector<400x128xf32>
    %eq3A_338 = arith.constant 0 : i32
    %eq3A_339 = vector.broadcast %eq3A_338 : i32 to vector<400x1xi32>
    %eq3A_340 = arith.cmpi eq, %get3A_6, %eq3A_339 : vector<400x1xi32>
    %slice3A_341 = vector.extract_strided_slice %get3A_325 {offsets = [0, 0], sizes = [1, 128], strides = [1, 1]} : vector<3x128xf32> to vector<1x128xf32>
    %broadcast_in_dim3A_342 = vector.shape_cast %eq3A_340 : vector<400x1xi1> to vector<400x1xi1>
    %broadcast_in_dim3A_343 = vector.broadcast %broadcast_in_dim3A_342 : vector<400x1xi1> to vector<400x128xi1>
    %broadcast_in_dim3A_344 = vector.shape_cast %slice3A_341 : vector<1x128xf32> to vector<1x128xf32>
    %broadcast_in_dim3A_345 = vector.broadcast %broadcast_in_dim3A_344 : vector<1x128xf32> to vector<400x128xf32>
    %select_n3A_346 = arith.select %broadcast_in_dim3A_343, %broadcast_in_dim3A_345, %select_n3A_337 : vector<400x128xi1>, vector<400x128xf32>
    %mul3A_347 = arith.mulf %dot_general3A_271, %select_n3A_346 : vector<400x128xf32>
    %swap3A_348 = arith.constant 1 : index
    %swap3A_349 = arith.constant 1 : index
    %swap3A_350 = arith.constant 0 : index
    %swap3A_351 = arith.constant 0 : index
    %swap3A_352 = vector.load %arg13[%swap3A_348, %swap3A_349, %swap3A_350, %swap3A_351] : memref<3x4x400x128xf32, #tpu.memory_space<vmem>>, vector<1x1x400x128xf32>
    %swap3A_353 = vector.shape_cast %swap3A_352 : vector<1x1x400x128xf32> to vector<400x128xf32>
    %swap3A_354 = vector.shape_cast %mul3A_347 : vector<400x128xf32> to vector<1x1x400x128xf32>
    tpu.vector_store %arg13[%swap3A_348, %swap3A_349, %swap3A_350, %swap3A_351], %swap3A_354 {strides = array<i32>} : memref<3x4x400x128xf32, #tpu.memory_space<vmem>>, vector<1x1x400x128xf32>,
    %get3A_355 = arith.constant 2 : index
    %get3A_356 = arith.constant 1 : index
    %get3A_357 = arith.constant 0 : index
    %get3A_358 = arith.constant 0 : index
    %get3A_359 = vector.load %arg11[%get3A_355, %get3A_356, %get3A_357, %get3A_358] : memref<3x4x3x128xf32, #tpu.memory_space<vmem>>, vector<1x1x3x128xf32>
    %get3A_360 = vector.shape_cast %get3A_359 : vector<1x1x3x128xf32> to vector<3x128xf32>
    %slice3A_361 = vector.extract_strided_slice %get3A_360 {offsets = [2, 0], sizes = [1, 128], strides = [1, 1]} : vector<3x128xf32> to vector<1x128xf32>
    %eq3A_362 = arith.constant 1 : i32
    %eq3A_363 = vector.broadcast %eq3A_362 : i32 to vector<400x1xi32>
    %eq3A_364 = arith.cmpi eq, %get3A_6, %eq3A_363 : vector<400x1xi32>
    %slice3A_365 = vector.extract_strided_slice %get3A_360 {offsets = [1, 0], sizes = [1, 128], strides = [1, 1]} : vector<3x128xf32> to vector<1x128xf32>
    %broadcast_in_dim3A_366 = vector.shape_cast %eq3A_364 : vector<400x1xi1> to vector<400x1xi1>
    %broadcast_in_dim3A_367 = vector.broadcast %broadcast_in_dim3A_366 : vector<400x1xi1> to vector<400x128xi1>
    %broadcast_in_dim3A_368 = vector.shape_cast %slice3A_365 : vector<1x128xf32> to vector<1x128xf32>
    %broadcast_in_dim3A_369 = vector.broadcast %broadcast_in_dim3A_368 : vector<1x128xf32> to vector<400x128xf32>
    %broadcast_in_dim3A_370 = vector.shape_cast %slice3A_361 : vector<1x128xf32> to vector<1x128xf32>
    %broadcast_in_dim3A_371 = vector.broadcast %broadcast_in_dim3A_370 : vector<1x128xf32> to vector<400x128xf32>
    %select_n3A_372 = arith.select %broadcast_in_dim3A_367, %broadcast_in_dim3A_369, %broadcast_in_dim3A_371 : vector<400x128xi1>, vector<400x128xf32>
    %eq3A_373 = arith.constant 0 : i32
    %eq3A_374 = vector.broadcast %eq3A_373 : i32 to vector<400x1xi32>
    %eq3A_375 = arith.cmpi eq, %get3A_6, %eq3A_374 : vector<400x1xi32>
    %slice3A_376 = vector.extract_strided_slice %get3A_360 {offsets = [0, 0], sizes = [1, 128], strides = [1, 1]} : vector<3x128xf32> to vector<1x128xf32>
    %broadcast_in_dim3A_377 = vector.shape_cast %eq3A_375 : vector<400x1xi1> to vector<400x1xi1>
    %broadcast_in_dim3A_378 = vector.broadcast %broadcast_in_dim3A_377 : vector<400x1xi1> to vector<400x128xi1>
    %broadcast_in_dim3A_379 = vector.shape_cast %slice3A_376 : vector<1x128xf32> to vector<1x128xf32>
    %broadcast_in_dim3A_380 = vector.broadcast %broadcast_in_dim3A_379 : vector<1x128xf32> to vector<400x128xf32>
    %select_n3A_381 = arith.select %broadcast_in_dim3A_378, %broadcast_in_dim3A_380, %select_n3A_372 : vector<400x128xi1>, vector<400x128xf32>
    %mul3A_382 = arith.mulf %dot_general3A_271, %select_n3A_381 : vector<400x128xf32>
    %swap3A_383 = arith.constant 2 : index
    %swap3A_384 = arith.constant 1 : index
    %swap3A_385 = arith.constant 0 : index
    %swap3A_386 = arith.constant 0 : index
    %swap3A_387 = vector.load %arg13[%swap3A_383, %swap3A_384, %swap3A_385, %swap3A_386] : memref<3x4x400x128xf32, #tpu.memory_space<vmem>>, vector<1x1x400x128xf32>
    %swap3A_388 = vector.shape_cast %swap3A_387 : vector<1x1x400x128xf32> to vector<400x128xf32>
    %swap3A_389 = vector.shape_cast %mul3A_382 : vector<400x128xf32> to vector<1x1x400x128xf32>
    tpu.vector_store %arg13[%swap3A_383, %swap3A_384, %swap3A_385, %swap3A_386], %swap3A_389 {strides = array<i32>} : memref<3x4x400x128xf32, #tpu.memory_space<vmem>>, vector<1x1x400x128xf32>,
    %get3A_390 = arith.constant 2 : index
    %get3A_391 = arith.constant 0 : index
    %get3A_392 = arith.constant 0 : index
    %get3A_393 = vector.load %arg9[%get3A_390, %get3A_391, %get3A_392] : memref<4x128x128xf32, #tpu.memory_space<vmem>>, vector<1x128x128xf32>
    %get3A_394 = vector.shape_cast %get3A_393 : vector<1x128x128xf32> to vector<128x128xf32>
    %dot_general3A_395 = arith.constant dense<0.000000e+00> : vector<400x128xf32>
    %dot_general3A_396 = tpu.matmul %select_n3A_45, %get3A_394, %dot_general3A_395 {dimension_numbers = #tpu.dot_dimension_numbers<[1], [0], [0], [1], [0, 0, 1, 1], [], []>, transpose_lhs_hint = false} : vector<400x128xf32>, vector<128x128xf32>, vector<400x128xf32> -> vector<400x128xf32>
    %get3A_397 = arith.constant 2 : index
    %get3A_398 = arith.constant 0 : index
    %get3A_399 = arith.constant 0 : index
    %get3A_400 = vector.load %arg10[%get3A_397, %get3A_398, %get3A_399] : memref<4x128x128xf32, #tpu.memory_space<vmem>>, vector<1x128x128xf32>
    %get3A_401 = vector.shape_cast %get3A_400 : vector<1x128x128xf32> to vector<128x128xf32>
    %dot_general3A_402 = arith.constant dense<0.000000e+00> : vector<400x128xf32>
    %dot_general3A_403 = tpu.matmul %select_n3A_135, %get3A_401, %dot_general3A_402 {dimension_numbers = #tpu.dot_dimension_numbers<[1], [0], [0], [1], [0, 0, 1, 1], [], []>, transpose_lhs_hint = false} : vector<400x128xf32>, vector<128x128xf32>, vector<400x128xf32> -> vector<400x128xf32>
    %swap3A_404 = arith.constant 2 : index
    %swap3A_405 = arith.constant 0 : index
    %swap3A_406 = arith.constant 0 : index
    %swap3A_407 = vector.load %arg14[%swap3A_404, %swap3A_405, %swap3A_406] : memref<4x400x128xf32, #tpu.memory_space<vmem>>, vector<1x400x128xf32>
    %swap3A_408 = vector.shape_cast %swap3A_407 : vector<1x400x128xf32> to vector<400x128xf32>
    %swap3A_409 = vector.shape_cast %dot_general3A_403 : vector<400x128xf32> to vector<1x400x128xf32>
    tpu.vector_store %arg14[%swap3A_404, %swap3A_405, %swap3A_406], %swap3A_409 {strides = array<i32>} : memref<4x400x128xf32, #tpu.memory_space<vmem>>, vector<1x400x128xf32>,
    %get3A_410 = arith.constant 0 : index
    %get3A_411 = arith.constant 2 : index
    %get3A_412 = arith.constant 0 : index
    %get3A_413 = arith.constant 0 : index
    %get3A_414 = vector.load %arg11[%get3A_410, %get3A_411, %get3A_412, %get3A_413] : memref<3x4x3x128xf32, #tpu.memory_space<vmem>>, vector<1x1x3x128xf32>
    %get3A_415 = vector.shape_cast %get3A_414 : vector<1x1x3x128xf32> to vector<3x128xf32>
    %slice3A_416 = vector.extract_strided_slice %get3A_415 {offsets = [2, 0], sizes = [1, 128], strides = [1, 1]} : vector<3x128xf32> to vector<1x128xf32>
    %eq3A_417 = arith.constant 1 : i32
    %eq3A_418 = vector.broadcast %eq3A_417 : i32 to vector<400x1xi32>
    %eq3A_419 = arith.cmpi eq, %get3A_6, %eq3A_418 : vector<400x1xi32>
    %slice3A_420 = vector.extract_strided_slice %get3A_415 {offsets = [1, 0], sizes = [1, 128], strides = [1, 1]} : vector<3x128xf32> to vector<1x128xf32>
    %broadcast_in_dim3A_421 = vector.shape_cast %eq3A_419 : vector<400x1xi1> to vector<400x1xi1>
    %broadcast_in_dim3A_422 = vector.broadcast %broadcast_in_dim3A_421 : vector<400x1xi1> to vector<400x128xi1>
    %broadcast_in_dim3A_423 = vector.shape_cast %slice3A_420 : vector<1x128xf32> to vector<1x128xf32>
    %broadcast_in_dim3A_424 = vector.broadcast %broadcast_in_dim3A_423 : vector<1x128xf32> to vector<400x128xf32>
    %broadcast_in_dim3A_425 = vector.shape_cast %slice3A_416 : vector<1x128xf32> to vector<1x128xf32>
    %broadcast_in_dim3A_426 = vector.broadcast %broadcast_in_dim3A_425 : vector<1x128xf32> to vector<400x128xf32>
    %select_n3A_427 = arith.select %broadcast_in_dim3A_422, %broadcast_in_dim3A_424, %broadcast_in_dim3A_426 : vector<400x128xi1>, vector<400x128xf32>
    %eq3A_428 = arith.constant 0 : i32
    %eq3A_429 = vector.broadcast %eq3A_428 : i32 to vector<400x1xi32>
    %eq3A_430 = arith.cmpi eq, %get3A_6, %eq3A_429 : vector<400x1xi32>
    %slice3A_431 = vector.extract_strided_slice %get3A_415 {offsets = [0, 0], sizes = [1, 128], strides = [1, 1]} : vector<3x128xf32> to vector<1x128xf32>
    %broadcast_in_dim3A_432 = vector.shape_cast %eq3A_430 : vector<400x1xi1> to vector<400x1xi1>
    %broadcast_in_dim3A_433 = vector.broadcast %broadcast_in_dim3A_432 : vector<400x1xi1> to vector<400x128xi1>
    %broadcast_in_dim3A_434 = vector.shape_cast %slice3A_431 : vector<1x128xf32> to vector<1x128xf32>
    %broadcast_in_dim3A_435 = vector.broadcast %broadcast_in_dim3A_434 : vector<1x128xf32> to vector<400x128xf32>
    %select_n3A_436 = arith.select %broadcast_in_dim3A_433, %broadcast_in_dim3A_435, %select_n3A_427 : vector<400x128xi1>, vector<400x128xf32>
    %mul3A_437 = arith.mulf %dot_general3A_396, %select_n3A_436 : vector<400x128xf32>
    %swap3A_438 = arith.constant 0 : index
    %swap3A_439 = arith.constant 2 : index
    %swap3A_440 = arith.constant 0 : index
    %swap3A_441 = arith.constant 0 : index
    %swap3A_442 = vector.load %arg13[%swap3A_438, %swap3A_439, %swap3A_440, %swap3A_441] : memref<3x4x400x128xf32, #tpu.memory_space<vmem>>, vector<1x1x400x128xf32>
    %swap3A_443 = vector.shape_cast %swap3A_442 : vector<1x1x400x128xf32> to vector<400x128xf32>
    %swap3A_444 = vector.shape_cast %mul3A_437 : vector<400x128xf32> to vector<1x1x400x128xf32>
    tpu.vector_store %arg13[%swap3A_438, %swap3A_439, %swap3A_440, %swap3A_441], %swap3A_444 {strides = array<i32>} : memref<3x4x400x128xf32, #tpu.memory_space<vmem>>, vector<1x1x400x128xf32>,
    %get3A_445 = arith.constant 1 : index
    %get3A_446 = arith.constant 2 : index
    %get3A_447 = arith.constant 0 : index
    %get3A_448 = arith.constant 0 : index
    %get3A_449 = vector.load %arg11[%get3A_445, %get3A_446, %get3A_447, %get3A_448] : memref<3x4x3x128xf32, #tpu.memory_space<vmem>>, vector<1x1x3x128xf32>
    %get3A_450 = vector.shape_cast %get3A_449 : vector<1x1x3x128xf32> to vector<3x128xf32>
    %slice3A_451 = vector.extract_strided_slice %get3A_450 {offsets = [2, 0], sizes = [1, 128], strides = [1, 1]} : vector<3x128xf32> to vector<1x128xf32>
    %eq3A_452 = arith.constant 1 : i32
    %eq3A_453 = vector.broadcast %eq3A_452 : i32 to vector<400x1xi32>
    %eq3A_454 = arith.cmpi eq, %get3A_6, %eq3A_453 : vector<400x1xi32>
    %slice3A_455 = vector.extract_strided_slice %get3A_450 {offsets = [1, 0], sizes = [1, 128], strides = [1, 1]} : vector<3x128xf32> to vector<1x128xf32>
    %broadcast_in_dim3A_456 = vector.shape_cast %eq3A_454 : vector<400x1xi1> to vector<400x1xi1>
    %broadcast_in_dim3A_457 = vector.broadcast %broadcast_in_dim3A_456 : vector<400x1xi1> to vector<400x128xi1>
    %broadcast_in_dim3A_458 = vector.shape_cast %slice3A_455 : vector<1x128xf32> to vector<1x128xf32>
    %broadcast_in_dim3A_459 = vector.broadcast %broadcast_in_dim3A_458 : vector<1x128xf32> to vector<400x128xf32>
    %broadcast_in_dim3A_460 = vector.shape_cast %slice3A_451 : vector<1x128xf32> to vector<1x128xf32>
    %broadcast_in_dim3A_461 = vector.broadcast %broadcast_in_dim3A_460 : vector<1x128xf32> to vector<400x128xf32>
    %select_n3A_462 = arith.select %broadcast_in_dim3A_457, %broadcast_in_dim3A_459, %broadcast_in_dim3A_461 : vector<400x128xi1>, vector<400x128xf32>
    %eq3A_463 = arith.constant 0 : i32
    %eq3A_464 = vector.broadcast %eq3A_463 : i32 to vector<400x1xi32>
    %eq3A_465 = arith.cmpi eq, %get3A_6, %eq3A_464 : vector<400x1xi32>
    %slice3A_466 = vector.extract_strided_slice %get3A_450 {offsets = [0, 0], sizes = [1, 128], strides = [1, 1]} : vector<3x128xf32> to vector<1x128xf32>
    %broadcast_in_dim3A_467 = vector.shape_cast %eq3A_465 : vector<400x1xi1> to vector<400x1xi1>
    %broadcast_in_dim3A_468 = vector.broadcast %broadcast_in_dim3A_467 : vector<400x1xi1> to vector<400x128xi1>
    %broadcast_in_dim3A_469 = vector.shape_cast %slice3A_466 : vector<1x128xf32> to vector<1x128xf32>
    %broadcast_in_dim3A_470 = vector.broadcast %broadcast_in_dim3A_469 : vector<1x128xf32> to vector<400x128xf32>
    %select_n3A_471 = arith.select %broadcast_in_dim3A_468, %broadcast_in_dim3A_470, %select_n3A_462 : vector<400x128xi1>, vector<400x128xf32>
    %mul3A_472 = arith.mulf %dot_general3A_396, %select_n3A_471 : vector<400x128xf32>
    %swap3A_473 = arith.constant 1 : index
    %swap3A_474 = arith.constant 2 : index
    %swap3A_475 = arith.constant 0 : index
    %swap3A_476 = arith.constant 0 : index
    %swap3A_477 = vector.load %arg13[%swap3A_473, %swap3A_474, %swap3A_475, %swap3A_476] : memref<3x4x400x128xf32, #tpu.memory_space<vmem>>, vector<1x1x400x128xf32>
    %swap3A_478 = vector.shape_cast %swap3A_477 : vector<1x1x400x128xf32> to vector<400x128xf32>
    %swap3A_479 = vector.shape_cast %mul3A_472 : vector<400x128xf32> to vector<1x1x400x128xf32>
    tpu.vector_store %arg13[%swap3A_473, %swap3A_474, %swap3A_475, %swap3A_476], %swap3A_479 {strides = array<i32>} : memref<3x4x400x128xf32, #tpu.memory_space<vmem>>, vector<1x1x400x128xf32>,
    %get3A_480 = arith.constant 2 : index
    %get3A_481 = arith.constant 2 : index
    %get3A_482 = arith.constant 0 : index
    %get3A_483 = arith.constant 0 : index
    %get3A_484 = vector.load %arg11[%get3A_480, %get3A_481, %get3A_482, %get3A_483] : memref<3x4x3x128xf32, #tpu.memory_space<vmem>>, vector<1x1x3x128xf32>
    %get3A_485 = vector.shape_cast %get3A_484 : vector<1x1x3x128xf32> to vector<3x128xf32>
    %slice3A_486 = vector.extract_strided_slice %get3A_485 {offsets = [2, 0], sizes = [1, 128], strides = [1, 1]} : vector<3x128xf32> to vector<1x128xf32>
    %eq3A_487 = arith.constant 1 : i32
    %eq3A_488 = vector.broadcast %eq3A_487 : i32 to vector<400x1xi32>
    %eq3A_489 = arith.cmpi eq, %get3A_6, %eq3A_488 : vector<400x1xi32>
    %slice3A_490 = vector.extract_strided_slice %get3A_485 {offsets = [1, 0], sizes = [1, 128], strides = [1, 1]} : vector<3x128xf32> to vector<1x128xf32>
    %broadcast_in_dim3A_491 = vector.shape_cast %eq3A_489 : vector<400x1xi1> to vector<400x1xi1>
    %broadcast_in_dim3A_492 = vector.broadcast %broadcast_in_dim3A_491 : vector<400x1xi1> to vector<400x128xi1>
    %broadcast_in_dim3A_493 = vector.shape_cast %slice3A_490 : vector<1x128xf32> to vector<1x128xf32>
    %broadcast_in_dim3A_494 = vector.broadcast %broadcast_in_dim3A_493 : vector<1x128xf32> to vector<400x128xf32>
    %broadcast_in_dim3A_495 = vector.shape_cast %slice3A_486 : vector<1x128xf32> to vector<1x128xf32>
    %broadcast_in_dim3A_496 = vector.broadcast %broadcast_in_dim3A_495 : vector<1x128xf32> to vector<400x128xf32>
    %select_n3A_497 = arith.select %broadcast_in_dim3A_492, %broadcast_in_dim3A_494, %broadcast_in_dim3A_496 : vector<400x128xi1>, vector<400x128xf32>
    %eq3A_498 = arith.constant 0 : i32
    %eq3A_499 = vector.broadcast %eq3A_498 : i32 to vector<400x1xi32>
    %eq3A_500 = arith.cmpi eq, %get3A_6, %eq3A_499 : vector<400x1xi32>
    %slice3A_501 = vector.extract_strided_slice %get3A_485 {offsets = [0, 0], sizes = [1, 128], strides = [1, 1]} : vector<3x128xf32> to vector<1x128xf32>
    %broadcast_in_dim3A_502 = vector.shape_cast %eq3A_500 : vector<400x1xi1> to vector<400x1xi1>
    %broadcast_in_dim3A_503 = vector.broadcast %broadcast_in_dim3A_502 : vector<400x1xi1> to vector<400x128xi1>
    %broadcast_in_dim3A_504 = vector.shape_cast %slice3A_501 : vector<1x128xf32> to vector<1x128xf32>
    %broadcast_in_dim3A_505 = vector.broadcast %broadcast_in_dim3A_504 : vector<1x128xf32> to vector<400x128xf32>
    %select_n3A_506 = arith.select %broadcast_in_dim3A_503, %broadcast_in_dim3A_505, %select_n3A_497 : vector<400x128xi1>, vector<400x128xf32>
    %mul3A_507 = arith.mulf %dot_general3A_396, %select_n3A_506 : vector<400x128xf32>
    %swap3A_508 = arith.constant 2 : index
    %swap3A_509 = arith.constant 2 : index
    %swap3A_510 = arith.constant 0 : index
    %swap3A_511 = arith.constant 0 : index
    %swap3A_512 = vector.load %arg13[%swap3A_508, %swap3A_509, %swap3A_510, %swap3A_511] : memref<3x4x400x128xf32, #tpu.memory_space<vmem>>, vector<1x1x400x128xf32>
    %swap3A_513 = vector.shape_cast %swap3A_512 : vector<1x1x400x128xf32> to vector<400x128xf32>
    %swap3A_514 = vector.shape_cast %mul3A_507 : vector<400x128xf32> to vector<1x1x400x128xf32>
    tpu.vector_store %arg13[%swap3A_508, %swap3A_509, %swap3A_510, %swap3A_511], %swap3A_514 {strides = array<i32>} : memref<3x4x400x128xf32, #tpu.memory_space<vmem>>, vector<1x1x400x128xf32>,
    %get3A_515 = arith.constant 3 : index
    %get3A_516 = arith.constant 0 : index
    %get3A_517 = arith.constant 0 : index
    %get3A_518 = vector.load %arg9[%get3A_515, %get3A_516, %get3A_517] : memref<4x128x128xf32, #tpu.memory_space<vmem>>, vector<1x128x128xf32>
    %get3A_519 = vector.shape_cast %get3A_518 : vector<1x128x128xf32> to vector<128x128xf32>
    %dot_general3A_520 = arith.constant dense<0.000000e+00> : vector<400x128xf32>
    %dot_general3A_521 = tpu.matmul %select_n3A_45, %get3A_519, %dot_general3A_520 {dimension_numbers = #tpu.dot_dimension_numbers<[1], [0], [0], [1], [0, 0, 1, 1], [], []>, transpose_lhs_hint = false} : vector<400x128xf32>, vector<128x128xf32>, vector<400x128xf32> -> vector<400x128xf32>
    %get3A_522 = arith.constant 3 : index
    %get3A_523 = arith.constant 0 : index
    %get3A_524 = arith.constant 0 : index
    %get3A_525 = vector.load %arg10[%get3A_522, %get3A_523, %get3A_524] : memref<4x128x128xf32, #tpu.memory_space<vmem>>, vector<1x128x128xf32>
    %get3A_526 = vector.shape_cast %get3A_525 : vector<1x128x128xf32> to vector<128x128xf32>
    %dot_general3A_527 = arith.constant dense<0.000000e+00> : vector<400x128xf32>
    %dot_general3A_528 = tpu.matmul %select_n3A_135, %get3A_526, %dot_general3A_527 {dimension_numbers = #tpu.dot_dimension_numbers<[1], [0], [0], [1], [0, 0, 1, 1], [], []>, transpose_lhs_hint = false} : vector<400x128xf32>, vector<128x128xf32>, vector<400x128xf32> -> vector<400x128xf32>
    %swap3A_529 = arith.constant 3 : index
    %swap3A_530 = arith.constant 0 : index
    %swap3A_531 = arith.constant 0 : index
    %swap3A_532 = vector.load %arg14[%swap3A_529, %swap3A_530, %swap3A_531] : memref<4x400x128xf32, #tpu.memory_space<vmem>>, vector<1x400x128xf32>
    %swap3A_533 = vector.shape_cast %swap3A_532 : vector<1x400x128xf32> to vector<400x128xf32>
    %swap3A_534 = vector.shape_cast %dot_general3A_528 : vector<400x128xf32> to vector<1x400x128xf32>
    tpu.vector_store %arg14[%swap3A_529, %swap3A_530, %swap3A_531], %swap3A_534 {strides = array<i32>} : memref<4x400x128xf32, #tpu.memory_space<vmem>>, vector<1x400x128xf32>,
    %get3A_535 = arith.constant 0 : index
    %get3A_536 = arith.constant 3 : index
    %get3A_537 = arith.constant 0 : index
    %get3A_538 = arith.constant 0 : index
    %get3A_539 = vector.load %arg11[%get3A_535, %get3A_536, %get3A_537, %get3A_538] : memref<3x4x3x128xf32, #tpu.memory_space<vmem>>, vector<1x1x3x128xf32>
    %get3A_540 = vector.shape_cast %get3A_539 : vector<1x1x3x128xf32> to vector<3x128xf32>
    %slice3A_541 = vector.extract_strided_slice %get3A_540 {offsets = [2, 0], sizes = [1, 128], strides = [1, 1]} : vector<3x128xf32> to vector<1x128xf32>
    %eq3A_542 = arith.constant 1 : i32
    %eq3A_543 = vector.broadcast %eq3A_542 : i32 to vector<400x1xi32>
    %eq3A_544 = arith.cmpi eq, %get3A_6, %eq3A_543 : vector<400x1xi32>
    %slice3A_545 = vector.extract_strided_slice %get3A_540 {offsets = [1, 0], sizes = [1, 128], strides = [1, 1]} : vector<3x128xf32> to vector<1x128xf32>
    %broadcast_in_dim3A_546 = vector.shape_cast %eq3A_544 : vector<400x1xi1> to vector<400x1xi1>
    %broadcast_in_dim3A_547 = vector.broadcast %broadcast_in_dim3A_546 : vector<400x1xi1> to vector<400x128xi1>
    %broadcast_in_dim3A_548 = vector.shape_cast %slice3A_545 : vector<1x128xf32> to vector<1x128xf32>
    %broadcast_in_dim3A_549 = vector.broadcast %broadcast_in_dim3A_548 : vector<1x128xf32> to vector<400x128xf32>
    %broadcast_in_dim3A_550 = vector.shape_cast %slice3A_541 : vector<1x128xf32> to vector<1x128xf32>
    %broadcast_in_dim3A_551 = vector.broadcast %broadcast_in_dim3A_550 : vector<1x128xf32> to vector<400x128xf32>
    %select_n3A_552 = arith.select %broadcast_in_dim3A_547, %broadcast_in_dim3A_549, %broadcast_in_dim3A_551 : vector<400x128xi1>, vector<400x128xf32>
    %eq3A_553 = arith.constant 0 : i32
    %eq3A_554 = vector.broadcast %eq3A_553 : i32 to vector<400x1xi32>
    %eq3A_555 = arith.cmpi eq, %get3A_6, %eq3A_554 : vector<400x1xi32>
    %slice3A_556 = vector.extract_strided_slice %get3A_540 {offsets = [0, 0], sizes = [1, 128], strides = [1, 1]} : vector<3x128xf32> to vector<1x128xf32>
    %broadcast_in_dim3A_557 = vector.shape_cast %eq3A_555 : vector<400x1xi1> to vector<400x1xi1>
    %broadcast_in_dim3A_558 = vector.broadcast %broadcast_in_dim3A_557 : vector<400x1xi1> to vector<400x128xi1>
    %broadcast_in_dim3A_559 = vector.shape_cast %slice3A_556 : vector<1x128xf32> to vector<1x128xf32>
    %broadcast_in_dim3A_560 = vector.broadcast %broadcast_in_dim3A_559 : vector<1x128xf32> to vector<400x128xf32>
    %select_n3A_561 = arith.select %broadcast_in_dim3A_558, %broadcast_in_dim3A_560, %select_n3A_552 : vector<400x128xi1>, vector<400x128xf32>
    %mul3A_562 = arith.mulf %dot_general3A_521, %select_n3A_561 : vector<400x128xf32>
    %swap3A_563 = arith.constant 0 : index
    %swap3A_564 = arith.constant 3 : index
    %swap3A_565 = arith.constant 0 : index
    %swap3A_566 = arith.constant 0 : index
    %swap3A_567 = vector.load %arg13[%swap3A_563, %swap3A_564, %swap3A_565, %swap3A_566] : memref<3x4x400x128xf32, #tpu.memory_space<vmem>>, vector<1x1x400x128xf32>
    %swap3A_568 = vector.shape_cast %swap3A_567 : vector<1x1x400x128xf32> to vector<400x128xf32>
    %swap3A_569 = vector.shape_cast %mul3A_562 : vector<400x128xf32> to vector<1x1x400x128xf32>
    tpu.vector_store %arg13[%swap3A_563, %swap3A_564, %swap3A_565, %swap3A_566], %swap3A_569 {strides = array<i32>} : memref<3x4x400x128xf32, #tpu.memory_space<vmem>>, vector<1x1x400x128xf32>,
    %get3A_570 = arith.constant 1 : index
    %get3A_571 = arith.constant 3 : index
    %get3A_572 = arith.constant 0 : index
    %get3A_573 = arith.constant 0 : index
    %get3A_574 = vector.load %arg11[%get3A_570, %get3A_571, %get3A_572, %get3A_573] : memref<3x4x3x128xf32, #tpu.memory_space<vmem>>, vector<1x1x3x128xf32>
    %get3A_575 = vector.shape_cast %get3A_574 : vector<1x1x3x128xf32> to vector<3x128xf32>
    %slice3A_576 = vector.extract_strided_slice %get3A_575 {offsets = [2, 0], sizes = [1, 128], strides = [1, 1]} : vector<3x128xf32> to vector<1x128xf32>
    %eq3A_577 = arith.constant 1 : i32
    %eq3A_578 = vector.broadcast %eq3A_577 : i32 to vector<400x1xi32>
    %eq3A_579 = arith.cmpi eq, %get3A_6, %eq3A_578 : vector<400x1xi32>
    %slice3A_580 = vector.extract_strided_slice %get3A_575 {offsets = [1, 0], sizes = [1, 128], strides = [1, 1]} : vector<3x128xf32> to vector<1x128xf32>
    %broadcast_in_dim3A_581 = vector.shape_cast %eq3A_579 : vector<400x1xi1> to vector<400x1xi1>
    %broadcast_in_dim3A_582 = vector.broadcast %broadcast_in_dim3A_581 : vector<400x1xi1> to vector<400x128xi1>
    %broadcast_in_dim3A_583 = vector.shape_cast %slice3A_580 : vector<1x128xf32> to vector<1x128xf32>
    %broadcast_in_dim3A_584 = vector.broadcast %broadcast_in_dim3A_583 : vector<1x128xf32> to vector<400x128xf32>
    %broadcast_in_dim3A_585 = vector.shape_cast %slice3A_576 : vector<1x128xf32> to vector<1x128xf32>
    %broadcast_in_dim3A_586 = vector.broadcast %broadcast_in_dim3A_585 : vector<1x128xf32> to vector<400x128xf32>
    %select_n3A_587 = arith.select %broadcast_in_dim3A_582, %broadcast_in_dim3A_584, %broadcast_in_dim3A_586 : vector<400x128xi1>, vector<400x128xf32>
    %eq3A_588 = arith.constant 0 : i32
    %eq3A_589 = vector.broadcast %eq3A_588 : i32 to vector<400x1xi32>
    %eq3A_590 = arith.cmpi eq, %get3A_6, %eq3A_589 : vector<400x1xi32>
    %slice3A_591 = vector.extract_strided_slice %get3A_575 {offsets = [0, 0], sizes = [1, 128], strides = [1, 1]} : vector<3x128xf32> to vector<1x128xf32>
    %broadcast_in_dim3A_592 = vector.shape_cast %eq3A_590 : vector<400x1xi1> to vector<400x1xi1>
    %broadcast_in_dim3A_593 = vector.broadcast %broadcast_in_dim3A_592 : vector<400x1xi1> to vector<400x128xi1>
    %broadcast_in_dim3A_594 = vector.shape_cast %slice3A_591 : vector<1x128xf32> to vector<1x128xf32>
    %broadcast_in_dim3A_595 = vector.broadcast %broadcast_in_dim3A_594 : vector<1x128xf32> to vector<400x128xf32>
    %select_n3A_596 = arith.select %broadcast_in_dim3A_593, %broadcast_in_dim3A_595, %select_n3A_587 : vector<400x128xi1>, vector<400x128xf32>
    %mul3A_597 = arith.mulf %dot_general3A_521, %select_n3A_596 : vector<400x128xf32>
    %swap3A_598 = arith.constant 1 : index
    %swap3A_599 = arith.constant 3 : index
    %swap3A_600 = arith.constant 0 : index
    %swap3A_601 = arith.constant 0 : index
    %swap3A_602 = vector.load %arg13[%swap3A_598, %swap3A_599, %swap3A_600, %swap3A_601] : memref<3x4x400x128xf32, #tpu.memory_space<vmem>>, vector<1x1x400x128xf32>
    %swap3A_603 = vector.shape_cast %swap3A_602 : vector<1x1x400x128xf32> to vector<400x128xf32>
    %swap3A_604 = vector.shape_cast %mul3A_597 : vector<400x128xf32> to vector<1x1x400x128xf32>
    tpu.vector_store %arg13[%swap3A_598, %swap3A_599, %swap3A_600, %swap3A_601], %swap3A_604 {strides = array<i32>} : memref<3x4x400x128xf32, #tpu.memory_space<vmem>>, vector<1x1x400x128xf32>,
    %get3A_605 = arith.constant 2 : index
    %get3A_606 = arith.constant 3 : index
    %get3A_607 = arith.constant 0 : index
    %get3A_608 = arith.constant 0 : index
    %get3A_609 = vector.load %arg11[%get3A_605, %get3A_606, %get3A_607, %get3A_608] : memref<3x4x3x128xf32, #tpu.memory_space<vmem>>, vector<1x1x3x128xf32>
    %get3A_610 = vector.shape_cast %get3A_609 : vector<1x1x3x128xf32> to vector<3x128xf32>
    %slice3A_611 = vector.extract_strided_slice %get3A_610 {offsets = [2, 0], sizes = [1, 128], strides = [1, 1]} : vector<3x128xf32> to vector<1x128xf32>
    %eq3A_612 = arith.constant 1 : i32
    %eq3A_613 = vector.broadcast %eq3A_612 : i32 to vector<400x1xi32>
    %eq3A_614 = arith.cmpi eq, %get3A_6, %eq3A_613 : vector<400x1xi32>
    %slice3A_615 = vector.extract_strided_slice %get3A_610 {offsets = [1, 0], sizes = [1, 128], strides = [1, 1]} : vector<3x128xf32> to vector<1x128xf32>
    %broadcast_in_dim3A_616 = vector.shape_cast %eq3A_614 : vector<400x1xi1> to vector<400x1xi1>
    %broadcast_in_dim3A_617 = vector.broadcast %broadcast_in_dim3A_616 : vector<400x1xi1> to vector<400x128xi1>
    %broadcast_in_dim3A_618 = vector.shape_cast %slice3A_615 : vector<1x128xf32> to vector<1x128xf32>
    %broadcast_in_dim3A_619 = vector.broadcast %broadcast_in_dim3A_618 : vector<1x128xf32> to vector<400x128xf32>
    %broadcast_in_dim3A_620 = vector.shape_cast %slice3A_611 : vector<1x128xf32> to vector<1x128xf32>
    %broadcast_in_dim3A_621 = vector.broadcast %broadcast_in_dim3A_620 : vector<1x128xf32> to vector<400x128xf32>
    %select_n3A_622 = arith.select %broadcast_in_dim3A_617, %broadcast_in_dim3A_619, %broadcast_in_dim3A_621 : vector<400x128xi1>, vector<400x128xf32>
    %eq3A_623 = arith.constant 0 : i32
    %eq3A_624 = vector.broadcast %eq3A_623 : i32 to vector<400x1xi32>
    %eq3A_625 = arith.cmpi eq, %get3A_6, %eq3A_624 : vector<400x1xi32>
    %slice3A_626 = vector.extract_strided_slice %get3A_610 {offsets = [0, 0], sizes = [1, 128], strides = [1, 1]} : vector<3x128xf32> to vector<1x128xf32>
    %broadcast_in_dim3A_627 = vector.shape_cast %eq3A_625 : vector<400x1xi1> to vector<400x1xi1>
    %broadcast_in_dim3A_628 = vector.broadcast %broadcast_in_dim3A_627 : vector<400x1xi1> to vector<400x128xi1>
    %broadcast_in_dim3A_629 = vector.shape_cast %slice3A_626 : vector<1x128xf32> to vector<1x128xf32>
    %broadcast_in_dim3A_630 = vector.broadcast %broadcast_in_dim3A_629 : vector<1x128xf32> to vector<400x128xf32>
    %select_n3A_631 = arith.select %broadcast_in_dim3A_628, %broadcast_in_dim3A_630, %select_n3A_622 : vector<400x128xi1>, vector<400x128xf32>
    %mul3A_632 = arith.mulf %dot_general3A_521, %select_n3A_631 : vector<400x128xf32>
    %swap3A_633 = arith.constant 2 : index
    %swap3A_634 = arith.constant 3 : index
    %swap3A_635 = arith.constant 0 : index
    %swap3A_636 = arith.constant 0 : index
    %swap3A_637 = vector.load %arg13[%swap3A_633, %swap3A_634, %swap3A_635, %swap3A_636] : memref<3x4x400x128xf32, #tpu.memory_space<vmem>>, vector<1x1x400x128xf32>
    %swap3A_638 = vector.shape_cast %swap3A_637 : vector<1x1x400x128xf32> to vector<400x128xf32>
    %swap3A_639 = vector.shape_cast %mul3A_632 : vector<400x128xf32> to vector<1x1x400x128xf32>
    tpu.vector_store %arg13[%swap3A_633, %swap3A_634, %swap3A_635, %swap3A_636], %swap3A_639 {strides = array<i32>} : memref<3x4x400x128xf32, #tpu.memory_space<vmem>>, vector<1x1x400x128xf32>,
    return
  }
  func.func @transform_0(%arg0: i32) -> (i32, i32) {
    %c0_i32 = arith.constant 0 : i32
    %c0_i32_0 = arith.constant 0 : i32
    return %arg0, %c0_i32 : i32, i32
  }
  func.func @transform_1(%arg0: i32) -> (i32, i32, i32) {
    %c0_i32 = arith.constant 0 : i32
    %c0_i32_0 = arith.constant 0 : i32
    %c0_i32_1 = arith.constant 0 : i32
    return %arg0, %c0_i32, %c0_i32_0 : i32, i32, i32
  }
  func.func @transform_2(%arg0: i32) -> (i32, i32, i32) {
    %c0_i32 = arith.constant 0 : i32
    %c0_i32_0 = arith.constant 0 : i32
    %c0_i32_1 = arith.constant 0 : i32
    %c0_i32_2 = arith.constant 0 : i32
    return %c0_i32, %c0_i32_0, %c0_i32_1 : i32, i32, i32
  }
  func.func @transform_3(%arg0: i32) -> (i32, i32) {
    %c0_i32 = arith.constant 0 : i32
    %c0_i32_0 = arith.constant 0 : i32
    %c0_i32_1 = arith.constant 0 : i32
    return %c0_i32, %c0_i32_0 : i32, i32
  }
  func.func @transform_4(%arg0: i32) -> (i32, i32, i32) {
    %c0_i32 = arith.constant 0 : i32
    %c0_i32_0 = arith.constant 0 : i32
    %c0_i32_1 = arith.constant 0 : i32
    %c0_i32_2 = arith.constant 0 : i32
    return %c0_i32, %c0_i32_0, %c0_i32_1 : i32, i32, i32
  }
  func.func @transform_5(%arg0: i32) -> (i32, i32) {
    %c0_i32 = arith.constant 0 : i32
    %c0_i32_0 = arith.constant 0 : i32
    %c0_i32_1 = arith.constant 0 : i32
    return %c0_i32, %c0_i32_0 : i32, i32
  }
  func.func @transform_6(%arg0: i32) -> (i32, i32, i32) {
    %c0_i32 = arith.constant 0 : i32
    %c0_i32_0 = arith.constant 0 : i32
    %c0_i32_1 = arith.constant 0 : i32
    %c0_i32_2 = arith.constant 0 : i32
    return %c0_i32, %c0_i32_0, %c0_i32_1 : i32, i32, i32
  }
  func.func @transform_7(%arg0: i32) -> (i32, i32) {
    %c0_i32 = arith.constant 0 : i32
    %c0_i32_0 = arith.constant 0 : i32
    %c0_i32_1 = arith.constant 0 : i32
    return %c0_i32, %c0_i32_0 : i32, i32
  }
  func.func @transform_8(%arg0: i32) -> (i32, i32, i32) {
    %c0_i32 = arith.constant 0 : i32
    %c0_i32_0 = arith.constant 0 : i32
    %c0_i32_1 = arith.constant 0 : i32
    %c0_i32_2 = arith.constant 0 : i32
    return %c0_i32, %c0_i32_0, %c0_i32_1 : i32, i32, i32
  }
  func.func @transform_9(%arg0: i32) -> (i32, i32, i32) {
    %c0_i32 = arith.constant 0 : i32
    %c0_i32_0 = arith.constant 0 : i32
    %c0_i32_1 = arith.constant 0 : i32
    %c0_i32_2 = arith.constant 0 : i32
    return %c0_i32, %c0_i32_0, %c0_i32_1 : i32, i32, i32
  }
  func.func @transform_10(%arg0: i32) -> (i32, i32, i32, i32) {
    %c0_i32 = arith.constant 0 : i32
    %c0_i32_0 = arith.constant 0 : i32
    %c0_i32_1 = arith.constant 0 : i32
    %c0_i32_2 = arith.constant 0 : i32
    %c0_i32_3 = arith.constant 0 : i32
    return %c0_i32, %c0_i32_0, %c0_i32_1, %c0_i32_2 : i32, i32, i32, i32
  }
  func.func @transform_11(%arg0: i32) -> (i32, i32) {
    %c0_i32 = arith.constant 0 : i32
    %c0_i32_0 = arith.constant 0 : i32
    return %arg0, %c0_i32 : i32, i32
  }
  func.func @transform_12(%arg0: i32) -> (i32, i32, i32, i32) {
    %c0_i32 = arith.constant 0 : i32
    %c0_i32_0 = arith.constant 0 : i32
    %c0_i32_1 = arith.constant 0 : i32
    %c0_i32_2 = arith.constant 0 : i32
    return %c0_i32, %c0_i32_0, %arg0, %c0_i32_1 : i32, i32, i32, i32
  }
  func.func @transform_13(%arg0: i32) -> (i32, i32, i32) {
    %c0_i32 = arith.constant 0 : i32
    %c0_i32_0 = arith.constant 0 : i32
    %c0_i32_1 = arith.constant 0 : i32
    return %c0_i32, %arg0, %c0_i32_0 : i32, i32, i32
  }
}

module attributes {stable_mosaic.version = 14 : i64} {
  func.func @_final_body(%arg0: i32, %arg1: memref<2x400x128xf32, #tpu.memory_space<vmem>>, %arg2: memref<400x128xf32, #tpu.memory_space<vmem>>, %arg3: memref<400x128xf32, #tpu.memory_space<vmem>>, %arg4: memref<1x400x1xf32, #tpu.memory_space<vmem>>, %arg5: memref<1x400x1xi32, #tpu.memory_space<vmem>>, %arg6: memref<400x128xf32, #tpu.memory_space<vmem>>, %arg7: memref<128x128xf32, #tpu.memory_space<vmem>>, %arg8: memref<1x128xf32, #tpu.memory_space<vmem>>, %arg9: memref<3x128x128xf32, #tpu.memory_space<vmem>>, %arg10: memref<3x128xf32, #tpu.memory_space<vmem>>, %arg11: memref<3x128xf32, #tpu.memory_space<vmem>>, %arg12: memref<400x128xf32, #tpu.memory_space<vmem>>) attributes {dimension_semantics = [#tpu.dimension_semantics<arbitrary>], iteration_bounds = array<i64: 25>, scalar_prefetch = 0 : i64, scratch_operands = 0 : i64, tpu.core_type = #tpu.core_type<tc>, window_params = [{transform_indices = @transform_0, window_bounds = array<i64: 2, 400, 128>}, {transform_indices = @transform_1, window_bounds = array<i64: 400, 128>}, {transform_indices = @transform_2, window_bounds = array<i64: 400, 128>}, {transform_indices = @transform_3, window_bounds = array<i64: 1, 400, 1>}, {transform_indices = @transform_4, window_bounds = array<i64: 1, 400, 1>}, {transform_indices = @transform_5, window_bounds = array<i64: 400, 128>}, {pipeline_mode = #tpu.pipeline_mode<synchronous>, transform_indices = @transform_6, window_bounds = array<i64: 128, 128>}, {pipeline_mode = #tpu.pipeline_mode<synchronous>, transform_indices = @transform_7, window_bounds = array<i64: 1, 128>}, {pipeline_mode = #tpu.pipeline_mode<synchronous>, transform_indices = @transform_8, window_bounds = array<i64: 3, 128, 128>}, {pipeline_mode = #tpu.pipeline_mode<synchronous>, transform_indices = @transform_9, window_bounds = array<i64: 3, 128>}, {pipeline_mode = #tpu.pipeline_mode<synchronous>, transform_indices = @transform_10, window_bounds = array<i64: 3, 128>}, {transform_indices = @transform_11, window_bounds = array<i64: 400, 128>}]} {
    %get3A = arith.constant 0 : index
    %get3A_0 = arith.constant 0 : index
    %get3A_1 = arith.constant 0 : index
    %get3A_2 = vector.load %arg1[%get3A, %get3A_0, %get3A_1] : memref<2x400x128xf32, #tpu.memory_space<vmem>>, vector<1x400x128xf32>
    %get3A_3 = vector.shape_cast %get3A_2 : vector<1x400x128xf32> to vector<400x128xf32>
    %get3A_4 = arith.constant 1 : index
    %get3A_5 = arith.constant 0 : index
    %get3A_6 = arith.constant 0 : index
    %get3A_7 = vector.load %arg1[%get3A_4, %get3A_5, %get3A_6] : memref<2x400x128xf32, #tpu.memory_space<vmem>>, vector<1x400x128xf32>
    %get3A_8 = vector.shape_cast %get3A_7 : vector<1x400x128xf32> to vector<400x128xf32>
    %add3A = arith.addf %get3A_3, %get3A_8 : vector<400x128xf32>
    %get3A_9 = arith.constant 0 : index
    %get3A_10 = arith.constant 0 : index
    %get3A_11 = vector.load %arg2[%get3A_9, %get3A_10] : memref<400x128xf32, #tpu.memory_space<vmem>>, vector<400x128xf32>
    %div3A = arith.divf %add3A, %get3A_11 : vector<400x128xf32>
    %get3A_12 = arith.constant 0 : index
    %get3A_13 = arith.constant 0 : index
    %get3A_14 = vector.load %arg3[%get3A_12, %get3A_13] : memref<400x128xf32, #tpu.memory_space<vmem>>, vector<400x128xf32>
    %get3A_15 = arith.constant 0 : index
    %get3A_16 = arith.constant 0 : index
    %get3A_17 = vector.load %arg7[%get3A_15, %get3A_16] : memref<128x128xf32, #tpu.memory_space<vmem>>, vector<128x128xf32>
    %dot_general3A = arith.constant dense<0.000000e+00> : vector<400x128xf32>
    %dot_general3A_18 = tpu.matmul %get3A_14, %get3A_17, %dot_general3A {dimension_numbers = #tpu.dot_dimension_numbers<[1], [0], [0], [1], [0, 0, 1, 1], [], []>, transpose_lhs_hint = false} : vector<400x128xf32>, vector<128x128xf32>, vector<400x128xf32> -> vector<400x128xf32>
    %get3A_19 = arith.constant 0 : index
    %get3A_20 = arith.constant 0 : index
    %get3A_21 = vector.load %arg8[%get3A_19, %get3A_20] : memref<1x128xf32, #tpu.memory_space<vmem>>, vector<1x128xf32>
    %add3A_22 = vector.broadcast %get3A_21 : vector<1x128xf32> to vector<400x128xf32>
    %add3A_23 = arith.addf %dot_general3A_18, %add3A_22 : vector<400x128xf32>
    %get3A_24 = arith.constant 0 : index
    %get3A_25 = arith.constant 0 : index
    %get3A_26 = arith.constant 0 : index
    %get3A_27 = vector.load %arg4[%get3A_24, %get3A_25, %get3A_26] : memref<1x400x1xf32, #tpu.memory_space<vmem>>, vector<1x400x1xf32>
    %get3A_28 = vector.shape_cast %get3A_27 : vector<1x400x1xf32> to vector<400x1xf32>
    %get3A_29 = arith.constant 0 : index
    %get3A_30 = arith.constant 0 : index
    %get3A_31 = arith.constant 0 : index
    %get3A_32 = vector.load %arg5[%get3A_29, %get3A_30, %get3A_31] : memref<1x400x1xi32, #tpu.memory_space<vmem>>, vector<1x400x1xi32>
    %get3A_33 = vector.shape_cast %get3A_32 : vector<1x400x1xi32> to vector<400x1xi32>
    %gt3A = arith.constant 0.000000e+00 : f32
    %gt3A_34 = vector.broadcast %gt3A : f32 to vector<400x1xf32>
    %gt3A_35 = arith.cmpf ogt, %get3A_28, %gt3A_34 : vector<400x1xf32>
    %jit3A = arith.constant 0.000000e+00 : f32
    %broadcast_in_dim3A = vector.shape_cast %gt3A_35 : vector<400x1xi1> to vector<400x1xi1>
    %broadcast_in_dim3A_36 = vector.broadcast %broadcast_in_dim3A : vector<400x1xi1> to vector<400x128xi1>
    %broadcast_in_dim3A_37 = vector.broadcast %jit3A : f32 to vector<400x128xf32>
    %select_n3A = arith.select %broadcast_in_dim3A_36, %add3A_23, %broadcast_in_dim3A_37 : vector<400x128xi1>, vector<400x128xf32>
    %add3A_38 = arith.addf %div3A, %select_n3A : vector<400x128xf32>
    %mul3A = arith.constant 5.000000e-01 : f32
    %mul3A_39 = vector.broadcast %mul3A : f32 to vector<400x128xf32>
    %mul3A_40 = arith.mulf %mul3A_39, %add3A_38 : vector<400x128xf32>
    %mul3A_41 = arith.constant 0.707106769 : f32
    %mul3A_42 = vector.broadcast %mul3A_41 : f32 to vector<400x128xf32>
    %mul3A_43 = arith.mulf %add3A_38, %mul3A_42 : vector<400x128xf32>
    %erf3A = math.erf %mul3A_43 : vector<400x128xf32>
    %add3A_44 = arith.constant 1.000000e+00 : f32
    %add3A_45 = vector.broadcast %add3A_44 : f32 to vector<400x128xf32>
    %add3A_46 = arith.addf %add3A_45, %erf3A : vector<400x128xf32>
    %mul3A_47 = arith.mulf %mul3A_40, %add3A_46 : vector<400x128xf32>
    %get3A_48 = arith.constant 0 : index
    %get3A_49 = arith.constant 0 : index
    %get3A_50 = vector.load %arg10[%get3A_48, %get3A_49] : memref<3x128xf32, #tpu.memory_space<vmem>>, vector<3x128xf32>
    %get3A_51 = arith.constant 0 : index
    %get3A_52 = arith.constant 0 : index
    %get3A_53 = arith.constant 0 : index
    %get3A_54 = vector.load %arg9[%get3A_51, %get3A_52, %get3A_53] : memref<3x128x128xf32, #tpu.memory_space<vmem>>, vector<1x128x128xf32>
    %get3A_55 = vector.shape_cast %get3A_54 : vector<1x128x128xf32> to vector<128x128xf32>
    %dot_general3A_56 = arith.constant dense<0.000000e+00> : vector<400x128xf32>
    %dot_general3A_57 = tpu.matmul %mul3A_47, %get3A_55, %dot_general3A_56 {dimension_numbers = #tpu.dot_dimension_numbers<[1], [0], [0], [1], [0, 0, 1, 1], [], []>, transpose_lhs_hint = false} : vector<400x128xf32>, vector<128x128xf32>, vector<400x128xf32> -> vector<400x128xf32>
    %slice3A = vector.extract_strided_slice %get3A_50 {offsets = [0, 0], sizes = [1, 128], strides = [1, 1]} : vector<3x128xf32> to vector<1x128xf32>
    %add3A_58 = vector.broadcast %slice3A : vector<1x128xf32> to vector<400x128xf32>
    %add3A_59 = arith.addf %dot_general3A_57, %add3A_58 : vector<400x128xf32>
    %get3A_60 = arith.constant 1 : index
    %get3A_61 = arith.constant 0 : index
    %get3A_62 = arith.constant 0 : index
    %get3A_63 = vector.load %arg9[%get3A_60, %get3A_61, %get3A_62] : memref<3x128x128xf32, #tpu.memory_space<vmem>>, vector<1x128x128xf32>
    %get3A_64 = vector.shape_cast %get3A_63 : vector<1x128x128xf32> to vector<128x128xf32>
    %dot_general3A_65 = arith.constant dense<0.000000e+00> : vector<400x128xf32>
    %dot_general3A_66 = tpu.matmul %mul3A_47, %get3A_64, %dot_general3A_65 {dimension_numbers = #tpu.dot_dimension_numbers<[1], [0], [0], [1], [0, 0, 1, 1], [], []>, transpose_lhs_hint = false} : vector<400x128xf32>, vector<128x128xf32>, vector<400x128xf32> -> vector<400x128xf32>
    %slice3A_67 = vector.extract_strided_slice %get3A_50 {offsets = [1, 0], sizes = [1, 128], strides = [1, 1]} : vector<3x128xf32> to vector<1x128xf32>
    %add3A_68 = vector.broadcast %slice3A_67 : vector<1x128xf32> to vector<400x128xf32>
    %add3A_69 = arith.addf %dot_general3A_66, %add3A_68 : vector<400x128xf32>
    %get3A_70 = arith.constant 2 : index
    %get3A_71 = arith.constant 0 : index
    %get3A_72 = arith.constant 0 : index
    %get3A_73 = vector.load %arg9[%get3A_70, %get3A_71, %get3A_72] : memref<3x128x128xf32, #tpu.memory_space<vmem>>, vector<1x128x128xf32>
    %get3A_74 = vector.shape_cast %get3A_73 : vector<1x128x128xf32> to vector<128x128xf32>
    %dot_general3A_75 = arith.constant dense<0.000000e+00> : vector<400x128xf32>
    %dot_general3A_76 = tpu.matmul %mul3A_47, %get3A_74, %dot_general3A_75 {dimension_numbers = #tpu.dot_dimension_numbers<[1], [0], [0], [1], [0, 0, 1, 1], [], []>, transpose_lhs_hint = false} : vector<400x128xf32>, vector<128x128xf32>, vector<400x128xf32> -> vector<400x128xf32>
    %slice3A_77 = vector.extract_strided_slice %get3A_50 {offsets = [2, 0], sizes = [1, 128], strides = [1, 1]} : vector<3x128xf32> to vector<1x128xf32>
    %add3A_78 = vector.broadcast %slice3A_77 : vector<1x128xf32> to vector<400x128xf32>
    %add3A_79 = arith.addf %dot_general3A_76, %add3A_78 : vector<400x128xf32>
    %get3A_80 = arith.constant 0 : index
    %get3A_81 = arith.constant 0 : index
    %get3A_82 = vector.load %arg11[%get3A_80, %get3A_81] : memref<3x128xf32, #tpu.memory_space<vmem>>, vector<3x128xf32>
    %slice3A_83 = vector.extract_strided_slice %get3A_82 {offsets = [2, 0], sizes = [1, 128], strides = [1, 1]} : vector<3x128xf32> to vector<1x128xf32>
    %eq3A = arith.constant 1 : i32
    %eq3A_84 = vector.broadcast %eq3A : i32 to vector<400x1xi32>
    %eq3A_85 = arith.cmpi eq, %get3A_33, %eq3A_84 : vector<400x1xi32>
    %broadcast_in_dim3A_86 = vector.shape_cast %eq3A_85 : vector<400x1xi1> to vector<400x1xi1>
    %broadcast_in_dim3A_87 = vector.broadcast %broadcast_in_dim3A_86 : vector<400x1xi1> to vector<400x128xi1>
    %select_n3A_88 = arith.select %broadcast_in_dim3A_87, %add3A_69, %add3A_79 : vector<400x128xi1>, vector<400x128xf32>
    %slice3A_89 = vector.extract_strided_slice %get3A_82 {offsets = [1, 0], sizes = [1, 128], strides = [1, 1]} : vector<3x128xf32> to vector<1x128xf32>
    %broadcast_in_dim3A_90 = vector.shape_cast %eq3A_85 : vector<400x1xi1> to vector<400x1xi1>
    %broadcast_in_dim3A_91 = vector.broadcast %broadcast_in_dim3A_90 : vector<400x1xi1> to vector<400x128xi1>
    %broadcast_in_dim3A_92 = vector.shape_cast %slice3A_89 : vector<1x128xf32> to vector<1x128xf32>
    %broadcast_in_dim3A_93 = vector.broadcast %broadcast_in_dim3A_92 : vector<1x128xf32> to vector<400x128xf32>
    %broadcast_in_dim3A_94 = vector.shape_cast %slice3A_83 : vector<1x128xf32> to vector<1x128xf32>
    %broadcast_in_dim3A_95 = vector.broadcast %broadcast_in_dim3A_94 : vector<1x128xf32> to vector<400x128xf32>
    %select_n3A_96 = arith.select %broadcast_in_dim3A_91, %broadcast_in_dim3A_93, %broadcast_in_dim3A_95 : vector<400x128xi1>, vector<400x128xf32>
    %eq3A_97 = arith.constant 0 : i32
    %eq3A_98 = vector.broadcast %eq3A_97 : i32 to vector<400x1xi32>
    %eq3A_99 = arith.cmpi eq, %get3A_33, %eq3A_98 : vector<400x1xi32>
    %broadcast_in_dim3A_100 = vector.shape_cast %eq3A_99 : vector<400x1xi1> to vector<400x1xi1>
    %broadcast_in_dim3A_101 = vector.broadcast %broadcast_in_dim3A_100 : vector<400x1xi1> to vector<400x128xi1>
    %select_n3A_102 = arith.select %broadcast_in_dim3A_101, %add3A_59, %select_n3A_88 : vector<400x128xi1>, vector<400x128xf32>
    %slice3A_103 = vector.extract_strided_slice %get3A_82 {offsets = [0, 0], sizes = [1, 128], strides = [1, 1]} : vector<3x128xf32> to vector<1x128xf32>
    %broadcast_in_dim3A_104 = vector.shape_cast %eq3A_99 : vector<400x1xi1> to vector<400x1xi1>
    %broadcast_in_dim3A_105 = vector.broadcast %broadcast_in_dim3A_104 : vector<400x1xi1> to vector<400x128xi1>
    %broadcast_in_dim3A_106 = vector.shape_cast %slice3A_103 : vector<1x128xf32> to vector<1x128xf32>
    %broadcast_in_dim3A_107 = vector.broadcast %broadcast_in_dim3A_106 : vector<1x128xf32> to vector<400x128xf32>
    %select_n3A_108 = arith.select %broadcast_in_dim3A_105, %broadcast_in_dim3A_107, %select_n3A_96 : vector<400x128xi1>, vector<400x128xf32>
    %mul3A_109 = arith.mulf %select_n3A_102, %select_n3A_108 : vector<400x128xf32>
    %get3A_110 = arith.constant 0 : index
    %get3A_111 = arith.constant 0 : index
    %get3A_112 = vector.load %arg6[%get3A_110, %get3A_111] : memref<400x128xf32, #tpu.memory_space<vmem>>, vector<400x128xf32>
    %sub3A = arith.constant 1.000000e+00 : f32
    %sub3A_113 = vector.broadcast %sub3A : f32 to vector<400x128xf32>
    %sub3A_114 = arith.subf %sub3A_113, %select_n3A_108 : vector<400x128xf32>
    %mul3A_115 = arith.mulf %get3A_112, %sub3A_114 : vector<400x128xf32>
    %add3A_116 = arith.addf %mul3A_109, %mul3A_115 : vector<400x128xf32>
    %swap3A = arith.constant 0 : index
    %swap3A_117 = arith.constant 0 : index
    %swap3A_118 = vector.load %arg12[%swap3A, %swap3A_117] : memref<400x128xf32, #tpu.memory_space<vmem>>, vector<400x128xf32>
    tpu.vector_store %arg12[%swap3A, %swap3A_117], %add3A_116 {strides = array<i32>} : memref<400x128xf32, #tpu.memory_space<vmem>>, vector<400x128xf32>,
    return
  }
  func.func @transform_0(%arg0: i32) -> (i32, i32, i32) {
    %c0_i32 = arith.constant 0 : i32
    %c0_i32_0 = arith.constant 0 : i32
    %c0_i32_1 = arith.constant 0 : i32
    return %c0_i32, %arg0, %c0_i32_0 : i32, i32, i32
  }
  func.func @transform_1(%arg0: i32) -> (i32, i32) {
    %c0_i32 = arith.constant 0 : i32
    %c0_i32_0 = arith.constant 0 : i32
    return %arg0, %c0_i32 : i32, i32
  }
  func.func @transform_2(%arg0: i32) -> (i32, i32) {
    %c0_i32 = arith.constant 0 : i32
    %c0_i32_0 = arith.constant 0 : i32
    return %arg0, %c0_i32 : i32, i32
  }
  func.func @transform_3(%arg0: i32) -> (i32, i32, i32) {
    %c0_i32 = arith.constant 0 : i32
    %c0_i32_0 = arith.constant 0 : i32
    %c0_i32_1 = arith.constant 0 : i32
    return %arg0, %c0_i32, %c0_i32_0 : i32, i32, i32
  }
  func.func @transform_4(%arg0: i32) -> (i32, i32, i32) {
    %c0_i32 = arith.constant 0 : i32
    %c0_i32_0 = arith.constant 0 : i32
    %c0_i32_1 = arith.constant 0 : i32
    return %arg0, %c0_i32, %c0_i32_0 : i32, i32, i32
  }
  func.func @transform_5(%arg0: i32) -> (i32, i32) {
    %c0_i32 = arith.constant 0 : i32
    %c0_i32_0 = arith.constant 0 : i32
    return %arg0, %c0_i32 : i32, i32
  }
  func.func @transform_6(%arg0: i32) -> (i32, i32) {
    %c0_i32 = arith.constant 0 : i32
    %c0_i32_0 = arith.constant 0 : i32
    %c0_i32_1 = arith.constant 0 : i32
    return %c0_i32, %c0_i32_0 : i32, i32
  }
  func.func @transform_7(%arg0: i32) -> (i32, i32) {
    %c0_i32 = arith.constant 0 : i32
    %c0_i32_0 = arith.constant 0 : i32
    %c0_i32_1 = arith.constant 0 : i32
    return %c0_i32, %c0_i32_0 : i32, i32
  }
  func.func @transform_8(%arg0: i32) -> (i32, i32, i32) {
    %c0_i32 = arith.constant 0 : i32
    %c0_i32_0 = arith.constant 0 : i32
    %c0_i32_1 = arith.constant 0 : i32
    %c0_i32_2 = arith.constant 0 : i32
    return %c0_i32, %c0_i32_0, %c0_i32_1 : i32, i32, i32
  }
  func.func @transform_9(%arg0: i32) -> (i32, i32) {
    %c0_i32 = arith.constant 0 : i32
    %c0_i32_0 = arith.constant 0 : i32
    %c0_i32_1 = arith.constant 0 : i32
    return %c0_i32, %c0_i32_0 : i32, i32
  }
  func.func @transform_10(%arg0: i32) -> (i32, i32) {
    %c0_i32 = arith.constant 0 : i32
    %c0_i32_0 = arith.constant 0 : i32
    %c0_i32_1 = arith.constant 0 : i32
    return %c0_i32, %c0_i32_0 : i32, i32
  }
  func.func @transform_11(%arg0: i32) -> (i32, i32) {
    %c0_i32 = arith.constant 0 : i32
    %c0_i32_0 = arith.constant 0 : i32
    return %arg0, %c0_i32 : i32, i32
  }
}

</mosaic_0001>

<sc_bundles>
// kernel: gather_offload_async_start.1
scs
__scs_entry_jumppad:
0x0: {  	(pc) =	sbr.rel $0x88, $3  }
0x1: {  	(tag) =	ssettag $0x0;
	lr =	simm.s32 $0x1  }
0x2: {  	[smem:$0x3F90] =	sst lr;
	_ =	strace $0xD0000000  }
0x3: {  	_ = 	snop  }
0x4: {  	_ = 	snop  }
0x5: {  	_ = 	snop  }
0x6: {  	_ = 	snop  }
0x7: {  	_ = 	snop  }
__scs_overlays_trampoline_lowered:
0x8: {  	[smem:$0x3F9F] =	sst s0  }
0x9: {  	[smem:$0x3FA0] =	sst s1  }
0xa: {  	[smem:$0x3FA1] =	sst s2  }
0xb: {  	[smem:$0x3FA2] =	sst s3  }
0xc: {  	[smem:$0x3FA3] =	sst s4  }
0xd: {  	[smem:$0x3FA4] =	sst s5  }
0xe: {  	[smem:$0x3FA5] =	sst s6  }
0xf: {  	[smem:$0x3FA6] =	sst s7  }
0x10: {  	[smem:$0x3FA7] =	sst s8  }
0x11: {  	[smem:$0x3FA8] =	sst s9;
	s0 =	simm.s32 @!p0 $0x0  }
0x12: {  	s1 =	sld [smem:$0x3F8E];
	s0 =	simm.s32 @p0 $0x1  }
0x13: {  	[smem:$0x3FA9] =	sst s0;
	s0 =	simm.s32 @!p1 $0x0  }
0x14: {  	s2 =	sld [smem:$0x3F8D];
	s0 =	simm.s32 @p1 $0x1  }
0x15: {  	[smem:$0x3FAA] =	sst s0;
	s0 =	simm.s32 @!p2 $0x0  }
0x16: {  	s3 =	sld [smem:$0x3FDB];
	s0 =	simm.s32 @p2 $0x1  }
0x17: {  	s4 =	simm.s32 $0x1BF5;
	[smem:$0x3FAC] =	sst s0  }
0x18: {  	s0 =	sld [smem:$0x3F8F];
	_ =	swait.ge [sflag:s4], $0x0  }
0x19: {  	s7 =	sld [smem:$0x3F90]  }
0x1a: {  	s8 =	sadd.s32 $0xFFFFE003, lr  }
0x1b: {  	s9 =	sadd.s32 $0xFFFFFEF7, lr;
	s5 =	simm.s32 $0xFFFFFFFF;
	p2 =	slt.u32 s8, $0xFFFFF086  }
0x1c: {  	p1 =	slt.u32 s9, $0xF7A;
	s5 =	simm.s32 @!p2 $0x0  }
0x1d: {  	s5 =	simm.s32 @p1 $0x1;
	p0 =	seq.s32 s7, s2  }
0x1e: {  	s7 =	smul.u32 @!p0 $0xF7A, s2;
	p2 =	seq.s32 @!p0 s5, $0x0  }
0x1f: {  	s9 =	smul.u32 $0xF7A, s1;
	s8 =	simm.s32 @!p0 $0x1BF5;
	p2 =	por !p2, p0  }
0x20: {  	[sflag:s8] =	ssyncset.s32 @!p0 $0xFFFFF086;
	s6 =	sadd.s32 @!p0 s3, s7;
	s7 =	simm.s32 @!p0 $0x108  }
0x21: {  	s3 =	sadd.s32 s3, s9;
	s6 =	sadd.s32 @!p0 $0x88, s6;
	s7 =	simm.s32 @p2 $0x1082  }
0x22: {  	[simem:s7], [sflag:s8] =	dma.local @!p0 [hbm:s6], $0xF7A  }
0x23: {  	s9 =	sor.u32 $0xD0000000, s2;
	s6 =	simm.s32 $0x108;
	_ =	swait.ge @!p0 [sflag:s8], $0x0  }
0x24: {  	s3 =	sadd.s32 $0x88, s3;
	s6 =	simm.s32 @!p1 $0x1082;
	[sflag:s4] =	ssyncset.s32 $0xFFFFF086  }
0x25: {  	[simem:s6], [sflag:s4] =	dma.local [hbm:s3], $0xF7A  }
0x26: {  	[smem:$0x3F90] =	sst s1;
	(tag) =	ssettag s2;
	_ =	strace s9  }
0x27: {  	s1 =	sld [smem:$0x3FA0]  }
0x28: {  	s2 =	sld [smem:$0x3FA1]  }
0x29: {  	s4 =	sld [smem:$0x3FA3]  }
0x2a: {  	p0 =	seq.s32 s5, $0x0;
	s5 =	sld [smem:$0x3FA4]  }
0x2b: {  	s6 =	sld [smem:$0x3FA5]  }
0x2c: {  	s7 =	sld [smem:$0x3FA6]  }
0x2d: {  	s3 =	simm.s32 $0x108;
	s8 =	sld [smem:$0x3FA7]  }
0x2e: {  	s3 =	simm.s32 @!p0 $0x1082;
	s9 =	sld [smem:$0x3FA8]  }
0x2f: {  	lr =	sadd.s32 s0, s3;
	s0 =	sld [smem:$0x3F9F]  }
0x30: {  	s3 =	sld [smem:$0x3FA2]  }
0x31: {  	[smem:$0x3FAB] =	sst s10  }
0x32: {  	s10 =	sld [smem:$0x3FA9];
	_ =	sdelay $0x3  }
0x33: {  	p0 =	seq.s32 s10, $0x1;
	s10 =	sld [smem:$0x3FAB];
	_ =	sdelay $0x3  }
0x34: {  	[smem:$0x3FAB] =	sst s10  }
0x35: {  	s10 =	sld [smem:$0x3FAA];
	_ =	sdelay $0x3  }
0x36: {  	p1 =	seq.s32 s10, $0x1;
	s10 =	sld [smem:$0x3FAB];
	_ =	sdelay $0x3  }
0x37: {  	[smem:$0x3FAB] =	sst s10  }
0x38: {  	s10 =	sld [smem:$0x3FAC]  }
0x39: {  	_ = 	snop;
	(pc) =	sbr.ind lr, $3  }
0x3a: {  	_ = 	snop  }
0x3b: {  	_ = 	snop  }
0x3c: {  	p2 =	seq.s32 s10, $0x1;
	s10 =	sld [smem:$0x3FAB]  }
0x3d: {  	_ =	shalt  }
0x3e: {  	_ =	shalt  }
0x3f: {  	_ =	shalt  }
0x40: {  	_ =	shalt  }
0x41: {  	_ =	shalt  }
0x42: {  	_ =	shalt  }
0x43: {  	_ =	shalt  }
0x44: {  	_ =	shalt  }
0x45: {  	_ =	shalt  }
0x46: {  	_ =	shalt  }
0x47: {  	_ =	shalt  }
0x48: {  	_ =	shalt  }
0x49: {  	_ =	shalt  }
0x4a: {  	_ =	shalt  }
0x4b: {  	_ =	shalt  }
0x4c: {  	_ =	shalt  }
0x4d: {  	_ =	shalt  }
0x4e: {  	_ =	shalt  }
0x4f: {  	_ =	shalt  }
0x50: {  	_ =	shalt  }
0x51: {  	_ =	shalt  }
0x52: {  	_ =	shalt  }
0x53: {  	_ =	shalt  }
0x54: {  	_ =	shalt  }
0x55: {  	_ =	shalt  }
0x56: {  	_ =	shalt  }
0x57: {  	_ =	shalt  }
0x58: {  	_ =	shalt  }
0x59: {  	_ =	shalt  }
0x5a: {  	_ =	shalt  }
0x5b: {  	_ =	shalt  }
0x5c: {  	_ =	shalt  }
0x5d: {  	_ =	shalt  }
0x5e: {  	_ =	shalt  }
0x5f: {  	_ =	shalt  }
0x60: {  	_ =	shalt  }
0x61: {  	_ =	shalt  }
0x62: {  	_ =	shalt  }
0x63: {  	_ =	shalt  }
0x64: {  	_ =	shalt  }
0x65: {  	_ =	shalt  }
0x66: {  	_ =	shalt  }
0x67: {  	_ =	shalt  }
0x68: {  	_ =	shalt  }
0x69: {  	_ =	shalt  }
0x6a: {  	_ =	shalt  }
0x6b: {  	_ =	shalt  }
0x6c: {  	_ =	shalt  }
0x6d: {  	_ =	shalt  }
0x6e: {  	_ =	shalt  }
0x6f: {  	_ =	shalt  }
0x70: {  	_ =	shalt  }
0x71: {  	_ =	shalt  }
0x72: {  	_ =	shalt  }
0x73: {  	_ =	shalt  }
0x74: {  	_ =	shalt  }
0x75: {  	_ =	shalt  }
0x76: {  	_ =	shalt  }
0x77: {  	_ =	shalt  }
0x78: {  	_ =	shalt  }
0x79: {  	_ =	shalt  }
0x7a: {  	_ =	shalt  }
0x7b: {  	_ =	shalt  }
0x7c: {  	_ =	shalt  }
0x7d: {  	_ =	shalt  }
0x7e: {  	_ =	shalt  }
0x7f: {  	_ =	shalt  }
0x80: {  	_ =	shalt  }
0x81: {  	_ =	shalt  }
0x82: {  	_ =	shalt  }
0x83: {  	_ =	shalt  }
0x84: {  	_ =	shalt  }
0x85: {  	_ =	shalt  }
0x86: {  	_ =	shalt  }
0x87: {  	_ =	shalt  }
.Lfunc_end0:
.L_simem_size_0:
called_computation.1_lowered:
.L_overlay_start_0:
0x88: {  	s0 =	sld [smem:$0x3FD9]  }
0x89: {  	s1 =	sld [smem:$0x3FFE];
	_ =	sdelay $0x3  }
0x8a: {  	s0 =	sadd.s32 s1, s0  }
0x8b: {  	[smem:$0x3FB7] =	sst s0  }
0x8c: {  	_ = 	snop  }
0x8d: {  	s0 =	sld [smem:$0x3FC9];
	(tm) =	ssettm $0x1  }
0x8e: {  	s16 =	sld [smem:$0x3FFB];
	_ =	sdelay $0x3  }
0x8f: {  	_ =	strace s16  }
0x90: {  	s1 =	sld [smem:$0x3FFC];
	_ =	sdelay $0x3  }
0x91: {  	_ =	strace s1  }
0x92: {  	s1 =	sld [smem:$0x3FFD];
	_ =	sdelay $0x3  }
0x93: {  	_ =	strace s1  }
0x94: {  	_ =	strace $0x8FFFFFFF  }
0x95: {  	s17 =	sld [smem:$0x3FDB];
	_ =	sdelay $0x1  }
0x96: {  	s2 =	simm.s32 $_scs_section_size  }
0x97: {  	s3 =	simm.s32 $_size__tile_overlayer_lowered;
	s4 =	simm.s32 $_tile_overlayer_lowered  }
0x98: {  	s20 =	simm.s32 $0x1BFF;
	s19 =	sshll.u32 s4, $0x1;
	s1 =	sadd.s32 s2, s17  }
0x99: {  	s5 =	simm.s32 $0x0;
	s18 =	sshll.u32 s3, $0x1;
	s3 =	sadd.s32 s19, s1  }
0x9a: {  	[timem:s5], [sflag:s20] =	dma.local [hbm:s3], s18  }
0x9b: {  	_ =	swait.ge [sflag:s20], s18  }
0x9c: {  	s2 =	ssub.s32 $0x0, s18;
	[sflag:s20] =	ssyncset.done $0x0  }
0x9d: {  	[sflag:s20] =	ssyncadd.s32 s2;
	_ =	sdelay $0x1  }
0x9e: {  	s21 =	simm.s32 $0x1B8B  }
0x9f: {  	_ =	swait.ge [sflag:s21], $0x1  }
0xa0: {  	[sflag:s21] =	ssyncset.done $0x0  }
0xa1: {  	s23 =	simm.s32 $0x1B8E;
	s22 =	sld [smem:$0x3FFE];
	[sflag:s21] =	ssyncadd.s32 $0xFFFFFFFF  }
0xa2: {  	s24 =	simm.s32 $execute0_lowered;
	[smem:$0x3FD2] =	sst s23  }
0xa3: {  	s3 =	sshll.u32 s24, $0x1;
	_ =	strace $0x8000004C;
	[dreg:$0x1] =	wrdreg $0xFFFFFFFF  }
0xa4: {  	s25 =	simm.s32 $_size_execute0_lowered;
	s1 =	sadd.s32 s1, s3;
	[dreg:$0x0] =	wrdreg $0x0  }
0xa5: {  	s3 =	sshll.u32 s25, $0x1;
	[dreg:$0x2] =	wrdreg s1  }
0xa6: {  	[dreg:$0x3] =	wrdreg s3  }
0xa7: {  	[dreg:$0x4] =	wrdreg $0xC0  }
0xa8: {  	_ =	task [dreg:s5], $0x5FFFF  }
0xa9: {  	[dreg:$0x1] =	wrdreg $0xFFFFFFFF  }
0xaa: {  	[dreg:$0x0] =	wrdreg $0x60  }
0xab: {  	[dreg:$0x2] =	wrdreg s0  }
0xac: {  	[dreg:$0x3] =	wrdreg s22  }
0xad: {  	[dreg:$0x4] =	wrdreg $0x9  }
0xae: {  	_ =	task.clear_ibuf [dreg:s5], $0x5FFFF;
	_ =	strace $0x9000004C  }
0xaf: {  	s26 =	simm.s32 $0x9;
	_ =	strace $0x8000004E  }
0xb0: {  	_ =	swait.ge [sflag:s26], $0x1  }
0xb1: {  	[sflag:s26] =	ssyncadd.s32 $0xFFFFFFFF  }
0xb2: {  	_ =	strace $0x9000004E  }
0xb3: {  	_ =	sfence  }
0xb4: {  	s28 =	sld [smem:$0x0];
	_ =	sdelay $0x1  }
0xb5: {  	s29 =	srdreg.scid  }
0xb6: {  	s30 =	sshll.u32 s29, $0xD;
	s31 =	sshrl.u32 s29, $0x2  }
0xb7: {  	s2 =	sand.u32 $0x4000, s30;
	s1 =	sand.u32 $0x1, s29;
	s0 =	sadd.s32 s31, s28  }
0xb8: {  	s1 =	sor.u32 s2, s1;
	s0 =	sshll.u32 s0, $0x11  }
0xb9: {  	s0 =	sor.u32 s0, s1  }
0xba: {  	s0 =	sadd.s32 $0x8F2B, s0  }
0xbb: {  	[sflag:s0] =	ssyncadd.remote.s32 $0x1  }
0xbc: {  	_ =	sfence.sel $0xFFFF  }
0xbd: {  	[dreg:$0x0] =	wrdreg $0xFFFFFFFF;
	(pc) =	sbr.abs _section_cstart, $3  }
0xbe: {  	[dreg:$0x1] =	wrdreg $0xFFFFFFFF  }
0xbf: {  	_ =	task.clear_ibuf [dreg:s5], $0x2FFFF;
	_ =	strace $0x9FFFFFFF  }
0xc0: {  	(tm) =	ssettm $0x7FFFFFFF  }
0xc1: {  	_ =	shalt  }
tec
execute0_lowered:
.L_overlay_start_1:
0x0: {  	(tag) =	ssettag $0x1  }
0x1: {  	s0 =	stileid.u32  }
0x2: {  	s1 =	smin.u32 s0, $0x9  }
0x3: {  	s1 =	sadd.s32 s0, s1  }
0x4: {  	s2 =	simm.s32 $0x320;
	p0 =	slt.u32 s0, $0x9;
	s1 =	smul.u32 $0x190, s1  }
0x5: {  	s2 =	simm.s32 @!p0 $0x190  }
0x6: {  	s2 =	sadd.s32 s2, s1  }
0x7: {  	s3 =	smin.u32 s2, $0x2710  }
0x8: {  	s7 =	ssub.s32 s3, s1  }
0x9: {  	p0 =	sgt.s32 s7, $0x0  }
0xa: {  	s7 =	simm.s32 @!p0 $0x0  }
0xb: {  	s31 =	sand.u32 $0xFFF0, s7  }
0xc: {  	s2 =	sshrl.u32 s31, $0x4  }
0xd: {  	s4 =	rddreg [dreg:$0x0];
	s2 =	smul.u32 $0xA3E, s2  }
0xe: {  	s9 =	rddreg [dreg:$0x1];
	s6 =	simm.s32 $0x1  }
0xf: {  	s11 =	simm.s32 $0x3;
	s13 =	simm.s32 $0x0;
	s8 =	sshrl.u32 s2, $0x10  }
0x10: {  	s12 =	simm.s32 $0x0;
	s5 =	sadd.s32 $0x2BAA00, s9;
	s10 =	smul.u32 $0x190, s8  }
.Ltmp0:
0x11: {  	s9 =	sadd.s32 $0x3600, s9;
	s2 =	rddreg [dreg:$0x2];
	(pc) =	sbr.rel .LBB2_1-.Ltmp0, $4  }
0x12: {  	_ =	strace $0x8000004D;
	p0 =	sne.s32 s7, s10;
	s10 =	simm.s32 $0x1  }
0x13: {  	[sflag:s6] =	ssyncpa.u1 $0x0;
	s7 =	simm.s32 $0x2;
	s10 =	simm.s32 @!p0 $0x0  }
0x14: {  	[sflag:s7] =	ssyncpa.u1 $0x0;
	p0 =	por $0x0, $0x0;
	s8 =	sadd.s32 s8, s10  }
0x15: {  	vm0 =	vmmov $0xff;
	vm1 =	vcmask $0x3F20;
	[sflag:s11] =	ssyncpa.u1 $0x0;
	s11 =	smov.u32 s1;
	s10 =	sadd.s32 $0x1, s8  }
.LBB2_6:
0x16: {  	[hbm:s17] =	stream.linear.scatter [tilespmem:s14], [sflag:$0x3], $0x400, $0x38;
	[tilespmem:$0x19320] =	vst v63  }
.LBB2_7:
0x17: {  	s13 =	sadd.s32 $0x190, s11  }
0x18: {  	s15 =	smov.u32 s1;
	p2 =	slt.s32 s13, s3  }
0x19: {  	s15 =	smov.u32 @p2 s13;
	p2 =	sne.s32 s12, s10  }
.Ltmp1:
0x1a: {  	p1 =	slt.u32 s12, $0x2;
	(pc) =	sbr.rel @!p2 .LBB2_8-.Ltmp1, $4  }
0x1b: {  	s14 =	simm.s32 @!p1 $0x3  }
0x1c: {  	s16 =	sadd.s32 $0x1, s12;
	_ =	swait.ge @!p1 [sflag:s14], $0xC800  }
0x1d: {  	p0 =	por !p0, !p0;
	s13 =	smov.u32 s11;
	[sflag:s14] =	ssyncset.done @!p1 $0x0  }
0x1e: {  	s12 =	smov.u32 s16;
	s11 =	smov.u32 s15;
	[sflag:s14] =	ssyncadd.s32 @!p1 $0xFFFF3800  }
.LBB2_1:
0x1f: {  	p1 =	sge.u32 s12, s8  }
0x20: {  	s14 =	sxor.u32 @!p1 $0xFFFFFFFF, s12  }
0x21: {  	s14 =	sand.u32 @!p1 $0x1, s14  }
0x22: {  	s14 =	smul.u32 @!p1 $0x640, s14  }
0x23: {  	s31 =	sadd.s32 $0xFFFFFFFF, s12;
	s15 =	sshrl.u32 @!p1 s11, $0x3  }
0x24: {  	s16 =	sand.u32 @!p1 $0x7, s11;
	s15 =	sadd.s32 @!p1 s5, s15;
	s14 =	sshrl.u32 @!p1 s14, $0x2  }
0x25: {  	[tilespmem:s14], [sflag:$0x2] =	stream.linear.gather @!p1 [hbm4b:s15+s16], $0x190, $0x38;
	[tilespmem:$0x19320] =	vst v63  }
0x26: {  	p1 =	sge.u32 s31, s8  }
.Ltmp2:
0x27: {  	_ = 	snop;
	(pc) =	sbr.rel @p1 .LBB2_7-.Ltmp2, $1  }
0x28: {  	_ =	sdelay $0x3  }
0x29: {  	s14 =	simm.s32 $0x1  }
0x2a: {  	s14 =	simm.s32 @!p0 $0x0  }
0x2b: {  	s15 =	smul.u32 $0x640, s14  }
0x2c: {  	_ =	swait.ge [sflag:s7], $0x190  }
0x2d: {  	[sflag:s7] =	ssyncset.done $0x0;
	s16 =	sshrl.u32 s15, $0x2  }
0x2e: {  	[sflag:s7] =	ssyncadd.s32 $0xFFFFFE70;
	s15 =	sadd.s32 $0x0, s16  }
0x2f: {  	v0 =	vld.msk [tilespmem:s15+$0x0 ss:$0x1], $0xffff;
	_ =	sdelay $0x4  }
0x30: {  	vm2 =	vgt.s32 v0, $0x0  }
0x31: {  	v0 =	vnsel vm2, $0x0, v0  }
0x32: {  	v0 =	vmin.u32 v0, $0x270F  }
0x33: {  	v0 =	vshll.u32 v0, $0x4  }
0x34: {  	s14 =	smul.u32 $0x32000, s14;
	_ =	sdelay $0x1  }
0x35: {  	s14 =	sshrl.u32 s14, $0x2  }
0x36: {  	s14 =	sor.u32 $0x320, s14  }
0x37: {  	[tilespmem:s14], [sflag:$0x1] =	stream.indirect_vreg.gather [hbm:s4], $0x80, v0, vm0, $0x38;
	[tilespmem:$0x19320] =	vst v63  }
0x38: {  	s17 =	sadd.s32 $0x10, s16;
	s15 =	sadd.s32 $0x400, s14  }
0x39: {  	[tilespmem:s15], [sflag:$0x1] =	stream.indirect_vreg.gather [hbm:s4], $0x80, v0, vm1, $0x38;
	[tilespmem:$0x19320] =	vst v63  }
0x3a: {  	s18 =	simm.s32 $0x80;
	v0 =	vld.msk [tilespmem:s17+$0x0 ss:$0x1], $0xffff;
	s17 =	smov.u32 s14  }
.LBB2_3:
0x3b: {  	p1 =	sne.s32 s18, $0x600;
	_ =	sdelay $0x4  }
0x3c: {  	vm2 =	vgt.s32 v0, $0x0  }
0x3d: {  	v0 =	vnsel vm2, $0x0, v0  }
0x3e: {  	v0 =	vmin.u32 v0, $0x270F  }
0x3f: {  	v0 =	vshll.u32 v0, $0x4;
	_ =	sdelay $0x3  }
.Ltmp3:
0x40: {  	s19 =	sshra.s32 s18, $0x2;
	s17 =	sadd.s32 $0x800, s17;
	(pc) =	sbr.rel @p1 .LBB2_3-.Ltmp3, $4  }
0x41: {  	[tilespmem:s17], [sflag:$0x1] =	stream.indirect_vreg.gather [hbm:s4], $0x80, v0, vm0, $0x38;
	[tilespmem:$0x19320] =	vst v63  }
0x42: {  	s19 =	sadd.s32 s19, s16;
	s20 =	sadd.s32 $0x400, s17  }
0x43: {  	[tilespmem:s20], [sflag:$0x1] =	stream.indirect_vreg.gather [hbm:s4], $0x80, v0, vm1, $0x38;
	[tilespmem:$0x19320] =	vst v63  }
0x44: {  	s18 =	sadd.s32 $0x40, s18;
	v0 =	vld.msk [tilespmem:s19+$0x0 ss:$0x1], $0xffff  }
0x45: {  	_ =	sdelay $0x3  }
0x46: {  	vm2 =	vgt.s32 v0, $0x0  }
0x47: {  	v0 =	vnsel vm2, $0x0, v0  }
0x48: {  	v0 =	vmin.u32 v0, $0x270F  }
0x49: {  	v0 =	vshll.u32 v0, $0x4;
	_ =	sdelay $0x3  }
0x4a: {  	s16 =	sadd.s32 $0x800, s17  }
0x4b: {  	[tilespmem:s16], [sflag:$0x1] =	stream.indirect_vreg.gather [hbm:s4], $0x80, v0, vm0, $0x38;
	[tilespmem:$0x19320] =	vst v63  }
0x4c: {  	s16 =	sadd.s32 $0x400, s16  }
0x4d: {  	[tilespmem:s16], [sflag:$0x1] =	stream.indirect_vreg.gather [hbm:s4], $0x80, v0, vm1, $0x38;
	[tilespmem:$0x19320] =	vst v63  }
0x4e: {  	s13 =	sshll.u32 s13, $0x4;
	_ =	swait.ge [sflag:s6], $0xC800  }
0x4f: {  	s13 =	sadd.s32 s13, s9;
	[sflag:s6] =	ssyncset.done $0x0  }
0x50: {  	s17 =	sadd.s32 $0x0, s13;
	s16 =	simm.s32 $0x80;
	[sflag:s6] =	ssyncadd.s32 $0xFFFF3800  }
.LBB2_5:
0x51: {  	[hbm:s17] =	stream.linear.scatter [tilespmem:s14], [sflag:$0x3], $0x400, $0x38;
	[tilespmem:$0x19320] =	vst v63  }
0x52: {  	s17 =	smov.u32 s16;
	s14 =	smov.u32 s15;
	p1 =	sne.s32 s16, $0x1880  }
.Ltmp4:
0x53: {  	s16 =	sadd.s32 $0x80, s16;
	(pc) =	sbr.rel @p1 .LBB2_5-.Ltmp4, $2  }
0x54: {  	_ =	sdelay $0x2  }
0x55: {  	s15 =	sadd.s32 $0x400, s15;
	s17 =	sadd.s32 s17, s13  }
.Ltmp5:
0x56: {  	_ = 	snop;
	(pc) =	sbr.rel .LBB2_6-.Ltmp5, $1  }
0x57: {  	_ =	sdelay $0x3  }
.LBB2_8:
0x58: {  	_ =	sfence.sel $0x180000  }
0x59: {  	s1 =	simm.s32 $0x2;
	[bflag:$0x0] =	sbarrier.arrive $0xFFFF  }
0x5a: {  	s30 =	simm.s32 $0x3;
	[sflag:s1] =	ssyncpa.u1 $0x1  }
0x5b: {  	s31 =	simm.s32 $0x1;
	[sflag:s30] =	ssyncpa.u1 $0x1  }
0x5c: {  	[sflag:s31] =	ssyncpa.u1 $0x1  }
0x5d: {  	p0 =	sne.s32 s0, $0x0;
	_ =	strace $0x9000004D  }
0x5e: {  	s0 =	sadd.s32 @!p0 $0x100000, s2;
	[bflag:$0x2] =	sbarrier.arrive $0xFFFF  }
0x5f: {  	[sflag:s0] =	ssyncadd.tile.s32 @!p0 $0x1;
	_ =	shalt  }
.Lfunc_end2:
_tile_overlayer_lowered:
.L_overlay_start_2:
0x60: {  	(tag) =	ssettag $0x2  }
0x61: {  	s0 =	rddreg [dreg:$0x0];
	s2 =	stileid.u32  }
0x62: {  	s1 =	rddreg [dreg:$0x1];
	p0 =	sne.s32 s2, $0x0  }
0x63: {  	s3 =	rddreg [dreg:$0x2];
	[bflag:$0x3] =	sbarrier.arrive $0xFFFF;
	s2 =	simm.s32 @!p0 $0x1C01  }
0x64: {  	[timem:s3], [sflag:s2] =	dma.local @!p0 [hbm:s0], s1  }
0x65: {  	s0 =	simm.s32 @!p0 $0x1  }
0x66: {  	_ =	swait.ge @!p0 [sflag:s0], s1  }
0x67: {  	s1 =	ssub.s32 @!p0 $0x0, s1;
	[sflag:s0] =	ssyncset.done @!p0 $0x0  }
0x68: {  	[sflag:s0] =	ssyncadd.s32 @!p0 s1  }
0x69: {  	[bflag:$0x3] =	sbarrier.arrive $0xFFFF  }
0x6a: {  	_ =	shalt  }

// kernel: gather_offload_async_start
scs
__scs_entry_jumppad:
0x0: {  	(pc) =	sbr.rel $0x88, $3  }
0x1: {  	(tag) =	ssettag $0x0;
	lr =	simm.s32 $0x1  }
0x2: {  	[smem:$0x3F90] =	sst lr;
	_ =	strace $0xD0000000  }
0x3: {  	_ = 	snop  }
0x4: {  	_ = 	snop  }
0x5: {  	_ = 	snop  }
0x6: {  	_ = 	snop  }
0x7: {  	_ = 	snop  }
__scs_overlays_trampoline_lowered:
0x8: {  	[smem:$0x3F9F] =	sst s0  }
0x9: {  	[smem:$0x3FA0] =	sst s1  }
0xa: {  	[smem:$0x3FA1] =	sst s2  }
0xb: {  	[smem:$0x3FA2] =	sst s3  }
0xc: {  	[smem:$0x3FA3] =	sst s4  }
0xd: {  	[smem:$0x3FA4] =	sst s5  }
0xe: {  	[smem:$0x3FA5] =	sst s6  }
0xf: {  	[smem:$0x3FA6] =	sst s7  }
0x10: {  	[smem:$0x3FA7] =	sst s8  }
0x11: {  	[smem:$0x3FA8] =	sst s9;
	s0 =	simm.s32 @!p0 $0x0  }
0x12: {  	s1 =	sld [smem:$0x3F8E];
	s0 =	simm.s32 @p0 $0x1  }
0x13: {  	[smem:$0x3FA9] =	sst s0;
	s0 =	simm.s32 @!p1 $0x0  }
0x14: {  	s2 =	sld [smem:$0x3F8D];
	s0 =	simm.s32 @p1 $0x1  }
0x15: {  	[smem:$0x3FAA] =	sst s0;
	s0 =	simm.s32 @!p2 $0x0  }
0x16: {  	s3 =	sld [smem:$0x3FDB];
	s0 =	simm.s32 @p2 $0x1  }
0x17: {  	s4 =	simm.s32 $0x1BF5;
	[smem:$0x3FAC] =	sst s0  }
0x18: {  	s0 =	sld [smem:$0x3F8F];
	_ =	swait.ge [sflag:s4], $0x0  }
0x19: {  	s7 =	sld [smem:$0x3F90]  }
0x1a: {  	s8 =	sadd.s32 $0xFFFFE003, lr  }
0x1b: {  	s9 =	sadd.s32 $0xFFFFFEF7, lr;
	s5 =	simm.s32 $0xFFFFFFFF;
	p2 =	slt.u32 s8, $0xFFFFF086  }
0x1c: {  	p1 =	slt.u32 s9, $0xF7A;
	s5 =	simm.s32 @!p2 $0x0  }
0x1d: {  	s5 =	simm.s32 @p1 $0x1;
	p0 =	seq.s32 s7, s2  }
0x1e: {  	s7 =	smul.u32 @!p0 $0xF7A, s2;
	p2 =	seq.s32 @!p0 s5, $0x0  }
0x1f: {  	s9 =	smul.u32 $0xF7A, s1;
	s8 =	simm.s32 @!p0 $0x1BF5;
	p2 =	por !p2, p0  }
0x20: {  	[sflag:s8] =	ssyncset.s32 @!p0 $0xFFFFF086;
	s6 =	sadd.s32 @!p0 s3, s7;
	s7 =	simm.s32 @!p0 $0x108  }
0x21: {  	s3 =	sadd.s32 s3, s9;
	s6 =	sadd.s32 @!p0 $0x88, s6;
	s7 =	simm.s32 @p2 $0x1082  }
0x22: {  	[simem:s7], [sflag:s8] =	dma.local @!p0 [hbm:s6], $0xF7A  }
0x23: {  	s9 =	sor.u32 $0xD0000000, s2;
	s6 =	simm.s32 $0x108;
	_ =	swait.ge @!p0 [sflag:s8], $0x0  }
0x24: {  	s3 =	sadd.s32 $0x88, s3;
	s6 =	simm.s32 @!p1 $0x1082;
	[sflag:s4] =	ssyncset.s32 $0xFFFFF086  }
0x25: {  	[simem:s6], [sflag:s4] =	dma.local [hbm:s3], $0xF7A  }
0x26: {  	[smem:$0x3F90] =	sst s1;
	(tag) =	ssettag s2;
	_ =	strace s9  }
0x27: {  	s1 =	sld [smem:$0x3FA0]  }
0x28: {  	s2 =	sld [smem:$0x3FA1]  }
0x29: {  	s4 =	sld [smem:$0x3FA3]  }
0x2a: {  	p0 =	seq.s32 s5, $0x0;
	s5 =	sld [smem:$0x3FA4]  }
0x2b: {  	s6 =	sld [smem:$0x3FA5]  }
0x2c: {  	s7 =	sld [smem:$0x3FA6]  }
0x2d: {  	s3 =	simm.s32 $0x108;
	s8 =	sld [smem:$0x3FA7]  }
0x2e: {  	s3 =	simm.s32 @!p0 $0x1082;
	s9 =	sld [smem:$0x3FA8]  }
0x2f: {  	lr =	sadd.s32 s0, s3;
	s0 =	sld [smem:$0x3F9F]  }
0x30: {  	s3 =	sld [smem:$0x3FA2]  }
0x31: {  	[smem:$0x3FAB] =	sst s10  }
0x32: {  	s10 =	sld [smem:$0x3FA9];
	_ =	sdelay $0x3  }
0x33: {  	p0 =	seq.s32 s10, $0x1;
	s10 =	sld [smem:$0x3FAB];
	_ =	sdelay $0x3  }
0x34: {  	[smem:$0x3FAB] =	sst s10  }
0x35: {  	s10 =	sld [smem:$0x3FAA];
	_ =	sdelay $0x3  }
0x36: {  	p1 =	seq.s32 s10, $0x1;
	s10 =	sld [smem:$0x3FAB];
	_ =	sdelay $0x3  }
0x37: {  	[smem:$0x3FAB] =	sst s10  }
0x38: {  	s10 =	sld [smem:$0x3FAC]  }
0x39: {  	_ = 	snop;
	(pc) =	sbr.ind lr, $3  }
0x3a: {  	_ = 	snop  }
0x3b: {  	_ = 	snop  }
0x3c: {  	p2 =	seq.s32 s10, $0x1;
	s10 =	sld [smem:$0x3FAB]  }
0x3d: {  	_ =	shalt  }
0x3e: {  	_ =	shalt  }
0x3f: {  	_ =	shalt  }
0x40: {  	_ =	shalt  }
0x41: {  	_ =	shalt  }
0x42: {  	_ =	shalt  }
0x43: {  	_ =	shalt  }
0x44: {  	_ =	shalt  }
0x45: {  	_ =	shalt  }
0x46: {  	_ =	shalt  }
0x47: {  	_ =	shalt  }
0x48: {  	_ =	shalt  }
0x49: {  	_ =	shalt  }
0x4a: {  	_ =	shalt  }
0x4b: {  	_ =	shalt  }
0x4c: {  	_ =	shalt  }
0x4d: {  	_ =	shalt  }
0x4e: {  	_ =	shalt  }
0x4f: {  	_ =	shalt  }
0x50: {  	_ =	shalt  }
0x51: {  	_ =	shalt  }
0x52: {  	_ =	shalt  }
0x53: {  	_ =	shalt  }
0x54: {  	_ =	shalt  }
0x55: {  	_ =	shalt  }
0x56: {  	_ =	shalt  }
0x57: {  	_ =	shalt  }
0x58: {  	_ =	shalt  }
0x59: {  	_ =	shalt  }
0x5a: {  	_ =	shalt  }
0x5b: {  	_ =	shalt  }
0x5c: {  	_ =	shalt  }
0x5d: {  	_ =	shalt  }
0x5e: {  	_ =	shalt  }
0x5f: {  	_ =	shalt  }
0x60: {  	_ =	shalt  }
0x61: {  	_ =	shalt  }
0x62: {  	_ =	shalt  }
0x63: {  	_ =	shalt  }
0x64: {  	_ =	shalt  }
0x65: {  	_ =	shalt  }
0x66: {  	_ =	shalt  }
0x67: {  	_ =	shalt  }
0x68: {  	_ =	shalt  }
0x69: {  	_ =	shalt  }
0x6a: {  	_ =	shalt  }
0x6b: {  	_ =	shalt  }
0x6c: {  	_ =	shalt  }
0x6d: {  	_ =	shalt  }
0x6e: {  	_ =	shalt  }
0x6f: {  	_ =	shalt  }
0x70: {  	_ =	shalt  }
0x71: {  	_ =	shalt  }
0x72: {  	_ =	shalt  }
0x73: {  	_ =	shalt  }
0x74: {  	_ =	shalt  }
0x75: {  	_ =	shalt  }
0x76: {  	_ =	shalt  }
0x77: {  	_ =	shalt  }
0x78: {  	_ =	shalt  }
0x79: {  	_ =	shalt  }
0x7a: {  	_ =	shalt  }
0x7b: {  	_ =	shalt  }
0x7c: {  	_ =	shalt  }
0x7d: {  	_ =	shalt  }
0x7e: {  	_ =	shalt  }
0x7f: {  	_ =	shalt  }
0x80: {  	_ =	shalt  }
0x81: {  	_ =	shalt  }
0x82: {  	_ =	shalt  }
0x83: {  	_ =	shalt  }
0x84: {  	_ =	shalt  }
0x85: {  	_ =	shalt  }
0x86: {  	_ =	shalt  }
0x87: {  	_ =	shalt  }
.Lfunc_end0:
.L_simem_size_0:
called_computation_lowered:
.L_overlay_start_0:
0x88: {  	s0 =	sld [smem:$0x3FD9]  }
0x89: {  	s1 =	sld [smem:$0x3FFE];
	_ =	sdelay $0x3  }
0x8a: {  	s0 =	sadd.s32 s1, s0  }
0x8b: {  	[smem:$0x3FB7] =	sst s0  }
0x8c: {  	_ = 	snop  }
0x8d: {  	(tm) =	ssettm $0x1  }
0x8e: {  	s15 =	sld [smem:$0x3FFB];
	_ =	sdelay $0x3  }
0x8f: {  	_ =	strace s15  }
0x90: {  	s0 =	sld [smem:$0x3FFC];
	_ =	sdelay $0x3  }
0x91: {  	_ =	strace s0  }
0x92: {  	s0 =	sld [smem:$0x3FFD];
	_ =	sdelay $0x3  }
0x93: {  	_ =	strace s0  }
0x94: {  	_ =	strace $0x8FFFFFFF  }
0x95: {  	s16 =	sld [smem:$0x3FDB];
	_ =	sdelay $0x1  }
0x96: {  	s17 =	simm.s32 $_scs_section_size  }
0x97: {  	s2 =	simm.s32 $_size__tile_overlayer_lowered;
	s3 =	simm.s32 $_tile_overlayer_lowered  }
0x98: {  	s20 =	simm.s32 $0x1BFF;
	s19 =	sshll.u32 s3, $0x1;
	s0 =	sadd.s32 s17, s16  }
0x99: {  	s4 =	simm.s32 $0x0;
	s18 =	sshll.u32 s2, $0x1;
	s2 =	sadd.s32 s19, s0  }
0x9a: {  	[timem:s4], [sflag:s20] =	dma.local [hbm:s2], s18  }
0x9b: {  	_ =	swait.ge [sflag:s20], s18  }
0x9c: {  	s1 =	ssub.s32 $0x0, s18;
	[sflag:s20] =	ssyncset.done $0x0  }
0x9d: {  	[sflag:s20] =	ssyncadd.s32 s1;
	_ =	sdelay $0x1  }
0x9e: {  	s21 =	simm.s32 $0x1B8B  }
0x9f: {  	_ =	swait.ge [sflag:s21], $0x1  }
0xa0: {  	[sflag:s21] =	ssyncset.done $0x0  }
0xa1: {  	s23 =	simm.s32 $0x1B8E;
	s22 =	sld [smem:$0x3FFE];
	[sflag:s21] =	ssyncadd.s32 $0xFFFFFFFF  }
0xa2: {  	s24 =	simm.s32 $execute0_lowered;
	[smem:$0x3FD2] =	sst s23  }
0xa3: {  	s2 =	sshll.u32 s24, $0x1;
	_ =	strace $0x80000046;
	[dreg:$0x1] =	wrdreg $0xFFFFFFFF  }
0xa4: {  	s25 =	simm.s32 $_size_execute0_lowered;
	s0 =	sadd.s32 s0, s2;
	[dreg:$0x0] =	wrdreg $0x0  }
0xa5: {  	s2 =	sshll.u32 s25, $0x1;
	[dreg:$0x2] =	wrdreg s0  }
0xa6: {  	[dreg:$0x3] =	wrdreg s2  }
0xa7: {  	[dreg:$0x4] =	wrdreg $0xC0  }
0xa8: {  	_ =	task [dreg:s4], $0x5FFFF  }
0xa9: {  	[dreg:$0x1] =	wrdreg $0xFFFFFFFF  }
0xaa: {  	[dreg:$0x0] =	wrdreg $0x60  }
0xab: {  	[dreg:$0x2] =	wrdreg s22  }
0xac: {  	[dreg:$0x3] =	wrdreg $0x9  }
0xad: {  	_ =	task.clear_ibuf [dreg:s4], $0x4FFFF;
	_ =	strace $0x90000046  }
0xae: {  	s26 =	simm.s32 $0x9;
	_ =	strace $0x80000048  }
0xaf: {  	_ =	swait.ge [sflag:s26], $0x1  }
0xb0: {  	[sflag:s26] =	ssyncadd.s32 $0xFFFFFFFF  }
0xb1: {  	_ =	strace $0x90000048  }
0xb2: {  	_ =	sfence  }
0xb3: {  	s28 =	sld [smem:$0x0];
	_ =	sdelay $0x1  }
0xb4: {  	s29 =	srdreg.scid  }
0xb5: {  	s30 =	sshll.u32 s29, $0xD;
	s31 =	sshrl.u32 s29, $0x2  }
0xb6: {  	s1 =	sand.u32 $0x1, s29;
	s2 =	sand.u32 $0x4000, s30;
	s0 =	sadd.s32 s31, s28  }
0xb7: {  	s1 =	sor.u32 s2, s1;
	s0 =	sshll.u32 s0, $0x11  }
0xb8: {  	s0 =	sor.u32 s0, s1  }
0xb9: {  	s0 =	sadd.s32 $0x8F2B, s0  }
0xba: {  	[sflag:s0] =	ssyncadd.remote.s32 $0x1  }
0xbb: {  	_ =	sfence.sel $0xFFFF  }
0xbc: {  	[dreg:$0x0] =	wrdreg $0xFFFFFFFF;
	(pc) =	sbr.abs _section_cstart, $3  }
0xbd: {  	[dreg:$0x1] =	wrdreg $0xFFFFFFFF  }
0xbe: {  	_ =	task.clear_ibuf [dreg:s4], $0x2FFFF;
	_ =	strace $0x9FFFFFFF  }
0xbf: {  	(tm) =	ssettm $0x7FFFFFFF  }
tec
execute0_lowered:
.L_overlay_start_1:
0x0: {  	(tag) =	ssettag $0x1  }
0x1: {  	s8 =	rddreg [dreg:$0x0]  }
0x2: {  	s0 =	rddreg [dreg:$0x1];
	_ =	strace $0x80000047  }
0x3: {  	s4 =	simm.s32 $0x1;
	s1 =	stileid.u32;
	s7 =	simm.s32 $0x1  }
0x4: {  	s9 =	simm.s32 $0x1;
	s6 =	simm.s32 $0x2;
	s10 =	simm.s32 $0x3  }
0x5: {  	s13 =	simm.s32 $0x0;
	s12 =	simm.s32 $0x0;
	s2 =	sadd.s32 $0x3600, s8  }
.Ltmp0:
0x6: {  	s3 =	sadd.s32 $0x2BAA00, s8;
	p0 =	slt.u32 s1, $0xA;
	(pc) =	sbr.rel .LBB2_1-.Ltmp0, $4  }
0x7: {  	[sflag:s4] =	ssyncpa.u1 $0x0;
	s7 =	simm.s32 @!p0 $0x0;
	p0 =	sne.s32 s1, $0x9  }
0x8: {  	s5 =	smul.u32 $0x190, s1;
	[sflag:s6] =	ssyncpa.u1 $0x0;
	s9 =	simm.s32 @!p0 $0x0  }
0x9: {  	s8 =	sadd.s32 $0x2C5000, s8;
	[sflag:s10] =	ssyncpa.u1 $0x0;
	s7 =	sadd.s32 s9, s7  }
0xa: {  	vm0 =	vmmov $0xffff;
	s10 =	simm.s32 $0x0;
	s11 =	smov.u32 s5;
	s9 =	sadd.s32 $0x1, s7  }
.LBB2_4:
0xb: {  	v2 =	vnsel vm1, $0x0, v2  }
0xc: {  	vm1 =	vgt.s32 v0, $0x0;
	v2 =	vmin.u32 v2, $0x4E1FF  }
0xd: {  	v0 =	vnsel vm1, $0x0, v0  }
0xe: {  	v0 =	vmin.u32 v0, $0x4E1FF  }
0xf: {  	[tilespmem:s18], [sflag:$0x1] =	stream.indirect_vreg.gather [hbm4b:s2+s10], $0x1, v1, vm0, $0x4038;
	[tilespmem:$0x640] =	vst v63  }
0x10: {  	(ifvalue) =	ssetifvalue $0x7FFFFFFF  }
0x11: {  	[tilespmem:s15], [sflag:$0x1] =	stream.indirect_vreg.gather [hbm4b:s2+s10], $0x1, v2, vm0, $0x4038;
	[tilespmem:$0x640] =	vst v63  }
0x12: {  	s29 =	sadd.s32 $0x10, s15;
	(ifvalue) =	ssetifvalue $0x7FFFFFFF  }
0x13: {  	[tilespmem:s29], [sflag:$0x1] =	stream.indirect_vreg.gather [hbm4b:s2+s10], $0x1, v0, vm0, $0x4038;
	[tilespmem:$0x640] =	vst v63  }
0x14: {  	_ =	swait.ge [sflag:s4], $0x190  }
0x15: {  	s30 =	sshrl.u32 s13, $0x3;
	[sflag:s4] =	ssyncset.done $0x0  }
0x16: {  	s31 =	sand.u32 $0x7, s13;
	s15 =	sadd.s32 s8, s30;
	[sflag:s4] =	ssyncadd.s32 $0xFFFFFE70  }
0x17: {  	[hbm4b:s15+s31] =	stream.linear.scatter [tilespmem:s14], [sflag:$0x3], $0x190, $0x38;
	[tilespmem:$0x640] =	vst v63  }
.LBB2_5:
0x18: {  	s15 =	sadd.s32 $0x1900, s11  }
0x19: {  	p1 =	sgt.s32 s15, $0x270F  }
0x1a: {  	s15 =	smov.u32 @p1 s5;
	p1 =	sne.s32 s12, s9  }
.Ltmp1:
0x1b: {  	p0 =	slt.u32 s12, $0x2;
	(pc) =	sbr.rel @!p1 .LBB2_6-.Ltmp1, $4  }
0x1c: {  	s14 =	simm.s32 @!p0 $0x3  }
0x1d: {  	_ =	swait.ge @!p0 [sflag:s14], $0x190  }
0x1e: {  	s16 =	sadd.s32 $0x1, s12;
	s13 =	smov.u32 s11;
	[sflag:s14] =	ssyncset.done @!p0 $0x0  }
0x1f: {  	s12 =	smov.u32 s16;
	s11 =	smov.u32 s15;
	[sflag:s14] =	ssyncadd.s32 @!p0 $0xFFFFFE70  }
.LBB2_1:
0x20: {  	p0 =	sge.u32 s12, s7  }
0x21: {  	s14 =	sxor.u32 @!p0 $0x1, s12  }
0x22: {  	s14 =	smul.u32 @!p0 $0x640, s14  }
0x23: {  	s31 =	sadd.s32 $0xFFFFFFFF, s12;
	s15 =	sshrl.u32 @!p0 s11, $0x3  }
0x24: {  	s16 =	sand.u32 @!p0 $0x7, s11;
	s15 =	sadd.s32 @!p0 s3, s15;
	s14 =	sshra.s32 @!p0 s14, $0x2  }
0x25: {  	[tilespmem:s14], [sflag:$0x2] =	stream.linear.gather @!p0 [hbm4b:s15+s16], $0x190, $0x38;
	[tilespmem:$0x640] =	vst v63  }
0x26: {  	p0 =	sge.u32 s31, s7  }
.Ltmp2:
0x27: {  	_ = 	snop;
	(pc) =	sbr.rel @p0 .LBB2_5-.Ltmp2, $1  }
0x28: {  	_ =	sdelay $0x3  }
0x29: {  	s14 =	sand.u32 $0x1, s12  }
0x2a: {  	_ =	swait.ge [sflag:s6], $0x190;
	p0 =	seq.s32 s14, $0x1;
	s14 =	simm.s32 $0x190  }
0x2b: {  	[sflag:s6] =	ssyncset.done $0x0;
	s14 =	simm.s32 @!p0 $0x0  }
0x2c: {  	[sflag:s6] =	ssyncadd.s32 $0xFFFFFE70;
	(ifvalue) =	ssetifvalue $0x7FFFFFFF;
	v0 =	vld.msk [tilespmem:s14+$0x0 ss:$0x1], $0xffff;
	_ =	sdelay $0x4  }
0x2d: {  	s15 =	sadd.s32 $0x10, s14;
	vm1 =	vgt.s32 v0, $0x0  }
0x2e: {  	v2 =	vld.msk [tilespmem:s15+$0x0 ss:$0x1], $0xffff;
	v1 =	vnsel vm1, $0x0, v0  }
0x2f: {  	v1 =	vmin.u32 v1, $0x4E1FF;
	_ =	sdelay $0x2  }
0x30: {  	s17 =	simm.s32 $0x20;
	s14 =	sadd.s32 $0x320, s14;
	s16 =	sadd.s32 $0x10, s15  }
0x31: {  	s15 =	sadd.s32 $0x10, s14;
	s18 =	smov.u32 s14;
	v0 =	vld.msk [tilespmem:s16+$0x0 ss:$0x1], $0xffff;
	vm1 =	vgt.s32 v2, $0x0;
	(ifvalue) =	ssetifvalue $0x7FFFFFFF  }
.LBB2_3:
0x32: {  	[tilespmem:s18], [sflag:$0x1] =	stream.indirect_vreg.gather [hbm4b:s2+s10], $0x1, v1, vm0, $0x4038;
	[tilespmem:$0x640] =	vst v63  }
0x33: {  	s17 =	sadd.s32 $0x10, s17  }
0x34: {  	v2 =	vnsel vm1, $0x0, v2;
	p0 =	slt.u32 s17, $0x180  }
.Ltmp3:
0x35: {  	s18 =	smov.u32 s15;
	v1 =	vmin.u32 v2, $0x4E1FF;
	(pc) =	sbr.rel @p0 .LBB2_3-.Ltmp3, $3  }
0x36: {  	_ =	sdelay $0x1  }
0x37: {  	s16 =	sadd.s32 $0x10, s16  }
0x38: {  	vm1 =	vgt.s32 v0, $0x0;
	s15 =	sadd.s32 $0x10, s15;
	v2 =	vmov v0;
	(ifvalue) =	ssetifvalue $0x7FFFFFFF;
	v0 =	vld.msk [tilespmem:s16+$0x0 ss:$0x1], $0xffff  }
.Ltmp4:
0x39: {  	_ = 	snop;
	(pc) =	sbr.rel .LBB2_4-.Ltmp4, $1  }
0x3a: {  	_ =	sdelay $0x3  }
.LBB2_6:
0x3b: {  	_ =	sfence.sel $0x180000  }
0x3c: {  	s2 =	simm.s32 $0x2;
	[bflag:$0x0] =	sbarrier.arrive $0xFFFF  }
0x3d: {  	s30 =	simm.s32 $0x3;
	[sflag:s2] =	ssyncpa.u1 $0x1  }
0x3e: {  	s31 =	simm.s32 $0x1;
	[sflag:s30] =	ssyncpa.u1 $0x1  }
0x3f: {  	[sflag:s31] =	ssyncpa.u1 $0x1  }
0x40: {  	p0 =	sne.s32 s1, $0x0;
	_ =	strace $0x90000047  }
0x41: {  	s0 =	sadd.s32 @!p0 $0x100000, s0;
	[bflag:$0x2] =	sbarrier.arrive $0xFFFF  }
0x42: {  	[sflag:s0] =	ssyncadd.tile.s32 @!p0 $0x1;
	_ =	shalt  }
.Lfunc_end2:
_tile_overlayer_lowered:
.L_overlay_start_2:
0x43: {  	(tag) =	ssettag $0x2  }
0x44: {  	s0 =	rddreg [dreg:$0x0];
	s2 =	stileid.u32  }
0x45: {  	s1 =	rddreg [dreg:$0x1];
	p0 =	sne.s32 s2, $0x0  }
0x46: {  	s3 =	rddreg [dreg:$0x2];
	[bflag:$0x3] =	sbarrier.arrive $0xFFFF;
	s2 =	simm.s32 @!p0 $0x1C01  }
0x47: {  	[timem:s3], [sflag:s2] =	dma.local @!p0 [hbm:s0], s1  }
0x48: {  	s0 =	simm.s32 @!p0 $0x1  }
0x49: {  	_ =	swait.ge @!p0 [sflag:s0], s1  }
0x4a: {  	s1 =	ssub.s32 @!p0 $0x0, s1;
	[sflag:s0] =	ssyncset.done @!p0 $0x0  }
0x4b: {  	[sflag:s0] =	ssyncadd.s32 @!p0 s1  }
0x4c: {  	[bflag:$0x3] =	sbarrier.arrive $0xFFFF  }
0x4d: {  	_ =	shalt  }

// kernel: kernel.5.cloned.1.call-start
scs
__scs_entry_jumppad:
0x0: {  	(pc) =	sbr.rel $0x88, $3  }
0x1: {  	(tag) =	ssettag $0x0;
	lr =	simm.s32 $0x1  }
0x2: {  	[smem:$0x3F90] =	sst lr;
	_ =	strace $0xD0000000  }
0x3: {  	_ = 	snop  }
0x4: {  	_ = 	snop  }
0x5: {  	_ = 	snop  }
0x6: {  	_ = 	snop  }
0x7: {  	_ = 	snop  }
__scs_overlays_trampoline_lowered:
0x8: {  	[smem:$0x3F9F] =	sst s0  }
0x9: {  	[smem:$0x3FA0] =	sst s1  }
0xa: {  	[smem:$0x3FA1] =	sst s2  }
0xb: {  	[smem:$0x3FA2] =	sst s3  }
0xc: {  	[smem:$0x3FA3] =	sst s4  }
0xd: {  	[smem:$0x3FA4] =	sst s5  }
0xe: {  	[smem:$0x3FA5] =	sst s6  }
0xf: {  	[smem:$0x3FA6] =	sst s7  }
0x10: {  	[smem:$0x3FA7] =	sst s8  }
0x11: {  	[smem:$0x3FA8] =	sst s9;
	s0 =	simm.s32 @!p0 $0x0  }
0x12: {  	s1 =	sld [smem:$0x3F8E];
	s0 =	simm.s32 @p0 $0x1  }
0x13: {  	[smem:$0x3FA9] =	sst s0;
	s0 =	simm.s32 @!p1 $0x0  }
0x14: {  	s2 =	sld [smem:$0x3F8D];
	s0 =	simm.s32 @p1 $0x1  }
0x15: {  	[smem:$0x3FAA] =	sst s0;
	s0 =	simm.s32 @!p2 $0x0  }
0x16: {  	s3 =	sld [smem:$0x3FDB];
	s0 =	simm.s32 @p2 $0x1  }
0x17: {  	s4 =	simm.s32 $0x1BF5;
	[smem:$0x3FAC] =	sst s0  }
0x18: {  	s0 =	sld [smem:$0x3F8F];
	_ =	swait.ge [sflag:s4], $0x0  }
0x19: {  	s7 =	sld [smem:$0x3F90]  }
0x1a: {  	s8 =	sadd.s32 $0xFFFFE003, lr  }
0x1b: {  	s9 =	sadd.s32 $0xFFFFFEF7, lr;
	s5 =	simm.s32 $0xFFFFFFFF;
	p2 =	slt.u32 s8, $0xFFFFF086  }
0x1c: {  	p1 =	slt.u32 s9, $0xF7A;
	s5 =	simm.s32 @!p2 $0x0  }
0x1d: {  	s5 =	simm.s32 @p1 $0x1;
	p0 =	seq.s32 s7, s2  }
0x1e: {  	s7 =	smul.u32 @!p0 $0xF7A, s2;
	p2 =	seq.s32 @!p0 s5, $0x0  }
0x1f: {  	s9 =	smul.u32 $0xF7A, s1;
	s8 =	simm.s32 @!p0 $0x1BF5;
	p2 =	por !p2, p0  }
0x20: {  	[sflag:s8] =	ssyncset.s32 @!p0 $0xFFFFF086;
	s6 =	sadd.s32 @!p0 s3, s7;
	s7 =	simm.s32 @!p0 $0x108  }
0x21: {  	s3 =	sadd.s32 s3, s9;
	s6 =	sadd.s32 @!p0 $0x88, s6;
	s7 =	simm.s32 @p2 $0x1082  }
0x22: {  	[simem:s7], [sflag:s8] =	dma.local @!p0 [hbm:s6], $0xF7A  }
0x23: {  	s9 =	sor.u32 $0xD0000000, s2;
	s6 =	simm.s32 $0x108;
	_ =	swait.ge @!p0 [sflag:s8], $0x0  }
0x24: {  	s3 =	sadd.s32 $0x88, s3;
	s6 =	simm.s32 @!p1 $0x1082;
	[sflag:s4] =	ssyncset.s32 $0xFFFFF086  }
0x25: {  	[simem:s6], [sflag:s4] =	dma.local [hbm:s3], $0xF7A  }
0x26: {  	[smem:$0x3F90] =	sst s1;
	(tag) =	ssettag s2;
	_ =	strace s9  }
0x27: {  	s1 =	sld [smem:$0x3FA0]  }
0x28: {  	s2 =	sld [smem:$0x3FA1]  }
0x29: {  	s4 =	sld [smem:$0x3FA3]  }
0x2a: {  	p0 =	seq.s32 s5, $0x0;
	s5 =	sld [smem:$0x3FA4]  }
0x2b: {  	s6 =	sld [smem:$0x3FA5]  }
0x2c: {  	s7 =	sld [smem:$0x3FA6]  }
0x2d: {  	s3 =	simm.s32 $0x108;
	s8 =	sld [smem:$0x3FA7]  }
0x2e: {  	s3 =	simm.s32 @!p0 $0x1082;
	s9 =	sld [smem:$0x3FA8]  }
0x2f: {  	lr =	sadd.s32 s0, s3;
	s0 =	sld [smem:$0x3F9F]  }
0x30: {  	s3 =	sld [smem:$0x3FA2]  }
0x31: {  	[smem:$0x3FAB] =	sst s10  }
0x32: {  	s10 =	sld [smem:$0x3FA9];
	_ =	sdelay $0x3  }
0x33: {  	p0 =	seq.s32 s10, $0x1;
	s10 =	sld [smem:$0x3FAB];
	_ =	sdelay $0x3  }
0x34: {  	[smem:$0x3FAB] =	sst s10  }
0x35: {  	s10 =	sld [smem:$0x3FAA];
	_ =	sdelay $0x3  }
0x36: {  	p1 =	seq.s32 s10, $0x1;
	s10 =	sld [smem:$0x3FAB];
	_ =	sdelay $0x3  }
0x37: {  	[smem:$0x3FAB] =	sst s10  }
0x38: {  	s10 =	sld [smem:$0x3FAC]  }
0x39: {  	_ = 	snop;
	(pc) =	sbr.ind lr, $3  }
0x3a: {  	_ = 	snop  }
0x3b: {  	_ = 	snop  }
0x3c: {  	p2 =	seq.s32 s10, $0x1;
	s10 =	sld [smem:$0x3FAB]  }
0x3d: {  	_ =	shalt  }
0x3e: {  	_ =	shalt  }
0x3f: {  	_ =	shalt  }
0x40: {  	_ =	shalt  }
0x41: {  	_ =	shalt  }
0x42: {  	_ =	shalt  }
0x43: {  	_ =	shalt  }
0x44: {  	_ =	shalt  }
0x45: {  	_ =	shalt  }
0x46: {  	_ =	shalt  }
0x47: {  	_ =	shalt  }
0x48: {  	_ =	shalt  }
0x49: {  	_ =	shalt  }
0x4a: {  	_ =	shalt  }
0x4b: {  	_ =	shalt  }
0x4c: {  	_ =	shalt  }
0x4d: {  	_ =	shalt  }
0x4e: {  	_ =	shalt  }
0x4f: {  	_ =	shalt  }
0x50: {  	_ =	shalt  }
0x51: {  	_ =	shalt  }
0x52: {  	_ =	shalt  }
0x53: {  	_ =	shalt  }
0x54: {  	_ =	shalt  }
0x55: {  	_ =	shalt  }
0x56: {  	_ =	shalt  }
0x57: {  	_ =	shalt  }
0x58: {  	_ =	shalt  }
0x59: {  	_ =	shalt  }
0x5a: {  	_ =	shalt  }
0x5b: {  	_ =	shalt  }
0x5c: {  	_ =	shalt  }
0x5d: {  	_ =	shalt  }
0x5e: {  	_ =	shalt  }
0x5f: {  	_ =	shalt  }
0x60: {  	_ =	shalt  }
0x61: {  	_ =	shalt  }
0x62: {  	_ =	shalt  }
0x63: {  	_ =	shalt  }
0x64: {  	_ =	shalt  }
0x65: {  	_ =	shalt  }
0x66: {  	_ =	shalt  }
0x67: {  	_ =	shalt  }
0x68: {  	_ =	shalt  }
0x69: {  	_ =	shalt  }
0x6a: {  	_ =	shalt  }
0x6b: {  	_ =	shalt  }
0x6c: {  	_ =	shalt  }
0x6d: {  	_ =	shalt  }
0x6e: {  	_ =	shalt  }
0x6f: {  	_ =	shalt  }
0x70: {  	_ =	shalt  }
0x71: {  	_ =	shalt  }
0x72: {  	_ =	shalt  }
0x73: {  	_ =	shalt  }
0x74: {  	_ =	shalt  }
0x75: {  	_ =	shalt  }
0x76: {  	_ =	shalt  }
0x77: {  	_ =	shalt  }
0x78: {  	_ =	shalt  }
0x79: {  	_ =	shalt  }
0x7a: {  	_ =	shalt  }
0x7b: {  	_ =	shalt  }
0x7c: {  	_ =	shalt  }
0x7d: {  	_ =	shalt  }
0x7e: {  	_ =	shalt  }
0x7f: {  	_ =	shalt  }
0x80: {  	_ =	shalt  }
0x81: {  	_ =	shalt  }
0x82: {  	_ =	shalt  }
0x83: {  	_ =	shalt  }
0x84: {  	_ =	shalt  }
0x85: {  	_ =	shalt  }
0x86: {  	_ =	shalt  }
0x87: {  	_ =	shalt  }
.Lfunc_end0:
.L_simem_size_0:
called_computation.2_lowered:
.L_overlay_start_0:
0x88: {  	s2 =	sld [smem:$0x3FD9]  }
0x89: {  	s3 =	sld [smem:$0x3FFE];
	_ =	sdelay $0x1  }
0x8a: {  	s1 =	srdreg.scid  }
0x8b: {  	s0 =	sand.u32 $0x1, s1  }
0x8c: {  	s17 =	sshll.u32 s0, $0xA;
	s2 =	sadd.s32 s3, s2  }
0x8d: {  	s2 =	sadd.s32 s2, s17  }
0x8e: {  	[smem:$0x3FB7] =	sst s2  }
0x8f: {  	_ = 	snop  }
0x90: {  	(tm) =	ssettm $0x1  }
0x91: {  	s18 =	sld [smem:$0x3FFB];
	_ =	sdelay $0x3  }
0x92: {  	_ =	strace s18  }
0x93: {  	s2 =	sld [smem:$0x3FFC];
	_ =	sdelay $0x3  }
0x94: {  	_ =	strace s2  }
0x95: {  	s2 =	sld [smem:$0x3FFD];
	_ =	sdelay $0x3  }
0x96: {  	_ =	strace s2  }
0x97: {  	_ =	strace $0x8FFFFFFF  }
0x98: {  	s19 =	sld [smem:$0x3FDB];
	_ =	sdelay $0x1  }
0x99: {  	s20 =	simm.s32 $_scs_section_size  }
0x9a: {  	s4 =	simm.s32 $_size__tile_overlayer_lowered;
	s5 =	simm.s32 $_tile_overlayer_lowered  }
0x9b: {  	s6 =	simm.s32 $0x1BFF;
	s21 =	sshll.u32 s5, $0x1;
	s3 =	sadd.s32 s20, s19  }
0x9c: {  	s22 =	simm.s32 $0x0;
	s4 =	sshll.u32 s4, $0x1;
	s5 =	sadd.s32 s21, s3  }
0x9d: {  	[timem:s22], [sflag:s6] =	dma.local [hbm:s5], s4  }
0x9e: {  	_ =	swait.ge [sflag:s6], s4  }
0x9f: {  	s4 =	ssub.s32 $0x0, s4;
	[sflag:s6] =	ssyncset.done $0x0  }
0xa0: {  	[sflag:s6] =	ssyncadd.s32 s4;
	_ =	sdelay $0x1  }
0xa1: {  	s23 =	simm.s32 $0x1B8B  }
0xa2: {  	_ =	swait.ge [sflag:s23], $0x1  }
0xa3: {  	[sflag:s23] =	ssyncset.done $0x0  }
0xa4: {  	[sflag:s23] =	ssyncadd.s32 $0xFFFFFFFF  }
0xa5: {  	s4 =	sld [smem:$0x0]  }
0xa6: {  	s5 =	sand.u32 $0xFFFFFFFE, s1  }
0xa7: {  	p0 =	sne.s32 s1, s5  }
0xa8: {  	s5 =	sshll.u32 @p0 s5, $0xE  }
0xa9: {  	s5 =	sadd.s32 @p0 $0x11B8D, s5;
	s6 =	sshll.u32 @p0 s4, $0x11  }
0xaa: {  	s5 =	sor.u32 @p0 s6, s5  }
0xab: {  	[sflag:s5] =	ssyncadd.remote.s32 @p0 $0x1;
	_ =	sdelay $0x1  }
0xac: {  	s5 =	simm.s32 @p0 $0x1B8D  }
0xad: {  	_ =	swait.eq @p0 [sflag:s5], $0x1  }
0xae: {  	[sflag:s5] =	ssyncadd.s32 @p0 $0xFFFFFFFF  }
0xaf: {  	s6 =	sshll.u32 @!p0 s1, $0xE  }
0xb0: {  	s6 =	sor.u32 @!p0 $0x4000, s6;
	s5 =	simm.s32 @!p0 $0x1B8D  }
0xb1: {  	s4 =	sshll.u32 @!p0 s4, $0x11;
	s6 =	sadd.s32 @!p0 $0x11B8D, s6;
	_ =	swait.eq @!p0 [sflag:s5], $0x1  }
0xb2: {  	s4 =	sor.u32 @!p0 s4, s6;
	[sflag:s5] =	ssyncadd.s32 @!p0 $0xFFFFFFFF  }
0xb3: {  	s25 =	simm.s32 $0x1B8E;
	s24 =	sld [smem:$0x3FFE];
	[sflag:s4] =	ssyncadd.remote.s32 @!p0 $0x1  }
0xb4: {  	s26 =	simm.s32 $execute0_lowered;
	[smem:$0x3FD2] =	sst s25  }
0xb5: {  	s5 =	sshll.u32 s26, $0x1;
	_ =	strace $0x80000049;
	[dreg:$0x1] =	wrdreg $0xFFFFFFFF  }
0xb6: {  	s28 =	simm.s32 $_size_execute0_lowered;
	s3 =	sadd.s32 s3, s5;
	[dreg:$0x0] =	wrdreg $0x0  }
0xb7: {  	s5 =	sshll.u32 s28, $0x1;
	[dreg:$0x2] =	wrdreg s3  }
0xb8: {  	[dreg:$0x3] =	wrdreg s5  }
0xb9: {  	[dreg:$0x4] =	wrdreg $0xC0  }
0xba: {  	_ =	task [dreg:s22], $0x5FFFF  }
0xbb: {  	[dreg:$0x1] =	wrdreg $0xFFFFFFFF  }
0xbc: {  	[dreg:$0x0] =	wrdreg $0x60  }
0xbd: {  	[dreg:$0x2] =	wrdreg s24  }
0xbe: {  	[dreg:$0x3] =	wrdreg $0x90400  }
0xbf: {  	[dreg:$0x4] =	wrdreg $0x1D0400  }
0xc0: {  	[dreg:$0x5] =	wrdreg $0xA  }
0xc1: {  	_ =	task.clear_ibuf [dreg:s22], $0x6FFFF;
	_ =	strace $0x90000049  }
0xc2: {  	s29 =	simm.s32 $0xA;
	_ =	strace $0x8000004B  }
0xc3: {  	_ =	swait.ge [sflag:s29], $0x1  }
0xc4: {  	[sflag:s29] =	ssyncadd.s32 $0xFFFFFFFF  }
0xc5: {  	_ =	strace $0x9000004B  }
0xc6: {  	_ =	sfence  }
0xc7: {  	s30 =	sld [smem:$0x0];
	_ =	sdelay $0x2  }
0xc8: {  	s31 =	sshll.u32 s1, $0xD;
	s1 =	sshrl.u32 s1, $0x2  }
0xc9: {  	s4 =	sand.u32 $0x4000, s31;
	s1 =	sadd.s32 s1, s30  }
0xca: {  	s0 =	sor.u32 s4, s0;
	s1 =	sshll.u32 s1, $0x11  }
0xcb: {  	s0 =	sor.u32 s1, s0  }
0xcc: {  	s0 =	sadd.s32 $0x8F2B, s0  }
0xcd: {  	[sflag:s0] =	ssyncadd.remote.s32 $0x1  }
0xce: {  	_ =	sfence.sel $0xFFFF  }
0xcf: {  	[dreg:$0x0] =	wrdreg $0xFFFFFFFF;
	(pc) =	sbr.abs _section_cstart, $3  }
0xd0: {  	[dreg:$0x1] =	wrdreg $0xFFFFFFFF  }
0xd1: {  	_ =	task.clear_ibuf [dreg:s22], $0x2FFFF;
	_ =	strace $0x9FFFFFFF  }
0xd2: {  	(tm) =	ssettm $0x7FFFFFFF  }
0xd3: {  	_ =	shalt  }
tec
execute0_lowered:
.L_overlay_start_1:
0x0: {  	(tag) =	ssettag $0x1  }
0x1: {  	s3 =	rddreg [dreg:$0x0]  }
0x2: {  	s1 =	rddreg [dreg:$0x1]  }
0x3: {  	s2 =	rddreg [dreg:$0x2];
	s4 =	simm.s32 $0x0  }
0x4: {  	s0 =	simm.s32 $0x0;
	s16 =	srdreg.scid;
	s15 =	stileid.u32  }
0x5: {  	s28 =	simm.s32 $0x8E00;
	s31 =	simm.s32 $0x5;
	[dreg:$0x4] =	wrdreg s0  }
0x6: {  	s30 =	simm.s32 $0x4C00;
	s29 =	simm.s32 $0x4;
	[smem:$0x7FF] =	sst s4  }
0x7: {  	s17 =	sand.u32 $0x1, s16;
	s9 =	smul.u32 $0x14000, s15;
	s5 =	sadd.s32 $0x292A00, s3  }
0x8: {  	s6 =	sadd.s32 $0x21A00, s3;
	s7 =	sadd.s32 $0x1F6600, s3;
	s10 =	smul.u32 $0x2800, s15  }
0x9: {  	s8 =	sadd.s32 $0xD400, s3;
	s11 =	sadd.s32 $0x2BB000, s3;
	s19 =	sadd.s32 $0xDA00, s3  }
0xa: {  	_ =	strace $0x8000004A;
	s0 =	smul.u32 $0x140000, s17;
	[dreg:$0x5] =	wrdreg s8  }
0xb: {  	s20 =	sadd.s32 $0x17A00, s3;
	s18 =	smul.u32 $0x28000, s17;
	[dreg:$0x6] =	wrdreg s11  }
0xc: {  	[dreg:$0x7] =	wrdreg s19;
	s12 =	ssub.s32 $0x2, s17;
	s4 =	sshll.u32 s17, $0x4  }
0xd: {  	[dreg:$0x8] =	wrdreg s20;
	s13 =	sshrl.u32 s12, $0x1;
	s14 =	sor.u32 s15, s4  }
0xe: {  	s23 =	sadd.s32 s10, s2;
	s0 =	sadd.s32 s9, s0;
	s8 =	sadd.s32 s10, s18  }
0xf: {  	s22 =	smul.u32 $0x2800, s14;
	s9 =	sadd.s32 s9, s1;
	[dreg:$0xb] =	wrdreg s23  }
0x10: {  	s0 =	sshrl.u32 s0, $0x3;
	s21 =	sshrl.u32 s8, $0x3;
	s8 =	smul.u32 $0x280, s15  }
0x11: {  	s4 =	ssub.s32 s12, s13;
	[dreg:$0xa] =	wrdreg s9;
	s0 =	sadd.s32 s0, s3  }
0x12: {  	s3 =	sadd.s32 s21, s3;
	[dreg:$0x9] =	wrdreg s22;
	s24 =	sor.u32 $0x20, s8  }
0x13: {  	s26 =	sor.u32 $0x40, s8;
	s13 =	sor.u32 $0x60, s8;
	s16 =	sadd.s32 $0x80, s8  }
0x14: {  	s18 =	sadd.s32 $0xA0, s8;
	s21 =	sadd.s32 $0xC0, s8;
	s0 =	sadd.s32 $0x2CF600, s0  }
0x15: {  	s25 =	sshll.u32 s24, $0x7;
	s9 =	sshll.u32 s24, $0x4;
	s12 =	sshll.u32 s26, $0x4  }
0x16: {  	s14 =	sshll.u32 s13, $0x7;
	s17 =	sshll.u32 s16, $0x7;
	s19 =	sshll.u32 s18, $0x7  }
0x17: {  	s20 =	sshll.u32 s18, $0x4;
	s22 =	sshll.u32 s21, $0x7;
	s24 =	sadd.s32 $0xE0, s8  }
0x18: {  	s18 =	sadd.s32 $0x160, s8;
	[smem:$0x7FB] =	sst s0;
	s10 =	sadd.s32 s25, s1  }
0x19: {  	s9 =	sadd.s32 s9, s2;
	[dreg:$0xc] =	wrdreg s10;
	s10 =	sshll.u32 s26, $0x7  }
0x1a: {  	s25 =	sshll.u32 s24, $0x7;
	[dreg:$0xd] =	wrdreg s9;
	s9 =	sadd.s32 s10, s1  }
0x1b: {  	s10 =	sshll.u32 s13, $0x4;
	[dreg:$0xe] =	wrdreg s9;
	s9 =	sadd.s32 s12, s2  }
0x1c: {  	s26 =	sadd.s32 $0x100, s8;
	s15 =	sadd.s32 s10, s2;
	[dreg:$0xf] =	wrdreg s9  }
0x1d: {  	s13 =	sadd.s32 $0x120, s8;
	s10 =	sadd.s32 s17, s1;
	[dreg:$0x11] =	wrdreg s15  }
0x1e: {  	s12 =	sshll.u32 s26, $0x4;
	s9 =	sadd.s32 s14, s1;
	[dreg:$0x12] =	wrdreg s10  }
0x1f: {  	s10 =	sshll.u32 s21, $0x4;
	s14 =	sshll.u32 s13, $0x7;
	s21 =	sadd.s32 $0x180, s8  }
0x20: {  	[dreg:$0x10] =	wrdreg s9;
	s9 =	sshll.u32 s16, $0x4;
	s23 =	sadd.s32 s10, s2  }
0x21: {  	s10 =	sadd.s32 s25, s1;
	s16 =	sadd.s32 $0x140, s8;
	[dreg:$0x17] =	wrdreg s23  }
0x22: {  	s9 =	sadd.s32 s9, s2;
	[dreg:$0x18] =	wrdreg s10;
	s10 =	sshll.u32 s26, $0x7  }
0x23: {  	s17 =	sshll.u32 s16, $0x7;
	[dreg:$0x13] =	wrdreg s9;
	s9 =	sadd.s32 s19, s1  }
0x24: {  	s26 =	sadd.s32 $0x1C0, s8;
	[dreg:$0x14] =	wrdreg s9;
	s9 =	sadd.s32 s20, s2  }
0x25: {  	s19 =	sshll.u32 s18, $0x7;
	[dreg:$0x15] =	wrdreg s9;
	s9 =	sadd.s32 s22, s1  }
0x26: {  	s11 =	sshll.u32 s26, $0x4;
	[dreg:$0x16] =	wrdreg s9;
	s9 =	sshll.u32 s24, $0x4  }
0x27: {  	s20 =	sshll.u32 s18, $0x4;
	s22 =	sshll.u32 s21, $0x7;
	s9 =	sadd.s32 s9, s2  }
0x28: {  	s24 =	sadd.s32 $0x1A0, s8;
	[dreg:$0x19] =	wrdreg s9;
	s9 =	sadd.s32 s10, s1  }
0x29: {  	s10 =	sshll.u32 s13, $0x4;
	[dreg:$0x1a] =	wrdreg s9;
	s9 =	sadd.s32 s12, s2  }
0x2a: {  	s25 =	sshll.u32 s24, $0x7;
	s15 =	sadd.s32 s10, s2;
	[dreg:$0x1b] =	wrdreg s9  }
0x2b: {  	s10 =	sadd.s32 s17, s1;
	s12 =	sadd.s32 $0x1E0, s8;
	[dreg:$0x1d] =	wrdreg s15  }
0x2c: {  	s17 =	sadd.s32 $0x220, s8;
	s9 =	sadd.s32 s14, s1;
	[dreg:$0x1e] =	wrdreg s10  }
0x2d: {  	s10 =	sshll.u32 s21, $0x4;
	s13 =	sshll.u32 s12, $0x7;
	s15 =	sadd.s32 $0x200, s8  }
0x2e: {  	s18 =	sshll.u32 s17, $0x7;
	[dreg:$0x1c] =	wrdreg s9;
	s9 =	sshll.u32 s16, $0x4  }
0x2f: {  	s23 =	sadd.s32 s10, s2;
	s10 =	sadd.s32 s25, s1;
	s16 =	sshll.u32 s15, $0x7  }
0x30: {  	s25 =	sadd.s32 $0x2C5600, s3;
	s3 =	simm.s32 $0x1C00;
	[smem:$0x7EC] =	sst s23  }
0x31: {  	s9 =	sadd.s32 s9, s2;
	[smem:$0x7ED] =	sst s10;
	s10 =	sshll.u32 s26, $0x7  }
0x32: {  	[smem:$0x7FC] =	sst s25;
	s26 =	smax.u32 s4, $0x1;
	s25 =	simm.s32 $0x9020  }
0x33: {  	s4 =	simm.s32 $0x2C00;
	[dreg:$0x1f] =	wrdreg s9;
	s9 =	sadd.s32 s19, s1  }
0x34: {  	s19 =	sshll.u32 s17, $0x4;
	[smem:$0x7FD] =	sst s26;
	s26 =	simm.s32 $0x7C00  }
0x35: {  	[smem:$0x7E9] =	sst s9;
	s9 =	sadd.s32 s20, s2;
	s20 =	sadd.s32 $0x240, s8  }
0x36: {  	s8 =	sadd.s32 $0x260, s8;
	[smem:$0x7EA] =	sst s9;
	s9 =	sadd.s32 s22, s1  }
0x37: {  	s21 =	sshll.u32 s20, $0x7;
	s23 =	sshll.u32 s8, $0x7;
	s8 =	sshll.u32 s8, $0x4  }
0x38: {  	[smem:$0x7EB] =	sst s9;
	s9 =	sshll.u32 s24, $0x4;
	s24 =	sadd.s32 s23, s1  }
0x39: {  	v6 =	vlaneseq.u32;
	s22 =	sshll.u32 s20, $0x4;
	s8 =	sadd.s32 s8, s2;
	[smem:$0x7F9] =	sst s24  }
0x3a: {  	v0 =	vmul.u32 $0x80, v6;
	s20 =	simm.s32 $0x6C00;
	s9 =	sadd.s32 s9, s2;
	[smem:$0x7FA] =	sst s8  }
0x3b: {  	v1 =	vimm.f32 $0.0e+00;
	v2 =	vimm.s32 $0x0;
	v6 =	vmul.u32 $0x10, v6;
	s23 =	simm.s32 $0x20;
	[smem:$0x7EE] =	sst s9;
	s9 =	sadd.s32 s10, s1  }
0x3c: {  	v3 =	vor.u32 $0x10, v0;
	v4 =	vor.u32 $0x20, v0;
	v5 =	vor.u32 $0x30, v0;
	s10 =	sshll.u32 s12, $0x4;
	[smem:$0x7EF] =	sst s9;
	s9 =	sadd.s32 s11, s2  }
0x3d: {  	v7 =	vor.u32 $0x40, v0;
	v8 =	vor.u32 $0x50, v0;
	v9 =	vor.u32 $0x60, v0;
	s24 =	simm.s32 $0x9000;
	s14 =	sadd.s32 s10, s2;
	[smem:$0x7F0] =	sst s9  }
0x3e: {  	v10 =	vor.u32 $0x70, v0;
	v11 =	vor.u32 $0x1, v6;
	v12 =	vor.u32 $0x2, v6;
	s10 =	sadd.s32 s16, s1;
	s9 =	sadd.s32 s13, s1;
	[smem:$0x7F2] =	sst s14  }
0x3f: {  	v13 =	vor.u32 $0x3, v6;
	v14 =	vor.u32 $0x4, v6;
	v15 =	vor.u32 $0x5, v6;
	s11 =	simm.s32 $0x6;
	[smem:$0x7F1] =	sst s9;
	s9 =	sshll.u32 s15, $0x4  }
0x40: {  	v16 =	vor.u32 $0x6, v6;
	v17 =	vor.u32 $0x7, v6;
	v18 =	vor.u32 $0x800, v0;
	s16 =	simm.s32 $0x3C00;
	[smem:$0x7F3] =	sst s10;
	s9 =	sadd.s32 s9, s2  }
0x41: {  	v19 =	vor.u32 $0x810, v0;
	v20 =	vor.u32 $0x820, v0;
	v21 =	vor.u32 $0x830, v0;
	s13 =	simm.s32 $0xC00;
	[smem:$0x7F4] =	sst s9;
	s9 =	sadd.s32 s18, s1  }
0x42: {  	v22 =	vor.u32 $0x840, v0;
	v23 =	vor.u32 $0x850, v0;
	v24 =	vor.u32 $0x860, v0;
	s14 =	simm.s32 $0x1;
	[smem:$0x7F5] =	sst s9;
	s9 =	sadd.s32 s19, s2  }
0x43: {  	v25 =	vor.u32 $0x870, v0;
	v26 =	vor.u32 $0x100, v6;
	v27 =	vor.u32 $0x101, v6;
	s15 =	simm.s32 $0x2;
	[smem:$0x7F6] =	sst s9;
	s9 =	sadd.s32 s21, s1  }
0x44: {  	v28 =	vor.u32 $0x102, v6;
	v29 =	vor.u32 $0x103, v6;
	v30 =	vor.u32 $0x104, v6;
	s18 =	simm.s32 $0x5C00;
	[smem:$0x7F7] =	sst s9;
	s9 =	sadd.s32 s22, s2  }
0x45: {  	v31 =	vor.u32 $0x105, v6;
	v32 =	vor.u32 $0x106, v6;
	v33 =	vor.u32 $0x107, v6;
	s19 =	simm.s32 $0x3;
	s22 =	simm.s32 $0x8C00;
	[smem:$0x7F8] =	sst s9  }
.LBB2_1:
0x46: {  	s0 =	simm.s32 $0x6C40  }
0x47: {  	s8 =	simm.s32 $0x7C40;
	[tilespmem:s0+$0xFFFFFFC0] =	vst v1  }
0x48: {  	[tilespmem:s8+$0xFFFFFFC0] =	vst v1  }
0x49: {  	[tilespmem:s0+$0xFFFFFFD0] =	vst v1  }
0x4a: {  	[tilespmem:s8+$0xFFFFFFD0] =	vst v1  }
0x4b: {  	[tilespmem:s0+$0xFFFFFFE0] =	vst v1  }
0x4c: {  	[tilespmem:s8+$0xFFFFFFE0] =	vst v1  }
0x4d: {  	[tilespmem:s0+$0xFFFFFFF0] =	vst v1  }
0x4e: {  	[tilespmem:s8+$0xFFFFFFF0] =	vst v1  }
0x4f: {  	[tilespmem:s0+$0x0] =	vst v1  }
0x50: {  	[tilespmem:s8+$0x0] =	vst v1  }
0x51: {  	[tilespmem:s0+$0x10] =	vst v1  }
0x52: {  	[tilespmem:s8+$0x10] =	vst v1  }
0x53: {  	[tilespmem:s0+$0x20] =	vst v1  }
0x54: {  	[tilespmem:s8+$0x20] =	vst v1  }
0x55: {  	[tilespmem:s0+$0x30] =	vst v1  }
0x56: {  	s10 =	simm.s32 $0x0;
	s9 =	simm.s32 $0x40;
	[tilespmem:s8+$0x30] =	vst v1  }
.LBB2_2:
0x57: {  	p0 =	sne.s32 s9, $0x7C0;
	[tilespmem:s10+$0x8C00] =	vst v1  }
0x58: {  	s0 =	sadd.s32 $0x80, s0;
	[tilespmem:s10+$0x8E00] =	vst v1  }
0x59: {  	s8 =	sadd.s32 $0x80, s8;
	[tilespmem:s0+$0xFFFFFFC0] =	vst v1  }
0x5a: {  	[tilespmem:s8+$0xFFFFFFC0] =	vst v1  }
0x5b: {  	[tilespmem:s0+$0xFFFFFFD0] =	vst v1  }
0x5c: {  	[tilespmem:s8+$0xFFFFFFD0] =	vst v1  }
0x5d: {  	[tilespmem:s0+$0xFFFFFFE0] =	vst v1  }
0x5e: {  	[tilespmem:s8+$0xFFFFFFE0] =	vst v1  }
0x5f: {  	[tilespmem:s0+$0xFFFFFFF0] =	vst v1  }
0x60: {  	[tilespmem:s8+$0xFFFFFFF0] =	vst v1  }
0x61: {  	[tilespmem:s0+$0x0] =	vst v1  }
0x62: {  	[tilespmem:s8+$0x0] =	vst v1  }
0x63: {  	[tilespmem:s0+$0x10] =	vst v1  }
.Ltmp0:
0x64: {  	[tilespmem:s8+$0x10] =	vst v1;
	(pc) =	sbr.rel @p0 .LBB2_2-.Ltmp0, $4  }
0x65: {  	[tilespmem:s0+$0x20] =	vst v1  }
0x66: {  	[tilespmem:s8+$0x20] =	vst v1  }
0x67: {  	[tilespmem:s0+$0x30] =	vst v1  }
0x68: {  	s10 =	sshra.s32 s9, $0x2;
	s9 =	sadd.s32 $0x40, s9;
	[tilespmem:s8+$0x30] =	vst v1  }
0x69: {  	[tilespmem:s10+$0x8C00] =	vst v1  }
0x6a: {  	[tilespmem:s10+$0x8E00] =	vst v1  }
0x6b: {  	[tilespmem:$0x9000] =	vst v2  }
0x6c: {  	[tilespmem:$0x9020] =	vst v2  }
0x6d: {  	[tilespmem:$0x9010] =	vst v2  }
0x6e: {  	s0 =	rddreg [dreg:$0xa];
	[tilespmem:$0x9030] =	vst v2  }
0x6f: {  	[spmem:s0] =	stream.linear.scatter [tilespmem:s20], [sflag:$0x6], $0x1000, $0x38;
	[tilespmem:$0x1F840] =	vst v63  }
0x70: {  	_ =	swait.ge [sflag:s11], $0x1000  }
0x71: {  	[sflag:s11] =	ssyncset.done $0x0  }
0x72: {  	s12 =	rddreg [dreg:$0xb];
	[sflag:s11] =	ssyncadd.s32 $0xFFFFF000  }
0x73: {  	[spmem:s12] =	stream.linear.scatter [tilespmem:s22], [sflag:$0x6], $0x200, $0x38;
	[tilespmem:$0x1F840] =	vst v63  }
0x74: {  	_ =	swait.ge [sflag:s11], $0x200  }
0x75: {  	[sflag:s11] =	ssyncset.done $0x0  }
0x76: {  	s17 =	rddreg [dreg:$0xc];
	[sflag:s11] =	ssyncadd.s32 $0xFFFFFE00  }
0x77: {  	[spmem:s17] =	stream.linear.scatter [tilespmem:s20], [sflag:$0x6], $0x1000, $0x38;
	[tilespmem:$0x1F840] =	vst v63  }
0x78: {  	_ =	swait.ge [sflag:s11], $0x1000  }
0x79: {  	[sflag:s11] =	ssyncset.done $0x0  }
0x7a: {  	s21 =	rddreg [dreg:$0xd];
	[sflag:s11] =	ssyncadd.s32 $0xFFFFF000  }
0x7b: {  	[spmem:s21] =	stream.linear.scatter [tilespmem:s22], [sflag:$0x6], $0x200, $0x38;
	[tilespmem:$0x1F840] =	vst v63  }
0x7c: {  	_ =	swait.ge [sflag:s11], $0x200  }
0x7d: {  	[sflag:s11] =	ssyncset.done $0x0  }
0x7e: {  	s8 =	rddreg [dreg:$0xe];
	[sflag:s11] =	ssyncadd.s32 $0xFFFFFE00  }
0x7f: {  	[spmem:s8] =	stream.linear.scatter [tilespmem:s20], [sflag:$0x6], $0x1000, $0x38;
	[tilespmem:$0x1F840] =	vst v63  }
0x80: {  	_ =	swait.ge [sflag:s11], $0x1000  }
0x81: {  	[sflag:s11] =	ssyncset.done $0x0  }
0x82: {  	s9 =	rddreg [dreg:$0xf];
	[sflag:s11] =	ssyncadd.s32 $0xFFFFF000  }
0x83: {  	[spmem:s9] =	stream.linear.scatter [tilespmem:s22], [sflag:$0x6], $0x200, $0x38;
	[tilespmem:$0x1F840] =	vst v63  }
0x84: {  	_ =	swait.ge [sflag:s11], $0x200  }
0x85: {  	[sflag:s11] =	ssyncset.done $0x0  }
0x86: {  	s10 =	rddreg [dreg:$0x10];
	[sflag:s11] =	ssyncadd.s32 $0xFFFFFE00  }
0x87: {  	[spmem:s10] =	stream.linear.scatter [tilespmem:s20], [sflag:$0x6], $0x1000, $0x38;
	[tilespmem:$0x1F840] =	vst v63  }
0x88: {  	_ =	swait.ge [sflag:s11], $0x1000  }
0x89: {  	[sflag:s11] =	ssyncset.done $0x0  }
0x8a: {  	s12 =	rddreg [dreg:$0x11];
	[sflag:s11] =	ssyncadd.s32 $0xFFFFF000  }
0x8b: {  	[spmem:s12] =	stream.linear.scatter [tilespmem:s22], [sflag:$0x6], $0x200, $0x38;
	[tilespmem:$0x1F840] =	vst v63  }
0x8c: {  	_ =	swait.ge [sflag:s11], $0x200  }
0x8d: {  	[sflag:s11] =	ssyncset.done $0x0  }
0x8e: {  	s17 =	rddreg [dreg:$0x12];
	[sflag:s11] =	ssyncadd.s32 $0xFFFFFE00  }
0x8f: {  	[spmem:s17] =	stream.linear.scatter [tilespmem:s20], [sflag:$0x6], $0x1000, $0x38;
	[tilespmem:$0x1F840] =	vst v63  }
0x90: {  	_ =	swait.ge [sflag:s11], $0x1000  }
0x91: {  	[sflag:s11] =	ssyncset.done $0x0  }
0x92: {  	s21 =	rddreg [dreg:$0x13];
	[sflag:s11] =	ssyncadd.s32 $0xFFFFF000  }
0x93: {  	[spmem:s21] =	stream.linear.scatter [tilespmem:s22], [sflag:$0x6], $0x200, $0x38;
	[tilespmem:$0x1F840] =	vst v63  }
0x94: {  	_ =	swait.ge [sflag:s11], $0x200  }
0x95: {  	[sflag:s11] =	ssyncset.done $0x0  }
0x96: {  	s8 =	rddreg [dreg:$0x14];
	[sflag:s11] =	ssyncadd.s32 $0xFFFFFE00  }
0x97: {  	[spmem:s8] =	stream.linear.scatter [tilespmem:s20], [sflag:$0x6], $0x1000, $0x38;
	[tilespmem:$0x1F840] =	vst v63  }
0x98: {  	_ =	swait.ge [sflag:s11], $0x1000  }
0x99: {  	[sflag:s11] =	ssyncset.done $0x0  }
0x9a: {  	s9 =	rddreg [dreg:$0x15];
	[sflag:s11] =	ssyncadd.s32 $0xFFFFF000  }
0x9b: {  	[spmem:s9] =	stream.linear.scatter [tilespmem:s22], [sflag:$0x6], $0x200, $0x38;
	[tilespmem:$0x1F840] =	vst v63  }
0x9c: {  	_ =	swait.ge [sflag:s11], $0x200  }
0x9d: {  	[sflag:s11] =	ssyncset.done $0x0  }
0x9e: {  	s10 =	rddreg [dreg:$0x16];
	[sflag:s11] =	ssyncadd.s32 $0xFFFFFE00  }
0x9f: {  	[spmem:s10] =	stream.linear.scatter [tilespmem:s20], [sflag:$0x6], $0x1000, $0x38;
	[tilespmem:$0x1F840] =	vst v63  }
0xa0: {  	_ =	swait.ge [sflag:s11], $0x1000  }
0xa1: {  	[sflag:s11] =	ssyncset.done $0x0  }
0xa2: {  	s12 =	rddreg [dreg:$0x17];
	[sflag:s11] =	ssyncadd.s32 $0xFFFFF000  }
0xa3: {  	[spmem:s12] =	stream.linear.scatter [tilespmem:s22], [sflag:$0x6], $0x200, $0x38;
	[tilespmem:$0x1F840] =	vst v63  }
0xa4: {  	_ =	swait.ge [sflag:s11], $0x200  }
0xa5: {  	[sflag:s11] =	ssyncset.done $0x0  }
0xa6: {  	s17 =	rddreg [dreg:$0x18];
	[sflag:s11] =	ssyncadd.s32 $0xFFFFFE00  }
0xa7: {  	[spmem:s17] =	stream.linear.scatter [tilespmem:s20], [sflag:$0x6], $0x1000, $0x38;
	[tilespmem:$0x1F840] =	vst v63  }
0xa8: {  	_ =	swait.ge [sflag:s11], $0x1000  }
0xa9: {  	[sflag:s11] =	ssyncset.done $0x0  }
0xaa: {  	s21 =	rddreg [dreg:$0x19];
	[sflag:s11] =	ssyncadd.s32 $0xFFFFF000  }
0xab: {  	[spmem:s21] =	stream.linear.scatter [tilespmem:s22], [sflag:$0x6], $0x200, $0x38;
	[tilespmem:$0x1F840] =	vst v63  }
0xac: {  	_ =	swait.ge [sflag:s11], $0x200  }
0xad: {  	[sflag:s11] =	ssyncset.done $0x0  }
0xae: {  	s8 =	rddreg [dreg:$0x1a];
	[sflag:s11] =	ssyncadd.s32 $0xFFFFFE00  }
0xaf: {  	[spmem:s8] =	stream.linear.scatter [tilespmem:s20], [sflag:$0x6], $0x1000, $0x38;
	[tilespmem:$0x1F840] =	vst v63  }
0xb0: {  	_ =	swait.ge [sflag:s11], $0x1000  }
0xb1: {  	[sflag:s11] =	ssyncset.done $0x0  }
0xb2: {  	s9 =	rddreg [dreg:$0x1b];
	[sflag:s11] =	ssyncadd.s32 $0xFFFFF000  }
0xb3: {  	[spmem:s9] =	stream.linear.scatter [tilespmem:s22], [sflag:$0x6], $0x200, $0x38;
	[tilespmem:$0x1F840] =	vst v63  }
0xb4: {  	_ =	swait.ge [sflag:s11], $0x200  }
0xb5: {  	[sflag:s11] =	ssyncset.done $0x0  }
0xb6: {  	s10 =	rddreg [dreg:$0x1c];
	[sflag:s11] =	ssyncadd.s32 $0xFFFFFE00  }
0xb7: {  	[spmem:s10] =	stream.linear.scatter [tilespmem:s20], [sflag:$0x6], $0x1000, $0x38;
	[tilespmem:$0x1F840] =	vst v63  }
0xb8: {  	_ =	swait.ge [sflag:s11], $0x1000  }
0xb9: {  	[sflag:s11] =	ssyncset.done $0x0  }
0xba: {  	s12 =	rddreg [dreg:$0x1d];
	[sflag:s11] =	ssyncadd.s32 $0xFFFFF000  }
0xbb: {  	[spmem:s12] =	stream.linear.scatter [tilespmem:s22], [sflag:$0x6], $0x200, $0x38;
	[tilespmem:$0x1F840] =	vst v63  }
0xbc: {  	_ =	swait.ge [sflag:s11], $0x200  }
0xbd: {  	[sflag:s11] =	ssyncset.done $0x0  }
0xbe: {  	s17 =	rddreg [dreg:$0x1e];
	[sflag:s11] =	ssyncadd.s32 $0xFFFFFE00  }
0xbf: {  	[spmem:s17] =	stream.linear.scatter [tilespmem:s20], [sflag:$0x6], $0x1000, $0x38;
	[tilespmem:$0x1F840] =	vst v63  }
0xc0: {  	_ =	swait.ge [sflag:s11], $0x1000  }
0xc1: {  	[sflag:s11] =	ssyncset.done $0x0  }
0xc2: {  	s21 =	rddreg [dreg:$0x1f];
	[sflag:s11] =	ssyncadd.s32 $0xFFFFF000  }
0xc3: {  	[spmem:s21] =	stream.linear.scatter [tilespmem:s22], [sflag:$0x6], $0x200, $0x38;
	[tilespmem:$0x1F840] =	vst v63  }
0xc4: {  	_ =	swait.ge [sflag:s11], $0x200  }
0xc5: {  	s8 =	sld [smem:$0x7E9]  }
0xc6: {  	[sflag:s11] =	ssyncset.done $0x0  }
0xc7: {  	[sflag:s11] =	ssyncadd.s32 $0xFFFFFE00  }
0xc8: {  	[spmem:s8] =	stream.linear.scatter [tilespmem:s20], [sflag:$0x6], $0x1000, $0x38;
	[tilespmem:$0x1F840] =	vst v63  }
0xc9: {  	_ =	swait.ge [sflag:s11], $0x1000  }
0xca: {  	s9 =	sld [smem:$0x7EA]  }
0xcb: {  	[sflag:s11] =	ssyncset.done $0x0  }
0xcc: {  	[sflag:s11] =	ssyncadd.s32 $0xFFFFF000  }
0xcd: {  	[spmem:s9] =	stream.linear.scatter [tilespmem:s22], [sflag:$0x6], $0x200, $0x38;
	[tilespmem:$0x1F840] =	vst v63  }
0xce: {  	_ =	swait.ge [sflag:s11], $0x200  }
0xcf: {  	s10 =	sld [smem:$0x7EB]  }
0xd0: {  	[sflag:s11] =	ssyncset.done $0x0  }
0xd1: {  	[sflag:s11] =	ssyncadd.s32 $0xFFFFFE00  }
0xd2: {  	[spmem:s10] =	stream.linear.scatter [tilespmem:s20], [sflag:$0x6], $0x1000, $0x38;
	[tilespmem:$0x1F840] =	vst v63  }
0xd3: {  	_ =	swait.ge [sflag:s11], $0x1000  }
0xd4: {  	s12 =	sld [smem:$0x7EC]  }
0xd5: {  	[sflag:s11] =	ssyncset.done $0x0  }
0xd6: {  	[sflag:s11] =	ssyncadd.s32 $0xFFFFF000  }
0xd7: {  	[spmem:s12] =	stream.linear.scatter [tilespmem:s22], [sflag:$0x6], $0x200, $0x38;
	[tilespmem:$0x1F840] =	vst v63  }
0xd8: {  	_ =	swait.ge [sflag:s11], $0x200  }
0xd9: {  	s17 =	sld [smem:$0x7ED]  }
0xda: {  	[sflag:s11] =	ssyncset.done $0x0  }
0xdb: {  	[sflag:s11] =	ssyncadd.s32 $0xFFFFFE00  }
0xdc: {  	[spmem:s17] =	stream.linear.scatter [tilespmem:s20], [sflag:$0x6], $0x1000, $0x38;
	[tilespmem:$0x1F840] =	vst v63  }
0xdd: {  	_ =	swait.ge [sflag:s11], $0x1000  }
0xde: {  	s21 =	sld [smem:$0x7EE]  }
0xdf: {  	[sflag:s11] =	ssyncset.done $0x0  }
0xe0: {  	[sflag:s11] =	ssyncadd.s32 $0xFFFFF000  }
0xe1: {  	[spmem:s21] =	stream.linear.scatter [tilespmem:s22], [sflag:$0x6], $0x200, $0x38;
	[tilespmem:$0x1F840] =	vst v63  }
0xe2: {  	_ =	swait.ge [sflag:s11], $0x200  }
0xe3: {  	s8 =	sld [smem:$0x7EF]  }
0xe4: {  	[sflag:s11] =	ssyncset.done $0x0  }
0xe5: {  	[sflag:s11] =	ssyncadd.s32 $0xFFFFFE00  }
0xe6: {  	[spmem:s8] =	stream.linear.scatter [tilespmem:s20], [sflag:$0x6], $0x1000, $0x38;
	[tilespmem:$0x1F840] =	vst v63  }
0xe7: {  	_ =	swait.ge [sflag:s11], $0x1000  }
0xe8: {  	s9 =	sld [smem:$0x7F0]  }
0xe9: {  	[sflag:s11] =	ssyncset.done $0x0  }
0xea: {  	[sflag:s11] =	ssyncadd.s32 $0xFFFFF000  }
0xeb: {  	[spmem:s9] =	stream.linear.scatter [tilespmem:s22], [sflag:$0x6], $0x200, $0x38;
	[tilespmem:$0x1F840] =	vst v63  }
0xec: {  	_ =	swait.ge [sflag:s11], $0x200  }
0xed: {  	s10 =	sld [smem:$0x7F1]  }
0xee: {  	[sflag:s11] =	ssyncset.done $0x0  }
0xef: {  	[sflag:s11] =	ssyncadd.s32 $0xFFFFFE00  }
0xf0: {  	[spmem:s10] =	stream.linear.scatter [tilespmem:s20], [sflag:$0x6], $0x1000, $0x38;
	[tilespmem:$0x1F840] =	vst v63  }
0xf1: {  	_ =	swait.ge [sflag:s11], $0x1000  }
0xf2: {  	s12 =	sld [smem:$0x7F2]  }
0xf3: {  	[sflag:s11] =	ssyncset.done $0x0  }
0xf4: {  	[sflag:s11] =	ssyncadd.s32 $0xFFFFF000  }
0xf5: {  	[spmem:s12] =	stream.linear.scatter [tilespmem:s22], [sflag:$0x6], $0x200, $0x38;
	[tilespmem:$0x1F840] =	vst v63  }
0xf6: {  	_ =	swait.ge [sflag:s11], $0x200  }
0xf7: {  	s17 =	sld [smem:$0x7F3]  }
0xf8: {  	[sflag:s11] =	ssyncset.done $0x0  }
0xf9: {  	[sflag:s11] =	ssyncadd.s32 $0xFFFFFE00  }
0xfa: {  	[spmem:s17] =	stream.linear.scatter [tilespmem:s20], [sflag:$0x6], $0x1000, $0x38;
	[tilespmem:$0x1F840] =	vst v63  }
0xfb: {  	_ =	swait.ge [sflag:s11], $0x1000  }
0xfc: {  	s21 =	sld [smem:$0x7F4]  }
0xfd: {  	[sflag:s11] =	ssyncset.done $0x0  }
0xfe: {  	[sflag:s11] =	ssyncadd.s32 $0xFFFFF000  }
0xff: {  	[spmem:s21] =	stream.linear.scatter [tilespmem:s22], [sflag:$0x6], $0x200, $0x38;
	[tilespmem:$0x1F840] =	vst v63  }
0x100: {  	_ =	swait.ge [sflag:s11], $0x200  }
0x101: {  	s8 =	sld [smem:$0x7F5]  }
0x102: {  	[sflag:s11] =	ssyncset.done $0x0  }
0x103: {  	[sflag:s11] =	ssyncadd.s32 $0xFFFFFE00  }
0x104: {  	[spmem:s8] =	stream.linear.scatter [tilespmem:s20], [sflag:$0x6], $0x1000, $0x38;
	[tilespmem:$0x1F840] =	vst v63  }
0x105: {  	_ =	swait.ge [sflag:s11], $0x1000  }
0x106: {  	s9 =	sld [smem:$0x7F6]  }
0x107: {  	[sflag:s11] =	ssyncset.done $0x0  }
0x108: {  	[sflag:s11] =	ssyncadd.s32 $0xFFFFF000  }
0x109: {  	[spmem:s9] =	stream.linear.scatter [tilespmem:s22], [sflag:$0x6], $0x200, $0x38;
	[tilespmem:$0x1F840] =	vst v63  }
0x10a: {  	_ =	swait.ge [sflag:s11], $0x200  }
0x10b: {  	s10 =	sld [smem:$0x7F7]  }
0x10c: {  	[sflag:s11] =	ssyncset.done $0x0  }
0x10d: {  	[sflag:s11] =	ssyncadd.s32 $0xFFFFFE00  }
0x10e: {  	[spmem:s10] =	stream.linear.scatter [tilespmem:s20], [sflag:$0x6], $0x1000, $0x38;
	[tilespmem:$0x1F840] =	vst v63  }
0x10f: {  	_ =	swait.ge [sflag:s11], $0x1000  }
0x110: {  	s12 =	sld [smem:$0x7F8]  }
0x111: {  	[sflag:s11] =	ssyncset.done $0x0  }
0x112: {  	[sflag:s11] =	ssyncadd.s32 $0xFFFFF000  }
0x113: {  	[spmem:s12] =	stream.linear.scatter [tilespmem:s22], [sflag:$0x6], $0x200, $0x38;
	[tilespmem:$0x1F840] =	vst v63  }
0x114: {  	_ =	swait.ge [sflag:s11], $0x200  }
0x115: {  	s17 =	sld [smem:$0x7F9]  }
0x116: {  	[sflag:s11] =	ssyncset.done $0x0  }
0x117: {  	[sflag:s11] =	ssyncadd.s32 $0xFFFFFE00  }
0x118: {  	[spmem:s17] =	stream.linear.scatter [tilespmem:s20], [sflag:$0x6], $0x1000, $0x38;
	[tilespmem:$0x1F840] =	vst v63  }
0x119: {  	_ =	swait.ge [sflag:s11], $0x1000  }
0x11a: {  	s21 =	sld [smem:$0x7FA]  }
0x11b: {  	[sflag:s11] =	ssyncset.done $0x0  }
0x11c: {  	[sflag:s11] =	ssyncadd.s32 $0xFFFFF000  }
0x11d: {  	[spmem:s21] =	stream.linear.scatter [tilespmem:s22], [sflag:$0x6], $0x200, $0x38;
	[tilespmem:$0x1F840] =	vst v63  }
0x11e: {  	_ =	swait.ge [sflag:s11], $0x200  }
0x11f: {  	[sflag:s11] =	ssyncset.done $0x0  }
0x120: {  	[sflag:s11] =	ssyncadd.s32 $0xFFFFFE00  }
0x121: {  	[bflag:$0x0] =	sbarrier.arrive $0xFFFF  }
0x122: {  	[spmem:s1] =	stream.indirect.scatter.add.f32 [tilespmem:s20], [sflag:$0x3], $0x80, s24, s23, $0xb8;
	[tilespmem:$0x1F840] =	vst v63  }
0x123: {  	_ = 	snop  }
0x124: {  	[spmem:s2] =	stream.indirect.scatter.add.f32 [tilespmem:s22], [sflag:$0x3], $0x10, s24, s23, $0xb8;
	[tilespmem:$0x1F840] =	vst v63  }
0x125: {  	_ = 	snop  }
0x126: {  	[spmem:s1] =	stream.indirect.scatter.add.f32 [tilespmem:s26], [sflag:$0x4], $0x80, s25, s23, $0xb8;
	[tilespmem:$0x1F840] =	vst v63  }
0x127: {  	s0 =	simm.s32 $0x0  }
0x128: {  	[spmem:s2] =	stream.indirect.scatter.add.f32 [tilespmem:s28], [sflag:$0x4], $0x10, s25, s23, $0xb8;
	[tilespmem:$0x1F840] =	vst v63  }
.LBB2_4:
0x129: {  	s9 =	sshll.u32 s0, $0x9;
	s8 =	rddreg [dreg:$0x9]  }
0x12a: {  	[smem:$0x7E8] =	sst s0;
	s0 =	sadd.s32 s8, s9  }
0x12b: {  	s10 =	rddreg [dreg:$0x6];
	s0 =	sshrl.u32 s0, $0x3  }
0x12c: {  	s11 =	rddreg [dreg:$0x7];
	s8 =	sadd.s32 s10, s0;
	s10 =	simm.s32 $0x0  }
0x12d: {  	[tilespmem:s10], [sflag:$0x5] =	stream.linear.gather [hbm4b:s8+s10], $0x200, $0x38;
	[tilespmem:$0x1F840] =	vst v63  }
0x12e: {  	s12 =	rddreg [dreg:$0x8];
	s9 =	simm.s32 $0x200;
	s8 =	sadd.s32 s11, s0  }
0x12f: {  	[tilespmem:s9], [sflag:$0x5] =	stream.linear.gather [hbm4b:s8+s10], $0x200, $0x38;
	[tilespmem:$0x1F840] =	vst v63  }
0x130: {  	s17 =	simm.s32 $0x400;
	s0 =	sadd.s32 s12, s0  }
0x131: {  	[tilespmem:s17], [sflag:$0x5] =	stream.linear.gather [hbm4b:s0+s10], $0x200, $0x38;
	[tilespmem:$0x1F840] =	vst v63  }
0x132: {  	_ =	swait.ge [sflag:s31], $0x200  }
0x133: {  	[sflag:s31] =	ssyncset.done $0x0  }
0x134: {  	[sflag:s31] =	ssyncadd.s32 $0xFFFFFE00  }
0x135: {  	_ =	swait.ge [sflag:s31], $0x200  }
0x136: {  	[sflag:s31] =	ssyncset.done $0x0  }
0x137: {  	[sflag:s31] =	ssyncadd.s32 $0xFFFFFE00  }
0x138: {  	_ =	swait.ge [sflag:s31], $0x200  }
0x139: {  	s21 =	simm.s32 $0x600;
	[sflag:s31] =	ssyncset.done $0x0  }
0x13a: {  	s8 =	simm.s32 $0x80;
	s0 =	rddreg [dreg:$0x5];
	[sflag:s31] =	ssyncadd.s32 $0xFFFFFE00  }
0x13b: {  	[tilespmem:s21], [sflag:$0x5] =	stream.indirect.gather [hbm4b:s0+s8], $0x1, s10, s8, $0xb8;
	[tilespmem:$0x1F840] =	vst v63  }
0x13c: {  	s10 =	simm.s32 $0x680  }
0x13d: {  	[tilespmem:s10], [sflag:$0x5] =	stream.indirect.gather [hbm4b:s0+s8], $0x1, s8, s8, $0xb8;
	[tilespmem:$0x1F840] =	vst v63  }
0x13e: {  	s11 =	simm.s32 $0x100;
	s12 =	simm.s32 $0x700  }
0x13f: {  	[tilespmem:s12], [sflag:$0x5] =	stream.indirect.gather [hbm4b:s0+s8], $0x1, s11, s8, $0xb8;
	[tilespmem:$0x1F840] =	vst v63  }
0x140: {  	s17 =	simm.s32 $0x180;
	s21 =	simm.s32 $0x780  }
0x141: {  	[tilespmem:s21], [sflag:$0x5] =	stream.indirect.gather [hbm4b:s0+s8], $0x1, s17, s8, $0xb8;
	[tilespmem:$0x1F840] =	vst v63  }
0x142: {  	_ =	swait.ge [sflag:s31], $0x80  }
0x143: {  	[sflag:s31] =	ssyncset.done $0x0  }
0x144: {  	[sflag:s31] =	ssyncadd.s32 $0xFFFFFF80  }
0x145: {  	_ =	swait.ge [sflag:s31], $0x80  }
0x146: {  	[sflag:s31] =	ssyncset.done $0x0  }
0x147: {  	[sflag:s31] =	ssyncadd.s32 $0xFFFFFF80  }
0x148: {  	_ =	swait.ge [sflag:s31], $0x80  }
0x149: {  	[sflag:s31] =	ssyncset.done $0x0  }
0x14a: {  	[sflag:s31] =	ssyncadd.s32 $0xFFFFFF80  }
0x14b: {  	_ =	swait.ge [sflag:s31], $0x80  }
0x14c: {  	[sflag:s31] =	ssyncset.done $0x0  }
0x14d: {  	s8 =	simm.s32 $0x0;
	[sflag:s31] =	ssyncadd.s32 $0xFFFFFF80  }
0x14e: {  	v34 =	vld [tilespmem:s8+$0x600]  }
0x14f: {  	v36 =	vld [tilespmem:s8+$0x400];
	_ =	sdelay $0x2  }
0x150: {  	v37 =	vld [tilespmem:s8+$0x200]  }
0x151: {  	s0 =	simm.s32 $0x10;
	v34 =	vshll.u32 v34, $0x2  }
0x152: {  	v35 =	vld [tilespmem:s0+$0x600];
	v34 =	vadd.s32 v36, v34  }
0x153: {  	v38 =	vmul.u32 $0x2710, v36;
	v36 =	vld [tilespmem:s0+$0x400];
	v34 =	vmul.u32 $0x2710, v34;
	_ =	sdelay $0x1  }
0x154: {  	v39 =	vadd.s32 v37, v34  }
0x155: {  	s10 =	simm.s32 $0x80;
	v34 =	vld [tilespmem:s0+$0x200];
	v37 =	vadd.s32 v37, v38;
	[tilespmem:s8+$0x800] =	vst v39  }
.LBB2_5:
0x156: {  	s9 =	sshra.s32 s10, $0x2;
	p0 =	sne.s32 s10, $0x7C0;
	s10 =	sadd.s32 $0x40, s10;
	v38 =	vshll.u32 v35, $0x2;
	[tilespmem:s8+$0xA00] =	vst v37  }
.Ltmp1:
0x157: {  	s8 =	smov.u32 s0;
	v35 =	vld [tilespmem:s9+$0x600];
	v37 =	vadd.s32 v36, v38;
	v38 =	vmul.u32 $0x2710, v36;
	s0 =	smov.u32 s9;
	(pc) =	sbr.rel @p0 .LBB2_5-.Ltmp1, $3  }
0x158: {  	v36 =	vld [tilespmem:s0+$0x400];
	v37 =	vmul.u32 $0x2710, v37;
	_ =	sdelay $0x1  }
0x159: {  	v39 =	vadd.s32 v34, v37;
	v37 =	vadd.s32 v34, v38  }
0x15a: {  	v34 =	vld [tilespmem:s0+$0x200];
	[tilespmem:s8+$0x800] =	vst v39  }
0x15b: {  	v35 =	vshll.u32 v35, $0x2  }
0x15c: {  	v35 =	vadd.s32 v36, v35  }
0x15d: {  	v35 =	vmul.u32 $0x2710, v35  }
0x15e: {  	v62 =	vmul.u32 $0x2710, v36  }
0x15f: {  	[tilespmem:s8+$0xA00] =	vst v37;
	v35 =	vadd.s32 v34, v35  }
0x160: {  	v63 =	vadd.s32 v34, v62;
	[tilespmem:s0+$0x800] =	vst v35  }
0x161: {  	s10 =	simm.s32 $0x0;
	[tilespmem:s0+$0xA00] =	vst v63  }
0x162: {  	[tilespmem:s13], [sflag:$0x1] =	stream.indirect.gather [hbm4b:s5+s23], $0x80, s10, s23, $0xb8;
	[tilespmem:$0x1F840] =	vst v63  }
0x163: {  	s11 =	simm.s32 $0x800  }
0x164: {  	[tilespmem:s4], [sflag:$0x1] =	stream.indirect.gather [hbm4b:s6+s23], $0x80, s11, s23, $0xb8;
	[tilespmem:$0x1F840] =	vst v63  }
0x165: {  	s12 =	simm.s32 $0xA00  }
0x166: {  	[tilespmem:s30], [sflag:$0x1] =	stream.indirect.gather [hbm4b:s7+s23], $0x80, s12, s23, $0xb8;
	[tilespmem:$0x1F840] =	vst v63  }
0x167: {  	_ = 	snop  }
0x168: {  	[tilespmem:s3], [sflag:$0x2] =	stream.indirect.gather [hbm4b:s5+s23], $0x80, s23, s23, $0xb8;
	[tilespmem:$0x1F840] =	vst v63  }
0x169: {  	s17 =	simm.s32 $0x820  }
0x16a: {  	[tilespmem:s16], [sflag:$0x2] =	stream.indirect.gather [hbm4b:s6+s23], $0x80, s17, s23, $0xb8;
	[tilespmem:$0x1F840] =	vst v63  }
0x16b: {  	s21 =	simm.s32 $0xA20;
	s11 =	simm.s32 $0x0  }
0x16c: {  	[tilespmem:s18], [sflag:$0x2] =	stream.indirect.gather [hbm4b:s7+s23], $0x80, s21, s23, $0xb8;
	[tilespmem:$0x1F840] =	vst v63  }
.LBB2_7:
0x16d: {  	_ =	swait.ge [sflag:s19], $0x1000  }
0x16e: {  	[sflag:s19] =	ssyncset.done $0x0  }
0x16f: {  	[sflag:s19] =	ssyncadd.s32 $0xFFFFF000  }
0x170: {  	_ =	swait.ge [sflag:s19], $0x200  }
0x171: {  	[sflag:s19] =	ssyncset.done $0x0  }
0x172: {  	[sflag:s19] =	ssyncadd.s32 $0xFFFFFE00  }
0x173: {  	_ =	swait.ge [sflag:s14], $0x1000  }
0x174: {  	[sflag:s14] =	ssyncset.done $0x0  }
0x175: {  	[sflag:s14] =	ssyncadd.s32 $0xFFFFF000  }
0x176: {  	_ =	swait.ge [sflag:s14], $0x1000  }
0x177: {  	[sflag:s14] =	ssyncset.done $0x0  }
0x178: {  	[sflag:s14] =	ssyncadd.s32 $0xFFFFF000  }
0x179: {  	_ =	swait.ge [sflag:s14], $0x1000  }
0x17a: {  	[sflag:s14] =	ssyncset.done $0x0  }
0x17b: {  	s12 =	sshll.u32 s11, $0x6;
	[sflag:s14] =	ssyncadd.s32 $0xFFFFF000  }
0x17c: {  	v34 =	vld [tilespmem:s12+$0x0];
	_ =	sdelay $0x4  }
0x17d: {  	[tilespmem:$0x9000] =	vst v34  }
0x17e: {  	v34 =	vld [tilespmem:s12+$0x10]  }
0x17f: {  	v35 =	vor.u32 s10, v10;
	_ =	sdelay $0x1  }
0x180: {  	v36 =	vor.u32 s10, v9;
	_ =	sdelay $0x1  }
0x181: {  	v63 =	vor.u32 s10, v8;
	[tilespmem:$0x9010] =	vst v34  }
0x182: {  	v38 =	vld.idx.msk [tilespmem:v35+s13+$0x0], $0xffff  }
0x183: {  	v37 =	vor.u32 s10, v7;
	v40 =	vld.idx.msk [tilespmem:v35+s4+$0x0], $0xffff  }
0x184: {  	v35 =	vld.idx.msk [tilespmem:v36+s13+$0x0], $0xffff  }
0x185: {  	v41 =	vor.u32 s10, v5;
	v39 =	vld.idx.msk [tilespmem:v36+s4+$0x0], $0xffff  }
0x186: {  	v44 =	vld.idx.msk [tilespmem:v63+s13+$0x0], $0xffff  }
0x187: {  	v53 =	vor.u32 s10, v4;
	v48 =	vld.idx.msk [tilespmem:v63+s4+$0x0], $0xffff  }
0x188: {  	v46 =	vld.idx.msk [tilespmem:v37+s13+$0x0], $0xffff  }
0x189: {  	v54 =	vor.u32 s10, v3;
	v50 =	vld.idx.msk [tilespmem:v37+s4+$0x0], $0xffff  }
0x18a: {  	v55 =	vor.u32 s10, v0;
	v42 =	vimm.f32 $0.0e+00;
	v43 =	vimm.f32 $0.0e+00;
	v49 =	vld.idx.msk [tilespmem:v41+s13+$0x0], $0xffff  }
0x18b: {  	v47 =	vimm.f32 $0.0e+00;
	v45 =	vimm.f32 $0.0e+00;
	v34 =	vimm.f32 $0.0e+00;
	v51 =	vld.idx.msk [tilespmem:v41+s4+$0x0], $0xffff  }
0x18c: {  	s0 =	simm.s32 $0x1;
	v37 =	vimm.f32 $0.0e+00;
	v36 =	vimm.f32 $0.0e+00;
	v41 =	vimm.f32 $0.0e+00;
	v52 =	vld.idx.msk [tilespmem:v53+s13+$0x0], $0xffff  }
.LBB2_8:
0x18d: {  	v56 =	vor.u32 s0, v10;
	p0 =	sne.s32 s0, $0xF;
	v53 =	vld.idx.msk [tilespmem:v53+s4+$0x0], $0xffff  }
0x18e: {  	v57 =	vld.idx.msk [tilespmem:v54+s13+$0x0], $0xffff  }
0x18f: {  	v58 =	vor.u32 s0, v9;
	v54 =	vld.idx.msk [tilespmem:v54+s4+$0x0], $0xffff  }
0x190: {  	v59 =	vld.idx.msk [tilespmem:v55+s13+$0x0], $0xffff  }
0x191: {  	v60 =	vor.u32 s0, v8;
	v55 =	vld.idx.msk [tilespmem:v55+s4+$0x0], $0xffff  }
0x192: {  	v61 =	vmul.f32 v40, v38;
	v38 =	vld.idx.msk [tilespmem:v56+s13+$0x0], $0xffff  }
0x193: {  	v62 =	vor.u32 s0, v7;
	v44 =	vmul.f32 v48, v44;
	v48 =	vmul.f32 v39, v35;
	v40 =	vld.idx.msk [tilespmem:v56+s4+$0x0], $0xffff  }
0x194: {  	v46 =	vmul.f32 v50, v46;
	v34 =	vadd.f32 v61, v34;
	v35 =	vld.idx.msk [tilespmem:v58+s13+$0x0], $0xffff  }
0x195: {  	v37 =	vadd.f32 v44, v37;
	v36 =	vadd.f32 v48, v36;
	v56 =	vor.u32 s0, v5;
	v39 =	vld.idx.msk [tilespmem:v58+s4+$0x0], $0xffff  }
0x196: {  	v49 =	vmul.f32 v51, v49;
	v41 =	vadd.f32 v46, v41;
	v50 =	vmul.f32 v53, v52;
	v44 =	vld.idx.msk [tilespmem:v60+s13+$0x0], $0xffff  }
0x197: {  	v53 =	vor.u32 s0, v4;
	v52 =	vmul.f32 v54, v57;
	v51 =	vmul.f32 v55, v59;
	v48 =	vld.idx.msk [tilespmem:v60+s4+$0x0], $0xffff  }
.Ltmp2:
0x198: {  	v43 =	vadd.f32 v49, v43;
	v42 =	vadd.f32 v50, v42;
	v46 =	vld.idx.msk [tilespmem:v62+s13+$0x0], $0xffff;
	(pc) =	sbr.rel @p0 .LBB2_8-.Ltmp2, $4  }
0x199: {  	v54 =	vor.u32 s0, v3;
	v45 =	vadd.f32 v52, v45;
	v47 =	vadd.f32 v51, v47;
	v50 =	vld.idx.msk [tilespmem:v62+s4+$0x0], $0xffff  }
0x19a: {  	v49 =	vld.idx.msk [tilespmem:v56+s13+$0x0], $0xffff  }
0x19b: {  	v55 =	vor.u32 s0, v0;
	v51 =	vld.idx.msk [tilespmem:v56+s4+$0x0], $0xffff  }
0x19c: {  	s0 =	sadd.s32 $0x1, s0;
	v52 =	vld.idx.msk [tilespmem:v53+s13+$0x0], $0xffff  }
0x19d: {  	_ =	sdelay $0x3  }
0x19e: {  	v56 =	vld.idx.msk [tilespmem:v54+s13+$0x0], $0xffff  }
0x19f: {  	v57 =	vld.idx.msk [tilespmem:v55+s13+$0x0], $0xffff  }
0x1a0: {  	v60 =	vld.idx.msk [tilespmem:v55+s4+$0x0], $0xffff  }
0x1a1: {  	v61 =	vld.idx.msk [tilespmem:v54+s4+$0x0], $0xffff  }
0x1a2: {  	v53 =	vld.idx.msk [tilespmem:v53+s4+$0x0], $0xffff;
	_ =	sdelay $0x2  }
0x1a3: {  	v55 =	vmul.f32 v60, v57  }
0x1a4: {  	v54 =	vmul.f32 v61, v56  }
0x1a5: {  	v38 =	vmul.f32 v40, v38;
	v62 =	vmul.f32 v53, v52;
	v47 =	vadd.f32 v55, v47  }
0x1a6: {  	v44 =	vmul.f32 v48, v44;
	v63 =	vmul.f32 v51, v49;
	v45 =	vadd.f32 v54, v45  }
0x1a7: {  	v46 =	vmul.f32 v50, v46;
	v40 =	vadd.f32 v62, v42;
	v47 =	vmul.f32 $1.442695020e+00, v47  }
0x1a8: {  	v35 =	vmul.f32 v39, v35;
	v48 =	vadd.f32 v63, v43;
	v49 =	vmul.f32 $1.442695020e+00, v45  }
0x1a9: {  	v41 =	vadd.f32 v46, v41;
	v40 =	vmul.f32 $1.442695020e+00, v40;
	(erf) = vpow2.f32 v47  }
0x1aa: {  	v37 =	vadd.f32 v44, v37;
	v39 =	vmul.f32 $1.442695020e+00, v48;
	(erf) = vpow2.f32 v49  }
0x1ab: {  	v35 =	vadd.f32 v35, v36;
	v50 =	vmul.f32 $1.442695020e+00, v41;
	(erf) = vpow2.f32 v40  }
0x1ac: {  	v34 =	vadd.f32 v38, v34;
	v37 =	vmul.f32 $1.442695020e+00, v37;
	(erf) = vpow2.f32 v39  }
0x1ad: {  	v35 =	vmul.f32 $1.442695020e+00, v35;
	(erf) = vpow2.f32 v50  }
0x1ae: {  	v34 =	vmul.f32 $1.442695020e+00, v34;
	(erf) = vpow2.f32 v37  }
0x1af: {  	(erf) = vpow2.f32 v35  }
0x1b0: {  	(erf) = vpow2.f32 v34;
	_ =	sdelay $0x1  }
0x1b1: {  	v51 =	vpop (erf)  }
0x1b2: {  	v52 =	vpop (erf);
	[tilespmem:v6+s22+$0x0] =	vst.idx.msk $0xffff, v51  }
0x1b3: {  	v53 =	vpop (erf);
	[tilespmem:v11+s22+$0x0] =	vst.idx.msk $0xffff, v52  }
0x1b4: {  	s0 =	simm.s32 $0x0;
	v54 =	vpop (erf);
	[tilespmem:v12+s22+$0x0] =	vst.idx.msk $0xffff, v53  }
0x1b5: {  	v56 =	vor.u32 s0, v25;
	v55 =	vpop (erf);
	[tilespmem:v13+s22+$0x0] =	vst.idx.msk $0xffff, v54  }
0x1b6: {  	v57 =	vpop (erf);
	[tilespmem:v14+s22+$0x0] =	vst.idx.msk $0xffff, v55  }
0x1b7: {  	v59 =	vor.u32 s0, v24;
	v58 =	vpop (erf);
	[tilespmem:v15+s22+$0x0] =	vst.idx.msk $0xffff, v57  }
0x1b8: {  	[tilespmem:v16+s22+$0x0] =	vst.idx.msk $0xffff, v58;
	v60 =	vpop (erf)  }
0x1b9: {  	v61 =	vor.u32 s0, v23;
	[tilespmem:v17+s22+$0x0] =	vst.idx.msk $0xffff, v60  }
0x1ba: {  	v38 =	vld.idx.msk [tilespmem:v56+s13+$0x0], $0xffff  }
0x1bb: {  	v62 =	vor.u32 s0, v22;
	v40 =	vld.idx.msk [tilespmem:v56+s4+$0x0], $0xffff  }
0x1bc: {  	v35 =	vld.idx.msk [tilespmem:v59+s13+$0x0], $0xffff  }
0x1bd: {  	v63 =	vor.u32 s0, v21;
	v39 =	vld.idx.msk [tilespmem:v59+s4+$0x0], $0xffff  }
0x1be: {  	v44 =	vld.idx.msk [tilespmem:v61+s13+$0x0], $0xffff  }
0x1bf: {  	v53 =	vor.u32 s0, v20;
	v48 =	vld.idx.msk [tilespmem:v61+s4+$0x0], $0xffff  }
0x1c0: {  	v46 =	vld.idx.msk [tilespmem:v62+s13+$0x0], $0xffff  }
0x1c1: {  	v54 =	vor.u32 s0, v19;
	v50 =	vld.idx.msk [tilespmem:v62+s4+$0x0], $0xffff  }
0x1c2: {  	v36 =	vimm.f32 $0.0e+00;
	v41 =	vimm.f32 $0.0e+00;
	v43 =	vimm.f32 $0.0e+00;
	v49 =	vld.idx.msk [tilespmem:v63+s13+$0x0], $0xffff  }
0x1c3: {  	v42 =	vimm.f32 $0.0e+00;
	v45 =	vimm.f32 $0.0e+00;
	v55 =	vor.u32 s0, v18;
	v51 =	vld.idx.msk [tilespmem:v63+s4+$0x0], $0xffff  }
0x1c4: {  	v47 =	vimm.f32 $0.0e+00;
	v37 =	vimm.f32 $0.0e+00;
	v34 =	vimm.f32 $0.0e+00;
	s0 =	simm.s32 $0x1;
	v52 =	vld.idx.msk [tilespmem:v53+s13+$0x0], $0xffff  }
.LBB2_10:
0x1c5: {  	v56 =	vor.u32 s0, v25;
	p0 =	sne.s32 s0, $0xF;
	v53 =	vld.idx.msk [tilespmem:v53+s4+$0x0], $0xffff  }
0x1c6: {  	v57 =	vld.idx.msk [tilespmem:v54+s13+$0x0], $0xffff  }
0x1c7: {  	v58 =	vor.u32 s0, v24;
	v54 =	vld.idx.msk [tilespmem:v54+s4+$0x0], $0xffff  }
0x1c8: {  	v59 =	vld.idx.msk [tilespmem:v55+s13+$0x0], $0xffff  }
0x1c9: {  	v60 =	vor.u32 s0, v23;
	v55 =	vld.idx.msk [tilespmem:v55+s4+$0x0], $0xffff  }
0x1ca: {  	v61 =	vmul.f32 v40, v38;
	v38 =	vld.idx.msk [tilespmem:v56+s13+$0x0], $0xffff  }
0x1cb: {  	v62 =	vor.u32 s0, v22;
	v44 =	vmul.f32 v48, v44;
	v48 =	vmul.f32 v39, v35;
	v40 =	vld.idx.msk [tilespmem:v56+s4+$0x0], $0xffff  }
0x1cc: {  	v46 =	vmul.f32 v50, v46;
	v34 =	vadd.f32 v61, v34;
	v35 =	vld.idx.msk [tilespmem:v58+s13+$0x0], $0xffff  }
0x1cd: {  	v37 =	vadd.f32 v44, v37;
	v36 =	vadd.f32 v48, v36;
	v56 =	vor.u32 s0, v21;
	v39 =	vld.idx.msk [tilespmem:v58+s4+$0x0], $0xffff  }
0x1ce: {  	v49 =	vmul.f32 v51, v49;
	v41 =	vadd.f32 v46, v41;
	v50 =	vmul.f32 v53, v52;
	v44 =	vld.idx.msk [tilespmem:v60+s13+$0x0], $0xffff  }
0x1cf: {  	v53 =	vor.u32 s0, v20;
	v52 =	vmul.f32 v54, v57;
	v51 =	vmul.f32 v55, v59;
	v48 =	vld.idx.msk [tilespmem:v60+s4+$0x0], $0xffff  }
.Ltmp3:
0x1d0: {  	v43 =	vadd.f32 v49, v43;
	v42 =	vadd.f32 v50, v42;
	v46 =	vld.idx.msk [tilespmem:v62+s13+$0x0], $0xffff;
	(pc) =	sbr.rel @p0 .LBB2_10-.Ltmp3, $4  }
0x1d1: {  	v54 =	vor.u32 s0, v19;
	v45 =	vadd.f32 v52, v45;
	v47 =	vadd.f32 v51, v47;
	v50 =	vld.idx.msk [tilespmem:v62+s4+$0x0], $0xffff  }
0x1d2: {  	v49 =	vld.idx.msk [tilespmem:v56+s13+$0x0], $0xffff  }
0x1d3: {  	v55 =	vor.u32 s0, v18;
	v51 =	vld.idx.msk [tilespmem:v56+s4+$0x0], $0xffff  }
0x1d4: {  	s0 =	sadd.s32 $0x1, s0;
	v52 =	vld.idx.msk [tilespmem:v53+s13+$0x0], $0xffff  }
0x1d5: {  	_ =	sdelay $0x3  }
0x1d6: {  	v56 =	vld.idx.msk [tilespmem:v54+s13+$0x0], $0xffff  }
0x1d7: {  	v57 =	vld.idx.msk [tilespmem:v55+s13+$0x0], $0xffff  }
0x1d8: {  	v63 =	vld.idx.msk [tilespmem:v55+s4+$0x0], $0xffff  }
0x1d9: {  	v58 =	vld.idx.msk [tilespmem:v54+s4+$0x0], $0xffff  }
0x1da: {  	v53 =	vld.idx.msk [tilespmem:v53+s4+$0x0], $0xffff;
	_ =	sdelay $0x2  }
0x1db: {  	v55 =	vmul.f32 v63, v57  }
0x1dc: {  	v54 =	vmul.f32 v58, v56  }
0x1dd: {  	v38 =	vmul.f32 v40, v38;
	v59 =	vmul.f32 v53, v52;
	v47 =	vadd.f32 v55, v47  }
0x1de: {  	v44 =	vmul.f32 v48, v44;
	v60 =	vmul.f32 v51, v49;
	v45 =	vadd.f32 v54, v45  }
0x1df: {  	v46 =	vmul.f32 v50, v46;
	v40 =	vadd.f32 v59, v42;
	v61 =	vmul.f32 $1.442695020e+00, v47  }
0x1e0: {  	v35 =	vmul.f32 v39, v35;
	v62 =	vadd.f32 v60, v43;
	v63 =	vmul.f32 $1.442695020e+00, v45  }
0x1e1: {  	v41 =	vadd.f32 v46, v41;
	v40 =	vmul.f32 $1.442695020e+00, v40;
	(erf) = vpow2.f32 v61  }
0x1e2: {  	v37 =	vadd.f32 v44, v37;
	v39 =	vmul.f32 $1.442695020e+00, v62;
	(erf) = vpow2.f32 v63  }
0x1e3: {  	v35 =	vadd.f32 v35, v36;
	v41 =	vmul.f32 $1.442695020e+00, v41;
	(erf) = vpow2.f32 v40  }
0x1e4: {  	v34 =	vadd.f32 v38, v34;
	v37 =	vmul.f32 $1.442695020e+00, v37;
	(erf) = vpow2.f32 v39  }
0x1e5: {  	v35 =	vmul.f32 $1.442695020e+00, v35;
	(erf) = vpow2.f32 v41  }
0x1e6: {  	v34 =	vmul.f32 $1.442695020e+00, v34;
	(erf) = vpow2.f32 v37  }
0x1e7: {  	(erf) = vpow2.f32 v35  }
0x1e8: {  	(erf) = vpow2.f32 v34;
	_ =	sdelay $0x1  }
0x1e9: {  	v42 =	vpop (erf)  }
0x1ea: {  	v43 =	vpop (erf);
	[tilespmem:v26+s22+$0x0] =	vst.idx.msk $0xffff, v42  }
0x1eb: {  	v44 =	vpop (erf);
	[tilespmem:v27+s22+$0x0] =	vst.idx.msk $0xffff, v43  }
0x1ec: {  	s0 =	simm.s32 $0x0;
	v45 =	vpop (erf);
	[tilespmem:v28+s22+$0x0] =	vst.idx.msk $0xffff, v44  }
0x1ed: {  	v47 =	vmov s0;
	v46 =	vpop (erf);
	[tilespmem:v29+s22+$0x0] =	vst.idx.msk $0xffff, v45  }
0x1ee: {  	v48 =	vpop (erf);
	[tilespmem:v30+s22+$0x0] =	vst.idx.msk $0xffff, v46  }
0x1ef: {  	v49 =	vpop (erf);
	[tilespmem:v31+s22+$0x0] =	vst.idx.msk $0xffff, v48  }
0x1f0: {  	[tilespmem:v32+s22+$0x0] =	vst.idx.msk $0xffff, v49;
	v50 =	vpop (erf)  }
0x1f1: {  	[tilespmem:v33+s22+$0x0] =	vst.idx.msk $0xffff, v50  }
0x1f2: {  	s0 =	simm.s32 $0x4C40;
	v34 =	vld.idx.msk [tilespmem:v47+s22+$0x0], $0xffff  }
0x1f3: {  	v36 =	vld [tilespmem:s0+$0xFFFFFFC0];
	_ =	sdelay $0x2  }
0x1f4: {  	v51 =	vor.u32 $0x1, v47;
	_ =	sdelay $0x1  }
0x1f5: {  	v34 =	vmul.f32 v36, v34  }
0x1f6: {  	s21 =	simm.s32 $0x6C40  }
0x1f7: {  	[tilespmem:s21+$0xFFFFFFC0] =	vst v34  }
0x1f8: {  	v34 =	vld.idx.msk [tilespmem:v51+s22+$0x0], $0xffff  }
0x1f9: {  	v52 =	vld [tilespmem:s0+$0xFFFFFFD0];
	_ =	sdelay $0x2  }
0x1fa: {  	v53 =	vor.u32 $0x2, v47;
	_ =	sdelay $0x1  }
0x1fb: {  	v34 =	vmul.f32 v52, v34;
	_ =	sdelay $0x1  }
0x1fc: {  	[tilespmem:s21+$0xFFFFFFD0] =	vst v34  }
0x1fd: {  	v34 =	vld.idx.msk [tilespmem:v53+s22+$0x0], $0xffff  }
0x1fe: {  	v54 =	vld [tilespmem:s0+$0xFFFFFFE0];
	_ =	sdelay $0x2  }
0x1ff: {  	v55 =	vor.u32 $0x3, v47;
	_ =	sdelay $0x1  }
0x200: {  	v34 =	vmul.f32 v54, v34;
	_ =	sdelay $0x1  }
0x201: {  	[tilespmem:s21+$0xFFFFFFE0] =	vst v34  }
0x202: {  	v34 =	vld.idx.msk [tilespmem:v55+s22+$0x0], $0xffff  }
0x203: {  	v56 =	vld [tilespmem:s0+$0xFFFFFFF0];
	_ =	sdelay $0x2  }
0x204: {  	v57 =	vor.u32 $0x4, v47;
	_ =	sdelay $0x1  }
0x205: {  	v34 =	vmul.f32 v56, v34;
	_ =	sdelay $0x1  }
0x206: {  	[tilespmem:s21+$0xFFFFFFF0] =	vst v34  }
0x207: {  	v34 =	vld.idx.msk [tilespmem:v57+s22+$0x0], $0xffff  }
0x208: {  	v58 =	vld [tilespmem:s0+$0x0];
	_ =	sdelay $0x2  }
0x209: {  	v59 =	vor.u32 $0x5, v47;
	_ =	sdelay $0x1  }
0x20a: {  	v34 =	vmul.f32 v58, v34;
	_ =	sdelay $0x1  }
0x20b: {  	[tilespmem:s21+$0x0] =	vst v34  }
0x20c: {  	v34 =	vld.idx.msk [tilespmem:v59+s22+$0x0], $0xffff  }
0x20d: {  	v60 =	vld [tilespmem:s0+$0x10];
	_ =	sdelay $0x2  }
0x20e: {  	v61 =	vor.u32 $0x6, v47;
	_ =	sdelay $0x1  }
0x20f: {  	v34 =	vmul.f32 v60, v34;
	_ =	sdelay $0x1  }
0x210: {  	[tilespmem:s21+$0x10] =	vst v34  }
0x211: {  	v34 =	vld.idx.msk [tilespmem:v61+s22+$0x0], $0xffff  }
0x212: {  	v62 =	vld [tilespmem:s0+$0x20];
	_ =	sdelay $0x2  }
0x213: {  	v35 =	vor.u32 $0x7, v47;
	_ =	sdelay $0x1  }
0x214: {  	v34 =	vmul.f32 v62, v34;
	_ =	sdelay $0x1  }
0x215: {  	[tilespmem:s21+$0x20] =	vst v34  }
0x216: {  	v35 =	vld.idx.msk [tilespmem:v35+s22+$0x0], $0xffff  }
0x217: {  	v63 =	vld [tilespmem:s0+$0x30];
	_ =	sdelay $0x1  }
0x218: {  	s8 =	simm.s32 $0x10  }
0x219: {  	v34 =	vmov s8;
	_ =	sdelay $0x1  }
0x21a: {  	s17 =	simm.s32 $0x2;
	v35 =	vmul.f32 v63, v35  }
.LBB2_12:
0x21b: {  	s0 =	sadd.s32 $0x80, s0  }
0x21c: {  	s8 =	smov.u32 s17;
	s9 =	sadd.s32 $0x1, s17;
	[tilespmem:s21+$0x30] =	vst v35;
	s21 =	sadd.s32 $0x80, s21  }
0x21d: {  	p0 =	sne.s32 s17, $0x1F;
	v35 =	vld.idx.msk [tilespmem:v34+s22+$0x0], $0xffff  }
0x21e: {  	v36 =	vld [tilespmem:s0+$0xFFFFFFC0];
	_ =	sdelay $0x2  }
0x21f: {  	v37 =	vor.u32 $0x1, v34;
	_ =	sdelay $0x1  }
0x220: {  	v35 =	vmul.f32 v36, v35;
	_ =	sdelay $0x1  }
0x221: {  	[tilespmem:s21+$0xFFFFFFC0] =	vst v35  }
0x222: {  	v35 =	vld.idx.msk [tilespmem:v37+s22+$0x0], $0xffff  }
0x223: {  	v36 =	vld [tilespmem:s0+$0xFFFFFFD0];
	_ =	sdelay $0x2  }
0x224: {  	v37 =	vor.u32 $0x2, v34;
	_ =	sdelay $0x1  }
0x225: {  	v35 =	vmul.f32 v36, v35;
	_ =	sdelay $0x1  }
0x226: {  	[tilespmem:s21+$0xFFFFFFD0] =	vst v35  }
0x227: {  	v35 =	vld.idx.msk [tilespmem:v37+s22+$0x0], $0xffff  }
0x228: {  	v36 =	vld [tilespmem:s0+$0xFFFFFFE0];
	_ =	sdelay $0x2  }
0x229: {  	v37 =	vor.u32 $0x3, v34;
	_ =	sdelay $0x1  }
0x22a: {  	v35 =	vmul.f32 v36, v35;
	_ =	sdelay $0x1  }
0x22b: {  	[tilespmem:s21+$0xFFFFFFE0] =	vst v35  }
0x22c: {  	v35 =	vld.idx.msk [tilespmem:v37+s22+$0x0], $0xffff  }
0x22d: {  	v36 =	vld [tilespmem:s0+$0xFFFFFFF0];
	_ =	sdelay $0x2  }
0x22e: {  	v37 =	vor.u32 $0x4, v34;
	_ =	sdelay $0x1  }
0x22f: {  	v35 =	vmul.f32 v36, v35;
	_ =	sdelay $0x1  }
0x230: {  	[tilespmem:s21+$0xFFFFFFF0] =	vst v35  }
0x231: {  	v35 =	vld.idx.msk [tilespmem:v37+s22+$0x0], $0xffff  }
0x232: {  	v36 =	vld [tilespmem:s0+$0x0];
	_ =	sdelay $0x2  }
0x233: {  	v37 =	vor.u32 $0x5, v34;
	_ =	sdelay $0x1  }
0x234: {  	v35 =	vmul.f32 v36, v35;
	_ =	sdelay $0x1  }
0x235: {  	[tilespmem:s21+$0x0] =	vst v35  }
0x236: {  	v35 =	vld.idx.msk [tilespmem:v37+s22+$0x0], $0xffff  }
0x237: {  	v36 =	vld [tilespmem:s0+$0x10];
	_ =	sdelay $0x2  }
0x238: {  	v37 =	vor.u32 $0x6, v34;
	_ =	sdelay $0x1  }
0x239: {  	v35 =	vmul.f32 v36, v35;
	_ =	sdelay $0x1  }
0x23a: {  	[tilespmem:s21+$0x10] =	vst v35  }
0x23b: {  	v35 =	vld.idx.msk [tilespmem:v37+s22+$0x0], $0xffff  }
0x23c: {  	v36 =	vld [tilespmem:s0+$0x20];
	_ =	sdelay $0x2  }
0x23d: {  	v34 =	vor.u32 $0x7, v34;
	_ =	sdelay $0x1  }
0x23e: {  	v35 =	vmul.f32 v36, v35;
	_ =	sdelay $0x1  }
0x23f: {  	[tilespmem:s21+$0x20] =	vst v35  }
0x240: {  	v35 =	vld.idx.msk [tilespmem:v34+s22+$0x0], $0xffff  }
0x241: {  	v36 =	vld [tilespmem:s0+$0x30]  }
.Ltmp4:
0x242: {  	(pc) =	sbr.rel @p0 .LBB2_12-.Ltmp4, $3  }
0x243: {  	s8 =	sshll.u32 s8, $0x4  }
0x244: {  	v34 =	vmov s8;
	_ =	sdelay $0x1  }
0x245: {  	s17 =	smov.u32 s9;
	v35 =	vmul.f32 v36, v35  }
0x246: {  	_ =	sdelay $0x2  }
0x247: {  	[tilespmem:s21+$0x30] =	vst v35  }
0x248: {  	s0 =	sadd.s32 $0x80, s0;
	v35 =	vld.idx.msk [tilespmem:v34+s22+$0x0], $0xffff  }
0x249: {  	v36 =	vld [tilespmem:s0+$0xFFFFFFC0];
	_ =	sdelay $0x2  }
0x24a: {  	v37 =	vor.u32 $0x1, v34;
	_ =	sdelay $0x1  }
0x24b: {  	v35 =	vmul.f32 v36, v35  }
0x24c: {  	s8 =	sadd.s32 $0x80, s21  }
0x24d: {  	[tilespmem:s8+$0xFFFFFFC0] =	vst v35  }
0x24e: {  	v35 =	vld.idx.msk [tilespmem:v37+s22+$0x0], $0xffff  }
0x24f: {  	v47 =	vld [tilespmem:s0+$0xFFFFFFD0];
	_ =	sdelay $0x2  }
0x250: {  	v48 =	vor.u32 $0x2, v34;
	_ =	sdelay $0x1  }
0x251: {  	v35 =	vmul.f32 v47, v35;
	_ =	sdelay $0x1  }
0x252: {  	[tilespmem:s8+$0xFFFFFFD0] =	vst v35  }
0x253: {  	v35 =	vld.idx.msk [tilespmem:v48+s22+$0x0], $0xffff  }
0x254: {  	v49 =	vld [tilespmem:s0+$0xFFFFFFE0];
	_ =	sdelay $0x2  }
0x255: {  	v50 =	vor.u32 $0x3, v34;
	_ =	sdelay $0x1  }
0x256: {  	v35 =	vmul.f32 v49, v35;
	_ =	sdelay $0x1  }
0x257: {  	[tilespmem:s8+$0xFFFFFFE0] =	vst v35  }
0x258: {  	v35 =	vld.idx.msk [tilespmem:v50+s22+$0x0], $0xffff  }
0x259: {  	v51 =	vld [tilespmem:s0+$0xFFFFFFF0];
	_ =	sdelay $0x2  }
0x25a: {  	v52 =	vor.u32 $0x4, v34;
	_ =	sdelay $0x1  }
0x25b: {  	v35 =	vmul.f32 v51, v35;
	_ =	sdelay $0x1  }
0x25c: {  	[tilespmem:s8+$0xFFFFFFF0] =	vst v35  }
0x25d: {  	v35 =	vld.idx.msk [tilespmem:v52+s22+$0x0], $0xffff  }
0x25e: {  	v53 =	vld [tilespmem:s0+$0x0];
	_ =	sdelay $0x2  }
0x25f: {  	v54 =	vor.u32 $0x5, v34;
	_ =	sdelay $0x1  }
0x260: {  	v35 =	vmul.f32 v53, v35;
	_ =	sdelay $0x1  }
0x261: {  	[tilespmem:s8+$0x0] =	vst v35  }
0x262: {  	v35 =	vld.idx.msk [tilespmem:v54+s22+$0x0], $0xffff  }
0x263: {  	v55 =	vld [tilespmem:s0+$0x10];
	_ =	sdelay $0x2  }
0x264: {  	v56 =	vor.u32 $0x6, v34;
	_ =	sdelay $0x1  }
0x265: {  	v35 =	vmul.f32 v55, v35;
	_ =	sdelay $0x1  }
0x266: {  	[tilespmem:s8+$0x10] =	vst v35  }
0x267: {  	v35 =	vld.idx.msk [tilespmem:v56+s22+$0x0], $0xffff  }
0x268: {  	v57 =	vld [tilespmem:s0+$0x20];
	_ =	sdelay $0x2  }
0x269: {  	v58 =	vor.u32 $0x7, v34;
	_ =	sdelay $0x1  }
0x26a: {  	v35 =	vmul.f32 v57, v35;
	_ =	sdelay $0x1  }
0x26b: {  	[tilespmem:s8+$0x20] =	vst v35  }
0x26c: {  	v34 =	vld.idx.msk [tilespmem:v58+s22+$0x0], $0xffff  }
0x26d: {  	v35 =	vld [tilespmem:s0+$0x30];
	_ =	sdelay $0x4  }
0x26e: {  	v34 =	vmul.f32 v35, v34;
	_ =	sdelay $0x1  }
0x26f: {  	[tilespmem:s8+$0x30] =	vst v34  }
0x270: {  	[spmem:s1] =	stream.indirect.scatter.add.f32 [tilespmem:s20], [sflag:$0x3], $0x80, s24, s23, $0xb8;
	[tilespmem:$0x1F840] =	vst v63  }
0x271: {  	_ = 	snop  }
0x272: {  	[spmem:s2] =	stream.indirect.scatter.add.f32 [tilespmem:s22], [sflag:$0x3], $0x10, s24, s23, $0xb8;
	[tilespmem:$0x1F840] =	vst v63  }
0x273: {  	s8 =	sadd.s32 $0x40, s12  }
0x274: {  	[tilespmem:s13], [sflag:$0x1] =	stream.indirect.gather [hbm4b:s5+s23], $0x80, s8, s23, $0xb8;
	[tilespmem:$0x1F840] =	vst v63  }
0x275: {  	s9 =	sadd.s32 $0x840, s12  }
0x276: {  	[tilespmem:s4], [sflag:$0x1] =	stream.indirect.gather [hbm4b:s6+s23], $0x80, s9, s23, $0xb8;
	[tilespmem:$0x1F840] =	vst v63  }
0x277: {  	s17 =	sadd.s32 $0xA40, s12  }
0x278: {  	[tilespmem:s30], [sflag:$0x1] =	stream.indirect.gather [hbm4b:s7+s23], $0x80, s17, s23, $0xb8;
	[tilespmem:$0x1F840] =	vst v63  }
0x279: {  	_ =	swait.ge [sflag:s29], $0x1000  }
0x27a: {  	[sflag:s29] =	ssyncset.done $0x0  }
0x27b: {  	[sflag:s29] =	ssyncadd.s32 $0xFFFFF000  }
0x27c: {  	_ =	swait.ge [sflag:s29], $0x200  }
0x27d: {  	[sflag:s29] =	ssyncset.done $0x0  }
0x27e: {  	[sflag:s29] =	ssyncadd.s32 $0xFFFFFE00  }
0x27f: {  	_ =	swait.ge [sflag:s15], $0x1000  }
0x280: {  	[sflag:s15] =	ssyncset.done $0x0  }
0x281: {  	[sflag:s15] =	ssyncadd.s32 $0xFFFFF000  }
0x282: {  	_ =	swait.ge [sflag:s15], $0x1000  }
0x283: {  	[sflag:s15] =	ssyncset.done $0x0  }
0x284: {  	[sflag:s15] =	ssyncadd.s32 $0xFFFFF000  }
0x285: {  	_ =	swait.ge [sflag:s15], $0x1000  }
0x286: {  	[sflag:s15] =	ssyncset.done $0x0  }
0x287: {  	[sflag:s15] =	ssyncadd.s32 $0xFFFFF000  }
0x288: {  	v59 =	vld [tilespmem:s12+$0x20];
	_ =	sdelay $0x4  }
0x289: {  	[tilespmem:$0x9020] =	vst v59  }
0x28a: {  	s21 =	simm.s32 $0x0;
	v34 =	vld [tilespmem:s12+$0x30]  }
0x28b: {  	v60 =	vor.u32 s21, v10;
	_ =	sdelay $0x1  }
0x28c: {  	v61 =	vor.u32 s21, v9;
	_ =	sdelay $0x1  }
0x28d: {  	v62 =	vor.u32 s21, v8;
	[tilespmem:$0x9030] =	vst v34  }
0x28e: {  	v38 =	vld.idx.msk [tilespmem:v60+s3+$0x0], $0xffff  }
0x28f: {  	v63 =	vor.u32 s21, v7;
	v40 =	vld.idx.msk [tilespmem:v60+s16+$0x0], $0xffff  }
0x290: {  	v35 =	vld.idx.msk [tilespmem:v61+s3+$0x0], $0xffff  }
0x291: {  	v41 =	vor.u32 s21, v5;
	v39 =	vld.idx.msk [tilespmem:v61+s16+$0x0], $0xffff  }
0x292: {  	v44 =	vld.idx.msk [tilespmem:v62+s3+$0x0], $0xffff  }
0x293: {  	v53 =	vor.u32 s21, v4;
	v48 =	vld.idx.msk [tilespmem:v62+s16+$0x0], $0xffff  }
0x294: {  	v46 =	vld.idx.msk [tilespmem:v63+s3+$0x0], $0xffff  }
0x295: {  	v54 =	vor.u32 s21, v3;
	v50 =	vld.idx.msk [tilespmem:v63+s16+$0x0], $0xffff  }
0x296: {  	v42 =	vimm.f32 $0.0e+00;
	v43 =	vimm.f32 $0.0e+00;
	v45 =	vimm.f32 $0.0e+00;
	v49 =	vld.idx.msk [tilespmem:v41+s3+$0x0], $0xffff  }
0x297: {  	v36 =	vimm.f32 $0.0e+00;
	v37 =	vimm.f32 $0.0e+00;
	v55 =	vor.u32 s21, v0;
	v51 =	vld.idx.msk [tilespmem:v41+s16+$0x0], $0xffff  }
0x298: {  	v47 =	vimm.f32 $0.0e+00;
	s0 =	simm.s32 $0x1;
	v34 =	vimm.f32 $0.0e+00;
	v41 =	vimm.f32 $0.0e+00;
	v52 =	vld.idx.msk [tilespmem:v53+s3+$0x0], $0xffff  }
.LBB2_14:
0x299: {  	v56 =	vor.u32 s0, v10;
	p0 =	sne.s32 s0, $0xF;
	v53 =	vld.idx.msk [tilespmem:v53+s16+$0x0], $0xffff  }
0x29a: {  	v57 =	vld.idx.msk [tilespmem:v54+s3+$0x0], $0xffff  }
0x29b: {  	v58 =	vor.u32 s0, v9;
	v54 =	vld.idx.msk [tilespmem:v54+s16+$0x0], $0xffff  }
0x29c: {  	v59 =	vld.idx.msk [tilespmem:v55+s3+$0x0], $0xffff  }
0x29d: {  	v60 =	vor.u32 s0, v8;
	v55 =	vld.idx.msk [tilespmem:v55+s16+$0x0], $0xffff  }
0x29e: {  	v61 =	vmul.f32 v40, v38;
	v38 =	vld.idx.msk [tilespmem:v56+s3+$0x0], $0xffff  }
0x29f: {  	v62 =	vor.u32 s0, v7;
	v44 =	vmul.f32 v48, v44;
	v48 =	vmul.f32 v39, v35;
	v40 =	vld.idx.msk [tilespmem:v56+s16+$0x0], $0xffff  }
0x2a0: {  	v46 =	vmul.f32 v50, v46;
	v34 =	vadd.f32 v61, v34;
	v35 =	vld.idx.msk [tilespmem:v58+s3+$0x0], $0xffff  }
0x2a1: {  	v37 =	vadd.f32 v44, v37;
	v36 =	vadd.f32 v48, v36;
	v56 =	vor.u32 s0, v5;
	v39 =	vld.idx.msk [tilespmem:v58+s16+$0x0], $0xffff  }
0x2a2: {  	v49 =	vmul.f32 v51, v49;
	v41 =	vadd.f32 v46, v41;
	v50 =	vmul.f32 v53, v52;
	v44 =	vld.idx.msk [tilespmem:v60+s3+$0x0], $0xffff  }
0x2a3: {  	v53 =	vor.u32 s0, v4;
	v52 =	vmul.f32 v54, v57;
	v51 =	vmul.f32 v55, v59;
	v48 =	vld.idx.msk [tilespmem:v60+s16+$0x0], $0xffff  }
.Ltmp5:
0x2a4: {  	v43 =	vadd.f32 v49, v43;
	v42 =	vadd.f32 v50, v42;
	v46 =	vld.idx.msk [tilespmem:v62+s3+$0x0], $0xffff;
	(pc) =	sbr.rel @p0 .LBB2_14-.Ltmp5, $4  }
0x2a5: {  	v54 =	vor.u32 s0, v3;
	v45 =	vadd.f32 v52, v45;
	v47 =	vadd.f32 v51, v47;
	v50 =	vld.idx.msk [tilespmem:v62+s16+$0x0], $0xffff  }
0x2a6: {  	v49 =	vld.idx.msk [tilespmem:v56+s3+$0x0], $0xffff  }
0x2a7: {  	v55 =	vor.u32 s0, v0;
	v51 =	vld.idx.msk [tilespmem:v56+s16+$0x0], $0xffff  }
0x2a8: {  	s0 =	sadd.s32 $0x1, s0;
	v52 =	vld.idx.msk [tilespmem:v53+s3+$0x0], $0xffff  }
0x2a9: {  	_ =	sdelay $0x3  }
0x2aa: {  	v56 =	vld.idx.msk [tilespmem:v54+s3+$0x0], $0xffff  }
0x2ab: {  	v57 =	vld.idx.msk [tilespmem:v55+s3+$0x0], $0xffff  }
0x2ac: {  	v60 =	vld.idx.msk [tilespmem:v55+s16+$0x0], $0xffff  }
0x2ad: {  	v61 =	vld.idx.msk [tilespmem:v54+s16+$0x0], $0xffff  }
0x2ae: {  	v53 =	vld.idx.msk [tilespmem:v53+s16+$0x0], $0xffff;
	_ =	sdelay $0x2  }
0x2af: {  	v55 =	vmul.f32 v60, v57  }
0x2b0: {  	v54 =	vmul.f32 v61, v56  }
0x2b1: {  	v38 =	vmul.f32 v40, v38;
	v62 =	vmul.f32 v53, v52;
	v47 =	vadd.f32 v55, v47  }
0x2b2: {  	v44 =	vmul.f32 v48, v44;
	v63 =	vmul.f32 v51, v49;
	v45 =	vadd.f32 v54, v45  }
0x2b3: {  	v46 =	vmul.f32 v50, v46;
	v40 =	vadd.f32 v62, v42;
	v47 =	vmul.f32 $1.442695020e+00, v47  }
0x2b4: {  	v35 =	vmul.f32 v39, v35;
	v48 =	vadd.f32 v63, v43;
	v49 =	vmul.f32 $1.442695020e+00, v45  }
0x2b5: {  	v41 =	vadd.f32 v46, v41;
	v40 =	vmul.f32 $1.442695020e+00, v40;
	(erf) = vpow2.f32 v47  }
0x2b6: {  	v37 =	vadd.f32 v44, v37;
	v39 =	vmul.f32 $1.442695020e+00, v48;
	(erf) = vpow2.f32 v49  }
0x2b7: {  	v35 =	vadd.f32 v35, v36;
	v50 =	vmul.f32 $1.442695020e+00, v41;
	(erf) = vpow2.f32 v40  }
0x2b8: {  	v34 =	vadd.f32 v38, v34;
	v37 =	vmul.f32 $1.442695020e+00, v37;
	(erf) = vpow2.f32 v39  }
0x2b9: {  	v35 =	vmul.f32 $1.442695020e+00, v35;
	(erf) = vpow2.f32 v50  }
0x2ba: {  	v34 =	vmul.f32 $1.442695020e+00, v34;
	(erf) = vpow2.f32 v37  }
0x2bb: {  	(erf) = vpow2.f32 v35  }
0x2bc: {  	(erf) = vpow2.f32 v34;
	_ =	sdelay $0x1  }
0x2bd: {  	v51 =	vpop (erf)  }
0x2be: {  	v52 =	vpop (erf);
	[tilespmem:v6+s28+$0x0] =	vst.idx.msk $0xffff, v51  }
0x2bf: {  	v53 =	vpop (erf);
	[tilespmem:v11+s28+$0x0] =	vst.idx.msk $0xffff, v52  }
0x2c0: {  	s0 =	simm.s32 $0x0;
	v54 =	vpop (erf);
	[tilespmem:v12+s28+$0x0] =	vst.idx.msk $0xffff, v53  }
0x2c1: {  	v56 =	vor.u32 s0, v25;
	v55 =	vpop (erf);
	[tilespmem:v13+s28+$0x0] =	vst.idx.msk $0xffff, v54  }
0x2c2: {  	v57 =	vpop (erf);
	[tilespmem:v14+s28+$0x0] =	vst.idx.msk $0xffff, v55  }
0x2c3: {  	v59 =	vor.u32 s0, v24;
	v58 =	vpop (erf);
	[tilespmem:v15+s28+$0x0] =	vst.idx.msk $0xffff, v57  }
0x2c4: {  	[tilespmem:v16+s28+$0x0] =	vst.idx.msk $0xffff, v58;
	v60 =	vpop (erf)  }
0x2c5: {  	v61 =	vor.u32 s0, v23;
	[tilespmem:v17+s28+$0x0] =	vst.idx.msk $0xffff, v60  }
0x2c6: {  	v38 =	vld.idx.msk [tilespmem:v56+s3+$0x0], $0xffff  }
0x2c7: {  	v62 =	vor.u32 s0, v22;
	v40 =	vld.idx.msk [tilespmem:v56+s16+$0x0], $0xffff  }
0x2c8: {  	v35 =	vld.idx.msk [tilespmem:v59+s3+$0x0], $0xffff  }
0x2c9: {  	v63 =	vor.u32 s0, v21;
	v39 =	vld.idx.msk [tilespmem:v59+s16+$0x0], $0xffff  }
0x2ca: {  	v44 =	vld.idx.msk [tilespmem:v61+s3+$0x0], $0xffff  }
0x2cb: {  	v53 =	vor.u32 s0, v20;
	v48 =	vld.idx.msk [tilespmem:v61+s16+$0x0], $0xffff  }
0x2cc: {  	v46 =	vld.idx.msk [tilespmem:v62+s3+$0x0], $0xffff  }
0x2cd: {  	v54 =	vor.u32 s0, v19;
	v50 =	vld.idx.msk [tilespmem:v62+s16+$0x0], $0xffff  }
0x2ce: {  	v36 =	vimm.f32 $0.0e+00;
	v41 =	vimm.f32 $0.0e+00;
	v43 =	vimm.f32 $0.0e+00;
	v49 =	vld.idx.msk [tilespmem:v63+s3+$0x0], $0xffff  }
0x2cf: {  	v42 =	vimm.f32 $0.0e+00;
	v45 =	vimm.f32 $0.0e+00;
	v55 =	vor.u32 s0, v18;
	v51 =	vld.idx.msk [tilespmem:v63+s16+$0x0], $0xffff  }
0x2d0: {  	v47 =	vimm.f32 $0.0e+00;
	v37 =	vimm.f32 $0.0e+00;
	v34 =	vimm.f32 $0.0e+00;
	s0 =	simm.s32 $0x1;
	v52 =	vld.idx.msk [tilespmem:v53+s3+$0x0], $0xffff  }
.LBB2_16:
0x2d1: {  	v56 =	vor.u32 s0, v25;
	p0 =	sne.s32 s0, $0xF;
	v53 =	vld.idx.msk [tilespmem:v53+s16+$0x0], $0xffff  }
0x2d2: {  	v57 =	vld.idx.msk [tilespmem:v54+s3+$0x0], $0xffff  }
0x2d3: {  	v58 =	vor.u32 s0, v24;
	v54 =	vld.idx.msk [tilespmem:v54+s16+$0x0], $0xffff  }
0x2d4: {  	v59 =	vld.idx.msk [tilespmem:v55+s3+$0x0], $0xffff  }
0x2d5: {  	v60 =	vor.u32 s0, v23;
	v55 =	vld.idx.msk [tilespmem:v55+s16+$0x0], $0xffff  }
0x2d6: {  	v61 =	vmul.f32 v40, v38;
	v38 =	vld.idx.msk [tilespmem:v56+s3+$0x0], $0xffff  }
0x2d7: {  	v62 =	vor.u32 s0, v22;
	v44 =	vmul.f32 v48, v44;
	v48 =	vmul.f32 v39, v35;
	v40 =	vld.idx.msk [tilespmem:v56+s16+$0x0], $0xffff  }
0x2d8: {  	v46 =	vmul.f32 v50, v46;
	v34 =	vadd.f32 v61, v34;
	v35 =	vld.idx.msk [tilespmem:v58+s3+$0x0], $0xffff  }
0x2d9: {  	v37 =	vadd.f32 v44, v37;
	v36 =	vadd.f32 v48, v36;
	v56 =	vor.u32 s0, v21;
	v39 =	vld.idx.msk [tilespmem:v58+s16+$0x0], $0xffff  }
0x2da: {  	v49 =	vmul.f32 v51, v49;
	v41 =	vadd.f32 v46, v41;
	v50 =	vmul.f32 v53, v52;
	v44 =	vld.idx.msk [tilespmem:v60+s3+$0x0], $0xffff  }
0x2db: {  	v53 =	vor.u32 s0, v20;
	v52 =	vmul.f32 v54, v57;
	v51 =	vmul.f32 v55, v59;
	v48 =	vld.idx.msk [tilespmem:v60+s16+$0x0], $0xffff  }
.Ltmp6:
0x2dc: {  	v43 =	vadd.f32 v49, v43;
	v42 =	vadd.f32 v50, v42;
	v46 =	vld.idx.msk [tilespmem:v62+s3+$0x0], $0xffff;
	(pc) =	sbr.rel @p0 .LBB2_16-.Ltmp6, $4  }
0x2dd: {  	v54 =	vor.u32 s0, v19;
	v45 =	vadd.f32 v52, v45;
	v47 =	vadd.f32 v51, v47;
	v50 =	vld.idx.msk [tilespmem:v62+s16+$0x0], $0xffff  }
0x2de: {  	v49 =	vld.idx.msk [tilespmem:v56+s3+$0x0], $0xffff  }
0x2df: {  	v55 =	vor.u32 s0, v18;
	v51 =	vld.idx.msk [tilespmem:v56+s16+$0x0], $0xffff  }
0x2e0: {  	s0 =	sadd.s32 $0x1, s0;
	v52 =	vld.idx.msk [tilespmem:v53+s3+$0x0], $0xffff  }
0x2e1: {  	_ =	sdelay $0x3  }
0x2e2: {  	v56 =	vld.idx.msk [tilespmem:v54+s3+$0x0], $0xffff  }
0x2e3: {  	v57 =	vld.idx.msk [tilespmem:v55+s3+$0x0], $0xffff  }
0x2e4: {  	v63 =	vld.idx.msk [tilespmem:v55+s16+$0x0], $0xffff  }
0x2e5: {  	v58 =	vld.idx.msk [tilespmem:v54+s16+$0x0], $0xffff  }
0x2e6: {  	v53 =	vld.idx.msk [tilespmem:v53+s16+$0x0], $0xffff;
	_ =	sdelay $0x2  }
0x2e7: {  	v55 =	vmul.f32 v63, v57  }
0x2e8: {  	v54 =	vmul.f32 v58, v56  }
0x2e9: {  	v38 =	vmul.f32 v40, v38;
	v59 =	vmul.f32 v53, v52;
	v47 =	vadd.f32 v55, v47  }
0x2ea: {  	v44 =	vmul.f32 v48, v44;
	v60 =	vmul.f32 v51, v49;
	v45 =	vadd.f32 v54, v45  }
0x2eb: {  	v46 =	vmul.f32 v50, v46;
	v40 =	vadd.f32 v59, v42;
	v61 =	vmul.f32 $1.442695020e+00, v47  }
0x2ec: {  	v35 =	vmul.f32 v39, v35;
	v62 =	vadd.f32 v60, v43;
	v63 =	vmul.f32 $1.442695020e+00, v45  }
0x2ed: {  	v41 =	vadd.f32 v46, v41;
	v40 =	vmul.f32 $1.442695020e+00, v40;
	(erf) = vpow2.f32 v61  }
0x2ee: {  	v37 =	vadd.f32 v44, v37;
	v39 =	vmul.f32 $1.442695020e+00, v62;
	(erf) = vpow2.f32 v63  }
0x2ef: {  	v35 =	vadd.f32 v35, v36;
	v41 =	vmul.f32 $1.442695020e+00, v41;
	(erf) = vpow2.f32 v40  }
0x2f0: {  	v34 =	vadd.f32 v38, v34;
	v37 =	vmul.f32 $1.442695020e+00, v37;
	(erf) = vpow2.f32 v39  }
0x2f1: {  	v35 =	vmul.f32 $1.442695020e+00, v35;
	(erf) = vpow2.f32 v41  }
0x2f2: {  	v34 =	vmul.f32 $1.442695020e+00, v34;
	(erf) = vpow2.f32 v37  }
0x2f3: {  	(erf) = vpow2.f32 v35  }
0x2f4: {  	(erf) = vpow2.f32 v34;
	_ =	sdelay $0x1  }
0x2f5: {  	v42 =	vpop (erf)  }
0x2f6: {  	v43 =	vpop (erf);
	[tilespmem:v26+s28+$0x0] =	vst.idx.msk $0xffff, v42  }
0x2f7: {  	v44 =	vpop (erf);
	[tilespmem:v27+s28+$0x0] =	vst.idx.msk $0xffff, v43  }
0x2f8: {  	s0 =	simm.s32 $0x0;
	v45 =	vpop (erf);
	[tilespmem:v28+s28+$0x0] =	vst.idx.msk $0xffff, v44  }
0x2f9: {  	v47 =	vmov s0;
	v46 =	vpop (erf);
	[tilespmem:v29+s28+$0x0] =	vst.idx.msk $0xffff, v45  }
0x2fa: {  	v48 =	vpop (erf);
	[tilespmem:v30+s28+$0x0] =	vst.idx.msk $0xffff, v46  }
0x2fb: {  	v49 =	vpop (erf);
	[tilespmem:v31+s28+$0x0] =	vst.idx.msk $0xffff, v48  }
0x2fc: {  	[tilespmem:v32+s28+$0x0] =	vst.idx.msk $0xffff, v49;
	v50 =	vpop (erf)  }
0x2fd: {  	[tilespmem:v33+s28+$0x0] =	vst.idx.msk $0xffff, v50  }
0x2fe: {  	s21 =	simm.s32 $0x5C40;
	v34 =	vld.idx.msk [tilespmem:v47+s28+$0x0], $0xffff  }
0x2ff: {  	v36 =	vld [tilespmem:s21+$0xFFFFFFC0];
	_ =	sdelay $0x2  }
0x300: {  	v51 =	vor.u32 $0x1, v47;
	_ =	sdelay $0x1  }
0x301: {  	v34 =	vmul.f32 v36, v34  }
0x302: {  	s0 =	simm.s32 $0x7C40  }
0x303: {  	[tilespmem:s0+$0xFFFFFFC0] =	vst v34  }
0x304: {  	v34 =	vld.idx.msk [tilespmem:v51+s28+$0x0], $0xffff  }
0x305: {  	v52 =	vld [tilespmem:s21+$0xFFFFFFD0];
	_ =	sdelay $0x2  }
0x306: {  	v53 =	vor.u32 $0x2, v47;
	_ =	sdelay $0x1  }
0x307: {  	v34 =	vmul.f32 v52, v34;
	_ =	sdelay $0x1  }
0x308: {  	[tilespmem:s0+$0xFFFFFFD0] =	vst v34  }
0x309: {  	v34 =	vld.idx.msk [tilespmem:v53+s28+$0x0], $0xffff  }
0x30a: {  	v54 =	vld [tilespmem:s21+$0xFFFFFFE0];
	_ =	sdelay $0x2  }
0x30b: {  	v55 =	vor.u32 $0x3, v47;
	_ =	sdelay $0x1  }
0x30c: {  	v34 =	vmul.f32 v54, v34;
	_ =	sdelay $0x1  }
0x30d: {  	[tilespmem:s0+$0xFFFFFFE0] =	vst v34  }
0x30e: {  	v34 =	vld.idx.msk [tilespmem:v55+s28+$0x0], $0xffff  }
0x30f: {  	v56 =	vld [tilespmem:s21+$0xFFFFFFF0];
	_ =	sdelay $0x2  }
0x310: {  	v57 =	vor.u32 $0x4, v47;
	_ =	sdelay $0x1  }
0x311: {  	v34 =	vmul.f32 v56, v34;
	_ =	sdelay $0x1  }
0x312: {  	[tilespmem:s0+$0xFFFFFFF0] =	vst v34  }
0x313: {  	v34 =	vld.idx.msk [tilespmem:v57+s28+$0x0], $0xffff  }
0x314: {  	v58 =	vld [tilespmem:s21+$0x0];
	_ =	sdelay $0x2  }
0x315: {  	v59 =	vor.u32 $0x5, v47;
	_ =	sdelay $0x1  }
0x316: {  	v34 =	vmul.f32 v58, v34;
	_ =	sdelay $0x1  }
0x317: {  	[tilespmem:s0+$0x0] =	vst v34  }
0x318: {  	v34 =	vld.idx.msk [tilespmem:v59+s28+$0x0], $0xffff  }
0x319: {  	v60 =	vld [tilespmem:s21+$0x10];
	_ =	sdelay $0x2  }
0x31a: {  	v61 =	vor.u32 $0x6, v47;
	_ =	sdelay $0x1  }
0x31b: {  	v34 =	vmul.f32 v60, v34;
	_ =	sdelay $0x1  }
0x31c: {  	[tilespmem:s0+$0x10] =	vst v34  }
0x31d: {  	v34 =	vld.idx.msk [tilespmem:v61+s28+$0x0], $0xffff  }
0x31e: {  	v62 =	vld [tilespmem:s21+$0x20];
	_ =	sdelay $0x2  }
0x31f: {  	v35 =	vor.u32 $0x7, v47;
	_ =	sdelay $0x1  }
0x320: {  	v34 =	vmul.f32 v62, v34;
	_ =	sdelay $0x1  }
0x321: {  	[tilespmem:s0+$0x20] =	vst v34  }
0x322: {  	v35 =	vld.idx.msk [tilespmem:v35+s28+$0x0], $0xffff  }
0x323: {  	v63 =	vld [tilespmem:s21+$0x30];
	_ =	sdelay $0x1  }
0x324: {  	s8 =	simm.s32 $0x10  }
0x325: {  	v34 =	vmov s8;
	_ =	sdelay $0x1  }
0x326: {  	s9 =	simm.s32 $0x2;
	v35 =	vmul.f32 v63, v35  }
.LBB2_18:
0x327: {  	s21 =	sadd.s32 $0x80, s21  }
0x328: {  	s8 =	smov.u32 s9;
	s17 =	sadd.s32 $0x1, s9;
	[tilespmem:s0+$0x30] =	vst v35;
	s0 =	sadd.s32 $0x80, s0  }
0x329: {  	p0 =	sne.s32 s9, $0x1F;
	v35 =	vld.idx.msk [tilespmem:v34+s28+$0x0], $0xffff  }
0x32a: {  	v36 =	vld [tilespmem:s21+$0xFFFFFFC0];
	_ =	sdelay $0x2  }
0x32b: {  	v37 =	vor.u32 $0x1, v34;
	_ =	sdelay $0x1  }
0x32c: {  	v35 =	vmul.f32 v36, v35;
	_ =	sdelay $0x1  }
0x32d: {  	[tilespmem:s0+$0xFFFFFFC0] =	vst v35  }
0x32e: {  	v35 =	vld.idx.msk [tilespmem:v37+s28+$0x0], $0xffff  }
0x32f: {  	v36 =	vld [tilespmem:s21+$0xFFFFFFD0];
	_ =	sdelay $0x2  }
0x330: {  	v37 =	vor.u32 $0x2, v34;
	_ =	sdelay $0x1  }
0x331: {  	v35 =	vmul.f32 v36, v35;
	_ =	sdelay $0x1  }
0x332: {  	[tilespmem:s0+$0xFFFFFFD0] =	vst v35  }
0x333: {  	v35 =	vld.idx.msk [tilespmem:v37+s28+$0x0], $0xffff  }
0x334: {  	v36 =	vld [tilespmem:s21+$0xFFFFFFE0];
	_ =	sdelay $0x2  }
0x335: {  	v37 =	vor.u32 $0x3, v34;
	_ =	sdelay $0x1  }
0x336: {  	v35 =	vmul.f32 v36, v35;
	_ =	sdelay $0x1  }
0x337: {  	[tilespmem:s0+$0xFFFFFFE0] =	vst v35  }
0x338: {  	v35 =	vld.idx.msk [tilespmem:v37+s28+$0x0], $0xffff  }
0x339: {  	v36 =	vld [tilespmem:s21+$0xFFFFFFF0];
	_ =	sdelay $0x2  }
0x33a: {  	v37 =	vor.u32 $0x4, v34;
	_ =	sdelay $0x1  }
0x33b: {  	v35 =	vmul.f32 v36, v35;
	_ =	sdelay $0x1  }
0x33c: {  	[tilespmem:s0+$0xFFFFFFF0] =	vst v35  }
0x33d: {  	v35 =	vld.idx.msk [tilespmem:v37+s28+$0x0], $0xffff  }
0x33e: {  	v36 =	vld [tilespmem:s21+$0x0];
	_ =	sdelay $0x2  }
0x33f: {  	v37 =	vor.u32 $0x5, v34;
	_ =	sdelay $0x1  }
0x340: {  	v35 =	vmul.f32 v36, v35;
	_ =	sdelay $0x1  }
0x341: {  	[tilespmem:s0+$0x0] =	vst v35  }
0x342: {  	v35 =	vld.idx.msk [tilespmem:v37+s28+$0x0], $0xffff  }
0x343: {  	v36 =	vld [tilespmem:s21+$0x10];
	_ =	sdelay $0x2  }
0x344: {  	v37 =	vor.u32 $0x6, v34;
	_ =	sdelay $0x1  }
0x345: {  	v35 =	vmul.f32 v36, v35;
	_ =	sdelay $0x1  }
0x346: {  	[tilespmem:s0+$0x10] =	vst v35  }
0x347: {  	v35 =	vld.idx.msk [tilespmem:v37+s28+$0x0], $0xffff  }
0x348: {  	v36 =	vld [tilespmem:s21+$0x20];
	_ =	sdelay $0x2  }
0x349: {  	v34 =	vor.u32 $0x7, v34;
	_ =	sdelay $0x1  }
0x34a: {  	v35 =	vmul.f32 v36, v35;
	_ =	sdelay $0x1  }
0x34b: {  	[tilespmem:s0+$0x20] =	vst v35  }
0x34c: {  	v35 =	vld.idx.msk [tilespmem:v34+s28+$0x0], $0xffff  }
0x34d: {  	v36 =	vld [tilespmem:s21+$0x30]  }
.Ltmp7:
0x34e: {  	(pc) =	sbr.rel @p0 .LBB2_18-.Ltmp7, $3  }
0x34f: {  	s8 =	sshll.u32 s8, $0x4  }
0x350: {  	v34 =	vmov s8;
	_ =	sdelay $0x1  }
0x351: {  	s9 =	smov.u32 s17;
	v35 =	vmul.f32 v36, v35  }
0x352: {  	_ =	sdelay $0x2  }
0x353: {  	[tilespmem:s0+$0x30] =	vst v35  }
0x354: {  	s8 =	sadd.s32 $0x80, s21;
	v35 =	vld.idx.msk [tilespmem:v34+s28+$0x0], $0xffff  }
0x355: {  	v36 =	vld [tilespmem:s8+$0xFFFFFFC0];
	_ =	sdelay $0x2  }
0x356: {  	v37 =	vor.u32 $0x1, v34;
	_ =	sdelay $0x1  }
0x357: {  	v35 =	vmul.f32 v36, v35  }
0x358: {  	s21 =	sadd.s32 $0x80, s0  }
0x359: {  	[tilespmem:s21+$0xFFFFFFC0] =	vst v35  }
0x35a: {  	v35 =	vld.idx.msk [tilespmem:v37+s28+$0x0], $0xffff  }
0x35b: {  	v52 =	vld [tilespmem:s8+$0xFFFFFFD0];
	_ =	sdelay $0x2  }
0x35c: {  	v53 =	vor.u32 $0x2, v34;
	_ =	sdelay $0x1  }
0x35d: {  	v35 =	vmul.f32 v52, v35;
	_ =	sdelay $0x1  }
0x35e: {  	[tilespmem:s21+$0xFFFFFFD0] =	vst v35  }
0x35f: {  	v35 =	vld.idx.msk [tilespmem:v53+s28+$0x0], $0xffff  }
0x360: {  	v54 =	vld [tilespmem:s8+$0xFFFFFFE0];
	_ =	sdelay $0x2  }
0x361: {  	v55 =	vor.u32 $0x3, v34;
	_ =	sdelay $0x1  }
0x362: {  	v35 =	vmul.f32 v54, v35;
	_ =	sdelay $0x1  }
0x363: {  	[tilespmem:s21+$0xFFFFFFE0] =	vst v35  }
0x364: {  	v35 =	vld.idx.msk [tilespmem:v55+s28+$0x0], $0xffff  }
0x365: {  	v56 =	vld [tilespmem:s8+$0xFFFFFFF0];
	_ =	sdelay $0x2  }
0x366: {  	v57 =	vor.u32 $0x4, v34;
	_ =	sdelay $0x1  }
0x367: {  	v35 =	vmul.f32 v56, v35;
	_ =	sdelay $0x1  }
0x368: {  	[tilespmem:s21+$0xFFFFFFF0] =	vst v35  }
0x369: {  	v35 =	vld.idx.msk [tilespmem:v57+s28+$0x0], $0xffff  }
0x36a: {  	v58 =	vld [tilespmem:s8+$0x0];
	_ =	sdelay $0x2  }
0x36b: {  	v59 =	vor.u32 $0x5, v34;
	_ =	sdelay $0x1  }
0x36c: {  	v35 =	vmul.f32 v58, v35;
	_ =	sdelay $0x1  }
0x36d: {  	[tilespmem:s21+$0x0] =	vst v35  }
0x36e: {  	v35 =	vld.idx.msk [tilespmem:v59+s28+$0x0], $0xffff  }
0x36f: {  	v60 =	vld [tilespmem:s8+$0x10];
	_ =	sdelay $0x2  }
0x370: {  	v61 =	vor.u32 $0x6, v34;
	_ =	sdelay $0x1  }
0x371: {  	v35 =	vmul.f32 v60, v35;
	_ =	sdelay $0x1  }
0x372: {  	[tilespmem:s21+$0x10] =	vst v35  }
0x373: {  	v35 =	vld.idx.msk [tilespmem:v61+s28+$0x0], $0xffff  }
0x374: {  	v62 =	vld [tilespmem:s8+$0x20];
	_ =	sdelay $0x2  }
0x375: {  	v63 =	vor.u32 $0x7, v34;
	_ =	sdelay $0x1  }
0x376: {  	v35 =	vmul.f32 v62, v35;
	_ =	sdelay $0x1  }
0x377: {  	[tilespmem:s21+$0x20] =	vst v35  }
0x378: {  	v34 =	vld.idx.msk [tilespmem:v63+s28+$0x0], $0xffff  }
0x379: {  	v35 =	vld [tilespmem:s8+$0x30];
	_ =	sdelay $0x4  }
0x37a: {  	v34 =	vmul.f32 v35, v34;
	_ =	sdelay $0x1  }
0x37b: {  	[tilespmem:s21+$0x30] =	vst v34  }
0x37c: {  	[spmem:s1] =	stream.indirect.scatter.add.f32 [tilespmem:s26], [sflag:$0x4], $0x80, s25, s23, $0xb8;
	[tilespmem:$0x1F840] =	vst v63  }
0x37d: {  	s11 =	sadd.s32 $0x1, s11  }
0x37e: {  	[spmem:s2] =	stream.indirect.scatter.add.f32 [tilespmem:s28], [sflag:$0x4], $0x10, s25, s23, $0xb8;
	[tilespmem:$0x1F840] =	vst v63  }
0x37f: {  	s9 =	sadd.s32 $0x60, s12;
	p0 =	sne.s32 s11, $0x7  }
0x380: {  	[tilespmem:s3], [sflag:$0x2] =	stream.indirect.gather [hbm4b:s5+s23], $0x80, s9, s23, $0xb8;
	[tilespmem:$0x1F840] =	vst v63  }
.Ltmp8:
0x381: {  	_ = 	snop;
	(pc) =	sbr.rel @p0 .LBB2_7-.Ltmp8, $4  }
0x382: {  	s17 =	sadd.s32 $0x860, s12  }
0x383: {  	[tilespmem:s16], [sflag:$0x2] =	stream.indirect.gather [hbm4b:s6+s23], $0x80, s17, s23, $0xb8;
	[tilespmem:$0x1F840] =	vst v63  }
0x384: {  	s21 =	sadd.s32 $0xA60, s12  }
0x385: {  	[tilespmem:s18], [sflag:$0x2] =	stream.indirect.gather [hbm4b:s7+s23], $0x80, s21, s23, $0xb8;
	[tilespmem:$0x1F840] =	vst v63  }
0x386: {  	_ =	swait.ge [sflag:s19], $0x1000  }
0x387: {  	[sflag:s19] =	ssyncset.done $0x0  }
0x388: {  	[sflag:s19] =	ssyncadd.s32 $0xFFFFF000  }
0x389: {  	_ =	swait.ge [sflag:s19], $0x200  }
0x38a: {  	[sflag:s19] =	ssyncset.done $0x0  }
0x38b: {  	[sflag:s19] =	ssyncadd.s32 $0xFFFFFE00  }
0x38c: {  	_ =	swait.ge [sflag:s14], $0x1000  }
0x38d: {  	[sflag:s14] =	ssyncset.done $0x0  }
0x38e: {  	[sflag:s14] =	ssyncadd.s32 $0xFFFFF000  }
0x38f: {  	_ =	swait.ge [sflag:s14], $0x1000  }
0x390: {  	[sflag:s14] =	ssyncset.done $0x0  }
0x391: {  	[sflag:s14] =	ssyncadd.s32 $0xFFFFF000  }
0x392: {  	_ =	swait.ge [sflag:s14], $0x1000  }
0x393: {  	[sflag:s14] =	ssyncset.done $0x0  }
0x394: {  	[sflag:s14] =	ssyncadd.s32 $0xFFFFF000  }
0x395: {  	v34 =	vld [tilespmem:$0x1C0]  }
0x396: {  	s0 =	simm.s32 $0x0;
	v35 =	vld [tilespmem:$0x1D0]  }
0x397: {  	v36 =	vor.u32 s0, v10;
	_ =	sdelay $0x1  }
0x398: {  	v37 =	vor.u32 s0, v9  }
0x399: {  	[tilespmem:$0x9000] =	vst v34  }
0x39a: {  	v62 =	vor.u32 s0, v8;
	[tilespmem:$0x9010] =	vst v35  }
0x39b: {  	v38 =	vld.idx.msk [tilespmem:v36+s13+$0x0], $0xffff  }
0x39c: {  	v41 =	vor.u32 s0, v7;
	v40 =	vld.idx.msk [tilespmem:v36+s4+$0x0], $0xffff  }
0x39d: {  	v35 =	vld.idx.msk [tilespmem:v37+s13+$0x0], $0xffff  }
0x39e: {  	v63 =	vor.u32 s0, v5;
	v39 =	vld.idx.msk [tilespmem:v37+s4+$0x0], $0xffff  }
0x39f: {  	v44 =	vld.idx.msk [tilespmem:v62+s13+$0x0], $0xffff  }
0x3a0: {  	v53 =	vor.u32 s0, v4;
	v48 =	vld.idx.msk [tilespmem:v62+s4+$0x0], $0xffff  }
0x3a1: {  	v46 =	vld.idx.msk [tilespmem:v41+s13+$0x0], $0xffff  }
0x3a2: {  	v54 =	vor.u32 s0, v3;
	v50 =	vld.idx.msk [tilespmem:v41+s4+$0x0], $0xffff  }
0x3a3: {  	v42 =	vimm.f32 $0.0e+00;
	v43 =	vimm.f32 $0.0e+00;
	v47 =	vimm.f32 $0.0e+00;
	v49 =	vld.idx.msk [tilespmem:v63+s13+$0x0], $0xffff  }
0x3a4: {  	v45 =	vimm.f32 $0.0e+00;
	v55 =	vor.u32 s0, v0;
	v34 =	vimm.f32 $0.0e+00;
	v51 =	vld.idx.msk [tilespmem:v63+s4+$0x0], $0xffff  }
0x3a5: {  	s0 =	simm.s32 $0x1;
	v37 =	vimm.f32 $0.0e+00;
	v36 =	vimm.f32 $0.0e+00;
	v41 =	vimm.f32 $0.0e+00;
	v52 =	vld.idx.msk [tilespmem:v53+s13+$0x0], $0xffff  }
.LBB2_21:
0x3a6: {  	v56 =	vor.u32 s0, v10;
	p0 =	sne.s32 s0, $0xF;
	v53 =	vld.idx.msk [tilespmem:v53+s4+$0x0], $0xffff  }
0x3a7: {  	v57 =	vld.idx.msk [tilespmem:v54+s13+$0x0], $0xffff  }
0x3a8: {  	v58 =	vor.u32 s0, v9;
	v54 =	vld.idx.msk [tilespmem:v54+s4+$0x0], $0xffff  }
0x3a9: {  	v59 =	vld.idx.msk [tilespmem:v55+s13+$0x0], $0xffff  }
0x3aa: {  	v60 =	vor.u32 s0, v8;
	v55 =	vld.idx.msk [tilespmem:v55+s4+$0x0], $0xffff  }
0x3ab: {  	v61 =	vmul.f32 v40, v38;
	v38 =	vld.idx.msk [tilespmem:v56+s13+$0x0], $0xffff  }
0x3ac: {  	v62 =	vor.u32 s0, v7;
	v44 =	vmul.f32 v48, v44;
	v48 =	vmul.f32 v39, v35;
	v40 =	vld.idx.msk [tilespmem:v56+s4+$0x0], $0xffff  }
0x3ad: {  	v46 =	vmul.f32 v50, v46;
	v34 =	vadd.f32 v61, v34;
	v35 =	vld.idx.msk [tilespmem:v58+s13+$0x0], $0xffff  }
0x3ae: {  	v37 =	vadd.f32 v44, v37;
	v36 =	vadd.f32 v48, v36;
	v56 =	vor.u32 s0, v5;
	v39 =	vld.idx.msk [tilespmem:v58+s4+$0x0], $0xffff  }
0x3af: {  	v49 =	vmul.f32 v51, v49;
	v41 =	vadd.f32 v46, v41;
	v50 =	vmul.f32 v53, v52;
	v44 =	vld.idx.msk [tilespmem:v60+s13+$0x0], $0xffff  }
0x3b0: {  	v53 =	vor.u32 s0, v4;
	v52 =	vmul.f32 v54, v57;
	v51 =	vmul.f32 v55, v59;
	v48 =	vld.idx.msk [tilespmem:v60+s4+$0x0], $0xffff  }
.Ltmp9:
0x3b1: {  	v43 =	vadd.f32 v49, v43;
	v42 =	vadd.f32 v50, v42;
	v46 =	vld.idx.msk [tilespmem:v62+s13+$0x0], $0xffff;
	(pc) =	sbr.rel @p0 .LBB2_21-.Ltmp9, $4  }
0x3b2: {  	v54 =	vor.u32 s0, v3;
	v45 =	vadd.f32 v52, v45;
	v47 =	vadd.f32 v51, v47;
	v50 =	vld.idx.msk [tilespmem:v62+s4+$0x0], $0xffff  }
0x3b3: {  	v49 =	vld.idx.msk [tilespmem:v56+s13+$0x0], $0xffff  }
0x3b4: {  	v55 =	vor.u32 s0, v0;
	v51 =	vld.idx.msk [tilespmem:v56+s4+$0x0], $0xffff  }
0x3b5: {  	s0 =	sadd.s32 $0x1, s0;
	v52 =	vld.idx.msk [tilespmem:v53+s13+$0x0], $0xffff  }
0x3b6: {  	_ =	sdelay $0x3  }
0x3b7: {  	v56 =	vld.idx.msk [tilespmem:v54+s13+$0x0], $0xffff  }
0x3b8: {  	v57 =	vld.idx.msk [tilespmem:v55+s13+$0x0], $0xffff  }
0x3b9: {  	v60 =	vld.idx.msk [tilespmem:v55+s4+$0x0], $0xffff  }
0x3ba: {  	v61 =	vld.idx.msk [tilespmem:v54+s4+$0x0], $0xffff  }
0x3bb: {  	v53 =	vld.idx.msk [tilespmem:v53+s4+$0x0], $0xffff;
	_ =	sdelay $0x2  }
0x3bc: {  	v55 =	vmul.f32 v60, v57  }
0x3bd: {  	v54 =	vmul.f32 v61, v56  }
0x3be: {  	v38 =	vmul.f32 v40, v38;
	v62 =	vmul.f32 v53, v52;
	v47 =	vadd.f32 v55, v47  }
0x3bf: {  	v44 =	vmul.f32 v48, v44;
	v63 =	vmul.f32 v51, v49;
	v45 =	vadd.f32 v54, v45  }
0x3c0: {  	v46 =	vmul.f32 v50, v46;
	v40 =	vadd.f32 v62, v42;
	v47 =	vmul.f32 $1.442695020e+00, v47  }
0x3c1: {  	v35 =	vmul.f32 v39, v35;
	v48 =	vadd.f32 v63, v43;
	v49 =	vmul.f32 $1.442695020e+00, v45  }
0x3c2: {  	v41 =	vadd.f32 v46, v41;
	v40 =	vmul.f32 $1.442695020e+00, v40;
	(erf) = vpow2.f32 v47  }
0x3c3: {  	v37 =	vadd.f32 v44, v37;
	v39 =	vmul.f32 $1.442695020e+00, v48;
	(erf) = vpow2.f32 v49  }
0x3c4: {  	v35 =	vadd.f32 v35, v36;
	v50 =	vmul.f32 $1.442695020e+00, v41;
	(erf) = vpow2.f32 v40  }
0x3c5: {  	v34 =	vadd.f32 v38, v34;
	v37 =	vmul.f32 $1.442695020e+00, v37;
	(erf) = vpow2.f32 v39  }
0x3c6: {  	v35 =	vmul.f32 $1.442695020e+00, v35;
	(erf) = vpow2.f32 v50  }
0x3c7: {  	v34 =	vmul.f32 $1.442695020e+00, v34;
	(erf) = vpow2.f32 v37  }
0x3c8: {  	(erf) = vpow2.f32 v35  }
0x3c9: {  	(erf) = vpow2.f32 v34;
	_ =	sdelay $0x1  }
0x3ca: {  	v51 =	vpop (erf)  }
0x3cb: {  	v52 =	vpop (erf);
	[tilespmem:v6+s22+$0x0] =	vst.idx.msk $0xffff, v51  }
0x3cc: {  	v53 =	vpop (erf);
	[tilespmem:v11+s22+$0x0] =	vst.idx.msk $0xffff, v52  }
0x3cd: {  	s0 =	simm.s32 $0x0;
	v54 =	vpop (erf);
	[tilespmem:v12+s22+$0x0] =	vst.idx.msk $0xffff, v53  }
0x3ce: {  	v56 =	vor.u32 s0, v25;
	v55 =	vpop (erf);
	[tilespmem:v13+s22+$0x0] =	vst.idx.msk $0xffff, v54  }
0x3cf: {  	v57 =	vpop (erf);
	[tilespmem:v14+s22+$0x0] =	vst.idx.msk $0xffff, v55  }
0x3d0: {  	v59 =	vor.u32 s0, v24;
	v58 =	vpop (erf);
	[tilespmem:v15+s22+$0x0] =	vst.idx.msk $0xffff, v57  }
0x3d1: {  	[tilespmem:v16+s22+$0x0] =	vst.idx.msk $0xffff, v58;
	v60 =	vpop (erf)  }
0x3d2: {  	v61 =	vor.u32 s0, v23;
	[tilespmem:v17+s22+$0x0] =	vst.idx.msk $0xffff, v60  }
0x3d3: {  	v38 =	vld.idx.msk [tilespmem:v56+s13+$0x0], $0xffff  }
0x3d4: {  	v62 =	vor.u32 s0, v22;
	v40 =	vld.idx.msk [tilespmem:v56+s4+$0x0], $0xffff  }
0x3d5: {  	v35 =	vld.idx.msk [tilespmem:v59+s13+$0x0], $0xffff  }
0x3d6: {  	v63 =	vor.u32 s0, v21;
	v39 =	vld.idx.msk [tilespmem:v59+s4+$0x0], $0xffff  }
0x3d7: {  	v44 =	vld.idx.msk [tilespmem:v61+s13+$0x0], $0xffff  }
0x3d8: {  	v53 =	vor.u32 s0, v20;
	v48 =	vld.idx.msk [tilespmem:v61+s4+$0x0], $0xffff  }
0x3d9: {  	v46 =	vld.idx.msk [tilespmem:v62+s13+$0x0], $0xffff  }
0x3da: {  	v54 =	vor.u32 s0, v19;
	v50 =	vld.idx.msk [tilespmem:v62+s4+$0x0], $0xffff  }
0x3db: {  	v36 =	vimm.f32 $0.0e+00;
	v41 =	vimm.f32 $0.0e+00;
	v43 =	vimm.f32 $0.0e+00;
	v49 =	vld.idx.msk [tilespmem:v63+s13+$0x0], $0xffff  }
0x3dc: {  	v42 =	vimm.f32 $0.0e+00;
	v45 =	vimm.f32 $0.0e+00;
	v55 =	vor.u32 s0, v18;
	v51 =	vld.idx.msk [tilespmem:v63+s4+$0x0], $0xffff  }
0x3dd: {  	v47 =	vimm.f32 $0.0e+00;
	v37 =	vimm.f32 $0.0e+00;
	v34 =	vimm.f32 $0.0e+00;
	s0 =	simm.s32 $0x1;
	v52 =	vld.idx.msk [tilespmem:v53+s13+$0x0], $0xffff  }
.LBB2_23:
0x3de: {  	v56 =	vor.u32 s0, v25;
	p0 =	sne.s32 s0, $0xF;
	v53 =	vld.idx.msk [tilespmem:v53+s4+$0x0], $0xffff  }
0x3df: {  	v57 =	vld.idx.msk [tilespmem:v54+s13+$0x0], $0xffff  }
0x3e0: {  	v58 =	vor.u32 s0, v24;
	v54 =	vld.idx.msk [tilespmem:v54+s4+$0x0], $0xffff  }
0x3e1: {  	v59 =	vld.idx.msk [tilespmem:v55+s13+$0x0], $0xffff  }
0x3e2: {  	v60 =	vor.u32 s0, v23;
	v55 =	vld.idx.msk [tilespmem:v55+s4+$0x0], $0xffff  }
0x3e3: {  	v61 =	vmul.f32 v40, v38;
	v38 =	vld.idx.msk [tilespmem:v56+s13+$0x0], $0xffff  }
0x3e4: {  	v62 =	vor.u32 s0, v22;
	v44 =	vmul.f32 v48, v44;
	v48 =	vmul.f32 v39, v35;
	v40 =	vld.idx.msk [tilespmem:v56+s4+$0x0], $0xffff  }
0x3e5: {  	v46 =	vmul.f32 v50, v46;
	v34 =	vadd.f32 v61, v34;
	v35 =	vld.idx.msk [tilespmem:v58+s13+$0x0], $0xffff  }
0x3e6: {  	v37 =	vadd.f32 v44, v37;
	v36 =	vadd.f32 v48, v36;
	v56 =	vor.u32 s0, v21;
	v39 =	vld.idx.msk [tilespmem:v58+s4+$0x0], $0xffff  }
0x3e7: {  	v49 =	vmul.f32 v51, v49;
	v41 =	vadd.f32 v46, v41;
	v50 =	vmul.f32 v53, v52;
	v44 =	vld.idx.msk [tilespmem:v60+s13+$0x0], $0xffff  }
0x3e8: {  	v53 =	vor.u32 s0, v20;
	v52 =	vmul.f32 v54, v57;
	v51 =	vmul.f32 v55, v59;
	v48 =	vld.idx.msk [tilespmem:v60+s4+$0x0], $0xffff  }
.Ltmp10:
0x3e9: {  	v43 =	vadd.f32 v49, v43;
	v42 =	vadd.f32 v50, v42;
	v46 =	vld.idx.msk [tilespmem:v62+s13+$0x0], $0xffff;
	(pc) =	sbr.rel @p0 .LBB2_23-.Ltmp10, $4  }
0x3ea: {  	v54 =	vor.u32 s0, v19;
	v45 =	vadd.f32 v52, v45;
	v47 =	vadd.f32 v51, v47;
	v50 =	vld.idx.msk [tilespmem:v62+s4+$0x0], $0xffff  }
0x3eb: {  	v49 =	vld.idx.msk [tilespmem:v56+s13+$0x0], $0xffff  }
0x3ec: {  	v55 =	vor.u32 s0, v18;
	v51 =	vld.idx.msk [tilespmem:v56+s4+$0x0], $0xffff  }
0x3ed: {  	s0 =	sadd.s32 $0x1, s0;
	v52 =	vld.idx.msk [tilespmem:v53+s13+$0x0], $0xffff  }
0x3ee: {  	_ =	sdelay $0x3  }
0x3ef: {  	v56 =	vld.idx.msk [tilespmem:v54+s13+$0x0], $0xffff  }
0x3f0: {  	v57 =	vld.idx.msk [tilespmem:v55+s13+$0x0], $0xffff  }
0x3f1: {  	v63 =	vld.idx.msk [tilespmem:v55+s4+$0x0], $0xffff  }
0x3f2: {  	v58 =	vld.idx.msk [tilespmem:v54+s4+$0x0], $0xffff  }
0x3f3: {  	v53 =	vld.idx.msk [tilespmem:v53+s4+$0x0], $0xffff;
	_ =	sdelay $0x2  }
0x3f4: {  	v55 =	vmul.f32 v63, v57  }
0x3f5: {  	v54 =	vmul.f32 v58, v56  }
0x3f6: {  	v38 =	vmul.f32 v40, v38;
	v59 =	vmul.f32 v53, v52;
	v47 =	vadd.f32 v55, v47  }
0x3f7: {  	v44 =	vmul.f32 v48, v44;
	v60 =	vmul.f32 v51, v49;
	v45 =	vadd.f32 v54, v45  }
0x3f8: {  	v46 =	vmul.f32 v50, v46;
	v40 =	vadd.f32 v59, v42;
	v61 =	vmul.f32 $1.442695020e+00, v47  }
0x3f9: {  	v35 =	vmul.f32 v39, v35;
	v62 =	vadd.f32 v60, v43;
	v63 =	vmul.f32 $1.442695020e+00, v45  }
0x3fa: {  	v41 =	vadd.f32 v46, v41;
	v40 =	vmul.f32 $1.442695020e+00, v40;
	(erf) = vpow2.f32 v61  }
0x3fb: {  	v37 =	vadd.f32 v44, v37;
	v39 =	vmul.f32 $1.442695020e+00, v62;
	(erf) = vpow2.f32 v63  }
0x3fc: {  	v35 =	vadd.f32 v35, v36;
	v41 =	vmul.f32 $1.442695020e+00, v41;
	(erf) = vpow2.f32 v40  }
0x3fd: {  	v34 =	vadd.f32 v38, v34;
	v37 =	vmul.f32 $1.442695020e+00, v37;
	(erf) = vpow2.f32 v39  }
0x3fe: {  	v35 =	vmul.f32 $1.442695020e+00, v35;
	(erf) = vpow2.f32 v41  }
0x3ff: {  	v34 =	vmul.f32 $1.442695020e+00, v34;
	(erf) = vpow2.f32 v37  }
0x400: {  	(erf) = vpow2.f32 v35  }
0x401: {  	(erf) = vpow2.f32 v34;
	_ =	sdelay $0x1  }
0x402: {  	v42 =	vpop (erf)  }
0x403: {  	v43 =	vpop (erf);
	[tilespmem:v26+s22+$0x0] =	vst.idx.msk $0xffff, v42  }
0x404: {  	v44 =	vpop (erf);
	[tilespmem:v27+s22+$0x0] =	vst.idx.msk $0xffff, v43  }
0x405: {  	s0 =	simm.s32 $0x0;
	v45 =	vpop (erf);
	[tilespmem:v28+s22+$0x0] =	vst.idx.msk $0xffff, v44  }
0x406: {  	v47 =	vmov s0;
	v46 =	vpop (erf);
	[tilespmem:v29+s22+$0x0] =	vst.idx.msk $0xffff, v45  }
0x407: {  	v48 =	vpop (erf);
	[tilespmem:v30+s22+$0x0] =	vst.idx.msk $0xffff, v46  }
0x408: {  	v49 =	vpop (erf);
	[tilespmem:v31+s22+$0x0] =	vst.idx.msk $0xffff, v48  }
0x409: {  	[tilespmem:v32+s22+$0x0] =	vst.idx.msk $0xffff, v49;
	v50 =	vpop (erf)  }
0x40a: {  	[tilespmem:v33+s22+$0x0] =	vst.idx.msk $0xffff, v50  }
0x40b: {  	s10 =	simm.s32 $0x4C40;
	v34 =	vld.idx.msk [tilespmem:v47+s22+$0x0], $0xffff  }
0x40c: {  	v36 =	vld [tilespmem:s10+$0xFFFFFFC0];
	_ =	sdelay $0x2  }
0x40d: {  	v51 =	vor.u32 $0x1, v47;
	_ =	sdelay $0x1  }
0x40e: {  	v34 =	vmul.f32 v36, v34  }
0x40f: {  	s0 =	simm.s32 $0x6C40  }
0x410: {  	[tilespmem:s0+$0xFFFFFFC0] =	vst v34  }
0x411: {  	v34 =	vld.idx.msk [tilespmem:v51+s22+$0x0], $0xffff  }
0x412: {  	v52 =	vld [tilespmem:s10+$0xFFFFFFD0];
	_ =	sdelay $0x2  }
0x413: {  	v53 =	vor.u32 $0x2, v47;
	_ =	sdelay $0x1  }
0x414: {  	v34 =	vmul.f32 v52, v34;
	_ =	sdelay $0x1  }
0x415: {  	[tilespmem:s0+$0xFFFFFFD0] =	vst v34  }
0x416: {  	v34 =	vld.idx.msk [tilespmem:v53+s22+$0x0], $0xffff  }
0x417: {  	v54 =	vld [tilespmem:s10+$0xFFFFFFE0];
	_ =	sdelay $0x2  }
0x418: {  	v55 =	vor.u32 $0x3, v47;
	_ =	sdelay $0x1  }
0x419: {  	v34 =	vmul.f32 v54, v34;
	_ =	sdelay $0x1  }
0x41a: {  	[tilespmem:s0+$0xFFFFFFE0] =	vst v34  }
0x41b: {  	v34 =	vld.idx.msk [tilespmem:v55+s22+$0x0], $0xffff  }
0x41c: {  	v56 =	vld [tilespmem:s10+$0xFFFFFFF0];
	_ =	sdelay $0x2  }
0x41d: {  	v57 =	vor.u32 $0x4, v47;
	_ =	sdelay $0x1  }
0x41e: {  	v34 =	vmul.f32 v56, v34;
	_ =	sdelay $0x1  }
0x41f: {  	[tilespmem:s0+$0xFFFFFFF0] =	vst v34  }
0x420: {  	v34 =	vld.idx.msk [tilespmem:v57+s22+$0x0], $0xffff  }
0x421: {  	v58 =	vld [tilespmem:s10+$0x0];
	_ =	sdelay $0x2  }
0x422: {  	v59 =	vor.u32 $0x5, v47;
	_ =	sdelay $0x1  }
0x423: {  	v34 =	vmul.f32 v58, v34;
	_ =	sdelay $0x1  }
0x424: {  	[tilespmem:s0+$0x0] =	vst v34  }
0x425: {  	v34 =	vld.idx.msk [tilespmem:v59+s22+$0x0], $0xffff  }
0x426: {  	v60 =	vld [tilespmem:s10+$0x10];
	_ =	sdelay $0x2  }
0x427: {  	v61 =	vor.u32 $0x6, v47;
	_ =	sdelay $0x1  }
0x428: {  	v34 =	vmul.f32 v60, v34;
	_ =	sdelay $0x1  }
0x429: {  	[tilespmem:s0+$0x10] =	vst v34  }
0x42a: {  	v34 =	vld.idx.msk [tilespmem:v61+s22+$0x0], $0xffff  }
0x42b: {  	v62 =	vld [tilespmem:s10+$0x20];
	_ =	sdelay $0x2  }
0x42c: {  	v35 =	vor.u32 $0x7, v47;
	_ =	sdelay $0x1  }
0x42d: {  	v34 =	vmul.f32 v62, v34;
	_ =	sdelay $0x1  }
0x42e: {  	[tilespmem:s0+$0x20] =	vst v34  }
0x42f: {  	v35 =	vld.idx.msk [tilespmem:v35+s22+$0x0], $0xffff  }
0x430: {  	v63 =	vld [tilespmem:s10+$0x30];
	_ =	sdelay $0x1  }
0x431: {  	s8 =	simm.s32 $0x10  }
0x432: {  	v34 =	vmov s8;
	_ =	sdelay $0x1  }
0x433: {  	s9 =	simm.s32 $0x2;
	v35 =	vmul.f32 v63, v35  }
.LBB2_25:
0x434: {  	s10 =	sadd.s32 $0x80, s10  }
0x435: {  	s8 =	smov.u32 s9;
	s11 =	sadd.s32 $0x1, s9;
	[tilespmem:s0+$0x30] =	vst v35;
	s0 =	sadd.s32 $0x80, s0  }
0x436: {  	p0 =	sne.s32 s9, $0x1F;
	v35 =	vld.idx.msk [tilespmem:v34+s22+$0x0], $0xffff  }
0x437: {  	v36 =	vld [tilespmem:s10+$0xFFFFFFC0];
	_ =	sdelay $0x2  }
0x438: {  	v37 =	vor.u32 $0x1, v34;
	_ =	sdelay $0x1  }
0x439: {  	v35 =	vmul.f32 v36, v35;
	_ =	sdelay $0x1  }
0x43a: {  	[tilespmem:s0+$0xFFFFFFC0] =	vst v35  }
0x43b: {  	v35 =	vld.idx.msk [tilespmem:v37+s22+$0x0], $0xffff  }
0x43c: {  	v36 =	vld [tilespmem:s10+$0xFFFFFFD0];
	_ =	sdelay $0x2  }
0x43d: {  	v37 =	vor.u32 $0x2, v34;
	_ =	sdelay $0x1  }
0x43e: {  	v35 =	vmul.f32 v36, v35;
	_ =	sdelay $0x1  }
0x43f: {  	[tilespmem:s0+$0xFFFFFFD0] =	vst v35  }
0x440: {  	v35 =	vld.idx.msk [tilespmem:v37+s22+$0x0], $0xffff  }
0x441: {  	v36 =	vld [tilespmem:s10+$0xFFFFFFE0];
	_ =	sdelay $0x2  }
0x442: {  	v37 =	vor.u32 $0x3, v34;
	_ =	sdelay $0x1  }
0x443: {  	v35 =	vmul.f32 v36, v35;
	_ =	sdelay $0x1  }
0x444: {  	[tilespmem:s0+$0xFFFFFFE0] =	vst v35  }
0x445: {  	v35 =	vld.idx.msk [tilespmem:v37+s22+$0x0], $0xffff  }
0x446: {  	v36 =	vld [tilespmem:s10+$0xFFFFFFF0];
	_ =	sdelay $0x2  }
0x447: {  	v37 =	vor.u32 $0x4, v34;
	_ =	sdelay $0x1  }
0x448: {  	v35 =	vmul.f32 v36, v35;
	_ =	sdelay $0x1  }
0x449: {  	[tilespmem:s0+$0xFFFFFFF0] =	vst v35  }
0x44a: {  	v35 =	vld.idx.msk [tilespmem:v37+s22+$0x0], $0xffff  }
0x44b: {  	v36 =	vld [tilespmem:s10+$0x0];
	_ =	sdelay $0x2  }
0x44c: {  	v37 =	vor.u32 $0x5, v34;
	_ =	sdelay $0x1  }
0x44d: {  	v35 =	vmul.f32 v36, v35;
	_ =	sdelay $0x1  }
0x44e: {  	[tilespmem:s0+$0x0] =	vst v35  }
0x44f: {  	v35 =	vld.idx.msk [tilespmem:v37+s22+$0x0], $0xffff  }
0x450: {  	v36 =	vld [tilespmem:s10+$0x10];
	_ =	sdelay $0x2  }
0x451: {  	v37 =	vor.u32 $0x6, v34;
	_ =	sdelay $0x1  }
0x452: {  	v35 =	vmul.f32 v36, v35;
	_ =	sdelay $0x1  }
0x453: {  	[tilespmem:s0+$0x10] =	vst v35  }
0x454: {  	v35 =	vld.idx.msk [tilespmem:v37+s22+$0x0], $0xffff  }
0x455: {  	v36 =	vld [tilespmem:s10+$0x20];
	_ =	sdelay $0x2  }
0x456: {  	v34 =	vor.u32 $0x7, v34;
	_ =	sdelay $0x1  }
0x457: {  	v35 =	vmul.f32 v36, v35;
	_ =	sdelay $0x1  }
0x458: {  	[tilespmem:s0+$0x20] =	vst v35  }
0x459: {  	v35 =	vld.idx.msk [tilespmem:v34+s22+$0x0], $0xffff  }
0x45a: {  	v36 =	vld [tilespmem:s10+$0x30]  }
.Ltmp11:
0x45b: {  	(pc) =	sbr.rel @p0 .LBB2_25-.Ltmp11, $3  }
0x45c: {  	s8 =	sshll.u32 s8, $0x4  }
0x45d: {  	v34 =	vmov s8;
	_ =	sdelay $0x1  }
0x45e: {  	s9 =	smov.u32 s11;
	v35 =	vmul.f32 v36, v35  }
0x45f: {  	_ =	sdelay $0x2  }
0x460: {  	[tilespmem:s0+$0x30] =	vst v35  }
0x461: {  	s8 =	sadd.s32 $0x80, s10;
	v35 =	vld.idx.msk [tilespmem:v34+s22+$0x0], $0xffff  }
0x462: {  	v36 =	vld [tilespmem:s8+$0xFFFFFFC0];
	_ =	sdelay $0x2  }
0x463: {  	v37 =	vor.u32 $0x1, v34;
	_ =	sdelay $0x1  }
0x464: {  	v35 =	vmul.f32 v36, v35  }
0x465: {  	s17 =	sadd.s32 $0x80, s0  }
0x466: {  	[tilespmem:s17+$0xFFFFFFC0] =	vst v35  }
0x467: {  	v35 =	vld.idx.msk [tilespmem:v37+s22+$0x0], $0xffff  }
0x468: {  	v46 =	vld [tilespmem:s8+$0xFFFFFFD0];
	_ =	sdelay $0x2  }
0x469: {  	v47 =	vor.u32 $0x2, v34;
	_ =	sdelay $0x1  }
0x46a: {  	v35 =	vmul.f32 v46, v35;
	_ =	sdelay $0x1  }
0x46b: {  	[tilespmem:s17+$0xFFFFFFD0] =	vst v35  }
0x46c: {  	v35 =	vld.idx.msk [tilespmem:v47+s22+$0x0], $0xffff  }
0x46d: {  	v48 =	vld [tilespmem:s8+$0xFFFFFFE0];
	_ =	sdelay $0x2  }
0x46e: {  	v49 =	vor.u32 $0x3, v34;
	_ =	sdelay $0x1  }
0x46f: {  	v35 =	vmul.f32 v48, v35;
	_ =	sdelay $0x1  }
0x470: {  	[tilespmem:s17+$0xFFFFFFE0] =	vst v35  }
0x471: {  	v35 =	vld.idx.msk [tilespmem:v49+s22+$0x0], $0xffff  }
0x472: {  	v50 =	vld [tilespmem:s8+$0xFFFFFFF0];
	_ =	sdelay $0x2  }
0x473: {  	v51 =	vor.u32 $0x4, v34;
	_ =	sdelay $0x1  }
0x474: {  	v35 =	vmul.f32 v50, v35;
	_ =	sdelay $0x1  }
0x475: {  	[tilespmem:s17+$0xFFFFFFF0] =	vst v35  }
0x476: {  	v35 =	vld.idx.msk [tilespmem:v51+s22+$0x0], $0xffff  }
0x477: {  	v52 =	vld [tilespmem:s8+$0x0];
	_ =	sdelay $0x2  }
0x478: {  	v53 =	vor.u32 $0x5, v34;
	_ =	sdelay $0x1  }
0x479: {  	v35 =	vmul.f32 v52, v35;
	_ =	sdelay $0x1  }
0x47a: {  	[tilespmem:s17+$0x0] =	vst v35  }
0x47b: {  	v35 =	vld.idx.msk [tilespmem:v53+s22+$0x0], $0xffff  }
0x47c: {  	v54 =	vld [tilespmem:s8+$0x10];
	_ =	sdelay $0x2  }
0x47d: {  	v55 =	vor.u32 $0x6, v34;
	_ =	sdelay $0x1  }
0x47e: {  	v35 =	vmul.f32 v54, v35;
	_ =	sdelay $0x1  }
0x47f: {  	[tilespmem:s17+$0x10] =	vst v35  }
0x480: {  	v35 =	vld.idx.msk [tilespmem:v55+s22+$0x0], $0xffff  }
0x481: {  	v56 =	vld [tilespmem:s8+$0x20];
	_ =	sdelay $0x2  }
0x482: {  	v57 =	vor.u32 $0x7, v34;
	_ =	sdelay $0x1  }
0x483: {  	v35 =	vmul.f32 v56, v35;
	_ =	sdelay $0x1  }
0x484: {  	[tilespmem:s17+$0x20] =	vst v35  }
0x485: {  	v34 =	vld.idx.msk [tilespmem:v57+s22+$0x0], $0xffff  }
0x486: {  	v35 =	vld [tilespmem:s8+$0x30];
	_ =	sdelay $0x4  }
0x487: {  	v34 =	vmul.f32 v35, v34;
	_ =	sdelay $0x1  }
0x488: {  	[tilespmem:s17+$0x30] =	vst v34  }
0x489: {  	[spmem:s1] =	stream.indirect.scatter.add.f32 [tilespmem:s20], [sflag:$0x3], $0x80, s24, s23, $0xb8;
	[tilespmem:$0x1F840] =	vst v63  }
0x48a: {  	_ = 	snop  }
0x48b: {  	[spmem:s2] =	stream.indirect.scatter.add.f32 [tilespmem:s22], [sflag:$0x3], $0x10, s24, s23, $0xb8;
	[tilespmem:$0x1F840] =	vst v63  }
0x48c: {  	_ =	swait.ge [sflag:s29], $0x1000  }
0x48d: {  	[sflag:s29] =	ssyncset.done $0x0  }
0x48e: {  	[sflag:s29] =	ssyncadd.s32 $0xFFFFF000  }
0x48f: {  	_ =	swait.ge [sflag:s29], $0x200  }
0x490: {  	[sflag:s29] =	ssyncset.done $0x0  }
0x491: {  	[sflag:s29] =	ssyncadd.s32 $0xFFFFFE00  }
0x492: {  	_ =	swait.ge [sflag:s15], $0x1000  }
0x493: {  	[sflag:s15] =	ssyncset.done $0x0  }
0x494: {  	[sflag:s15] =	ssyncadd.s32 $0xFFFFF000  }
0x495: {  	_ =	swait.ge [sflag:s15], $0x1000  }
0x496: {  	[sflag:s15] =	ssyncset.done $0x0  }
0x497: {  	[sflag:s15] =	ssyncadd.s32 $0xFFFFF000  }
0x498: {  	_ =	swait.ge [sflag:s15], $0x1000  }
0x499: {  	[sflag:s15] =	ssyncset.done $0x0  }
0x49a: {  	[sflag:s15] =	ssyncadd.s32 $0xFFFFF000  }
0x49b: {  	v58 =	vld [tilespmem:$0x1E0]  }
0x49c: {  	s21 =	simm.s32 $0x0;
	v59 =	vld [tilespmem:$0x1F0]  }
0x49d: {  	v60 =	vor.u32 s21, v10;
	_ =	sdelay $0x1  }
0x49e: {  	v61 =	vor.u32 s21, v9  }
0x49f: {  	[tilespmem:$0x9020] =	vst v58  }
0x4a0: {  	v62 =	vor.u32 s21, v8;
	[tilespmem:$0x9030] =	vst v59  }
0x4a1: {  	v38 =	vld.idx.msk [tilespmem:v60+s3+$0x0], $0xffff  }
0x4a2: {  	v41 =	vor.u32 s21, v7;
	v40 =	vld.idx.msk [tilespmem:v60+s16+$0x0], $0xffff  }
0x4a3: {  	v35 =	vld.idx.msk [tilespmem:v61+s3+$0x0], $0xffff  }
0x4a4: {  	v63 =	vor.u32 s21, v5;
	v39 =	vld.idx.msk [tilespmem:v61+s16+$0x0], $0xffff  }
0x4a5: {  	v44 =	vld.idx.msk [tilespmem:v62+s3+$0x0], $0xffff  }
0x4a6: {  	v53 =	vor.u32 s21, v4;
	v48 =	vld.idx.msk [tilespmem:v62+s16+$0x0], $0xffff  }
0x4a7: {  	v46 =	vld.idx.msk [tilespmem:v41+s3+$0x0], $0xffff  }
0x4a8: {  	v54 =	vor.u32 s21, v3;
	v50 =	vld.idx.msk [tilespmem:v41+s16+$0x0], $0xffff  }
0x4a9: {  	v42 =	vimm.f32 $0.0e+00;
	v43 =	vimm.f32 $0.0e+00;
	v45 =	vimm.f32 $0.0e+00;
	v49 =	vld.idx.msk [tilespmem:v63+s3+$0x0], $0xffff  }
0x4aa: {  	v36 =	vimm.f32 $0.0e+00;
	v37 =	vimm.f32 $0.0e+00;
	v55 =	vor.u32 s21, v0;
	v51 =	vld.idx.msk [tilespmem:v63+s16+$0x0], $0xffff  }
0x4ab: {  	s0 =	simm.s32 $0x1;
	v47 =	vimm.f32 $0.0e+00;
	v34 =	vimm.f32 $0.0e+00;
	v41 =	vimm.f32 $0.0e+00;
	v52 =	vld.idx.msk [tilespmem:v53+s3+$0x0], $0xffff  }
.LBB2_27:
0x4ac: {  	v56 =	vor.u32 s0, v10;
	p0 =	sne.s32 s0, $0xF;
	v53 =	vld.idx.msk [tilespmem:v53+s16+$0x0], $0xffff  }
0x4ad: {  	v57 =	vld.idx.msk [tilespmem:v54+s3+$0x0], $0xffff  }
0x4ae: {  	v58 =	vor.u32 s0, v9;
	v54 =	vld.idx.msk [tilespmem:v54+s16+$0x0], $0xffff  }
0x4af: {  	v59 =	vld.idx.msk [tilespmem:v55+s3+$0x0], $0xffff  }
0x4b0: {  	v60 =	vor.u32 s0, v8;
	v55 =	vld.idx.msk [tilespmem:v55+s16+$0x0], $0xffff  }
0x4b1: {  	v61 =	vmul.f32 v40, v38;
	v38 =	vld.idx.msk [tilespmem:v56+s3+$0x0], $0xffff  }
0x4b2: {  	v62 =	vor.u32 s0, v7;
	v44 =	vmul.f32 v48, v44;
	v48 =	vmul.f32 v39, v35;
	v40 =	vld.idx.msk [tilespmem:v56+s16+$0x0], $0xffff  }
0x4b3: {  	v46 =	vmul.f32 v50, v46;
	v34 =	vadd.f32 v61, v34;
	v35 =	vld.idx.msk [tilespmem:v58+s3+$0x0], $0xffff  }
0x4b4: {  	v37 =	vadd.f32 v44, v37;
	v36 =	vadd.f32 v48, v36;
	v56 =	vor.u32 s0, v5;
	v39 =	vld.idx.msk [tilespmem:v58+s16+$0x0], $0xffff  }
0x4b5: {  	v49 =	vmul.f32 v51, v49;
	v41 =	vadd.f32 v46, v41;
	v50 =	vmul.f32 v53, v52;
	v44 =	vld.idx.msk [tilespmem:v60+s3+$0x0], $0xffff  }
0x4b6: {  	v53 =	vor.u32 s0, v4;
	v52 =	vmul.f32 v54, v57;
	v51 =	vmul.f32 v55, v59;
	v48 =	vld.idx.msk [tilespmem:v60+s16+$0x0], $0xffff  }
.Ltmp12:
0x4b7: {  	v43 =	vadd.f32 v49, v43;
	v42 =	vadd.f32 v50, v42;
	v46 =	vld.idx.msk [tilespmem:v62+s3+$0x0], $0xffff;
	(pc) =	sbr.rel @p0 .LBB2_27-.Ltmp12, $4  }
0x4b8: {  	v54 =	vor.u32 s0, v3;
	v45 =	vadd.f32 v52, v45;
	v47 =	vadd.f32 v51, v47;
	v50 =	vld.idx.msk [tilespmem:v62+s16+$0x0], $0xffff  }
0x4b9: {  	v49 =	vld.idx.msk [tilespmem:v56+s3+$0x0], $0xffff  }
0x4ba: {  	v55 =	vor.u32 s0, v0;
	v51 =	vld.idx.msk [tilespmem:v56+s16+$0x0], $0xffff  }
0x4bb: {  	s0 =	sadd.s32 $0x1, s0;
	v52 =	vld.idx.msk [tilespmem:v53+s3+$0x0], $0xffff  }
0x4bc: {  	_ =	sdelay $0x3  }
0x4bd: {  	v56 =	vld.idx.msk [tilespmem:v54+s3+$0x0], $0xffff  }
0x4be: {  	v57 =	vld.idx.msk [tilespmem:v55+s3+$0x0], $0xffff  }
0x4bf: {  	v60 =	vld.idx.msk [tilespmem:v55+s16+$0x0], $0xffff  }
0x4c0: {  	v61 =	vld.idx.msk [tilespmem:v54+s16+$0x0], $0xffff  }
0x4c1: {  	v53 =	vld.idx.msk [tilespmem:v53+s16+$0x0], $0xffff;
	_ =	sdelay $0x2  }
0x4c2: {  	v55 =	vmul.f32 v60, v57  }
0x4c3: {  	v54 =	vmul.f32 v61, v56  }
0x4c4: {  	v38 =	vmul.f32 v40, v38;
	v62 =	vmul.f32 v53, v52;
	v47 =	vadd.f32 v55, v47  }
0x4c5: {  	v44 =	vmul.f32 v48, v44;
	v63 =	vmul.f32 v51, v49;
	v45 =	vadd.f32 v54, v45  }
0x4c6: {  	v46 =	vmul.f32 v50, v46;
	v40 =	vadd.f32 v62, v42;
	v47 =	vmul.f32 $1.442695020e+00, v47  }
0x4c7: {  	v35 =	vmul.f32 v39, v35;
	v48 =	vadd.f32 v63, v43;
	v49 =	vmul.f32 $1.442695020e+00, v45  }
0x4c8: {  	v41 =	vadd.f32 v46, v41;
	v40 =	vmul.f32 $1.442695020e+00, v40;
	(erf) = vpow2.f32 v47  }
0x4c9: {  	v37 =	vadd.f32 v44, v37;
	v39 =	vmul.f32 $1.442695020e+00, v48;
	(erf) = vpow2.f32 v49  }
0x4ca: {  	v35 =	vadd.f32 v35, v36;
	v50 =	vmul.f32 $1.442695020e+00, v41;
	(erf) = vpow2.f32 v40  }
0x4cb: {  	v34 =	vadd.f32 v38, v34;
	v37 =	vmul.f32 $1.442695020e+00, v37;
	(erf) = vpow2.f32 v39  }
0x4cc: {  	v35 =	vmul.f32 $1.442695020e+00, v35;
	(erf) = vpow2.f32 v50  }
0x4cd: {  	v34 =	vmul.f32 $1.442695020e+00, v34;
	(erf) = vpow2.f32 v37  }
0x4ce: {  	(erf) = vpow2.f32 v35  }
0x4cf: {  	(erf) = vpow2.f32 v34;
	_ =	sdelay $0x1  }
0x4d0: {  	v51 =	vpop (erf)  }
0x4d1: {  	v52 =	vpop (erf);
	[tilespmem:v6+s28+$0x0] =	vst.idx.msk $0xffff, v51  }
0x4d2: {  	v53 =	vpop (erf);
	[tilespmem:v11+s28+$0x0] =	vst.idx.msk $0xffff, v52  }
0x4d3: {  	s0 =	simm.s32 $0x0;
	v54 =	vpop (erf);
	[tilespmem:v12+s28+$0x0] =	vst.idx.msk $0xffff, v53  }
0x4d4: {  	v56 =	vor.u32 s0, v25;
	v55 =	vpop (erf);
	[tilespmem:v13+s28+$0x0] =	vst.idx.msk $0xffff, v54  }
0x4d5: {  	v57 =	vpop (erf);
	[tilespmem:v14+s28+$0x0] =	vst.idx.msk $0xffff, v55  }
0x4d6: {  	v59 =	vor.u32 s0, v24;
	v58 =	vpop (erf);
	[tilespmem:v15+s28+$0x0] =	vst.idx.msk $0xffff, v57  }
0x4d7: {  	[tilespmem:v16+s28+$0x0] =	vst.idx.msk $0xffff, v58;
	v60 =	vpop (erf)  }
0x4d8: {  	v61 =	vor.u32 s0, v23;
	[tilespmem:v17+s28+$0x0] =	vst.idx.msk $0xffff, v60  }
0x4d9: {  	v38 =	vld.idx.msk [tilespmem:v56+s3+$0x0], $0xffff  }
0x4da: {  	v62 =	vor.u32 s0, v22;
	v40 =	vld.idx.msk [tilespmem:v56+s16+$0x0], $0xffff  }
0x4db: {  	v35 =	vld.idx.msk [tilespmem:v59+s3+$0x0], $0xffff  }
0x4dc: {  	v63 =	vor.u32 s0, v21;
	v39 =	vld.idx.msk [tilespmem:v59+s16+$0x0], $0xffff  }
0x4dd: {  	v44 =	vld.idx.msk [tilespmem:v61+s3+$0x0], $0xffff  }
0x4de: {  	v53 =	vor.u32 s0, v20;
	v48 =	vld.idx.msk [tilespmem:v61+s16+$0x0], $0xffff  }
0x4df: {  	v46 =	vld.idx.msk [tilespmem:v62+s3+$0x0], $0xffff  }
0x4e0: {  	v54 =	vor.u32 s0, v19;
	v50 =	vld.idx.msk [tilespmem:v62+s16+$0x0], $0xffff  }
0x4e1: {  	v36 =	vimm.f32 $0.0e+00;
	v41 =	vimm.f32 $0.0e+00;
	v43 =	vimm.f32 $0.0e+00;
	v49 =	vld.idx.msk [tilespmem:v63+s3+$0x0], $0xffff  }
0x4e2: {  	v42 =	vimm.f32 $0.0e+00;
	v45 =	vimm.f32 $0.0e+00;
	v55 =	vor.u32 s0, v18;
	v51 =	vld.idx.msk [tilespmem:v63+s16+$0x0], $0xffff  }
0x4e3: {  	v47 =	vimm.f32 $0.0e+00;
	v37 =	vimm.f32 $0.0e+00;
	v34 =	vimm.f32 $0.0e+00;
	s0 =	simm.s32 $0x1;
	v52 =	vld.idx.msk [tilespmem:v53+s3+$0x0], $0xffff  }
.LBB2_29:
0x4e4: {  	v56 =	vor.u32 s0, v25;
	p0 =	sne.s32 s0, $0xF;
	v53 =	vld.idx.msk [tilespmem:v53+s16+$0x0], $0xffff  }
0x4e5: {  	v57 =	vld.idx.msk [tilespmem:v54+s3+$0x0], $0xffff  }
0x4e6: {  	v58 =	vor.u32 s0, v24;
	v54 =	vld.idx.msk [tilespmem:v54+s16+$0x0], $0xffff  }
0x4e7: {  	v59 =	vld.idx.msk [tilespmem:v55+s3+$0x0], $0xffff  }
0x4e8: {  	v60 =	vor.u32 s0, v23;
	v55 =	vld.idx.msk [tilespmem:v55+s16+$0x0], $0xffff  }
0x4e9: {  	v61 =	vmul.f32 v40, v38;
	v38 =	vld.idx.msk [tilespmem:v56+s3+$0x0], $0xffff  }
0x4ea: {  	v62 =	vor.u32 s0, v22;
	v44 =	vmul.f32 v48, v44;
	v48 =	vmul.f32 v39, v35;
	v40 =	vld.idx.msk [tilespmem:v56+s16+$0x0], $0xffff  }
0x4eb: {  	v46 =	vmul.f32 v50, v46;
	v34 =	vadd.f32 v61, v34;
	v35 =	vld.idx.msk [tilespmem:v58+s3+$0x0], $0xffff  }
0x4ec: {  	v37 =	vadd.f32 v44, v37;
	v36 =	vadd.f32 v48, v36;
	v56 =	vor.u32 s0, v21;
	v39 =	vld.idx.msk [tilespmem:v58+s16+$0x0], $0xffff  }
0x4ed: {  	v49 =	vmul.f32 v51, v49;
	v41 =	vadd.f32 v46, v41;
	v50 =	vmul.f32 v53, v52;
	v44 =	vld.idx.msk [tilespmem:v60+s3+$0x0], $0xffff  }
0x4ee: {  	v53 =	vor.u32 s0, v20;
	v52 =	vmul.f32 v54, v57;
	v51 =	vmul.f32 v55, v59;
	v48 =	vld.idx.msk [tilespmem:v60+s16+$0x0], $0xffff  }
.Ltmp13:
0x4ef: {  	v43 =	vadd.f32 v49, v43;
	v42 =	vadd.f32 v50, v42;
	v46 =	vld.idx.msk [tilespmem:v62+s3+$0x0], $0xffff;
	(pc) =	sbr.rel @p0 .LBB2_29-.Ltmp13, $4  }
0x4f0: {  	v54 =	vor.u32 s0, v19;
	v45 =	vadd.f32 v52, v45;
	v47 =	vadd.f32 v51, v47;
	v50 =	vld.idx.msk [tilespmem:v62+s16+$0x0], $0xffff  }
0x4f1: {  	v49 =	vld.idx.msk [tilespmem:v56+s3+$0x0], $0xffff  }
0x4f2: {  	v55 =	vor.u32 s0, v18;
	v51 =	vld.idx.msk [tilespmem:v56+s16+$0x0], $0xffff  }
0x4f3: {  	s0 =	sadd.s32 $0x1, s0;
	v52 =	vld.idx.msk [tilespmem:v53+s3+$0x0], $0xffff  }
0x4f4: {  	_ =	sdelay $0x3  }
0x4f5: {  	v56 =	vld.idx.msk [tilespmem:v54+s3+$0x0], $0xffff  }
0x4f6: {  	v57 =	vld.idx.msk [tilespmem:v55+s3+$0x0], $0xffff  }
0x4f7: {  	v63 =	vld.idx.msk [tilespmem:v55+s16+$0x0], $0xffff  }
0x4f8: {  	v58 =	vld.idx.msk [tilespmem:v54+s16+$0x0], $0xffff  }
0x4f9: {  	v53 =	vld.idx.msk [tilespmem:v53+s16+$0x0], $0xffff;
	_ =	sdelay $0x2  }
0x4fa: {  	v55 =	vmul.f32 v63, v57  }
0x4fb: {  	v54 =	vmul.f32 v58, v56  }
0x4fc: {  	v38 =	vmul.f32 v40, v38;
	v59 =	vmul.f32 v53, v52;
	v47 =	vadd.f32 v55, v47  }
0x4fd: {  	v44 =	vmul.f32 v48, v44;
	v60 =	vmul.f32 v51, v49;
	v45 =	vadd.f32 v54, v45  }
0x4fe: {  	v46 =	vmul.f32 v50, v46;
	v40 =	vadd.f32 v59, v42;
	v61 =	vmul.f32 $1.442695020e+00, v47  }
0x4ff: {  	v35 =	vmul.f32 v39, v35;
	v62 =	vadd.f32 v60, v43;
	v63 =	vmul.f32 $1.442695020e+00, v45  }
0x500: {  	v41 =	vadd.f32 v46, v41;
	v40 =	vmul.f32 $1.442695020e+00, v40;
	(erf) = vpow2.f32 v61  }
0x501: {  	v37 =	vadd.f32 v44, v37;
	v39 =	vmul.f32 $1.442695020e+00, v62;
	(erf) = vpow2.f32 v63  }
0x502: {  	v35 =	vadd.f32 v35, v36;
	v41 =	vmul.f32 $1.442695020e+00, v41;
	(erf) = vpow2.f32 v40  }
0x503: {  	v34 =	vadd.f32 v38, v34;
	v37 =	vmul.f32 $1.442695020e+00, v37;
	(erf) = vpow2.f32 v39  }
0x504: {  	v35 =	vmul.f32 $1.442695020e+00, v35;
	(erf) = vpow2.f32 v41  }
0x505: {  	v34 =	vmul.f32 $1.442695020e+00, v34;
	(erf) = vpow2.f32 v37  }
0x506: {  	(erf) = vpow2.f32 v35  }
0x507: {  	(erf) = vpow2.f32 v34;
	_ =	sdelay $0x1  }
0x508: {  	v42 =	vpop (erf)  }
0x509: {  	v43 =	vpop (erf);
	[tilespmem:v26+s28+$0x0] =	vst.idx.msk $0xffff, v42  }
0x50a: {  	v44 =	vpop (erf);
	[tilespmem:v27+s28+$0x0] =	vst.idx.msk $0xffff, v43  }
0x50b: {  	s0 =	simm.s32 $0x0;
	v45 =	vpop (erf);
	[tilespmem:v28+s28+$0x0] =	vst.idx.msk $0xffff, v44  }
0x50c: {  	v47 =	vmov s0;
	v46 =	vpop (erf);
	[tilespmem:v29+s28+$0x0] =	vst.idx.msk $0xffff, v45  }
0x50d: {  	v48 =	vpop (erf);
	[tilespmem:v30+s28+$0x0] =	vst.idx.msk $0xffff, v46  }
0x50e: {  	v49 =	vpop (erf);
	[tilespmem:v31+s28+$0x0] =	vst.idx.msk $0xffff, v48  }
0x50f: {  	[tilespmem:v32+s28+$0x0] =	vst.idx.msk $0xffff, v49;
	v50 =	vpop (erf)  }
0x510: {  	[tilespmem:v33+s28+$0x0] =	vst.idx.msk $0xffff, v50  }
0x511: {  	s10 =	simm.s32 $0x5C40;
	v34 =	vld.idx.msk [tilespmem:v47+s28+$0x0], $0xffff  }
0x512: {  	v36 =	vld [tilespmem:s10+$0xFFFFFFC0];
	_ =	sdelay $0x2  }
0x513: {  	v51 =	vor.u32 $0x1, v47;
	_ =	sdelay $0x1  }
0x514: {  	v34 =	vmul.f32 v36, v34  }
0x515: {  	s0 =	simm.s32 $0x7C40  }
0x516: {  	[tilespmem:s0+$0xFFFFFFC0] =	vst v34  }
0x517: {  	v34 =	vld.idx.msk [tilespmem:v51+s28+$0x0], $0xffff  }
0x518: {  	v52 =	vld [tilespmem:s10+$0xFFFFFFD0];
	_ =	sdelay $0x2  }
0x519: {  	v53 =	vor.u32 $0x2, v47;
	_ =	sdelay $0x1  }
0x51a: {  	v34 =	vmul.f32 v52, v34;
	_ =	sdelay $0x1  }
0x51b: {  	[tilespmem:s0+$0xFFFFFFD0] =	vst v34  }
0x51c: {  	v34 =	vld.idx.msk [tilespmem:v53+s28+$0x0], $0xffff  }
0x51d: {  	v54 =	vld [tilespmem:s10+$0xFFFFFFE0];
	_ =	sdelay $0x2  }
0x51e: {  	v55 =	vor.u32 $0x3, v47;
	_ =	sdelay $0x1  }
0x51f: {  	v34 =	vmul.f32 v54, v34;
	_ =	sdelay $0x1  }
0x520: {  	[tilespmem:s0+$0xFFFFFFE0] =	vst v34  }
0x521: {  	v34 =	vld.idx.msk [tilespmem:v55+s28+$0x0], $0xffff  }
0x522: {  	v56 =	vld [tilespmem:s10+$0xFFFFFFF0];
	_ =	sdelay $0x2  }
0x523: {  	v57 =	vor.u32 $0x4, v47;
	_ =	sdelay $0x1  }
0x524: {  	v34 =	vmul.f32 v56, v34;
	_ =	sdelay $0x1  }
0x525: {  	[tilespmem:s0+$0xFFFFFFF0] =	vst v34  }
0x526: {  	v34 =	vld.idx.msk [tilespmem:v57+s28+$0x0], $0xffff  }
0x527: {  	v58 =	vld [tilespmem:s10+$0x0];
	_ =	sdelay $0x2  }
0x528: {  	v59 =	vor.u32 $0x5, v47;
	_ =	sdelay $0x1  }
0x529: {  	v34 =	vmul.f32 v58, v34;
	_ =	sdelay $0x1  }
0x52a: {  	[tilespmem:s0+$0x0] =	vst v34  }
0x52b: {  	v34 =	vld.idx.msk [tilespmem:v59+s28+$0x0], $0xffff  }
0x52c: {  	v60 =	vld [tilespmem:s10+$0x10];
	_ =	sdelay $0x2  }
0x52d: {  	v61 =	vor.u32 $0x6, v47;
	_ =	sdelay $0x1  }
0x52e: {  	v34 =	vmul.f32 v60, v34;
	_ =	sdelay $0x1  }
0x52f: {  	[tilespmem:s0+$0x10] =	vst v34  }
0x530: {  	v34 =	vld.idx.msk [tilespmem:v61+s28+$0x0], $0xffff  }
0x531: {  	v62 =	vld [tilespmem:s10+$0x20];
	_ =	sdelay $0x2  }
0x532: {  	v35 =	vor.u32 $0x7, v47;
	_ =	sdelay $0x1  }
0x533: {  	v34 =	vmul.f32 v62, v34;
	_ =	sdelay $0x1  }
0x534: {  	[tilespmem:s0+$0x20] =	vst v34  }
0x535: {  	v35 =	vld.idx.msk [tilespmem:v35+s28+$0x0], $0xffff  }
0x536: {  	v63 =	vld [tilespmem:s10+$0x30];
	_ =	sdelay $0x1  }
0x537: {  	s8 =	simm.s32 $0x10  }
0x538: {  	v34 =	vmov s8;
	_ =	sdelay $0x1  }
0x539: {  	s9 =	simm.s32 $0x2;
	v35 =	vmul.f32 v63, v35  }
.LBB2_31:
0x53a: {  	s10 =	sadd.s32 $0x80, s10  }
0x53b: {  	s8 =	smov.u32 s9;
	s11 =	sadd.s32 $0x1, s9;
	[tilespmem:s0+$0x30] =	vst v35;
	s0 =	sadd.s32 $0x80, s0  }
0x53c: {  	p0 =	sne.s32 s9, $0x1F;
	v35 =	vld.idx.msk [tilespmem:v34+s28+$0x0], $0xffff  }
0x53d: {  	v36 =	vld [tilespmem:s10+$0xFFFFFFC0];
	_ =	sdelay $0x2  }
0x53e: {  	v37 =	vor.u32 $0x1, v34;
	_ =	sdelay $0x1  }
0x53f: {  	v35 =	vmul.f32 v36, v35;
	_ =	sdelay $0x1  }
0x540: {  	[tilespmem:s0+$0xFFFFFFC0] =	vst v35  }
0x541: {  	v35 =	vld.idx.msk [tilespmem:v37+s28+$0x0], $0xffff  }
0x542: {  	v36 =	vld [tilespmem:s10+$0xFFFFFFD0];
	_ =	sdelay $0x2  }
0x543: {  	v37 =	vor.u32 $0x2, v34;
	_ =	sdelay $0x1  }
0x544: {  	v35 =	vmul.f32 v36, v35;
	_ =	sdelay $0x1  }
0x545: {  	[tilespmem:s0+$0xFFFFFFD0] =	vst v35  }
0x546: {  	v35 =	vld.idx.msk [tilespmem:v37+s28+$0x0], $0xffff  }
0x547: {  	v36 =	vld [tilespmem:s10+$0xFFFFFFE0];
	_ =	sdelay $0x2  }
0x548: {  	v37 =	vor.u32 $0x3, v34;
	_ =	sdelay $0x1  }
0x549: {  	v35 =	vmul.f32 v36, v35;
	_ =	sdelay $0x1  }
0x54a: {  	[tilespmem:s0+$0xFFFFFFE0] =	vst v35  }
0x54b: {  	v35 =	vld.idx.msk [tilespmem:v37+s28+$0x0], $0xffff  }
0x54c: {  	v36 =	vld [tilespmem:s10+$0xFFFFFFF0];
	_ =	sdelay $0x2  }
0x54d: {  	v37 =	vor.u32 $0x4, v34;
	_ =	sdelay $0x1  }
0x54e: {  	v35 =	vmul.f32 v36, v35;
	_ =	sdelay $0x1  }
0x54f: {  	[tilespmem:s0+$0xFFFFFFF0] =	vst v35  }
0x550: {  	v35 =	vld.idx.msk [tilespmem:v37+s28+$0x0], $0xffff  }
0x551: {  	v36 =	vld [tilespmem:s10+$0x0];
	_ =	sdelay $0x2  }
0x552: {  	v37 =	vor.u32 $0x5, v34;
	_ =	sdelay $0x1  }
0x553: {  	v35 =	vmul.f32 v36, v35;
	_ =	sdelay $0x1  }
0x554: {  	[tilespmem:s0+$0x0] =	vst v35  }
0x555: {  	v35 =	vld.idx.msk [tilespmem:v37+s28+$0x0], $0xffff  }
0x556: {  	v36 =	vld [tilespmem:s10+$0x10];
	_ =	sdelay $0x2  }
0x557: {  	v37 =	vor.u32 $0x6, v34;
	_ =	sdelay $0x1  }
0x558: {  	v35 =	vmul.f32 v36, v35;
	_ =	sdelay $0x1  }
0x559: {  	[tilespmem:s0+$0x10] =	vst v35  }
0x55a: {  	v35 =	vld.idx.msk [tilespmem:v37+s28+$0x0], $0xffff  }
0x55b: {  	v36 =	vld [tilespmem:s10+$0x20];
	_ =	sdelay $0x2  }
0x55c: {  	v34 =	vor.u32 $0x7, v34;
	_ =	sdelay $0x1  }
0x55d: {  	v35 =	vmul.f32 v36, v35;
	_ =	sdelay $0x1  }
0x55e: {  	[tilespmem:s0+$0x20] =	vst v35  }
0x55f: {  	v35 =	vld.idx.msk [tilespmem:v34+s28+$0x0], $0xffff  }
0x560: {  	v36 =	vld [tilespmem:s10+$0x30]  }
.Ltmp14:
0x561: {  	(pc) =	sbr.rel @p0 .LBB2_31-.Ltmp14, $3  }
0x562: {  	s8 =	sshll.u32 s8, $0x4  }
0x563: {  	v34 =	vmov s8;
	_ =	sdelay $0x1  }
0x564: {  	s9 =	smov.u32 s11;
	v35 =	vmul.f32 v36, v35  }
0x565: {  	_ =	sdelay $0x2  }
0x566: {  	[tilespmem:s0+$0x30] =	vst v35  }
0x567: {  	s8 =	sadd.s32 $0x80, s10;
	v35 =	vld.idx.msk [tilespmem:v34+s28+$0x0], $0xffff  }
0x568: {  	v36 =	vld [tilespmem:s8+$0xFFFFFFC0];
	_ =	sdelay $0x2  }
0x569: {  	v37 =	vor.u32 $0x1, v34;
	_ =	sdelay $0x1  }
0x56a: {  	v35 =	vmul.f32 v36, v35  }
0x56b: {  	s17 =	sadd.s32 $0x80, s0  }
0x56c: {  	[tilespmem:s17+$0xFFFFFFC0] =	vst v35  }
0x56d: {  	v35 =	vld.idx.msk [tilespmem:v37+s28+$0x0], $0xffff  }
0x56e: {  	v52 =	vld [tilespmem:s8+$0xFFFFFFD0];
	_ =	sdelay $0x2  }
0x56f: {  	v53 =	vor.u32 $0x2, v34;
	_ =	sdelay $0x1  }
0x570: {  	v35 =	vmul.f32 v52, v35;
	_ =	sdelay $0x1  }
0x571: {  	[tilespmem:s17+$0xFFFFFFD0] =	vst v35  }
0x572: {  	v35 =	vld.idx.msk [tilespmem:v53+s28+$0x0], $0xffff  }
0x573: {  	v54 =	vld [tilespmem:s8+$0xFFFFFFE0];
	_ =	sdelay $0x2  }
0x574: {  	v55 =	vor.u32 $0x3, v34;
	_ =	sdelay $0x1  }
0x575: {  	v35 =	vmul.f32 v54, v35;
	_ =	sdelay $0x1  }
0x576: {  	[tilespmem:s17+$0xFFFFFFE0] =	vst v35  }
0x577: {  	v35 =	vld.idx.msk [tilespmem:v55+s28+$0x0], $0xffff  }
0x578: {  	v56 =	vld [tilespmem:s8+$0xFFFFFFF0];
	_ =	sdelay $0x2  }
0x579: {  	v57 =	vor.u32 $0x4, v34;
	_ =	sdelay $0x1  }
0x57a: {  	v35 =	vmul.f32 v56, v35;
	_ =	sdelay $0x1  }
0x57b: {  	[tilespmem:s17+$0xFFFFFFF0] =	vst v35  }
0x57c: {  	v35 =	vld.idx.msk [tilespmem:v57+s28+$0x0], $0xffff  }
0x57d: {  	v58 =	vld [tilespmem:s8+$0x0];
	_ =	sdelay $0x2  }
0x57e: {  	v59 =	vor.u32 $0x5, v34;
	_ =	sdelay $0x1  }
0x57f: {  	v35 =	vmul.f32 v58, v35;
	_ =	sdelay $0x1  }
0x580: {  	[tilespmem:s17+$0x0] =	vst v35  }
0x581: {  	v35 =	vld.idx.msk [tilespmem:v59+s28+$0x0], $0xffff  }
0x582: {  	v60 =	vld [tilespmem:s8+$0x10];
	_ =	sdelay $0x2  }
0x583: {  	v61 =	vor.u32 $0x6, v34;
	_ =	sdelay $0x1  }
0x584: {  	v35 =	vmul.f32 v60, v35;
	_ =	sdelay $0x1  }
0x585: {  	[tilespmem:s17+$0x10] =	vst v35  }
0x586: {  	v35 =	vld.idx.msk [tilespmem:v61+s28+$0x0], $0xffff  }
0x587: {  	v62 =	vld [tilespmem:s8+$0x20];
	_ =	sdelay $0x2  }
0x588: {  	v63 =	vor.u32 $0x7, v34;
	_ =	sdelay $0x1  }
0x589: {  	v35 =	vmul.f32 v62, v35;
	_ =	sdelay $0x1  }
0x58a: {  	[tilespmem:s17+$0x20] =	vst v35  }
0x58b: {  	v34 =	vld.idx.msk [tilespmem:v63+s28+$0x0], $0xffff  }
0x58c: {  	v35 =	vld [tilespmem:s8+$0x30]  }
0x58d: {  	s21 =	sld [smem:$0x7E8];
	_ =	sdelay $0x2  }
0x58e: {  	s0 =	sadd.s32 $0x1, s21  }
0x58f: {  	p0 =	sne.s32 s0, $0x14;
	v34 =	vmul.f32 v35, v34  }
.Ltmp15:
0x590: {  	_ = 	snop;
	(pc) =	sbr.rel @p0 .LBB2_4-.Ltmp15, $4  }
0x591: {  	[tilespmem:s17+$0x30] =	vst v34  }
0x592: {  	[spmem:s1] =	stream.indirect.scatter.add.f32 [tilespmem:s26], [sflag:$0x4], $0x80, s25, s23, $0xb8;
	[tilespmem:$0x1F840] =	vst v63  }
0x593: {  	_ = 	snop  }
0x594: {  	[spmem:s2] =	stream.indirect.scatter.add.f32 [tilespmem:s28], [sflag:$0x4], $0x10, s25, s23, $0xb8;
	[tilespmem:$0x1F840] =	vst v63  }
0x595: {  	_ =	swait.ge [sflag:s19], $0x1000  }
0x596: {  	[sflag:s19] =	ssyncset.done $0x0  }
0x597: {  	[sflag:s19] =	ssyncadd.s32 $0xFFFFF000  }
0x598: {  	_ =	swait.ge [sflag:s19], $0x200  }
0x599: {  	[sflag:s19] =	ssyncset.done $0x0  }
0x59a: {  	[sflag:s19] =	ssyncadd.s32 $0xFFFFFE00  }
0x59b: {  	_ =	swait.ge [sflag:s29], $0x1000  }
0x59c: {  	[sflag:s29] =	ssyncset.done $0x0  }
0x59d: {  	[sflag:s29] =	ssyncadd.s32 $0xFFFFF000  }
0x59e: {  	_ =	swait.ge [sflag:s29], $0x200  }
0x59f: {  	[sflag:s29] =	ssyncset.done $0x0  }
0x5a0: {  	[sflag:s29] =	ssyncadd.s32 $0xFFFFFE00  }
0x5a1: {  	[bflag:$0x0] =	sbarrier.arrive $0xFFFF  }
0x5a2: {  	s0 =	stileid.u32;
	s9 =	sld [smem:$0x7FB]  }
0x5a3: {  	s0 =	sshll.u32 s0, $0x6;
	s8 =	rddreg [dreg:$0xa]  }
0x5a4: {  	s11 =	simm.s32 $0x6;
	s0 =	sor.u32 $0x1C06, s0;
	s8 =	sshrl.u32 s8, $0x3  }
0x5a5: {  	[hbm:s9], [sflag:s0] =	dma.local [spmem:s8], $0x2800  }
0x5a6: {  	_ =	swait.ge [sflag:s11], $0x2800  }
0x5a7: {  	s12 =	sld [smem:$0x7FC]  }
0x5a8: {  	[sflag:s11] =	ssyncset.done $0x0;
	s10 =	rddreg [dreg:$0xb]  }
0x5a9: {  	[sflag:s11] =	ssyncadd.s32 $0xFFFFD800;
	s8 =	sshrl.u32 s10, $0x3  }
0x5aa: {  	[hbm:s12], [sflag:s0] =	dma.local [spmem:s8], $0x500  }
0x5ab: {  	_ =	swait.ge [sflag:s11], $0x500  }
0x5ac: {  	s21 =	sld [smem:$0x7FD]  }
0x5ad: {  	s17 =	rddreg [dreg:$0x4]  }
0x5ae: {  	s0 =	sadd.s32 $0x1, s17  }
0x5af: {  	p0 =	sne.s32 s0, s21  }
.Ltmp16:
0x5b0: {  	_ = 	snop;
	(pc) =	sbr.rel @p0 .LBB2_1-.Ltmp16, $3  }
0x5b1: {  	_ =	sdelay $0x1  }
0x5b2: {  	[sflag:s11] =	ssyncset.done $0x0  }
0x5b3: {  	[sflag:s11] =	ssyncadd.s32 $0xFFFFFB00;
	[dreg:$0x4] =	wrdreg s0  }
0x5b4: {  	_ =	sfence.sel $0x180000  }
0x5b5: {  	[bflag:$0x0] =	sbarrier.arrive $0xFFFF  }
0x5b6: {  	_ =	strace $0x9000004A  }
0x5b7: {  	s0 =	stileid.u32;
	[bflag:$0x2] =	sbarrier.arrive $0xFFFF  }
0x5b8: {  	p0 =	sne.s32 s0, $0x0;
	s0 =	rddreg [dreg:$0x3]  }
0x5b9: {  	s0 =	sadd.s32 @!p0 $0x100000, s0  }
0x5ba: {  	[sflag:s0] =	ssyncadd.tile.s32 @!p0 $0x1;
	_ =	shalt  }
.Lfunc_end2:
_tile_overlayer_lowered:
.L_overlay_start_2:
0x5bb: {  	(tag) =	ssettag $0x2  }
0x5bc: {  	s0 =	rddreg [dreg:$0x0];
	s2 =	stileid.u32  }
0x5bd: {  	s1 =	rddreg [dreg:$0x1];
	p0 =	sne.s32 s2, $0x0  }
0x5be: {  	s3 =	rddreg [dreg:$0x2];
	[bflag:$0x3] =	sbarrier.arrive $0xFFFF;
	s2 =	simm.s32 @!p0 $0x1C06  }
0x5bf: {  	[timem:s3], [sflag:s2] =	dma.local @!p0 [hbm:s0], s1  }
0x5c0: {  	s0 =	simm.s32 @!p0 $0x6  }
0x5c1: {  	_ =	swait.ge @!p0 [sflag:s0], s1  }
0x5c2: {  	s1 =	ssub.s32 @!p0 $0x0, s1;
	[sflag:s0] =	ssyncset.done @!p0 $0x0  }
0x5c3: {  	[sflag:s0] =	ssyncadd.s32 @!p0 s1  }
0x5c4: {  	[bflag:$0x3] =	sbarrier.arrive $0xFFFF  }
0x5c5: {  	_ =	shalt  }

</sc_bundles>
